<compile_context>
chip_gen: v7x
topology: tpu7x:2x2x1
jax: 0.10.2.dev20260603
libtpu: 0.0.44.dev20260713+nightly
codegen_flags: <defaults>
</compile_context>

<pallas_src>
import jax
import jax.numpy as jnp
from jax import lax
from jax.experimental import pallas as pl
from jax.experimental.pallas import tpu as pltpu
from jax.experimental.pallas import tpu_sc as plsc

N_NODES = 50000
N_EDGES = 800000
SD = 64
VD = 64
HID = 128

NC = 2
NS = 16
NW = NC * NS

E_B = 2000
N_B = 10000


def _mesh():
    return plsc.VectorSubcoreMesh(core_axis_name="c", subcore_axis_name="s",
                                  num_cores=NC, num_subcores=NS)



def _prep_body(ori_ref, c_ref, s_ref):
    a2 = 2.0 * ori_ref[:, :]
    c_ref[:, :] = jnp.cos(a2)
    s_ref[:, :] = jnp.sin(a2)


def _node_table(pos, orientation):
    ori_lm = orientation.reshape(400, 125)
    c2, s2 = pl.pallas_call(
        _prep_body,
        in_specs=[pl.BlockSpec((400, 125), lambda: (0, 0))],
        out_specs=[pl.BlockSpec((400, 125), lambda: (0, 0))] * 2,
        out_shape=[jax.ShapeDtypeStruct((400, 125), jnp.float32)] * 2,
    )(ori_lm)
    return jnp.concatenate(
        [pos, c2.reshape(N_NODES, 1), s2.reshape(N_NODES, 1)], axis=1)


GU = 128
N_UNITS = N_EDGES // GU
UPW = (N_UNITS + NW - 1) // NW
NBUF = 3
J_TOT = UPW + 2


def _gather_body(src_a, dst_a, ta, tb, o_x1, o_x2, sids, dids, b1, b2,
                 si0, si1, si2, sg0, sg1, sg2, ss0, ss1, ss2):
    wid = lax.axis_index("s") * NC + lax.axis_index("c")
    sem_i = (si0, si1, si2)
    sem_g = (sg0, sg1, sg2)
    sem_s = (ss0, ss1, ss2)

    def valid(k):
        return (k >= 0) & (k < UPW) & (wid + k * NW < N_UNITS)

    def fire_ids(k, p):
        eb = (wid + k * NW) * GU
        pltpu.async_copy(src_a.at[pl.ds(eb, GU)], sids.at[p], sem_i[p])
        pltpu.async_copy(dst_a.at[pl.ds(eb, GU)], dids.at[p], sem_i[p])

    def wait_ids(p):
        pltpu.make_async_copy(src_a.at[pl.ds(0, GU)], sids.at[p], sem_i[p]).wait()
        pltpu.make_async_copy(dst_a.at[pl.ds(0, GU)], dids.at[p], sem_i[p]).wait()

    def fire_gathers(p):
        pltpu.async_copy(ta.at[sids.at[p]], b1.at[p], sem_g[p])
        pltpu.async_copy(tb.at[dids.at[p]], b2.at[p], sem_g[p])

    def wait_gathers(p):
        pltpu.make_async_copy(ta.at[sids.at[p]], b1.at[p], sem_g[p]).wait()
        pltpu.make_async_copy(tb.at[dids.at[p]], b2.at[p], sem_g[p]).wait()

    def fire_stores(k, p):
        eb = (wid + k * NW) * GU
        pltpu.async_copy(b1.at[p], o_x1.at[pl.ds(eb, GU)], ss0 if p == 0 else (ss1 if p == 1 else ss2))
        pltpu.async_copy(b2.at[p], o_x2.at[pl.ds(eb, GU)], sem_s[p])

    def wait_stores(p):
        pltpu.make_async_copy(b1.at[p], o_x1.at[pl.ds(0, GU)], sem_s[p]).wait()
        pltpu.make_async_copy(b2.at[p], o_x2.at[pl.ds(0, GU)], sem_s[p]).wait()

    def tri(it, carry):
        for o in range(3):
            j = it * 3 + o
            @pl.when(valid(j))
            def _():
                fire_ids(j, o)

            p1 = (o - 1) % 3

            @pl.when(valid(j - 4))
            def _():
                wait_stores(p1)

            @pl.when(valid(j - 1))
            def _():
                wait_ids(p1)
                fire_gathers(p1)

            p2 = (o - 2) % 3

            @pl.when(valid(j - 2))
            def _():
                wait_gathers(p2)
                fire_stores(j - 2, p2)
        return carry

    lax.fori_loop(0, J_TOT // 3, tri, None)
    for k_off in range(2):
        k = UPW - 2 + k_off
        p = k % 3

        @pl.when(valid(k))
        def _():
            wait_stores(p)


def _sc_gather(src_a, dst_a, ta, tb):
    f32 = jnp.float32
    out_type = [
        jax.ShapeDtypeStruct((N_EDGES, HID), f32),
        jax.ShapeDtypeStruct((N_EDGES, HID), f32),
    ]
    scratch = [
        pltpu.VMEM((NBUF, GU), jnp.int32),
        pltpu.VMEM((NBUF, GU), jnp.int32),
        pltpu.VMEM((NBUF, GU, HID), f32),
        pltpu.VMEM((NBUF, GU, HID), f32),
    ] + [pltpu.SemaphoreType.DMA] * 9
    return pl.kernel(_gather_body, out_type=out_type, mesh=_mesh(),
                     compiler_params=pltpu.CompilerParams(needs_layout_passes=False),
                     scratch_types=scratch)(src_a, dst_a, ta, tb)



def _mlp_body(x1_ref, x2_ref,
              w1a_ref, w1b_ref, we_ref, wo_ref, wgeo_ref, b1_ref,
              w2t_ref, b2_ref, msg_ref):
    x1 = x1_ref[:, :]
    x2 = x2_ref[:, :]
    tt = jnp.transpose(
        jnp.concatenate([x1[:, 96:104], x2[:, 64:72]], axis=1))
    sx = tt[0:1, :]
    sy = tt[1:2, :]
    c2s = tt[2:3, :]
    s2s = tt[3:4, :]
    dxp = tt[8:9, :]
    dyp = tt[9:10, :]
    c2d = tt[10:11, :]
    s2d = tt[11:12, :]
    dx = sx - dxp
    dy = sy - dyp
    r2 = dx * dx + dy * dy
    nz = r2 > 0.0
    inv = jnp.where(nz, 1.0 / jnp.where(nz, r2, 1.0), 0.0)
    dist_r = jnp.sqrt(r2) + 1e-6
    c2p = jnp.where(nz, (dx * dx - dy * dy) * inv, 1.0)
    s2p = 2.0 * dx * dy * inv
    cg_r = c2p * c2d + s2p * s2d
    sg_r = s2p * c2d - c2p * s2d
    cr_r = c2s * c2d + s2s * s2d
    sr_r = s2s * c2d - c2s * s2d
    five = jnp.transpose(jnp.concatenate(
        [dist_r, cg_r, sg_r, cr_r, sr_r,
         jnp.zeros((3, E_B), jnp.float32)], axis=0))
    dist = five[:, 0:1]
    cg = five[:, 1:2]
    sg = five[:, 2:3]
    cr = five[:, 3:4]
    sr = five[:, 4:5]
    hvp = lax.bitcast_convert_type(x1[:, 64:96], jnp.uint32)
    hv_e = lax.bitcast_convert_type(lax.shift_left(hvp, jnp.uint32(16)), jnp.float32)
    hv_o = lax.bitcast_convert_type(
        lax.bitwise_and(hvp, jnp.uint32(0xFFFF0000)), jnp.float32)
    vrx = cr * hv_e - sr * hv_o
    vry = sr * hv_e + cr * hv_o
    hid = jnp.dot(x1[:, 0:SD], w1a_ref[:, :], preferred_element_type=jnp.float32)
    hid += jnp.dot(x2[:, 0:SD], w1b_ref[:, :], preferred_element_type=jnp.float32)
    hid += jnp.dot(vrx, we_ref[:, :], preferred_element_type=jnp.float32)
    hid += jnp.dot(vry, wo_ref[:, :], preferred_element_type=jnp.float32)
    hid += dist * wgeo_ref[0:1, :] + cg * wgeo_ref[1:2, :] + sg * wgeo_ref[2:3, :]
    hid += b1_ref[:, :]
    hid = hid * (1.0 / (1.0 + jnp.exp(-hid)))
    msg_ref[:, :] = (jnp.dot(hid, w2t_ref[:, :], preferred_element_type=jnp.float32)
                     + b2_ref[:, :])


def _edge_mlp(x1, x2, w1a, w1b, we, wo, wgeo, b1, w2t, b2):
    ew = lambda c: pl.BlockSpec((E_B, c), lambda i: (i, 0))
    full = lambda r, c: pl.BlockSpec((r, c), lambda i: (0, 0))
    return pl.pallas_call(
        _mlp_body,
        grid=(N_EDGES // E_B,),
        in_specs=[
            ew(HID), ew(HID),
            full(SD, HID), full(SD, HID), full(VD // 2, HID), full(VD // 2, HID),
            full(8, HID), full(1, HID), full(HID, HID), full(1, HID),
        ],
        out_specs=ew(HID),
        out_shape=jax.ShapeDtypeStruct((N_EDGES, HID), jnp.float32),
    )(x1, x2, w1a, w1b, we, wo, wgeo, b1, w2t, b2)


NPAD = 50016
CHUNK = 12504
N_CHUNKS = 2
TRASH = CHUNK
EPT = N_EDGES // NS
BD = 2000
FB = 2048
FL = 32


def _scatter_body(dst_a, msg, hsv, out_sv, dids, locb, eidb, rows0, rows1,
                  rows2, acc, sem, sg0, sg1, sg2, sa0, sa1, sa2):
    cid = lax.axis_index("c")
    sid = lax.axis_index("s")
    e0 = sid * EPT
    trash_vec = jnp.full((16,), TRASH, jnp.int32)
    zero_vec = jnp.zeros((16,), jnp.int32)
    lane = lax.iota(jnp.int32, 16)

    def run_chunk(k, acc):
        lo = cid * (CHUNK * N_CHUNKS) + k * CHUNK

        @pl.when(sid == 0)
        def _():
            pltpu.sync_copy(hsv.at[pl.ds(lo, CHUNK)], acc.at[pl.ds(0, CHUNK)])

        plsc.subcore_barrier()

        def batch(b, carry):
            pltpu.sync_copy(dst_a.at[pl.ds(e0 + b * BD, BD)], dids)
            for r in range(FB // FL):
                for l in range(FL // 16):
                    locb[r, pl.ds(l * 16, 16)] = trash_vec
                    eidb[r, pl.ds(l * 16, 16)] = zero_vec

            def group(g, cnt):
                ids16 = dids[pl.ds(g * 16, 16)]
                rel = ids16 - lo
                mask = (rel >= 0) & (rel < CHUNK)
                csum = jnp.where(mask, 1, 0)
                for d in (1, 2, 4, 8):
                    sh = csum.at[jnp.maximum(lane - d, 0)].get(
                        mode="promise_in_bounds")
                    csum = csum + jnp.where(lane >= d, sh, 0)
                pos = cnt + csum - 1
                row = lax.shift_right_logical(pos, 5)
                col = lax.bitwise_and(pos, 31)
                plsc.store_scatter(locb, [row, col], rel, mask=mask)
                eidv = jnp.full((16,), e0 + b * BD + g * 16, jnp.int32) + lane
                plsc.store_scatter(eidb, [row, col], eidv, mask=mask)
                return cnt + csum[15]

            cnt = lax.fori_loop(0, BD // 16, group, zero_vec)
            nflush = lax.shift_right_logical(cnt[0] + FL - 1, 5)
            rbufs = (rows0, rows1, rows2)
            gsems = (sg0, sg1, sg2)
            asems = (sa0, sa1, sa2)

            def fire_g(f, s):
                pltpu.async_copy(msg.at[eidb.at[f]], rbufs[s], gsems[s])

            def wait_g(f, s):
                pltpu.make_async_copy(msg.at[eidb.at[f]], rbufs[s],
                                      gsems[s]).wait()

            def fire_a(f, s):
                pltpu.async_copy(rbufs[s], acc.at[locb.at[f]], asems[s],
                                 add=True)

            def wait_a(f, s):
                pltpu.make_async_copy(rbufs[s], acc.at[locb.at[f]],
                                      asems[s]).wait()

            @pl.when(nflush > 0)
            def _():
                fire_g(0, 0)

            @pl.when(nflush > 1)
            def _():
                fire_g(1, 1)

            def ftri(fh, c2):
                for o in range(3):
                    f = fh * 3 + o
                    s = o

                    @pl.when(f < nflush)
                    def _():
                        wait_g(f, s)

                        @pl.when(f + 2 < nflush)
                        def _():
                            @pl.when(f >= 1)
                            def _():
                                wait_a(f - 1, (s + 2) % 3)
                            fire_g(f + 2, (s + 2) % 3)

                        fire_a(f, s)
                return c2

            lax.fori_loop(0, (FB // FL + 2) // 3, ftri, None)
            @pl.when(nflush >= 1)
            def _():
                wait_a(0, 0)

            @pl.when(nflush >= 2)
            def _():
                wait_a(0, 1)

            @pl.when(nflush >= 3)
            def _():
                wait_a(0, 2)
            return carry

        lax.fori_loop(0, EPT // BD, batch, None)
        plsc.subcore_barrier()

        @pl.when(sid == 0)
        def _():
            pltpu.sync_copy(acc.at[pl.ds(0, CHUNK)], out_sv.at[pl.ds(lo, CHUNK)])

        plsc.subcore_barrier()

    def step(k, carry):
        run_chunk(k, acc)
        return carry

    lax.fori_loop(0, N_CHUNKS, step, None)


def _sc_scatter(dst_a, msg, hsv):
    f32 = jnp.float32
    out_type = jax.ShapeDtypeStruct((NPAD, HID), f32)
    scratch = [
        pltpu.VMEM((BD,), jnp.int32),
        pltpu.VMEM((FB // FL, FL), jnp.int32),
        pltpu.VMEM((FB // FL, FL), jnp.int32),
        pltpu.VMEM((FL, HID), f32),
        pltpu.VMEM((FL, HID), f32),
        pltpu.VMEM((FL, HID), f32),
        pltpu.VMEM_SHARED((CHUNK + 8, HID), f32),
    ] + [pltpu.SemaphoreType.DMA] * 7
    return pl.kernel(_scatter_body, out_type=out_type, mesh=_mesh(),
                     compiler_params=pltpu.CompilerParams(needs_layout_passes=False),
                     scratch_types=scratch)(dst_a, msg, hsv)



def kernel(h_s, h_v, edge_index, pos, orientation, W1, b1, W2, b2):
    w1a = W1[:, :SD].T
    w1b = W1[:, SD:2 * SD].T
    w1c = W1[:, 2 * SD:2 * SD + VD].T
    we = w1c[0::2, :]
    wo = w1c[1::2, :]
    wgeo = jnp.concatenate([W1[:, 2 * SD + VD:].T,
                            jnp.zeros((5, HID), jnp.float32)], axis=0)
    b1r = b1.reshape(1, HID)
    w2t = W2.T
    b2r = b2.reshape(1, HID)

    T = _node_table(pos, orientation)

    hvb = h_v.astype(jnp.bfloat16)
    lo16 = lax.bitcast_convert_type(hvb[:, 0::2], jnp.uint16).astype(jnp.uint32)
    hi16 = lax.bitcast_convert_type(hvb[:, 1::2], jnp.uint16).astype(jnp.uint32)
    hv_packed = lax.bitcast_convert_type(lo16 | (hi16 << jnp.uint32(16)),
                                         jnp.float32)
    padA = jnp.zeros((N_NODES, HID - SD - VD // 2 - 4), jnp.float32)
    ta = jnp.concatenate([h_s, hv_packed, T, padA], axis=1)
    padB = jnp.zeros((N_NODES, HID - SD - 4), jnp.float32)
    tb = jnp.concatenate([h_s, T, padB], axis=1)

    src_a = edge_index[0]
    dst_a = edge_index[1]
    x1, x2 = _sc_gather(src_a, dst_a, ta, tb)
    msg = _edge_mlp(x1, x2, w1a, w1b, we, wo, wgeo, b1r, w2t, b2r)
    hsv = jnp.concatenate(
        [jnp.concatenate([h_s, h_v], axis=1),
         jnp.zeros((NPAD - N_NODES, HID), jnp.float32)], axis=0)
    out_sv = _sc_scatter(dst_a, msg, hsv)
    return (out_sv[:N_NODES, :SD], out_sv[:N_NODES, SD:])

# --- scband reference (transcript-rebuilt; emitter-appended) ---
"""Pipeline reference for scband-sparse-local-frame-layer-6992206758100 (READ-ONLY COPY).

The authoritative reference and input builder live on the scoring server;
editing this copy changes nothing except your own understanding.
"""

import jax, jax.numpy as jnp
import numpy as np

N_NODES = 50000
N_EDGES = 800000
SCALAR_DIM = 64
VECTOR_DIM = 64
SPIN = 2
HIDDEN = SCALAR_DIM + VECTOR_DIM  # 128
INPUT_DIM = 2 * SCALAR_DIM + VECTOR_DIM + 3  # 195


def setup_inputs(seed: int = 0) -> dict:
    key = jax.random.key(seed)
    k1, k2, k3, k4, k5, k6, k7, k8, k9 = jax.random.split(key, 9)
    h_s = jax.random.normal(k1, (N_NODES, SCALAR_DIM), dtype=jnp.float32)
    h_v = jax.random.normal(k2, (N_NODES, VECTOR_DIM), dtype=jnp.float32)
    edge_index = jax.random.randint(k3, (2, N_EDGES), 0, N_NODES, dtype=jnp.int64 if jax.config.jax_enable_x64 else jnp.int32).astype(jnp.int32)
    pos = jax.random.normal(k4, (N_NODES, 2), dtype=jnp.float32)
    orientation = jax.random.uniform(k5, (N_NODES, 1), dtype=jnp.float32)
    # message_mlp params (PyTorch Linear convention: y = x @ W.T + b)
    lim1 = 1.0 / np.sqrt(INPUT_DIM)
    W1 = jax.random.uniform(k6, (HIDDEN, INPUT_DIM), minval=-lim1, maxval=lim1, dtype=jnp.float32)
    b1 = jax.random.uniform(k7, (HIDDEN,), minval=-lim1, maxval=lim1, dtype=jnp.float32)
    lim2 = 1.0 / np.sqrt(HIDDEN)
    W2 = jax.random.uniform(k8, (HIDDEN, HIDDEN), minval=-lim2, maxval=lim2, dtype=jnp.float32)
    b2 = jax.random.uniform(k9, (HIDDEN,), minval=-lim2, maxval=lim2, dtype=jnp.float32)
    return {"h_s": h_s, "h_v": h_v, "edge_index": edge_index, "pos": pos,
            "orientation": orientation, "W1": W1, "b1": b1, "W2": W2, "b2": b2}


def reference(h_s, h_v, edge_index, pos, orientation, W1, b1, W2, b2):
    src = edge_index[0]
    dst = edge_index[1]
    delta_pos = pos[src] - pos[dst]
    dist = jnp.linalg.norm(delta_pos, axis=1, keepdims=True) + 1e-06
    phi_global = jnp.arctan2(delta_pos[:, 1], delta_pos[:, 0])
    alpha_i = orientation[dst].squeeze(-1)
    delta_phi = phi_global - alpha_i
    geo_feat = jnp.concatenate([dist,
                                jnp.cos(SPIN * delta_phi)[:, None],
                                jnp.sin(SPIN * delta_phi)[:, None]], axis=-1)
    beta_j = orientation[src].squeeze(-1)
    rot_angle = (beta_j - alpha_i) * SPIN
    c = jnp.cos(rot_angle)
    s = jnp.sin(rot_angle)
    n_vecs = VECTOR_DIM // 2
    v_j = h_v[src].reshape(-1, n_vecs, 2)
    v_j_rot_x = v_j[..., 0] * c[:, None] - v_j[..., 1] * s[:, None]
    v_j_rot_y = v_j[..., 0] * s[:, None] + v_j[..., 1] * c[:, None]
    v_j_rot = jnp.stack([v_j_rot_x, v_j_rot_y], axis=-1).reshape(-1, VECTOR_DIM)
    msg_input = jnp.concatenate([h_s[src], h_s[dst], v_j_rot, geo_feat], axis=-1)
    hidden = msg_input @ W1.T + b1
    hidden = hidden * jax.nn.sigmoid(hidden)  # SiLU
    raw_msg = hidden @ W2.T + b2
    msg_s = raw_msg[:, :SCALAR_DIM]
    msg_v = raw_msg[:, SCALAR_DIM:]
    out_s = jnp.zeros_like(h_s).at[dst].add(msg_s)
    out_v = jnp.zeros_like(h_v).at[dst].add(msg_v)
    return (h_s + out_s, h_v + out_v)

if __name__ == "__main__":
    import jax
    _d = setup_inputs()
    print(jax.jit(kernel)(*tuple(_d.values())))

</pallas_src>

<mosaic_0001>
#map = affine_map<(d0, d1) -> (0)>
#map1 = affine_map<(d0, d1) -> (0, 0)>
module attributes {stable_mosaic.version = 14 : i64} {
  func.func @_scatter_body(%arg0: i32, %arg1: i32, %arg2: memref<800000xi32, #tpu.memory_space<hbm>>, %arg3: memref<800000x128xf32, #tpu.memory_space<hbm>>, %arg4: memref<50016x128xf32, #tpu.memory_space<hbm>>, %arg5: memref<50016x128xf32, #tpu.memory_space<hbm>>, %arg6: memref<2000xi32, #tpu.memory_space<vmem>>, %arg7: memref<64x32xi32, #tpu.memory_space<vmem>>, %arg8: memref<64x32xi32, #tpu.memory_space<vmem>>, %arg9: memref<32x128xf32, #tpu.memory_space<vmem>>, %arg10: memref<32x128xf32, #tpu.memory_space<vmem>>, %arg11: memref<32x128xf32, #tpu.memory_space<vmem>>, %arg12: memref<12512x128xf32, #tpu.memory_space<vmem_shared>>, %arg13: memref<!tpu.dma_semaphore, #tpu.memory_space<semaphore_mem>>, %arg14: memref<!tpu.dma_semaphore, #tpu.memory_space<semaphore_mem>>, %arg15: memref<!tpu.dma_semaphore, #tpu.memory_space<semaphore_mem>>, %arg16: memref<!tpu.dma_semaphore, #tpu.memory_space<semaphore_mem>>, %arg17: memref<!tpu.dma_semaphore, #tpu.memory_space<semaphore_mem>>, %arg18: memref<!tpu.dma_semaphore, #tpu.memory_space<semaphore_mem>>, %arg19: memref<!tpu.dma_semaphore, #tpu.memory_space<semaphore_mem>>) attributes {dimension_semantics = [#tpu.dimension_semantics<core_parallel>, #tpu.dimension_semantics<subcore_parallel>], iteration_bounds = array<i64: 2, 16>, scalar_prefetch = 0 : i64, scratch_operands = 14 : i64, tpu.core_type = #tpu.core_type<sc_vector_subcore>, window_params = [{transform_indices = #map}, {transform_indices = #map1}, {transform_indices = #map1}, {transform_indices = #map1}]} {
    %mul3A = arith.constant 50000 : i32
    %mul3A_0 = arith.muli %arg1, %mul3A : i32
    %broadcast_in_dim3A = arith.constant 12504 : i32
    %broadcast_in_dim3A_1 = vector.broadcast %broadcast_in_dim3A : i32 to vector<16xi32>
    %broadcast_in_dim3A_2 = arith.constant 0 : i32
    %broadcast_in_dim3A_3 = vector.broadcast %broadcast_in_dim3A_2 : i32 to vector<16xi32>
    %iota3A = tpu.iota {dimensions = array<i32: 0>} : vector<16xi32>
    %scan3A = arith.constant 0 : i32
    %scan3A_4 = arith.constant 2 : i32
    %scan3A_5 = arith.addi %scan3A, %scan3A_4 : i32
    %scan3A_6 = arith.constant 1 : i32
    scf.for %scan3A_8 = %scan3A to %scan3A_5 step %scan3A_6  : i32 {
      %mul3A_9 = arith.constant 25008 : i32
      %mul3A_10 = arith.muli %arg0, %mul3A_9 : i32
      %mul3A_11 = arith.constant 12504 : i32
      %mul3A_12 = arith.muli %scan3A_8, %mul3A_11 : i32
      %add3A = arith.addi %mul3A_10, %mul3A_12 : i32
      %eq3A = arith.constant 0 : i32
      %eq3A_13 = arith.cmpi eq, %arg1, %eq3A : i32
      %convert_element_type3A = arith.extui %eq3A_13 : i1 to i32
      %cond3A = arith.constant 0 : i32
      %cond3A_14 = arith.cmpi ne, %convert_element_type3A, %cond3A : i32
      scf.if %cond3A_14 {
        "tpu.region"() ({
          %run_scoped3A = tpu.sem_alloc : memref<!tpu.dma_semaphore, #tpu.memory_space<semaphore_mem>>
          %dma_start3A = arith.constant 0 : i32
          %dma_start3A_27 = arith.constant 0 : i32
          %dma_start3A_28 = tpu.memref_slice %arg12[%dma_start3A, %dma_start3A_27] : memref<12512x128xf32, #tpu.memory_space<vmem_shared>> -> memref<12504x128xf32, #tpu.memory_space<vmem_shared>>
          %dma_start3A_29 = arith.constant 0 : i32
          %dma_start3A_30 = tpu.memref_slice %arg4[%add3A, %dma_start3A_29] : memref<50016x128xf32, #tpu.memory_space<hbm>> -> memref<12504x128xf32, #tpu.memory_space<hbm>>
          tpu.enqueue_dma source(%dma_start3A_30 : memref<12504x128xf32, #tpu.memory_space<hbm>>) target(%dma_start3A_28 : memref<12504x128xf32, #tpu.memory_space<vmem_shared>>) target_semaphore(%run_scoped3A : memref<!tpu.dma_semaphore, #tpu.memory_space<semaphore_mem>>)
          %dma_wait3A = arith.constant 0 : i32
          %dma_wait3A_31 = arith.constant 0 : i32
          %dma_wait3A_32 = tpu.memref_slice %arg12[%dma_wait3A, %dma_wait3A_31] : memref<12512x128xf32, #tpu.memory_space<vmem_shared>> -> memref<12504x128xf32, #tpu.memory_space<vmem_shared>>
          %dma_wait3A_33 = arith.constant 0 : i32
          %dma_wait3A_34 = tpu.memref_slice %arg4[%add3A, %dma_wait3A_33] : memref<50016x128xf32, #tpu.memory_space<hbm>> -> memref<12504x128xf32, #tpu.memory_space<hbm>>
          tpu.wait_dma2 semaphore(%run_scoped3A : memref<!tpu.dma_semaphore, #tpu.memory_space<semaphore_mem>>) src(%dma_wait3A_34 : memref<12504x128xf32, #tpu.memory_space<hbm>>) dst(%dma_wait3A_32 : memref<12504x128xf32, #tpu.memory_space<vmem_shared>>)
          tpu.yield
        }) : () -> ()
      } else {
      }
      %barrier3A = arith.constant 0 : index
      tpu.barrier barrier_id(%barrier3A)
      %scan3A_15 = arith.constant 0 : i32
      %scan3A_16 = arith.constant 25 : i32
      %scan3A_17 = arith.addi %scan3A_15, %scan3A_16 : i32
      %scan3A_18 = arith.constant 1 : i32
      scf.for %scan3A_27 = %scan3A_15 to %scan3A_17 step %scan3A_18  : i32 {
        %mul3A_28 = arith.constant 2000 : i32
        %mul3A_29 = arith.muli %scan3A_27, %mul3A_28 : i32
        %add3A_30 = arith.addi %mul3A_0, %mul3A_29 : i32
        "tpu.region"() ({
          %run_scoped3A = tpu.sem_alloc : memref<!tpu.dma_semaphore, #tpu.memory_space<semaphore_mem>>
          %dma_start3A = tpu.memref_slice %arg2[%add3A_30] : memref<800000xi32, #tpu.memory_space<hbm>> -> memref<2000xi32, #tpu.memory_space<hbm>>
          %dma_start3A_1092 = tpu.memref_slice %arg2[%add3A_30] : memref<800000xi32, #tpu.memory_space<hbm>> -> memref<2000xi32, #tpu.memory_space<hbm>>
          tpu.enqueue_dma source(%dma_start3A_1092 : memref<2000xi32, #tpu.memory_space<hbm>>) target(%arg6 : memref<2000xi32, #tpu.memory_space<vmem>>) target_semaphore(%run_scoped3A : memref<!tpu.dma_semaphore, #tpu.memory_space<semaphore_mem>>)
          %dma_wait3A = tpu.memref_slice %arg2[%add3A_30] : memref<800000xi32, #tpu.memory_space<hbm>> -> memref<2000xi32, #tpu.memory_space<hbm>>
          %dma_wait3A_1093 = tpu.memref_slice %arg2[%add3A_30] : memref<800000xi32, #tpu.memory_space<hbm>> -> memref<2000xi32, #tpu.memory_space<hbm>>
          tpu.wait_dma2 semaphore(%run_scoped3A : memref<!tpu.dma_semaphore, #tpu.memory_space<semaphore_mem>>) src(%dma_wait3A_1093 : memref<2000xi32, #tpu.memory_space<hbm>>) dst(%arg6 : memref<2000xi32, #tpu.memory_space<vmem>>)
          tpu.yield
        }) : () -> ()
        %swap3A = arith.constant 0 : i32
        %swap3A_31 = arith.index_cast %swap3A : i32 to index
        %swap3A_32 = arith.constant 0 : index
        %swap3A_33 = tpu.vector_load %arg7[%swap3A_31, %swap3A_32] {strides = array<i32>} : memref<64x32xi32, #tpu.memory_space<vmem>>, vector<16xi32>,
        tpu.vector_store %arg7[%swap3A_31, %swap3A_32], %broadcast_in_dim3A_1 {strides = array<i32>} : memref<64x32xi32, #tpu.memory_space<vmem>>, vector<16xi32>,
        %swap3A_34 = arith.constant 0 : i32
        %swap3A_35 = arith.index_cast %swap3A_34 : i32 to index
        %swap3A_36 = arith.constant 0 : index
        %swap3A_37 = tpu.vector_load %arg8[%swap3A_35, %swap3A_36] {strides = array<i32>} : memref<64x32xi32, #tpu.memory_space<vmem>>, vector<16xi32>,
        tpu.vector_store %arg8[%swap3A_35, %swap3A_36], %broadcast_in_dim3A_3 {strides = array<i32>} : memref<64x32xi32, #tpu.memory_space<vmem>>, vector<16xi32>,
        %swap3A_38 = arith.constant 0 : i32
        %swap3A_39 = arith.index_cast %swap3A_38 : i32 to index
        %swap3A_40 = arith.constant 16 : index
        %swap3A_41 = tpu.vector_load %arg7[%swap3A_39, %swap3A_40] {strides = array<i32>} : memref<64x32xi32, #tpu.memory_space<vmem>>, vector<16xi32>,
        tpu.vector_store %arg7[%swap3A_39, %swap3A_40], %broadcast_in_dim3A_1 {strides = array<i32>} : memref<64x32xi32, #tpu.memory_space<vmem>>, vector<16xi32>,
        %swap3A_42 = arith.constant 0 : i32
        %swap3A_43 = arith.index_cast %swap3A_42 : i32 to index
        %swap3A_44 = arith.constant 16 : index
        %swap3A_45 = tpu.vector_load %arg8[%swap3A_43, %swap3A_44] {strides = array<i32>} : memref<64x32xi32, #tpu.memory_space<vmem>>, vector<16xi32>,
        tpu.vector_store %arg8[%swap3A_43, %swap3A_44], %broadcast_in_dim3A_3 {strides = array<i32>} : memref<64x32xi32, #tpu.memory_space<vmem>>, vector<16xi32>,
        %swap3A_46 = arith.constant 1 : i32
        %swap3A_47 = arith.index_cast %swap3A_46 : i32 to index
        %swap3A_48 = arith.constant 0 : index
        %swap3A_49 = tpu.vector_load %arg7[%swap3A_47, %swap3A_48] {strides = array<i32>} : memref<64x32xi32, #tpu.memory_space<vmem>>, vector<16xi32>,
        tpu.vector_store %arg7[%swap3A_47, %swap3A_48], %broadcast_in_dim3A_1 {strides = array<i32>} : memref<64x32xi32, #tpu.memory_space<vmem>>, vector<16xi32>,
        %swap3A_50 = arith.constant 1 : i32
        %swap3A_51 = arith.index_cast %swap3A_50 : i32 to index
        %swap3A_52 = arith.constant 0 : index
        %swap3A_53 = tpu.vector_load %arg8[%swap3A_51, %swap3A_52] {strides = array<i32>} : memref<64x32xi32, #tpu.memory_space<vmem>>, vector<16xi32>,
        tpu.vector_store %arg8[%swap3A_51, %swap3A_52], %broadcast_in_dim3A_3 {strides = array<i32>} : memref<64x32xi32, #tpu.memory_space<vmem>>, vector<16xi32>,
        %swap3A_54 = arith.constant 1 : i32
        %swap3A_55 = arith.index_cast %swap3A_54 : i32 to index
        %swap3A_56 = arith.constant 16 : index
        %swap3A_57 = tpu.vector_load %arg7[%swap3A_55, %swap3A_56] {strides = array<i32>} : memref<64x32xi32, #tpu.memory_space<vmem>>, vector<16xi32>,
        tpu.vector_store %arg7[%swap3A_55, %swap3A_56], %broadcast_in_dim3A_1 {strides = array<i32>} : memref<64x32xi32, #tpu.memory_space<vmem>>, vector<16xi32>,
        %swap3A_58 = arith.constant 1 : i32
        %swap3A_59 = arith.index_cast %swap3A_58 : i32 to index
        %swap3A_60 = arith.constant 16 : index
        %swap3A_61 = tpu.vector_load %arg8[%swap3A_59, %swap3A_60] {strides = array<i32>} : memref<64x32xi32, #tpu.memory_space<vmem>>, vector<16xi32>,
        tpu.vector_store %arg8[%swap3A_59, %swap3A_60], %broadcast_in_dim3A_3 {strides = array<i32>} : memref<64x32xi32, #tpu.memory_space<vmem>>, vector<16xi32>,
        %swap3A_62 = arith.constant 2 : i32
        %swap3A_63 = arith.index_cast %swap3A_62 : i32 to index
        %swap3A_64 = arith.constant 0 : index
        %swap3A_65 = tpu.vector_load %arg7[%swap3A_63, %swap3A_64] {strides = array<i32>} : memref<64x32xi32, #tpu.memory_space<vmem>>, vector<16xi32>,
        tpu.vector_store %arg7[%swap3A_63, %swap3A_64], %broadcast_in_dim3A_1 {strides = array<i32>} : memref<64x32xi32, #tpu.memory_space<vmem>>, vector<16xi32>,
        %swap3A_66 = arith.constant 2 : i32
        %swap3A_67 = arith.index_cast %swap3A_66 : i32 to index
        %swap3A_68 = arith.constant 0 : index
        %swap3A_69 = tpu.vector_load %arg8[%swap3A_67, %swap3A_68] {strides = array<i32>} : memref<64x32xi32, #tpu.memory_space<vmem>>, vector<16xi32>,
        tpu.vector_store %arg8[%swap3A_67, %swap3A_68], %broadcast_in_dim3A_3 {strides = array<i32>} : memref<64x32xi32, #tpu.memory_space<vmem>>, vector<16xi32>,
        %swap3A_70 = arith.constant 2 : i32
        %swap3A_71 = arith.index_cast %swap3A_70 : i32 to index
        %swap3A_72 = arith.constant 16 : index
        %swap3A_73 = tpu.vector_load %arg7[%swap3A_71, %swap3A_72] {strides = array<i32>} : memref<64x32xi32, #tpu.memory_space<vmem>>, vector<16xi32>,
        tpu.vector_store %arg7[%swap3A_71, %swap3A_72], %broadcast_in_dim3A_1 {strides = array<i32>} : memref<64x32xi32, #tpu.memory_space<vmem>>, vector<16xi32>,
        %swap3A_74 = arith.constant 2 : i32
        %swap3A_75 = arith.index_cast %swap3A_74 : i32 to index
        %swap3A_76 = arith.constant 16 : index
        %swap3A_77 = tpu.vector_load %arg8[%swap3A_75, %swap3A_76] {strides = array<i32>} : memref<64x32xi32, #tpu.memory_space<vmem>>, vector<16xi32>,
        tpu.vector_store %arg8[%swap3A_75, %swap3A_76], %broadcast_in_dim3A_3 {strides = array<i32>} : memref<64x32xi32, #tpu.memory_space<vmem>>, vector<16xi32>,
        %swap3A_78 = arith.constant 3 : i32
        %swap3A_79 = arith.index_cast %swap3A_78 : i32 to index
        %swap3A_80 = arith.constant 0 : index
        %swap3A_81 = tpu.vector_load %arg7[%swap3A_79, %swap3A_80] {strides = array<i32>} : memref<64x32xi32, #tpu.memory_space<vmem>>, vector<16xi32>,
        tpu.vector_store %arg7[%swap3A_79, %swap3A_80], %broadcast_in_dim3A_1 {strides = array<i32>} : memref<64x32xi32, #tpu.memory_space<vmem>>, vector<16xi32>,
        %swap3A_82 = arith.constant 3 : i32
        %swap3A_83 = arith.index_cast %swap3A_82 : i32 to index
        %swap3A_84 = arith.constant 0 : index
        %swap3A_85 = tpu.vector_load %arg8[%swap3A_83, %swap3A_84] {strides = array<i32>} : memref<64x32xi32, #tpu.memory_space<vmem>>, vector<16xi32>,
        tpu.vector_store %arg8[%swap3A_83, %swap3A_84], %broadcast_in_dim3A_3 {strides = array<i32>} : memref<64x32xi32, #tpu.memory_space<vmem>>, vector<16xi32>,
        %swap3A_86 = arith.constant 3 : i32
        %swap3A_87 = arith.index_cast %swap3A_86 : i32 to index
        %swap3A_88 = arith.constant 16 : index
        %swap3A_89 = tpu.vector_load %arg7[%swap3A_87, %swap3A_88] {strides = array<i32>} : memref<64x32xi32, #tpu.memory_space<vmem>>, vector<16xi32>,
        tpu.vector_store %arg7[%swap3A_87, %swap3A_88], %broadcast_in_dim3A_1 {strides = array<i32>} : memref<64x32xi32, #tpu.memory_space<vmem>>, vector<16xi32>,
        %swap3A_90 = arith.constant 3 : i32
        %swap3A_91 = arith.index_cast %swap3A_90 : i32 to index
        %swap3A_92 = arith.constant 16 : index
        %swap3A_93 = tpu.vector_load %arg8[%swap3A_91, %swap3A_92] {strides = array<i32>} : memref<64x32xi32, #tpu.memory_space<vmem>>, vector<16xi32>,
        tpu.vector_store %arg8[%swap3A_91, %swap3A_92], %broadcast_in_dim3A_3 {strides = array<i32>} : memref<64x32xi32, #tpu.memory_space<vmem>>, vector<16xi32>,
        %swap3A_94 = arith.constant 4 : i32
        %swap3A_95 = arith.index_cast %swap3A_94 : i32 to index
        %swap3A_96 = arith.constant 0 : index
        %swap3A_97 = tpu.vector_load %arg7[%swap3A_95, %swap3A_96] {strides = array<i32>} : memref<64x32xi32, #tpu.memory_space<vmem>>, vector<16xi32>,
        tpu.vector_store %arg7[%swap3A_95, %swap3A_96], %broadcast_in_dim3A_1 {strides = array<i32>} : memref<64x32xi32, #tpu.memory_space<vmem>>, vector<16xi32>,
        %swap3A_98 = arith.constant 4 : i32
        %swap3A_99 = arith.index_cast %swap3A_98 : i32 to index
        %swap3A_100 = arith.constant 0 : index
        %swap3A_101 = tpu.vector_load %arg8[%swap3A_99, %swap3A_100] {strides = array<i32>} : memref<64x32xi32, #tpu.memory_space<vmem>>, vector<16xi32>,
        tpu.vector_store %arg8[%swap3A_99, %swap3A_100], %broadcast_in_dim3A_3 {strides = array<i32>} : memref<64x32xi32, #tpu.memory_space<vmem>>, vector<16xi32>,
        %swap3A_102 = arith.constant 4 : i32
        %swap3A_103 = arith.index_cast %swap3A_102 : i32 to index
        %swap3A_104 = arith.constant 16 : index
        %swap3A_105 = tpu.vector_load %arg7[%swap3A_103, %swap3A_104] {strides = array<i32>} : memref<64x32xi32, #tpu.memory_space<vmem>>, vector<16xi32>,
        tpu.vector_store %arg7[%swap3A_103, %swap3A_104], %broadcast_in_dim3A_1 {strides = array<i32>} : memref<64x32xi32, #tpu.memory_space<vmem>>, vector<16xi32>,
        %swap3A_106 = arith.constant 4 : i32
        %swap3A_107 = arith.index_cast %swap3A_106 : i32 to index
        %swap3A_108 = arith.constant 16 : index
        %swap3A_109 = tpu.vector_load %arg8[%swap3A_107, %swap3A_108] {strides = array<i32>} : memref<64x32xi32, #tpu.memory_space<vmem>>, vector<16xi32>,
        tpu.vector_store %arg8[%swap3A_107, %swap3A_108], %broadcast_in_dim3A_3 {strides = array<i32>} : memref<64x32xi32, #tpu.memory_space<vmem>>, vector<16xi32>,
        %swap3A_110 = arith.constant 5 : i32
        %swap3A_111 = arith.index_cast %swap3A_110 : i32 to index
        %swap3A_112 = arith.constant 0 : index
        %swap3A_113 = tpu.vector_load %arg7[%swap3A_111, %swap3A_112] {strides = array<i32>} : memref<64x32xi32, #tpu.memory_space<vmem>>, vector<16xi32>,
        tpu.vector_store %arg7[%swap3A_111, %swap3A_112], %broadcast_in_dim3A_1 {strides = array<i32>} : memref<64x32xi32, #tpu.memory_space<vmem>>, vector<16xi32>,
        %swap3A_114 = arith.constant 5 : i32
        %swap3A_115 = arith.index_cast %swap3A_114 : i32 to index
        %swap3A_116 = arith.constant 0 : index
        %swap3A_117 = tpu.vector_load %arg8[%swap3A_115, %swap3A_116] {strides = array<i32>} : memref<64x32xi32, #tpu.memory_space<vmem>>, vector<16xi32>,
        tpu.vector_store %arg8[%swap3A_115, %swap3A_116], %broadcast_in_dim3A_3 {strides = array<i32>} : memref<64x32xi32, #tpu.memory_space<vmem>>, vector<16xi32>,
        %swap3A_118 = arith.constant 5 : i32
        %swap3A_119 = arith.index_cast %swap3A_118 : i32 to index
        %swap3A_120 = arith.constant 16 : index
        %swap3A_121 = tpu.vector_load %arg7[%swap3A_119, %swap3A_120] {strides = array<i32>} : memref<64x32xi32, #tpu.memory_space<vmem>>, vector<16xi32>,
        tpu.vector_store %arg7[%swap3A_119, %swap3A_120], %broadcast_in_dim3A_1 {strides = array<i32>} : memref<64x32xi32, #tpu.memory_space<vmem>>, vector<16xi32>,
        %swap3A_122 = arith.constant 5 : i32
        %swap3A_123 = arith.index_cast %swap3A_122 : i32 to index
        %swap3A_124 = arith.constant 16 : index
        %swap3A_125 = tpu.vector_load %arg8[%swap3A_123, %swap3A_124] {strides = array<i32>} : memref<64x32xi32, #tpu.memory_space<vmem>>, vector<16xi32>,
        tpu.vector_store %arg8[%swap3A_123, %swap3A_124], %broadcast_in_dim3A_3 {strides = array<i32>} : memref<64x32xi32, #tpu.memory_space<vmem>>, vector<16xi32>,
        %swap3A_126 = arith.constant 6 : i32
        %swap3A_127 = arith.index_cast %swap3A_126 : i32 to index
        %swap3A_128 = arith.constant 0 : index
        %swap3A_129 = tpu.vector_load %arg7[%swap3A_127, %swap3A_128] {strides = array<i32>} : memref<64x32xi32, #tpu.memory_space<vmem>>, vector<16xi32>,
        tpu.vector_store %arg7[%swap3A_127, %swap3A_128], %broadcast_in_dim3A_1 {strides = array<i32>} : memref<64x32xi32, #tpu.memory_space<vmem>>, vector<16xi32>,
        %swap3A_130 = arith.constant 6 : i32
        %swap3A_131 = arith.index_cast %swap3A_130 : i32 to index
        %swap3A_132 = arith.constant 0 : index
        %swap3A_133 = tpu.vector_load %arg8[%swap3A_131, %swap3A_132] {strides = array<i32>} : memref<64x32xi32, #tpu.memory_space<vmem>>, vector<16xi32>,
        tpu.vector_store %arg8[%swap3A_131, %swap3A_132], %broadcast_in_dim3A_3 {strides = array<i32>} : memref<64x32xi32, #tpu.memory_space<vmem>>, vector<16xi32>,
        %swap3A_134 = arith.constant 6 : i32
        %swap3A_135 = arith.index_cast %swap3A_134 : i32 to index
        %swap3A_136 = arith.constant 16 : index
        %swap3A_137 = tpu.vector_load %arg7[%swap3A_135, %swap3A_136] {strides = array<i32>} : memref<64x32xi32, #tpu.memory_space<vmem>>, vector<16xi32>,
        tpu.vector_store %arg7[%swap3A_135, %swap3A_136], %broadcast_in_dim3A_1 {strides = array<i32>} : memref<64x32xi32, #tpu.memory_space<vmem>>, vector<16xi32>,
        %swap3A_138 = arith.constant 6 : i32
        %swap3A_139 = arith.index_cast %swap3A_138 : i32 to index
        %swap3A_140 = arith.constant 16 : index
        %swap3A_141 = tpu.vector_load %arg8[%swap3A_139, %swap3A_140] {strides = array<i32>} : memref<64x32xi32, #tpu.memory_space<vmem>>, vector<16xi32>,
        tpu.vector_store %arg8[%swap3A_139, %swap3A_140], %broadcast_in_dim3A_3 {strides = array<i32>} : memref<64x32xi32, #tpu.memory_space<vmem>>, vector<16xi32>,
        %swap3A_142 = arith.constant 7 : i32
        %swap3A_143 = arith.index_cast %swap3A_142 : i32 to index
        %swap3A_144 = arith.constant 0 : index
        %swap3A_145 = tpu.vector_load %arg7[%swap3A_143, %swap3A_144] {strides = array<i32>} : memref<64x32xi32, #tpu.memory_space<vmem>>, vector<16xi32>,
        tpu.vector_store %arg7[%swap3A_143, %swap3A_144], %broadcast_in_dim3A_1 {strides = array<i32>} : memref<64x32xi32, #tpu.memory_space<vmem>>, vector<16xi32>,
        %swap3A_146 = arith.constant 7 : i32
        %swap3A_147 = arith.index_cast %swap3A_146 : i32 to index
        %swap3A_148 = arith.constant 0 : index
        %swap3A_149 = tpu.vector_load %arg8[%swap3A_147, %swap3A_148] {strides = array<i32>} : memref<64x32xi32, #tpu.memory_space<vmem>>, vector<16xi32>,
        tpu.vector_store %arg8[%swap3A_147, %swap3A_148], %broadcast_in_dim3A_3 {strides = array<i32>} : memref<64x32xi32, #tpu.memory_space<vmem>>, vector<16xi32>,
        %swap3A_150 = arith.constant 7 : i32
        %swap3A_151 = arith.index_cast %swap3A_150 : i32 to index
        %swap3A_152 = arith.constant 16 : index
        %swap3A_153 = tpu.vector_load %arg7[%swap3A_151, %swap3A_152] {strides = array<i32>} : memref<64x32xi32, #tpu.memory_space<vmem>>, vector<16xi32>,
        tpu.vector_store %arg7[%swap3A_151, %swap3A_152], %broadcast_in_dim3A_1 {strides = array<i32>} : memref<64x32xi32, #tpu.memory_space<vmem>>, vector<16xi32>,
        %swap3A_154 = arith.constant 7 : i32
        %swap3A_155 = arith.index_cast %swap3A_154 : i32 to index
        %swap3A_156 = arith.constant 16 : index
        %swap3A_157 = tpu.vector_load %arg8[%swap3A_155, %swap3A_156] {strides = array<i32>} : memref<64x32xi32, #tpu.memory_space<vmem>>, vector<16xi32>,
        tpu.vector_store %arg8[%swap3A_155, %swap3A_156], %broadcast_in_dim3A_3 {strides = array<i32>} : memref<64x32xi32, #tpu.memory_space<vmem>>, vector<16xi32>,
        %swap3A_158 = arith.constant 8 : i32
        %swap3A_159 = arith.index_cast %swap3A_158 : i32 to index
        %swap3A_160 = arith.constant 0 : index
        %swap3A_161 = tpu.vector_load %arg7[%swap3A_159, %swap3A_160] {strides = array<i32>} : memref<64x32xi32, #tpu.memory_space<vmem>>, vector<16xi32>,
        tpu.vector_store %arg7[%swap3A_159, %swap3A_160], %broadcast_in_dim3A_1 {strides = array<i32>} : memref<64x32xi32, #tpu.memory_space<vmem>>, vector<16xi32>,
        %swap3A_162 = arith.constant 8 : i32
        %swap3A_163 = arith.index_cast %swap3A_162 : i32 to index
        %swap3A_164 = arith.constant 0 : index
        %swap3A_165 = tpu.vector_load %arg8[%swap3A_163, %swap3A_164] {strides = array<i32>} : memref<64x32xi32, #tpu.memory_space<vmem>>, vector<16xi32>,
        tpu.vector_store %arg8[%swap3A_163, %swap3A_164], %broadcast_in_dim3A_3 {strides = array<i32>} : memref<64x32xi32, #tpu.memory_space<vmem>>, vector<16xi32>,
        %swap3A_166 = arith.constant 8 : i32
        %swap3A_167 = arith.index_cast %swap3A_166 : i32 to index
        %swap3A_168 = arith.constant 16 : index
        %swap3A_169 = tpu.vector_load %arg7[%swap3A_167, %swap3A_168] {strides = array<i32>} : memref<64x32xi32, #tpu.memory_space<vmem>>, vector<16xi32>,
        tpu.vector_store %arg7[%swap3A_167, %swap3A_168], %broadcast_in_dim3A_1 {strides = array<i32>} : memref<64x32xi32, #tpu.memory_space<vmem>>, vector<16xi32>,
        %swap3A_170 = arith.constant 8 : i32
        %swap3A_171 = arith.index_cast %swap3A_170 : i32 to index
        %swap3A_172 = arith.constant 16 : index
        %swap3A_173 = tpu.vector_load %arg8[%swap3A_171, %swap3A_172] {strides = array<i32>} : memref<64x32xi32, #tpu.memory_space<vmem>>, vector<16xi32>,
        tpu.vector_store %arg8[%swap3A_171, %swap3A_172], %broadcast_in_dim3A_3 {strides = array<i32>} : memref<64x32xi32, #tpu.memory_space<vmem>>, vector<16xi32>,
        %swap3A_174 = arith.constant 9 : i32
        %swap3A_175 = arith.index_cast %swap3A_174 : i32 to index
        %swap3A_176 = arith.constant 0 : index
        %swap3A_177 = tpu.vector_load %arg7[%swap3A_175, %swap3A_176] {strides = array<i32>} : memref<64x32xi32, #tpu.memory_space<vmem>>, vector<16xi32>,
        tpu.vector_store %arg7[%swap3A_175, %swap3A_176], %broadcast_in_dim3A_1 {strides = array<i32>} : memref<64x32xi32, #tpu.memory_space<vmem>>, vector<16xi32>,
        %swap3A_178 = arith.constant 9 : i32
        %swap3A_179 = arith.index_cast %swap3A_178 : i32 to index
        %swap3A_180 = arith.constant 0 : index
        %swap3A_181 = tpu.vector_load %arg8[%swap3A_179, %swap3A_180] {strides = array<i32>} : memref<64x32xi32, #tpu.memory_space<vmem>>, vector<16xi32>,
        tpu.vector_store %arg8[%swap3A_179, %swap3A_180], %broadcast_in_dim3A_3 {strides = array<i32>} : memref<64x32xi32, #tpu.memory_space<vmem>>, vector<16xi32>,
        %swap3A_182 = arith.constant 9 : i32
        %swap3A_183 = arith.index_cast %swap3A_182 : i32 to index
        %swap3A_184 = arith.constant 16 : index
        %swap3A_185 = tpu.vector_load %arg7[%swap3A_183, %swap3A_184] {strides = array<i32>} : memref<64x32xi32, #tpu.memory_space<vmem>>, vector<16xi32>,
        tpu.vector_store %arg7[%swap3A_183, %swap3A_184], %broadcast_in_dim3A_1 {strides = array<i32>} : memref<64x32xi32, #tpu.memory_space<vmem>>, vector<16xi32>,
        %swap3A_186 = arith.constant 9 : i32
        %swap3A_187 = arith.index_cast %swap3A_186 : i32 to index
        %swap3A_188 = arith.constant 16 : index
        %swap3A_189 = tpu.vector_load %arg8[%swap3A_187, %swap3A_188] {strides = array<i32>} : memref<64x32xi32, #tpu.memory_space<vmem>>, vector<16xi32>,
        tpu.vector_store %arg8[%swap3A_187, %swap3A_188], %broadcast_in_dim3A_3 {strides = array<i32>} : memref<64x32xi32, #tpu.memory_space<vmem>>, vector<16xi32>,
        %swap3A_190 = arith.constant 10 : i32
        %swap3A_191 = arith.index_cast %swap3A_190 : i32 to index
        %swap3A_192 = arith.constant 0 : index
        %swap3A_193 = tpu.vector_load %arg7[%swap3A_191, %swap3A_192] {strides = array<i32>} : memref<64x32xi32, #tpu.memory_space<vmem>>, vector<16xi32>,
        tpu.vector_store %arg7[%swap3A_191, %swap3A_192], %broadcast_in_dim3A_1 {strides = array<i32>} : memref<64x32xi32, #tpu.memory_space<vmem>>, vector<16xi32>,
        %swap3A_194 = arith.constant 10 : i32
        %swap3A_195 = arith.index_cast %swap3A_194 : i32 to index
        %swap3A_196 = arith.constant 0 : index
        %swap3A_197 = tpu.vector_load %arg8[%swap3A_195, %swap3A_196] {strides = array<i32>} : memref<64x32xi32, #tpu.memory_space<vmem>>, vector<16xi32>,
        tpu.vector_store %arg8[%swap3A_195, %swap3A_196], %broadcast_in_dim3A_3 {strides = array<i32>} : memref<64x32xi32, #tpu.memory_space<vmem>>, vector<16xi32>,
        %swap3A_198 = arith.constant 10 : i32
        %swap3A_199 = arith.index_cast %swap3A_198 : i32 to index
        %swap3A_200 = arith.constant 16 : index
        %swap3A_201 = tpu.vector_load %arg7[%swap3A_199, %swap3A_200] {strides = array<i32>} : memref<64x32xi32, #tpu.memory_space<vmem>>, vector<16xi32>,
        tpu.vector_store %arg7[%swap3A_199, %swap3A_200], %broadcast_in_dim3A_1 {strides = array<i32>} : memref<64x32xi32, #tpu.memory_space<vmem>>, vector<16xi32>,
        %swap3A_202 = arith.constant 10 : i32
        %swap3A_203 = arith.index_cast %swap3A_202 : i32 to index
        %swap3A_204 = arith.constant 16 : index
        %swap3A_205 = tpu.vector_load %arg8[%swap3A_203, %swap3A_204] {strides = array<i32>} : memref<64x32xi32, #tpu.memory_space<vmem>>, vector<16xi32>,
        tpu.vector_store %arg8[%swap3A_203, %swap3A_204], %broadcast_in_dim3A_3 {strides = array<i32>} : memref<64x32xi32, #tpu.memory_space<vmem>>, vector<16xi32>,
        %swap3A_206 = arith.constant 11 : i32
        %swap3A_207 = arith.index_cast %swap3A_206 : i32 to index
        %swap3A_208 = arith.constant 0 : index
        %swap3A_209 = tpu.vector_load %arg7[%swap3A_207, %swap3A_208] {strides = array<i32>} : memref<64x32xi32, #tpu.memory_space<vmem>>, vector<16xi32>,
        tpu.vector_store %arg7[%swap3A_207, %swap3A_208], %broadcast_in_dim3A_1 {strides = array<i32>} : memref<64x32xi32, #tpu.memory_space<vmem>>, vector<16xi32>,
        %swap3A_210 = arith.constant 11 : i32
        %swap3A_211 = arith.index_cast %swap3A_210 : i32 to index
        %swap3A_212 = arith.constant 0 : index
        %swap3A_213 = tpu.vector_load %arg8[%swap3A_211, %swap3A_212] {strides = array<i32>} : memref<64x32xi32, #tpu.memory_space<vmem>>, vector<16xi32>,
        tpu.vector_store %arg8[%swap3A_211, %swap3A_212], %broadcast_in_dim3A_3 {strides = array<i32>} : memref<64x32xi32, #tpu.memory_space<vmem>>, vector<16xi32>,
        %swap3A_214 = arith.constant 11 : i32
        %swap3A_215 = arith.index_cast %swap3A_214 : i32 to index
        %swap3A_216 = arith.constant 16 : index
        %swap3A_217 = tpu.vector_load %arg7[%swap3A_215, %swap3A_216] {strides = array<i32>} : memref<64x32xi32, #tpu.memory_space<vmem>>, vector<16xi32>,
        tpu.vector_store %arg7[%swap3A_215, %swap3A_216], %broadcast_in_dim3A_1 {strides = array<i32>} : memref<64x32xi32, #tpu.memory_space<vmem>>, vector<16xi32>,
        %swap3A_218 = arith.constant 11 : i32
        %swap3A_219 = arith.index_cast %swap3A_218 : i32 to index
        %swap3A_220 = arith.constant 16 : index
        %swap3A_221 = tpu.vector_load %arg8[%swap3A_219, %swap3A_220] {strides = array<i32>} : memref<64x32xi32, #tpu.memory_space<vmem>>, vector<16xi32>,
        tpu.vector_store %arg8[%swap3A_219, %swap3A_220], %broadcast_in_dim3A_3 {strides = array<i32>} : memref<64x32xi32, #tpu.memory_space<vmem>>, vector<16xi32>,
        %swap3A_222 = arith.constant 12 : i32
        %swap3A_223 = arith.index_cast %swap3A_222 : i32 to index
        %swap3A_224 = arith.constant 0 : index
        %swap3A_225 = tpu.vector_load %arg7[%swap3A_223, %swap3A_224] {strides = array<i32>} : memref<64x32xi32, #tpu.memory_space<vmem>>, vector<16xi32>,
        tpu.vector_store %arg7[%swap3A_223, %swap3A_224], %broadcast_in_dim3A_1 {strides = array<i32>} : memref<64x32xi32, #tpu.memory_space<vmem>>, vector<16xi32>,
        %swap3A_226 = arith.constant 12 : i32
        %swap3A_227 = arith.index_cast %swap3A_226 : i32 to index
        %swap3A_228 = arith.constant 0 : index
        %swap3A_229 = tpu.vector_load %arg8[%swap3A_227, %swap3A_228] {strides = array<i32>} : memref<64x32xi32, #tpu.memory_space<vmem>>, vector<16xi32>,
        tpu.vector_store %arg8[%swap3A_227, %swap3A_228], %broadcast_in_dim3A_3 {strides = array<i32>} : memref<64x32xi32, #tpu.memory_space<vmem>>, vector<16xi32>,
        %swap3A_230 = arith.constant 12 : i32
        %swap3A_231 = arith.index_cast %swap3A_230 : i32 to index
        %swap3A_232 = arith.constant 16 : index
        %swap3A_233 = tpu.vector_load %arg7[%swap3A_231, %swap3A_232] {strides = array<i32>} : memref<64x32xi32, #tpu.memory_space<vmem>>, vector<16xi32>,
        tpu.vector_store %arg7[%swap3A_231, %swap3A_232], %broadcast_in_dim3A_1 {strides = array<i32>} : memref<64x32xi32, #tpu.memory_space<vmem>>, vector<16xi32>,
        %swap3A_234 = arith.constant 12 : i32
        %swap3A_235 = arith.index_cast %swap3A_234 : i32 to index
        %swap3A_236 = arith.constant 16 : index
        %swap3A_237 = tpu.vector_load %arg8[%swap3A_235, %swap3A_236] {strides = array<i32>} : memref<64x32xi32, #tpu.memory_space<vmem>>, vector<16xi32>,
        tpu.vector_store %arg8[%swap3A_235, %swap3A_236], %broadcast_in_dim3A_3 {strides = array<i32>} : memref<64x32xi32, #tpu.memory_space<vmem>>, vector<16xi32>,
        %swap3A_238 = arith.constant 13 : i32
        %swap3A_239 = arith.index_cast %swap3A_238 : i32 to index
        %swap3A_240 = arith.constant 0 : index
        %swap3A_241 = tpu.vector_load %arg7[%swap3A_239, %swap3A_240] {strides = array<i32>} : memref<64x32xi32, #tpu.memory_space<vmem>>, vector<16xi32>,
        tpu.vector_store %arg7[%swap3A_239, %swap3A_240], %broadcast_in_dim3A_1 {strides = array<i32>} : memref<64x32xi32, #tpu.memory_space<vmem>>, vector<16xi32>,
        %swap3A_242 = arith.constant 13 : i32
        %swap3A_243 = arith.index_cast %swap3A_242 : i32 to index
        %swap3A_244 = arith.constant 0 : index
        %swap3A_245 = tpu.vector_load %arg8[%swap3A_243, %swap3A_244] {strides = array<i32>} : memref<64x32xi32, #tpu.memory_space<vmem>>, vector<16xi32>,
        tpu.vector_store %arg8[%swap3A_243, %swap3A_244], %broadcast_in_dim3A_3 {strides = array<i32>} : memref<64x32xi32, #tpu.memory_space<vmem>>, vector<16xi32>,
        %swap3A_246 = arith.constant 13 : i32
        %swap3A_247 = arith.index_cast %swap3A_246 : i32 to index
        %swap3A_248 = arith.constant 16 : index
        %swap3A_249 = tpu.vector_load %arg7[%swap3A_247, %swap3A_248] {strides = array<i32>} : memref<64x32xi32, #tpu.memory_space<vmem>>, vector<16xi32>,
        tpu.vector_store %arg7[%swap3A_247, %swap3A_248], %broadcast_in_dim3A_1 {strides = array<i32>} : memref<64x32xi32, #tpu.memory_space<vmem>>, vector<16xi32>,
        %swap3A_250 = arith.constant 13 : i32
        %swap3A_251 = arith.index_cast %swap3A_250 : i32 to index
        %swap3A_252 = arith.constant 16 : index
        %swap3A_253 = tpu.vector_load %arg8[%swap3A_251, %swap3A_252] {strides = array<i32>} : memref<64x32xi32, #tpu.memory_space<vmem>>, vector<16xi32>,
        tpu.vector_store %arg8[%swap3A_251, %swap3A_252], %broadcast_in_dim3A_3 {strides = array<i32>} : memref<64x32xi32, #tpu.memory_space<vmem>>, vector<16xi32>,
        %swap3A_254 = arith.constant 14 : i32
        %swap3A_255 = arith.index_cast %swap3A_254 : i32 to index
        %swap3A_256 = arith.constant 0 : index
        %swap3A_257 = tpu.vector_load %arg7[%swap3A_255, %swap3A_256] {strides = array<i32>} : memref<64x32xi32, #tpu.memory_space<vmem>>, vector<16xi32>,
        tpu.vector_store %arg7[%swap3A_255, %swap3A_256], %broadcast_in_dim3A_1 {strides = array<i32>} : memref<64x32xi32, #tpu.memory_space<vmem>>, vector<16xi32>,
        %swap3A_258 = arith.constant 14 : i32
        %swap3A_259 = arith.index_cast %swap3A_258 : i32 to index
        %swap3A_260 = arith.constant 0 : index
        %swap3A_261 = tpu.vector_load %arg8[%swap3A_259, %swap3A_260] {strides = array<i32>} : memref<64x32xi32, #tpu.memory_space<vmem>>, vector<16xi32>,
        tpu.vector_store %arg8[%swap3A_259, %swap3A_260], %broadcast_in_dim3A_3 {strides = array<i32>} : memref<64x32xi32, #tpu.memory_space<vmem>>, vector<16xi32>,
        %swap3A_262 = arith.constant 14 : i32
        %swap3A_263 = arith.index_cast %swap3A_262 : i32 to index
        %swap3A_264 = arith.constant 16 : index
        %swap3A_265 = tpu.vector_load %arg7[%swap3A_263, %swap3A_264] {strides = array<i32>} : memref<64x32xi32, #tpu.memory_space<vmem>>, vector<16xi32>,
        tpu.vector_store %arg7[%swap3A_263, %swap3A_264], %broadcast_in_dim3A_1 {strides = array<i32>} : memref<64x32xi32, #tpu.memory_space<vmem>>, vector<16xi32>,
        %swap3A_266 = arith.constant 14 : i32
        %swap3A_267 = arith.index_cast %swap3A_266 : i32 to index
        %swap3A_268 = arith.constant 16 : index
        %swap3A_269 = tpu.vector_load %arg8[%swap3A_267, %swap3A_268] {strides = array<i32>} : memref<64x32xi32, #tpu.memory_space<vmem>>, vector<16xi32>,
        tpu.vector_store %arg8[%swap3A_267, %swap3A_268], %broadcast_in_dim3A_3 {strides = array<i32>} : memref<64x32xi32, #tpu.memory_space<vmem>>, vector<16xi32>,
        %swap3A_270 = arith.constant 15 : i32
        %swap3A_271 = arith.index_cast %swap3A_270 : i32 to index
        %swap3A_272 = arith.constant 0 : index
        %swap3A_273 = tpu.vector_load %arg7[%swap3A_271, %swap3A_272] {strides = array<i32>} : memref<64x32xi32, #tpu.memory_space<vmem>>, vector<16xi32>,
        tpu.vector_store %arg7[%swap3A_271, %swap3A_272], %broadcast_in_dim3A_1 {strides = array<i32>} : memref<64x32xi32, #tpu.memory_space<vmem>>, vector<16xi32>,
        %swap3A_274 = arith.constant 15 : i32
        %swap3A_275 = arith.index_cast %swap3A_274 : i32 to index
        %swap3A_276 = arith.constant 0 : index
        %swap3A_277 = tpu.vector_load %arg8[%swap3A_275, %swap3A_276] {strides = array<i32>} : memref<64x32xi32, #tpu.memory_space<vmem>>, vector<16xi32>,
        tpu.vector_store %arg8[%swap3A_275, %swap3A_276], %broadcast_in_dim3A_3 {strides = array<i32>} : memref<64x32xi32, #tpu.memory_space<vmem>>, vector<16xi32>,
        %swap3A_278 = arith.constant 15 : i32
        %swap3A_279 = arith.index_cast %swap3A_278 : i32 to index
        %swap3A_280 = arith.constant 16 : index
        %swap3A_281 = tpu.vector_load %arg7[%swap3A_279, %swap3A_280] {strides = array<i32>} : memref<64x32xi32, #tpu.memory_space<vmem>>, vector<16xi32>,
        tpu.vector_store %arg7[%swap3A_279, %swap3A_280], %broadcast_in_dim3A_1 {strides = array<i32>} : memref<64x32xi32, #tpu.memory_space<vmem>>, vector<16xi32>,
        %swap3A_282 = arith.constant 15 : i32
        %swap3A_283 = arith.index_cast %swap3A_282 : i32 to index
        %swap3A_284 = arith.constant 16 : index
        %swap3A_285 = tpu.vector_load %arg8[%swap3A_283, %swap3A_284] {strides = array<i32>} : memref<64x32xi32, #tpu.memory_space<vmem>>, vector<16xi32>,
        tpu.vector_store %arg8[%swap3A_283, %swap3A_284], %broadcast_in_dim3A_3 {strides = array<i32>} : memref<64x32xi32, #tpu.memory_space<vmem>>, vector<16xi32>,
        %swap3A_286 = arith.constant 16 : i32
        %swap3A_287 = arith.index_cast %swap3A_286 : i32 to index
        %swap3A_288 = arith.constant 0 : index
        %swap3A_289 = tpu.vector_load %arg7[%swap3A_287, %swap3A_288] {strides = array<i32>} : memref<64x32xi32, #tpu.memory_space<vmem>>, vector<16xi32>,
        tpu.vector_store %arg7[%swap3A_287, %swap3A_288], %broadcast_in_dim3A_1 {strides = array<i32>} : memref<64x32xi32, #tpu.memory_space<vmem>>, vector<16xi32>,
        %swap3A_290 = arith.constant 16 : i32
        %swap3A_291 = arith.index_cast %swap3A_290 : i32 to index
        %swap3A_292 = arith.constant 0 : index
        %swap3A_293 = tpu.vector_load %arg8[%swap3A_291, %swap3A_292] {strides = array<i32>} : memref<64x32xi32, #tpu.memory_space<vmem>>, vector<16xi32>,
        tpu.vector_store %arg8[%swap3A_291, %swap3A_292], %broadcast_in_dim3A_3 {strides = array<i32>} : memref<64x32xi32, #tpu.memory_space<vmem>>, vector<16xi32>,
        %swap3A_294 = arith.constant 16 : i32
        %swap3A_295 = arith.index_cast %swap3A_294 : i32 to index
        %swap3A_296 = arith.constant 16 : index
        %swap3A_297 = tpu.vector_load %arg7[%swap3A_295, %swap3A_296] {strides = array<i32>} : memref<64x32xi32, #tpu.memory_space<vmem>>, vector<16xi32>,
        tpu.vector_store %arg7[%swap3A_295, %swap3A_296], %broadcast_in_dim3A_1 {strides = array<i32>} : memref<64x32xi32, #tpu.memory_space<vmem>>, vector<16xi32>,
        %swap3A_298 = arith.constant 16 : i32
        %swap3A_299 = arith.index_cast %swap3A_298 : i32 to index
        %swap3A_300 = arith.constant 16 : index
        %swap3A_301 = tpu.vector_load %arg8[%swap3A_299, %swap3A_300] {strides = array<i32>} : memref<64x32xi32, #tpu.memory_space<vmem>>, vector<16xi32>,
        tpu.vector_store %arg8[%swap3A_299, %swap3A_300], %broadcast_in_dim3A_3 {strides = array<i32>} : memref<64x32xi32, #tpu.memory_space<vmem>>, vector<16xi32>,
        %swap3A_302 = arith.constant 17 : i32
        %swap3A_303 = arith.index_cast %swap3A_302 : i32 to index
        %swap3A_304 = arith.constant 0 : index
        %swap3A_305 = tpu.vector_load %arg7[%swap3A_303, %swap3A_304] {strides = array<i32>} : memref<64x32xi32, #tpu.memory_space<vmem>>, vector<16xi32>,
        tpu.vector_store %arg7[%swap3A_303, %swap3A_304], %broadcast_in_dim3A_1 {strides = array<i32>} : memref<64x32xi32, #tpu.memory_space<vmem>>, vector<16xi32>,
        %swap3A_306 = arith.constant 17 : i32
        %swap3A_307 = arith.index_cast %swap3A_306 : i32 to index
        %swap3A_308 = arith.constant 0 : index
        %swap3A_309 = tpu.vector_load %arg8[%swap3A_307, %swap3A_308] {strides = array<i32>} : memref<64x32xi32, #tpu.memory_space<vmem>>, vector<16xi32>,
        tpu.vector_store %arg8[%swap3A_307, %swap3A_308], %broadcast_in_dim3A_3 {strides = array<i32>} : memref<64x32xi32, #tpu.memory_space<vmem>>, vector<16xi32>,
        %swap3A_310 = arith.constant 17 : i32
        %swap3A_311 = arith.index_cast %swap3A_310 : i32 to index
        %swap3A_312 = arith.constant 16 : index
        %swap3A_313 = tpu.vector_load %arg7[%swap3A_311, %swap3A_312] {strides = array<i32>} : memref<64x32xi32, #tpu.memory_space<vmem>>, vector<16xi32>,
        tpu.vector_store %arg7[%swap3A_311, %swap3A_312], %broadcast_in_dim3A_1 {strides = array<i32>} : memref<64x32xi32, #tpu.memory_space<vmem>>, vector<16xi32>,
        %swap3A_314 = arith.constant 17 : i32
        %swap3A_315 = arith.index_cast %swap3A_314 : i32 to index
        %swap3A_316 = arith.constant 16 : index
        %swap3A_317 = tpu.vector_load %arg8[%swap3A_315, %swap3A_316] {strides = array<i32>} : memref<64x32xi32, #tpu.memory_space<vmem>>, vector<16xi32>,
        tpu.vector_store %arg8[%swap3A_315, %swap3A_316], %broadcast_in_dim3A_3 {strides = array<i32>} : memref<64x32xi32, #tpu.memory_space<vmem>>, vector<16xi32>,
        %swap3A_318 = arith.constant 18 : i32
        %swap3A_319 = arith.index_cast %swap3A_318 : i32 to index
        %swap3A_320 = arith.constant 0 : index
        %swap3A_321 = tpu.vector_load %arg7[%swap3A_319, %swap3A_320] {strides = array<i32>} : memref<64x32xi32, #tpu.memory_space<vmem>>, vector<16xi32>,
        tpu.vector_store %arg7[%swap3A_319, %swap3A_320], %broadcast_in_dim3A_1 {strides = array<i32>} : memref<64x32xi32, #tpu.memory_space<vmem>>, vector<16xi32>,
        %swap3A_322 = arith.constant 18 : i32
        %swap3A_323 = arith.index_cast %swap3A_322 : i32 to index
        %swap3A_324 = arith.constant 0 : index
        %swap3A_325 = tpu.vector_load %arg8[%swap3A_323, %swap3A_324] {strides = array<i32>} : memref<64x32xi32, #tpu.memory_space<vmem>>, vector<16xi32>,
        tpu.vector_store %arg8[%swap3A_323, %swap3A_324], %broadcast_in_dim3A_3 {strides = array<i32>} : memref<64x32xi32, #tpu.memory_space<vmem>>, vector<16xi32>,
        %swap3A_326 = arith.constant 18 : i32
        %swap3A_327 = arith.index_cast %swap3A_326 : i32 to index
        %swap3A_328 = arith.constant 16 : index
        %swap3A_329 = tpu.vector_load %arg7[%swap3A_327, %swap3A_328] {strides = array<i32>} : memref<64x32xi32, #tpu.memory_space<vmem>>, vector<16xi32>,
        tpu.vector_store %arg7[%swap3A_327, %swap3A_328], %broadcast_in_dim3A_1 {strides = array<i32>} : memref<64x32xi32, #tpu.memory_space<vmem>>, vector<16xi32>,
        %swap3A_330 = arith.constant 18 : i32
        %swap3A_331 = arith.index_cast %swap3A_330 : i32 to index
        %swap3A_332 = arith.constant 16 : index
        %swap3A_333 = tpu.vector_load %arg8[%swap3A_331, %swap3A_332] {strides = array<i32>} : memref<64x32xi32, #tpu.memory_space<vmem>>, vector<16xi32>,
        tpu.vector_store %arg8[%swap3A_331, %swap3A_332], %broadcast_in_dim3A_3 {strides = array<i32>} : memref<64x32xi32, #tpu.memory_space<vmem>>, vector<16xi32>,
        %swap3A_334 = arith.constant 19 : i32
        %swap3A_335 = arith.index_cast %swap3A_334 : i32 to index
        %swap3A_336 = arith.constant 0 : index
        %swap3A_337 = tpu.vector_load %arg7[%swap3A_335, %swap3A_336] {strides = array<i32>} : memref<64x32xi32, #tpu.memory_space<vmem>>, vector<16xi32>,
        tpu.vector_store %arg7[%swap3A_335, %swap3A_336], %broadcast_in_dim3A_1 {strides = array<i32>} : memref<64x32xi32, #tpu.memory_space<vmem>>, vector<16xi32>,
        %swap3A_338 = arith.constant 19 : i32
        %swap3A_339 = arith.index_cast %swap3A_338 : i32 to index
        %swap3A_340 = arith.constant 0 : index
        %swap3A_341 = tpu.vector_load %arg8[%swap3A_339, %swap3A_340] {strides = array<i32>} : memref<64x32xi32, #tpu.memory_space<vmem>>, vector<16xi32>,
        tpu.vector_store %arg8[%swap3A_339, %swap3A_340], %broadcast_in_dim3A_3 {strides = array<i32>} : memref<64x32xi32, #tpu.memory_space<vmem>>, vector<16xi32>,
        %swap3A_342 = arith.constant 19 : i32
        %swap3A_343 = arith.index_cast %swap3A_342 : i32 to index
        %swap3A_344 = arith.constant 16 : index
        %swap3A_345 = tpu.vector_load %arg7[%swap3A_343, %swap3A_344] {strides = array<i32>} : memref<64x32xi32, #tpu.memory_space<vmem>>, vector<16xi32>,
        tpu.vector_store %arg7[%swap3A_343, %swap3A_344], %broadcast_in_dim3A_1 {strides = array<i32>} : memref<64x32xi32, #tpu.memory_space<vmem>>, vector<16xi32>,
        %swap3A_346 = arith.constant 19 : i32
        %swap3A_347 = arith.index_cast %swap3A_346 : i32 to index
        %swap3A_348 = arith.constant 16 : index
        %swap3A_349 = tpu.vector_load %arg8[%swap3A_347, %swap3A_348] {strides = array<i32>} : memref<64x32xi32, #tpu.memory_space<vmem>>, vector<16xi32>,
        tpu.vector_store %arg8[%swap3A_347, %swap3A_348], %broadcast_in_dim3A_3 {strides = array<i32>} : memref<64x32xi32, #tpu.memory_space<vmem>>, vector<16xi32>,
        %swap3A_350 = arith.constant 20 : i32
        %swap3A_351 = arith.index_cast %swap3A_350 : i32 to index
        %swap3A_352 = arith.constant 0 : index
        %swap3A_353 = tpu.vector_load %arg7[%swap3A_351, %swap3A_352] {strides = array<i32>} : memref<64x32xi32, #tpu.memory_space<vmem>>, vector<16xi32>,
        tpu.vector_store %arg7[%swap3A_351, %swap3A_352], %broadcast_in_dim3A_1 {strides = array<i32>} : memref<64x32xi32, #tpu.memory_space<vmem>>, vector<16xi32>,
        %swap3A_354 = arith.constant 20 : i32
        %swap3A_355 = arith.index_cast %swap3A_354 : i32 to index
        %swap3A_356 = arith.constant 0 : index
        %swap3A_357 = tpu.vector_load %arg8[%swap3A_355, %swap3A_356] {strides = array<i32>} : memref<64x32xi32, #tpu.memory_space<vmem>>, vector<16xi32>,
        tpu.vector_store %arg8[%swap3A_355, %swap3A_356], %broadcast_in_dim3A_3 {strides = array<i32>} : memref<64x32xi32, #tpu.memory_space<vmem>>, vector<16xi32>,
        %swap3A_358 = arith.constant 20 : i32
        %swap3A_359 = arith.index_cast %swap3A_358 : i32 to index
        %swap3A_360 = arith.constant 16 : index
        %swap3A_361 = tpu.vector_load %arg7[%swap3A_359, %swap3A_360] {strides = array<i32>} : memref<64x32xi32, #tpu.memory_space<vmem>>, vector<16xi32>,
        tpu.vector_store %arg7[%swap3A_359, %swap3A_360], %broadcast_in_dim3A_1 {strides = array<i32>} : memref<64x32xi32, #tpu.memory_space<vmem>>, vector<16xi32>,
        %swap3A_362 = arith.constant 20 : i32
        %swap3A_363 = arith.index_cast %swap3A_362 : i32 to index
        %swap3A_364 = arith.constant 16 : index
        %swap3A_365 = tpu.vector_load %arg8[%swap3A_363, %swap3A_364] {strides = array<i32>} : memref<64x32xi32, #tpu.memory_space<vmem>>, vector<16xi32>,
        tpu.vector_store %arg8[%swap3A_363, %swap3A_364], %broadcast_in_dim3A_3 {strides = array<i32>} : memref<64x32xi32, #tpu.memory_space<vmem>>, vector<16xi32>,
        %swap3A_366 = arith.constant 21 : i32
        %swap3A_367 = arith.index_cast %swap3A_366 : i32 to index
        %swap3A_368 = arith.constant 0 : index
        %swap3A_369 = tpu.vector_load %arg7[%swap3A_367, %swap3A_368] {strides = array<i32>} : memref<64x32xi32, #tpu.memory_space<vmem>>, vector<16xi32>,
        tpu.vector_store %arg7[%swap3A_367, %swap3A_368], %broadcast_in_dim3A_1 {strides = array<i32>} : memref<64x32xi32, #tpu.memory_space<vmem>>, vector<16xi32>,
        %swap3A_370 = arith.constant 21 : i32
        %swap3A_371 = arith.index_cast %swap3A_370 : i32 to index
        %swap3A_372 = arith.constant 0 : index
        %swap3A_373 = tpu.vector_load %arg8[%swap3A_371, %swap3A_372] {strides = array<i32>} : memref<64x32xi32, #tpu.memory_space<vmem>>, vector<16xi32>,
        tpu.vector_store %arg8[%swap3A_371, %swap3A_372], %broadcast_in_dim3A_3 {strides = array<i32>} : memref<64x32xi32, #tpu.memory_space<vmem>>, vector<16xi32>,
        %swap3A_374 = arith.constant 21 : i32
        %swap3A_375 = arith.index_cast %swap3A_374 : i32 to index
        %swap3A_376 = arith.constant 16 : index
        %swap3A_377 = tpu.vector_load %arg7[%swap3A_375, %swap3A_376] {strides = array<i32>} : memref<64x32xi32, #tpu.memory_space<vmem>>, vector<16xi32>,
        tpu.vector_store %arg7[%swap3A_375, %swap3A_376], %broadcast_in_dim3A_1 {strides = array<i32>} : memref<64x32xi32, #tpu.memory_space<vmem>>, vector<16xi32>,
        %swap3A_378 = arith.constant 21 : i32
        %swap3A_379 = arith.index_cast %swap3A_378 : i32 to index
        %swap3A_380 = arith.constant 16 : index
        %swap3A_381 = tpu.vector_load %arg8[%swap3A_379, %swap3A_380] {strides = array<i32>} : memref<64x32xi32, #tpu.memory_space<vmem>>, vector<16xi32>,
        tpu.vector_store %arg8[%swap3A_379, %swap3A_380], %broadcast_in_dim3A_3 {strides = array<i32>} : memref<64x32xi32, #tpu.memory_space<vmem>>, vector<16xi32>,
        %swap3A_382 = arith.constant 22 : i32
        %swap3A_383 = arith.index_cast %swap3A_382 : i32 to index
        %swap3A_384 = arith.constant 0 : index
        %swap3A_385 = tpu.vector_load %arg7[%swap3A_383, %swap3A_384] {strides = array<i32>} : memref<64x32xi32, #tpu.memory_space<vmem>>, vector<16xi32>,
        tpu.vector_store %arg7[%swap3A_383, %swap3A_384], %broadcast_in_dim3A_1 {strides = array<i32>} : memref<64x32xi32, #tpu.memory_space<vmem>>, vector<16xi32>,
        %swap3A_386 = arith.constant 22 : i32
        %swap3A_387 = arith.index_cast %swap3A_386 : i32 to index
        %swap3A_388 = arith.constant 0 : index
        %swap3A_389 = tpu.vector_load %arg8[%swap3A_387, %swap3A_388] {strides = array<i32>} : memref<64x32xi32, #tpu.memory_space<vmem>>, vector<16xi32>,
        tpu.vector_store %arg8[%swap3A_387, %swap3A_388], %broadcast_in_dim3A_3 {strides = array<i32>} : memref<64x32xi32, #tpu.memory_space<vmem>>, vector<16xi32>,
        %swap3A_390 = arith.constant 22 : i32
        %swap3A_391 = arith.index_cast %swap3A_390 : i32 to index
        %swap3A_392 = arith.constant 16 : index
        %swap3A_393 = tpu.vector_load %arg7[%swap3A_391, %swap3A_392] {strides = array<i32>} : memref<64x32xi32, #tpu.memory_space<vmem>>, vector<16xi32>,
        tpu.vector_store %arg7[%swap3A_391, %swap3A_392], %broadcast_in_dim3A_1 {strides = array<i32>} : memref<64x32xi32, #tpu.memory_space<vmem>>, vector<16xi32>,
        %swap3A_394 = arith.constant 22 : i32
        %swap3A_395 = arith.index_cast %swap3A_394 : i32 to index
        %swap3A_396 = arith.constant 16 : index
        %swap3A_397 = tpu.vector_load %arg8[%swap3A_395, %swap3A_396] {strides = array<i32>} : memref<64x32xi32, #tpu.memory_space<vmem>>, vector<16xi32>,
        tpu.vector_store %arg8[%swap3A_395, %swap3A_396], %broadcast_in_dim3A_3 {strides = array<i32>} : memref<64x32xi32, #tpu.memory_space<vmem>>, vector<16xi32>,
        %swap3A_398 = arith.constant 23 : i32
        %swap3A_399 = arith.index_cast %swap3A_398 : i32 to index
        %swap3A_400 = arith.constant 0 : index
        %swap3A_401 = tpu.vector_load %arg7[%swap3A_399, %swap3A_400] {strides = array<i32>} : memref<64x32xi32, #tpu.memory_space<vmem>>, vector<16xi32>,
        tpu.vector_store %arg7[%swap3A_399, %swap3A_400], %broadcast_in_dim3A_1 {strides = array<i32>} : memref<64x32xi32, #tpu.memory_space<vmem>>, vector<16xi32>,
        %swap3A_402 = arith.constant 23 : i32
        %swap3A_403 = arith.index_cast %swap3A_402 : i32 to index
        %swap3A_404 = arith.constant 0 : index
        %swap3A_405 = tpu.vector_load %arg8[%swap3A_403, %swap3A_404] {strides = array<i32>} : memref<64x32xi32, #tpu.memory_space<vmem>>, vector<16xi32>,
        tpu.vector_store %arg8[%swap3A_403, %swap3A_404], %broadcast_in_dim3A_3 {strides = array<i32>} : memref<64x32xi32, #tpu.memory_space<vmem>>, vector<16xi32>,
        %swap3A_406 = arith.constant 23 : i32
        %swap3A_407 = arith.index_cast %swap3A_406 : i32 to index
        %swap3A_408 = arith.constant 16 : index
        %swap3A_409 = tpu.vector_load %arg7[%swap3A_407, %swap3A_408] {strides = array<i32>} : memref<64x32xi32, #tpu.memory_space<vmem>>, vector<16xi32>,
        tpu.vector_store %arg7[%swap3A_407, %swap3A_408], %broadcast_in_dim3A_1 {strides = array<i32>} : memref<64x32xi32, #tpu.memory_space<vmem>>, vector<16xi32>,
        %swap3A_410 = arith.constant 23 : i32
        %swap3A_411 = arith.index_cast %swap3A_410 : i32 to index
        %swap3A_412 = arith.constant 16 : index
        %swap3A_413 = tpu.vector_load %arg8[%swap3A_411, %swap3A_412] {strides = array<i32>} : memref<64x32xi32, #tpu.memory_space<vmem>>, vector<16xi32>,
        tpu.vector_store %arg8[%swap3A_411, %swap3A_412], %broadcast_in_dim3A_3 {strides = array<i32>} : memref<64x32xi32, #tpu.memory_space<vmem>>, vector<16xi32>,
        %swap3A_414 = arith.constant 24 : i32
        %swap3A_415 = arith.index_cast %swap3A_414 : i32 to index
        %swap3A_416 = arith.constant 0 : index
        %swap3A_417 = tpu.vector_load %arg7[%swap3A_415, %swap3A_416] {strides = array<i32>} : memref<64x32xi32, #tpu.memory_space<vmem>>, vector<16xi32>,
        tpu.vector_store %arg7[%swap3A_415, %swap3A_416], %broadcast_in_dim3A_1 {strides = array<i32>} : memref<64x32xi32, #tpu.memory_space<vmem>>, vector<16xi32>,
        %swap3A_418 = arith.constant 24 : i32
        %swap3A_419 = arith.index_cast %swap3A_418 : i32 to index
        %swap3A_420 = arith.constant 0 : index
        %swap3A_421 = tpu.vector_load %arg8[%swap3A_419, %swap3A_420] {strides = array<i32>} : memref<64x32xi32, #tpu.memory_space<vmem>>, vector<16xi32>,
        tpu.vector_store %arg8[%swap3A_419, %swap3A_420], %broadcast_in_dim3A_3 {strides = array<i32>} : memref<64x32xi32, #tpu.memory_space<vmem>>, vector<16xi32>,
        %swap3A_422 = arith.constant 24 : i32
        %swap3A_423 = arith.index_cast %swap3A_422 : i32 to index
        %swap3A_424 = arith.constant 16 : index
        %swap3A_425 = tpu.vector_load %arg7[%swap3A_423, %swap3A_424] {strides = array<i32>} : memref<64x32xi32, #tpu.memory_space<vmem>>, vector<16xi32>,
        tpu.vector_store %arg7[%swap3A_423, %swap3A_424], %broadcast_in_dim3A_1 {strides = array<i32>} : memref<64x32xi32, #tpu.memory_space<vmem>>, vector<16xi32>,
        %swap3A_426 = arith.constant 24 : i32
        %swap3A_427 = arith.index_cast %swap3A_426 : i32 to index
        %swap3A_428 = arith.constant 16 : index
        %swap3A_429 = tpu.vector_load %arg8[%swap3A_427, %swap3A_428] {strides = array<i32>} : memref<64x32xi32, #tpu.memory_space<vmem>>, vector<16xi32>,
        tpu.vector_store %arg8[%swap3A_427, %swap3A_428], %broadcast_in_dim3A_3 {strides = array<i32>} : memref<64x32xi32, #tpu.memory_space<vmem>>, vector<16xi32>,
        %swap3A_430 = arith.constant 25 : i32
        %swap3A_431 = arith.index_cast %swap3A_430 : i32 to index
        %swap3A_432 = arith.constant 0 : index
        %swap3A_433 = tpu.vector_load %arg7[%swap3A_431, %swap3A_432] {strides = array<i32>} : memref<64x32xi32, #tpu.memory_space<vmem>>, vector<16xi32>,
        tpu.vector_store %arg7[%swap3A_431, %swap3A_432], %broadcast_in_dim3A_1 {strides = array<i32>} : memref<64x32xi32, #tpu.memory_space<vmem>>, vector<16xi32>,
        %swap3A_434 = arith.constant 25 : i32
        %swap3A_435 = arith.index_cast %swap3A_434 : i32 to index
        %swap3A_436 = arith.constant 0 : index
        %swap3A_437 = tpu.vector_load %arg8[%swap3A_435, %swap3A_436] {strides = array<i32>} : memref<64x32xi32, #tpu.memory_space<vmem>>, vector<16xi32>,
        tpu.vector_store %arg8[%swap3A_435, %swap3A_436], %broadcast_in_dim3A_3 {strides = array<i32>} : memref<64x32xi32, #tpu.memory_space<vmem>>, vector<16xi32>,
        %swap3A_438 = arith.constant 25 : i32
        %swap3A_439 = arith.index_cast %swap3A_438 : i32 to index
        %swap3A_440 = arith.constant 16 : index
        %swap3A_441 = tpu.vector_load %arg7[%swap3A_439, %swap3A_440] {strides = array<i32>} : memref<64x32xi32, #tpu.memory_space<vmem>>, vector<16xi32>,
        tpu.vector_store %arg7[%swap3A_439, %swap3A_440], %broadcast_in_dim3A_1 {strides = array<i32>} : memref<64x32xi32, #tpu.memory_space<vmem>>, vector<16xi32>,
        %swap3A_442 = arith.constant 25 : i32
        %swap3A_443 = arith.index_cast %swap3A_442 : i32 to index
        %swap3A_444 = arith.constant 16 : index
        %swap3A_445 = tpu.vector_load %arg8[%swap3A_443, %swap3A_444] {strides = array<i32>} : memref<64x32xi32, #tpu.memory_space<vmem>>, vector<16xi32>,
        tpu.vector_store %arg8[%swap3A_443, %swap3A_444], %broadcast_in_dim3A_3 {strides = array<i32>} : memref<64x32xi32, #tpu.memory_space<vmem>>, vector<16xi32>,
        %swap3A_446 = arith.constant 26 : i32
        %swap3A_447 = arith.index_cast %swap3A_446 : i32 to index
        %swap3A_448 = arith.constant 0 : index
        %swap3A_449 = tpu.vector_load %arg7[%swap3A_447, %swap3A_448] {strides = array<i32>} : memref<64x32xi32, #tpu.memory_space<vmem>>, vector<16xi32>,
        tpu.vector_store %arg7[%swap3A_447, %swap3A_448], %broadcast_in_dim3A_1 {strides = array<i32>} : memref<64x32xi32, #tpu.memory_space<vmem>>, vector<16xi32>,
        %swap3A_450 = arith.constant 26 : i32
        %swap3A_451 = arith.index_cast %swap3A_450 : i32 to index
        %swap3A_452 = arith.constant 0 : index
        %swap3A_453 = tpu.vector_load %arg8[%swap3A_451, %swap3A_452] {strides = array<i32>} : memref<64x32xi32, #tpu.memory_space<vmem>>, vector<16xi32>,
        tpu.vector_store %arg8[%swap3A_451, %swap3A_452], %broadcast_in_dim3A_3 {strides = array<i32>} : memref<64x32xi32, #tpu.memory_space<vmem>>, vector<16xi32>,
        %swap3A_454 = arith.constant 26 : i32
        %swap3A_455 = arith.index_cast %swap3A_454 : i32 to index
        %swap3A_456 = arith.constant 16 : index
        %swap3A_457 = tpu.vector_load %arg7[%swap3A_455, %swap3A_456] {strides = array<i32>} : memref<64x32xi32, #tpu.memory_space<vmem>>, vector<16xi32>,
        tpu.vector_store %arg7[%swap3A_455, %swap3A_456], %broadcast_in_dim3A_1 {strides = array<i32>} : memref<64x32xi32, #tpu.memory_space<vmem>>, vector<16xi32>,
        %swap3A_458 = arith.constant 26 : i32
        %swap3A_459 = arith.index_cast %swap3A_458 : i32 to index
        %swap3A_460 = arith.constant 16 : index
        %swap3A_461 = tpu.vector_load %arg8[%swap3A_459, %swap3A_460] {strides = array<i32>} : memref<64x32xi32, #tpu.memory_space<vmem>>, vector<16xi32>,
        tpu.vector_store %arg8[%swap3A_459, %swap3A_460], %broadcast_in_dim3A_3 {strides = array<i32>} : memref<64x32xi32, #tpu.memory_space<vmem>>, vector<16xi32>,
        %swap3A_462 = arith.constant 27 : i32
        %swap3A_463 = arith.index_cast %swap3A_462 : i32 to index
        %swap3A_464 = arith.constant 0 : index
        %swap3A_465 = tpu.vector_load %arg7[%swap3A_463, %swap3A_464] {strides = array<i32>} : memref<64x32xi32, #tpu.memory_space<vmem>>, vector<16xi32>,
        tpu.vector_store %arg7[%swap3A_463, %swap3A_464], %broadcast_in_dim3A_1 {strides = array<i32>} : memref<64x32xi32, #tpu.memory_space<vmem>>, vector<16xi32>,
        %swap3A_466 = arith.constant 27 : i32
        %swap3A_467 = arith.index_cast %swap3A_466 : i32 to index
        %swap3A_468 = arith.constant 0 : index
        %swap3A_469 = tpu.vector_load %arg8[%swap3A_467, %swap3A_468] {strides = array<i32>} : memref<64x32xi32, #tpu.memory_space<vmem>>, vector<16xi32>,
        tpu.vector_store %arg8[%swap3A_467, %swap3A_468], %broadcast_in_dim3A_3 {strides = array<i32>} : memref<64x32xi32, #tpu.memory_space<vmem>>, vector<16xi32>,
        %swap3A_470 = arith.constant 27 : i32
        %swap3A_471 = arith.index_cast %swap3A_470 : i32 to index
        %swap3A_472 = arith.constant 16 : index
        %swap3A_473 = tpu.vector_load %arg7[%swap3A_471, %swap3A_472] {strides = array<i32>} : memref<64x32xi32, #tpu.memory_space<vmem>>, vector<16xi32>,
        tpu.vector_store %arg7[%swap3A_471, %swap3A_472], %broadcast_in_dim3A_1 {strides = array<i32>} : memref<64x32xi32, #tpu.memory_space<vmem>>, vector<16xi32>,
        %swap3A_474 = arith.constant 27 : i32
        %swap3A_475 = arith.index_cast %swap3A_474 : i32 to index
        %swap3A_476 = arith.constant 16 : index
        %swap3A_477 = tpu.vector_load %arg8[%swap3A_475, %swap3A_476] {strides = array<i32>} : memref<64x32xi32, #tpu.memory_space<vmem>>, vector<16xi32>,
        tpu.vector_store %arg8[%swap3A_475, %swap3A_476], %broadcast_in_dim3A_3 {strides = array<i32>} : memref<64x32xi32, #tpu.memory_space<vmem>>, vector<16xi32>,
        %swap3A_478 = arith.constant 28 : i32
        %swap3A_479 = arith.index_cast %swap3A_478 : i32 to index
        %swap3A_480 = arith.constant 0 : index
        %swap3A_481 = tpu.vector_load %arg7[%swap3A_479, %swap3A_480] {strides = array<i32>} : memref<64x32xi32, #tpu.memory_space<vmem>>, vector<16xi32>,
        tpu.vector_store %arg7[%swap3A_479, %swap3A_480], %broadcast_in_dim3A_1 {strides = array<i32>} : memref<64x32xi32, #tpu.memory_space<vmem>>, vector<16xi32>,
        %swap3A_482 = arith.constant 28 : i32
        %swap3A_483 = arith.index_cast %swap3A_482 : i32 to index
        %swap3A_484 = arith.constant 0 : index
        %swap3A_485 = tpu.vector_load %arg8[%swap3A_483, %swap3A_484] {strides = array<i32>} : memref<64x32xi32, #tpu.memory_space<vmem>>, vector<16xi32>,
        tpu.vector_store %arg8[%swap3A_483, %swap3A_484], %broadcast_in_dim3A_3 {strides = array<i32>} : memref<64x32xi32, #tpu.memory_space<vmem>>, vector<16xi32>,
        %swap3A_486 = arith.constant 28 : i32
        %swap3A_487 = arith.index_cast %swap3A_486 : i32 to index
        %swap3A_488 = arith.constant 16 : index
        %swap3A_489 = tpu.vector_load %arg7[%swap3A_487, %swap3A_488] {strides = array<i32>} : memref<64x32xi32, #tpu.memory_space<vmem>>, vector<16xi32>,
        tpu.vector_store %arg7[%swap3A_487, %swap3A_488], %broadcast_in_dim3A_1 {strides = array<i32>} : memref<64x32xi32, #tpu.memory_space<vmem>>, vector<16xi32>,
        %swap3A_490 = arith.constant 28 : i32
        %swap3A_491 = arith.index_cast %swap3A_490 : i32 to index
        %swap3A_492 = arith.constant 16 : index
        %swap3A_493 = tpu.vector_load %arg8[%swap3A_491, %swap3A_492] {strides = array<i32>} : memref<64x32xi32, #tpu.memory_space<vmem>>, vector<16xi32>,
        tpu.vector_store %arg8[%swap3A_491, %swap3A_492], %broadcast_in_dim3A_3 {strides = array<i32>} : memref<64x32xi32, #tpu.memory_space<vmem>>, vector<16xi32>,
        %swap3A_494 = arith.constant 29 : i32
        %swap3A_495 = arith.index_cast %swap3A_494 : i32 to index
        %swap3A_496 = arith.constant 0 : index
        %swap3A_497 = tpu.vector_load %arg7[%swap3A_495, %swap3A_496] {strides = array<i32>} : memref<64x32xi32, #tpu.memory_space<vmem>>, vector<16xi32>,
        tpu.vector_store %arg7[%swap3A_495, %swap3A_496], %broadcast_in_dim3A_1 {strides = array<i32>} : memref<64x32xi32, #tpu.memory_space<vmem>>, vector<16xi32>,
        %swap3A_498 = arith.constant 29 : i32
        %swap3A_499 = arith.index_cast %swap3A_498 : i32 to index
        %swap3A_500 = arith.constant 0 : index
        %swap3A_501 = tpu.vector_load %arg8[%swap3A_499, %swap3A_500] {strides = array<i32>} : memref<64x32xi32, #tpu.memory_space<vmem>>, vector<16xi32>,
        tpu.vector_store %arg8[%swap3A_499, %swap3A_500], %broadcast_in_dim3A_3 {strides = array<i32>} : memref<64x32xi32, #tpu.memory_space<vmem>>, vector<16xi32>,
        %swap3A_502 = arith.constant 29 : i32
        %swap3A_503 = arith.index_cast %swap3A_502 : i32 to index
        %swap3A_504 = arith.constant 16 : index
        %swap3A_505 = tpu.vector_load %arg7[%swap3A_503, %swap3A_504] {strides = array<i32>} : memref<64x32xi32, #tpu.memory_space<vmem>>, vector<16xi32>,
        tpu.vector_store %arg7[%swap3A_503, %swap3A_504], %broadcast_in_dim3A_1 {strides = array<i32>} : memref<64x32xi32, #tpu.memory_space<vmem>>, vector<16xi32>,
        %swap3A_506 = arith.constant 29 : i32
        %swap3A_507 = arith.index_cast %swap3A_506 : i32 to index
        %swap3A_508 = arith.constant 16 : index
        %swap3A_509 = tpu.vector_load %arg8[%swap3A_507, %swap3A_508] {strides = array<i32>} : memref<64x32xi32, #tpu.memory_space<vmem>>, vector<16xi32>,
        tpu.vector_store %arg8[%swap3A_507, %swap3A_508], %broadcast_in_dim3A_3 {strides = array<i32>} : memref<64x32xi32, #tpu.memory_space<vmem>>, vector<16xi32>,
        %swap3A_510 = arith.constant 30 : i32
        %swap3A_511 = arith.index_cast %swap3A_510 : i32 to index
        %swap3A_512 = arith.constant 0 : index
        %swap3A_513 = tpu.vector_load %arg7[%swap3A_511, %swap3A_512] {strides = array<i32>} : memref<64x32xi32, #tpu.memory_space<vmem>>, vector<16xi32>,
        tpu.vector_store %arg7[%swap3A_511, %swap3A_512], %broadcast_in_dim3A_1 {strides = array<i32>} : memref<64x32xi32, #tpu.memory_space<vmem>>, vector<16xi32>,
        %swap3A_514 = arith.constant 30 : i32
        %swap3A_515 = arith.index_cast %swap3A_514 : i32 to index
        %swap3A_516 = arith.constant 0 : index
        %swap3A_517 = tpu.vector_load %arg8[%swap3A_515, %swap3A_516] {strides = array<i32>} : memref<64x32xi32, #tpu.memory_space<vmem>>, vector<16xi32>,
        tpu.vector_store %arg8[%swap3A_515, %swap3A_516], %broadcast_in_dim3A_3 {strides = array<i32>} : memref<64x32xi32, #tpu.memory_space<vmem>>, vector<16xi32>,
        %swap3A_518 = arith.constant 30 : i32
        %swap3A_519 = arith.index_cast %swap3A_518 : i32 to index
        %swap3A_520 = arith.constant 16 : index
        %swap3A_521 = tpu.vector_load %arg7[%swap3A_519, %swap3A_520] {strides = array<i32>} : memref<64x32xi32, #tpu.memory_space<vmem>>, vector<16xi32>,
        tpu.vector_store %arg7[%swap3A_519, %swap3A_520], %broadcast_in_dim3A_1 {strides = array<i32>} : memref<64x32xi32, #tpu.memory_space<vmem>>, vector<16xi32>,
        %swap3A_522 = arith.constant 30 : i32
        %swap3A_523 = arith.index_cast %swap3A_522 : i32 to index
        %swap3A_524 = arith.constant 16 : index
        %swap3A_525 = tpu.vector_load %arg8[%swap3A_523, %swap3A_524] {strides = array<i32>} : memref<64x32xi32, #tpu.memory_space<vmem>>, vector<16xi32>,
        tpu.vector_store %arg8[%swap3A_523, %swap3A_524], %broadcast_in_dim3A_3 {strides = array<i32>} : memref<64x32xi32, #tpu.memory_space<vmem>>, vector<16xi32>,
        %swap3A_526 = arith.constant 31 : i32
        %swap3A_527 = arith.index_cast %swap3A_526 : i32 to index
        %swap3A_528 = arith.constant 0 : index
        %swap3A_529 = tpu.vector_load %arg7[%swap3A_527, %swap3A_528] {strides = array<i32>} : memref<64x32xi32, #tpu.memory_space<vmem>>, vector<16xi32>,
        tpu.vector_store %arg7[%swap3A_527, %swap3A_528], %broadcast_in_dim3A_1 {strides = array<i32>} : memref<64x32xi32, #tpu.memory_space<vmem>>, vector<16xi32>,
        %swap3A_530 = arith.constant 31 : i32
        %swap3A_531 = arith.index_cast %swap3A_530 : i32 to index
        %swap3A_532 = arith.constant 0 : index
        %swap3A_533 = tpu.vector_load %arg8[%swap3A_531, %swap3A_532] {strides = array<i32>} : memref<64x32xi32, #tpu.memory_space<vmem>>, vector<16xi32>,
        tpu.vector_store %arg8[%swap3A_531, %swap3A_532], %broadcast_in_dim3A_3 {strides = array<i32>} : memref<64x32xi32, #tpu.memory_space<vmem>>, vector<16xi32>,
        %swap3A_534 = arith.constant 31 : i32
        %swap3A_535 = arith.index_cast %swap3A_534 : i32 to index
        %swap3A_536 = arith.constant 16 : index
        %swap3A_537 = tpu.vector_load %arg7[%swap3A_535, %swap3A_536] {strides = array<i32>} : memref<64x32xi32, #tpu.memory_space<vmem>>, vector<16xi32>,
        tpu.vector_store %arg7[%swap3A_535, %swap3A_536], %broadcast_in_dim3A_1 {strides = array<i32>} : memref<64x32xi32, #tpu.memory_space<vmem>>, vector<16xi32>,
        %swap3A_538 = arith.constant 31 : i32
        %swap3A_539 = arith.index_cast %swap3A_538 : i32 to index
        %swap3A_540 = arith.constant 16 : index
        %swap3A_541 = tpu.vector_load %arg8[%swap3A_539, %swap3A_540] {strides = array<i32>} : memref<64x32xi32, #tpu.memory_space<vmem>>, vector<16xi32>,
        tpu.vector_store %arg8[%swap3A_539, %swap3A_540], %broadcast_in_dim3A_3 {strides = array<i32>} : memref<64x32xi32, #tpu.memory_space<vmem>>, vector<16xi32>,
        %swap3A_542 = arith.constant 32 : i32
        %swap3A_543 = arith.index_cast %swap3A_542 : i32 to index
        %swap3A_544 = arith.constant 0 : index
        %swap3A_545 = tpu.vector_load %arg7[%swap3A_543, %swap3A_544] {strides = array<i32>} : memref<64x32xi32, #tpu.memory_space<vmem>>, vector<16xi32>,
        tpu.vector_store %arg7[%swap3A_543, %swap3A_544], %broadcast_in_dim3A_1 {strides = array<i32>} : memref<64x32xi32, #tpu.memory_space<vmem>>, vector<16xi32>,
        %swap3A_546 = arith.constant 32 : i32
        %swap3A_547 = arith.index_cast %swap3A_546 : i32 to index
        %swap3A_548 = arith.constant 0 : index
        %swap3A_549 = tpu.vector_load %arg8[%swap3A_547, %swap3A_548] {strides = array<i32>} : memref<64x32xi32, #tpu.memory_space<vmem>>, vector<16xi32>,
        tpu.vector_store %arg8[%swap3A_547, %swap3A_548], %broadcast_in_dim3A_3 {strides = array<i32>} : memref<64x32xi32, #tpu.memory_space<vmem>>, vector<16xi32>,
        %swap3A_550 = arith.constant 32 : i32
        %swap3A_551 = arith.index_cast %swap3A_550 : i32 to index
        %swap3A_552 = arith.constant 16 : index
        %swap3A_553 = tpu.vector_load %arg7[%swap3A_551, %swap3A_552] {strides = array<i32>} : memref<64x32xi32, #tpu.memory_space<vmem>>, vector<16xi32>,
        tpu.vector_store %arg7[%swap3A_551, %swap3A_552], %broadcast_in_dim3A_1 {strides = array<i32>} : memref<64x32xi32, #tpu.memory_space<vmem>>, vector<16xi32>,
        %swap3A_554 = arith.constant 32 : i32
        %swap3A_555 = arith.index_cast %swap3A_554 : i32 to index
        %swap3A_556 = arith.constant 16 : index
        %swap3A_557 = tpu.vector_load %arg8[%swap3A_555, %swap3A_556] {strides = array<i32>} : memref<64x32xi32, #tpu.memory_space<vmem>>, vector<16xi32>,
        tpu.vector_store %arg8[%swap3A_555, %swap3A_556], %broadcast_in_dim3A_3 {strides = array<i32>} : memref<64x32xi32, #tpu.memory_space<vmem>>, vector<16xi32>,
        %swap3A_558 = arith.constant 33 : i32
        %swap3A_559 = arith.index_cast %swap3A_558 : i32 to index
        %swap3A_560 = arith.constant 0 : index
        %swap3A_561 = tpu.vector_load %arg7[%swap3A_559, %swap3A_560] {strides = array<i32>} : memref<64x32xi32, #tpu.memory_space<vmem>>, vector<16xi32>,
        tpu.vector_store %arg7[%swap3A_559, %swap3A_560], %broadcast_in_dim3A_1 {strides = array<i32>} : memref<64x32xi32, #tpu.memory_space<vmem>>, vector<16xi32>,
        %swap3A_562 = arith.constant 33 : i32
        %swap3A_563 = arith.index_cast %swap3A_562 : i32 to index
        %swap3A_564 = arith.constant 0 : index
        %swap3A_565 = tpu.vector_load %arg8[%swap3A_563, %swap3A_564] {strides = array<i32>} : memref<64x32xi32, #tpu.memory_space<vmem>>, vector<16xi32>,
        tpu.vector_store %arg8[%swap3A_563, %swap3A_564], %broadcast_in_dim3A_3 {strides = array<i32>} : memref<64x32xi32, #tpu.memory_space<vmem>>, vector<16xi32>,
        %swap3A_566 = arith.constant 33 : i32
        %swap3A_567 = arith.index_cast %swap3A_566 : i32 to index
        %swap3A_568 = arith.constant 16 : index
        %swap3A_569 = tpu.vector_load %arg7[%swap3A_567, %swap3A_568] {strides = array<i32>} : memref<64x32xi32, #tpu.memory_space<vmem>>, vector<16xi32>,
        tpu.vector_store %arg7[%swap3A_567, %swap3A_568], %broadcast_in_dim3A_1 {strides = array<i32>} : memref<64x32xi32, #tpu.memory_space<vmem>>, vector<16xi32>,
        %swap3A_570 = arith.constant 33 : i32
        %swap3A_571 = arith.index_cast %swap3A_570 : i32 to index
        %swap3A_572 = arith.constant 16 : index
        %swap3A_573 = tpu.vector_load %arg8[%swap3A_571, %swap3A_572] {strides = array<i32>} : memref<64x32xi32, #tpu.memory_space<vmem>>, vector<16xi32>,
        tpu.vector_store %arg8[%swap3A_571, %swap3A_572], %broadcast_in_dim3A_3 {strides = array<i32>} : memref<64x32xi32, #tpu.memory_space<vmem>>, vector<16xi32>,
        %swap3A_574 = arith.constant 34 : i32
        %swap3A_575 = arith.index_cast %swap3A_574 : i32 to index
        %swap3A_576 = arith.constant 0 : index
        %swap3A_577 = tpu.vector_load %arg7[%swap3A_575, %swap3A_576] {strides = array<i32>} : memref<64x32xi32, #tpu.memory_space<vmem>>, vector<16xi32>,
        tpu.vector_store %arg7[%swap3A_575, %swap3A_576], %broadcast_in_dim3A_1 {strides = array<i32>} : memref<64x32xi32, #tpu.memory_space<vmem>>, vector<16xi32>,
        %swap3A_578 = arith.constant 34 : i32
        %swap3A_579 = arith.index_cast %swap3A_578 : i32 to index
        %swap3A_580 = arith.constant 0 : index
        %swap3A_581 = tpu.vector_load %arg8[%swap3A_579, %swap3A_580] {strides = array<i32>} : memref<64x32xi32, #tpu.memory_space<vmem>>, vector<16xi32>,
        tpu.vector_store %arg8[%swap3A_579, %swap3A_580], %broadcast_in_dim3A_3 {strides = array<i32>} : memref<64x32xi32, #tpu.memory_space<vmem>>, vector<16xi32>,
        %swap3A_582 = arith.constant 34 : i32
        %swap3A_583 = arith.index_cast %swap3A_582 : i32 to index
        %swap3A_584 = arith.constant 16 : index
        %swap3A_585 = tpu.vector_load %arg7[%swap3A_583, %swap3A_584] {strides = array<i32>} : memref<64x32xi32, #tpu.memory_space<vmem>>, vector<16xi32>,
        tpu.vector_store %arg7[%swap3A_583, %swap3A_584], %broadcast_in_dim3A_1 {strides = array<i32>} : memref<64x32xi32, #tpu.memory_space<vmem>>, vector<16xi32>,
        %swap3A_586 = arith.constant 34 : i32
        %swap3A_587 = arith.index_cast %swap3A_586 : i32 to index
        %swap3A_588 = arith.constant 16 : index
        %swap3A_589 = tpu.vector_load %arg8[%swap3A_587, %swap3A_588] {strides = array<i32>} : memref<64x32xi32, #tpu.memory_space<vmem>>, vector<16xi32>,
        tpu.vector_store %arg8[%swap3A_587, %swap3A_588], %broadcast_in_dim3A_3 {strides = array<i32>} : memref<64x32xi32, #tpu.memory_space<vmem>>, vector<16xi32>,
        %swap3A_590 = arith.constant 35 : i32
        %swap3A_591 = arith.index_cast %swap3A_590 : i32 to index
        %swap3A_592 = arith.constant 0 : index
        %swap3A_593 = tpu.vector_load %arg7[%swap3A_591, %swap3A_592] {strides = array<i32>} : memref<64x32xi32, #tpu.memory_space<vmem>>, vector<16xi32>,
        tpu.vector_store %arg7[%swap3A_591, %swap3A_592], %broadcast_in_dim3A_1 {strides = array<i32>} : memref<64x32xi32, #tpu.memory_space<vmem>>, vector<16xi32>,
        %swap3A_594 = arith.constant 35 : i32
        %swap3A_595 = arith.index_cast %swap3A_594 : i32 to index
        %swap3A_596 = arith.constant 0 : index
        %swap3A_597 = tpu.vector_load %arg8[%swap3A_595, %swap3A_596] {strides = array<i32>} : memref<64x32xi32, #tpu.memory_space<vmem>>, vector<16xi32>,
        tpu.vector_store %arg8[%swap3A_595, %swap3A_596], %broadcast_in_dim3A_3 {strides = array<i32>} : memref<64x32xi32, #tpu.memory_space<vmem>>, vector<16xi32>,
        %swap3A_598 = arith.constant 35 : i32
        %swap3A_599 = arith.index_cast %swap3A_598 : i32 to index
        %swap3A_600 = arith.constant 16 : index
        %swap3A_601 = tpu.vector_load %arg7[%swap3A_599, %swap3A_600] {strides = array<i32>} : memref<64x32xi32, #tpu.memory_space<vmem>>, vector<16xi32>,
        tpu.vector_store %arg7[%swap3A_599, %swap3A_600], %broadcast_in_dim3A_1 {strides = array<i32>} : memref<64x32xi32, #tpu.memory_space<vmem>>, vector<16xi32>,
        %swap3A_602 = arith.constant 35 : i32
        %swap3A_603 = arith.index_cast %swap3A_602 : i32 to index
        %swap3A_604 = arith.constant 16 : index
        %swap3A_605 = tpu.vector_load %arg8[%swap3A_603, %swap3A_604] {strides = array<i32>} : memref<64x32xi32, #tpu.memory_space<vmem>>, vector<16xi32>,
        tpu.vector_store %arg8[%swap3A_603, %swap3A_604], %broadcast_in_dim3A_3 {strides = array<i32>} : memref<64x32xi32, #tpu.memory_space<vmem>>, vector<16xi32>,
        %swap3A_606 = arith.constant 36 : i32
        %swap3A_607 = arith.index_cast %swap3A_606 : i32 to index
        %swap3A_608 = arith.constant 0 : index
        %swap3A_609 = tpu.vector_load %arg7[%swap3A_607, %swap3A_608] {strides = array<i32>} : memref<64x32xi32, #tpu.memory_space<vmem>>, vector<16xi32>,
        tpu.vector_store %arg7[%swap3A_607, %swap3A_608], %broadcast_in_dim3A_1 {strides = array<i32>} : memref<64x32xi32, #tpu.memory_space<vmem>>, vector<16xi32>,
        %swap3A_610 = arith.constant 36 : i32
        %swap3A_611 = arith.index_cast %swap3A_610 : i32 to index
        %swap3A_612 = arith.constant 0 : index
        %swap3A_613 = tpu.vector_load %arg8[%swap3A_611, %swap3A_612] {strides = array<i32>} : memref<64x32xi32, #tpu.memory_space<vmem>>, vector<16xi32>,
        tpu.vector_store %arg8[%swap3A_611, %swap3A_612], %broadcast_in_dim3A_3 {strides = array<i32>} : memref<64x32xi32, #tpu.memory_space<vmem>>, vector<16xi32>,
        %swap3A_614 = arith.constant 36 : i32
        %swap3A_615 = arith.index_cast %swap3A_614 : i32 to index
        %swap3A_616 = arith.constant 16 : index
        %swap3A_617 = tpu.vector_load %arg7[%swap3A_615, %swap3A_616] {strides = array<i32>} : memref<64x32xi32, #tpu.memory_space<vmem>>, vector<16xi32>,
        tpu.vector_store %arg7[%swap3A_615, %swap3A_616], %broadcast_in_dim3A_1 {strides = array<i32>} : memref<64x32xi32, #tpu.memory_space<vmem>>, vector<16xi32>,
        %swap3A_618 = arith.constant 36 : i32
        %swap3A_619 = arith.index_cast %swap3A_618 : i32 to index
        %swap3A_620 = arith.constant 16 : index
        %swap3A_621 = tpu.vector_load %arg8[%swap3A_619, %swap3A_620] {strides = array<i32>} : memref<64x32xi32, #tpu.memory_space<vmem>>, vector<16xi32>,
        tpu.vector_store %arg8[%swap3A_619, %swap3A_620], %broadcast_in_dim3A_3 {strides = array<i32>} : memref<64x32xi32, #tpu.memory_space<vmem>>, vector<16xi32>,
        %swap3A_622 = arith.constant 37 : i32
        %swap3A_623 = arith.index_cast %swap3A_622 : i32 to index
        %swap3A_624 = arith.constant 0 : index
        %swap3A_625 = tpu.vector_load %arg7[%swap3A_623, %swap3A_624] {strides = array<i32>} : memref<64x32xi32, #tpu.memory_space<vmem>>, vector<16xi32>,
        tpu.vector_store %arg7[%swap3A_623, %swap3A_624], %broadcast_in_dim3A_1 {strides = array<i32>} : memref<64x32xi32, #tpu.memory_space<vmem>>, vector<16xi32>,
        %swap3A_626 = arith.constant 37 : i32
        %swap3A_627 = arith.index_cast %swap3A_626 : i32 to index
        %swap3A_628 = arith.constant 0 : index
        %swap3A_629 = tpu.vector_load %arg8[%swap3A_627, %swap3A_628] {strides = array<i32>} : memref<64x32xi32, #tpu.memory_space<vmem>>, vector<16xi32>,
        tpu.vector_store %arg8[%swap3A_627, %swap3A_628], %broadcast_in_dim3A_3 {strides = array<i32>} : memref<64x32xi32, #tpu.memory_space<vmem>>, vector<16xi32>,
        %swap3A_630 = arith.constant 37 : i32
        %swap3A_631 = arith.index_cast %swap3A_630 : i32 to index
        %swap3A_632 = arith.constant 16 : index
        %swap3A_633 = tpu.vector_load %arg7[%swap3A_631, %swap3A_632] {strides = array<i32>} : memref<64x32xi32, #tpu.memory_space<vmem>>, vector<16xi32>,
        tpu.vector_store %arg7[%swap3A_631, %swap3A_632], %broadcast_in_dim3A_1 {strides = array<i32>} : memref<64x32xi32, #tpu.memory_space<vmem>>, vector<16xi32>,
        %swap3A_634 = arith.constant 37 : i32
        %swap3A_635 = arith.index_cast %swap3A_634 : i32 to index
        %swap3A_636 = arith.constant 16 : index
        %swap3A_637 = tpu.vector_load %arg8[%swap3A_635, %swap3A_636] {strides = array<i32>} : memref<64x32xi32, #tpu.memory_space<vmem>>, vector<16xi32>,
        tpu.vector_store %arg8[%swap3A_635, %swap3A_636], %broadcast_in_dim3A_3 {strides = array<i32>} : memref<64x32xi32, #tpu.memory_space<vmem>>, vector<16xi32>,
        %swap3A_638 = arith.constant 38 : i32
        %swap3A_639 = arith.index_cast %swap3A_638 : i32 to index
        %swap3A_640 = arith.constant 0 : index
        %swap3A_641 = tpu.vector_load %arg7[%swap3A_639, %swap3A_640] {strides = array<i32>} : memref<64x32xi32, #tpu.memory_space<vmem>>, vector<16xi32>,
        tpu.vector_store %arg7[%swap3A_639, %swap3A_640], %broadcast_in_dim3A_1 {strides = array<i32>} : memref<64x32xi32, #tpu.memory_space<vmem>>, vector<16xi32>,
        %swap3A_642 = arith.constant 38 : i32
        %swap3A_643 = arith.index_cast %swap3A_642 : i32 to index
        %swap3A_644 = arith.constant 0 : index
        %swap3A_645 = tpu.vector_load %arg8[%swap3A_643, %swap3A_644] {strides = array<i32>} : memref<64x32xi32, #tpu.memory_space<vmem>>, vector<16xi32>,
        tpu.vector_store %arg8[%swap3A_643, %swap3A_644], %broadcast_in_dim3A_3 {strides = array<i32>} : memref<64x32xi32, #tpu.memory_space<vmem>>, vector<16xi32>,
        %swap3A_646 = arith.constant 38 : i32
        %swap3A_647 = arith.index_cast %swap3A_646 : i32 to index
        %swap3A_648 = arith.constant 16 : index
        %swap3A_649 = tpu.vector_load %arg7[%swap3A_647, %swap3A_648] {strides = array<i32>} : memref<64x32xi32, #tpu.memory_space<vmem>>, vector<16xi32>,
        tpu.vector_store %arg7[%swap3A_647, %swap3A_648], %broadcast_in_dim3A_1 {strides = array<i32>} : memref<64x32xi32, #tpu.memory_space<vmem>>, vector<16xi32>,
        %swap3A_650 = arith.constant 38 : i32
        %swap3A_651 = arith.index_cast %swap3A_650 : i32 to index
        %swap3A_652 = arith.constant 16 : index
        %swap3A_653 = tpu.vector_load %arg8[%swap3A_651, %swap3A_652] {strides = array<i32>} : memref<64x32xi32, #tpu.memory_space<vmem>>, vector<16xi32>,
        tpu.vector_store %arg8[%swap3A_651, %swap3A_652], %broadcast_in_dim3A_3 {strides = array<i32>} : memref<64x32xi32, #tpu.memory_space<vmem>>, vector<16xi32>,
        %swap3A_654 = arith.constant 39 : i32
        %swap3A_655 = arith.index_cast %swap3A_654 : i32 to index
        %swap3A_656 = arith.constant 0 : index
        %swap3A_657 = tpu.vector_load %arg7[%swap3A_655, %swap3A_656] {strides = array<i32>} : memref<64x32xi32, #tpu.memory_space<vmem>>, vector<16xi32>,
        tpu.vector_store %arg7[%swap3A_655, %swap3A_656], %broadcast_in_dim3A_1 {strides = array<i32>} : memref<64x32xi32, #tpu.memory_space<vmem>>, vector<16xi32>,
        %swap3A_658 = arith.constant 39 : i32
        %swap3A_659 = arith.index_cast %swap3A_658 : i32 to index
        %swap3A_660 = arith.constant 0 : index
        %swap3A_661 = tpu.vector_load %arg8[%swap3A_659, %swap3A_660] {strides = array<i32>} : memref<64x32xi32, #tpu.memory_space<vmem>>, vector<16xi32>,
        tpu.vector_store %arg8[%swap3A_659, %swap3A_660], %broadcast_in_dim3A_3 {strides = array<i32>} : memref<64x32xi32, #tpu.memory_space<vmem>>, vector<16xi32>,
        %swap3A_662 = arith.constant 39 : i32
        %swap3A_663 = arith.index_cast %swap3A_662 : i32 to index
        %swap3A_664 = arith.constant 16 : index
        %swap3A_665 = tpu.vector_load %arg7[%swap3A_663, %swap3A_664] {strides = array<i32>} : memref<64x32xi32, #tpu.memory_space<vmem>>, vector<16xi32>,
        tpu.vector_store %arg7[%swap3A_663, %swap3A_664], %broadcast_in_dim3A_1 {strides = array<i32>} : memref<64x32xi32, #tpu.memory_space<vmem>>, vector<16xi32>,
        %swap3A_666 = arith.constant 39 : i32
        %swap3A_667 = arith.index_cast %swap3A_666 : i32 to index
        %swap3A_668 = arith.constant 16 : index
        %swap3A_669 = tpu.vector_load %arg8[%swap3A_667, %swap3A_668] {strides = array<i32>} : memref<64x32xi32, #tpu.memory_space<vmem>>, vector<16xi32>,
        tpu.vector_store %arg8[%swap3A_667, %swap3A_668], %broadcast_in_dim3A_3 {strides = array<i32>} : memref<64x32xi32, #tpu.memory_space<vmem>>, vector<16xi32>,
        %swap3A_670 = arith.constant 40 : i32
        %swap3A_671 = arith.index_cast %swap3A_670 : i32 to index
        %swap3A_672 = arith.constant 0 : index
        %swap3A_673 = tpu.vector_load %arg7[%swap3A_671, %swap3A_672] {strides = array<i32>} : memref<64x32xi32, #tpu.memory_space<vmem>>, vector<16xi32>,
        tpu.vector_store %arg7[%swap3A_671, %swap3A_672], %broadcast_in_dim3A_1 {strides = array<i32>} : memref<64x32xi32, #tpu.memory_space<vmem>>, vector<16xi32>,
        %swap3A_674 = arith.constant 40 : i32
        %swap3A_675 = arith.index_cast %swap3A_674 : i32 to index
        %swap3A_676 = arith.constant 0 : index
        %swap3A_677 = tpu.vector_load %arg8[%swap3A_675, %swap3A_676] {strides = array<i32>} : memref<64x32xi32, #tpu.memory_space<vmem>>, vector<16xi32>,
        tpu.vector_store %arg8[%swap3A_675, %swap3A_676], %broadcast_in_dim3A_3 {strides = array<i32>} : memref<64x32xi32, #tpu.memory_space<vmem>>, vector<16xi32>,
        %swap3A_678 = arith.constant 40 : i32
        %swap3A_679 = arith.index_cast %swap3A_678 : i32 to index
        %swap3A_680 = arith.constant 16 : index
        %swap3A_681 = tpu.vector_load %arg7[%swap3A_679, %swap3A_680] {strides = array<i32>} : memref<64x32xi32, #tpu.memory_space<vmem>>, vector<16xi32>,
        tpu.vector_store %arg7[%swap3A_679, %swap3A_680], %broadcast_in_dim3A_1 {strides = array<i32>} : memref<64x32xi32, #tpu.memory_space<vmem>>, vector<16xi32>,
        %swap3A_682 = arith.constant 40 : i32
        %swap3A_683 = arith.index_cast %swap3A_682 : i32 to index
        %swap3A_684 = arith.constant 16 : index
        %swap3A_685 = tpu.vector_load %arg8[%swap3A_683, %swap3A_684] {strides = array<i32>} : memref<64x32xi32, #tpu.memory_space<vmem>>, vector<16xi32>,
        tpu.vector_store %arg8[%swap3A_683, %swap3A_684], %broadcast_in_dim3A_3 {strides = array<i32>} : memref<64x32xi32, #tpu.memory_space<vmem>>, vector<16xi32>,
        %swap3A_686 = arith.constant 41 : i32
        %swap3A_687 = arith.index_cast %swap3A_686 : i32 to index
        %swap3A_688 = arith.constant 0 : index
        %swap3A_689 = tpu.vector_load %arg7[%swap3A_687, %swap3A_688] {strides = array<i32>} : memref<64x32xi32, #tpu.memory_space<vmem>>, vector<16xi32>,
        tpu.vector_store %arg7[%swap3A_687, %swap3A_688], %broadcast_in_dim3A_1 {strides = array<i32>} : memref<64x32xi32, #tpu.memory_space<vmem>>, vector<16xi32>,
        %swap3A_690 = arith.constant 41 : i32
        %swap3A_691 = arith.index_cast %swap3A_690 : i32 to index
        %swap3A_692 = arith.constant 0 : index
        %swap3A_693 = tpu.vector_load %arg8[%swap3A_691, %swap3A_692] {strides = array<i32>} : memref<64x32xi32, #tpu.memory_space<vmem>>, vector<16xi32>,
        tpu.vector_store %arg8[%swap3A_691, %swap3A_692], %broadcast_in_dim3A_3 {strides = array<i32>} : memref<64x32xi32, #tpu.memory_space<vmem>>, vector<16xi32>,
        %swap3A_694 = arith.constant 41 : i32
        %swap3A_695 = arith.index_cast %swap3A_694 : i32 to index
        %swap3A_696 = arith.constant 16 : index
        %swap3A_697 = tpu.vector_load %arg7[%swap3A_695, %swap3A_696] {strides = array<i32>} : memref<64x32xi32, #tpu.memory_space<vmem>>, vector<16xi32>,
        tpu.vector_store %arg7[%swap3A_695, %swap3A_696], %broadcast_in_dim3A_1 {strides = array<i32>} : memref<64x32xi32, #tpu.memory_space<vmem>>, vector<16xi32>,
        %swap3A_698 = arith.constant 41 : i32
        %swap3A_699 = arith.index_cast %swap3A_698 : i32 to index
        %swap3A_700 = arith.constant 16 : index
        %swap3A_701 = tpu.vector_load %arg8[%swap3A_699, %swap3A_700] {strides = array<i32>} : memref<64x32xi32, #tpu.memory_space<vmem>>, vector<16xi32>,
        tpu.vector_store %arg8[%swap3A_699, %swap3A_700], %broadcast_in_dim3A_3 {strides = array<i32>} : memref<64x32xi32, #tpu.memory_space<vmem>>, vector<16xi32>,
        %swap3A_702 = arith.constant 42 : i32
        %swap3A_703 = arith.index_cast %swap3A_702 : i32 to index
        %swap3A_704 = arith.constant 0 : index
        %swap3A_705 = tpu.vector_load %arg7[%swap3A_703, %swap3A_704] {strides = array<i32>} : memref<64x32xi32, #tpu.memory_space<vmem>>, vector<16xi32>,
        tpu.vector_store %arg7[%swap3A_703, %swap3A_704], %broadcast_in_dim3A_1 {strides = array<i32>} : memref<64x32xi32, #tpu.memory_space<vmem>>, vector<16xi32>,
        %swap3A_706 = arith.constant 42 : i32
        %swap3A_707 = arith.index_cast %swap3A_706 : i32 to index
        %swap3A_708 = arith.constant 0 : index
        %swap3A_709 = tpu.vector_load %arg8[%swap3A_707, %swap3A_708] {strides = array<i32>} : memref<64x32xi32, #tpu.memory_space<vmem>>, vector<16xi32>,
        tpu.vector_store %arg8[%swap3A_707, %swap3A_708], %broadcast_in_dim3A_3 {strides = array<i32>} : memref<64x32xi32, #tpu.memory_space<vmem>>, vector<16xi32>,
        %swap3A_710 = arith.constant 42 : i32
        %swap3A_711 = arith.index_cast %swap3A_710 : i32 to index
        %swap3A_712 = arith.constant 16 : index
        %swap3A_713 = tpu.vector_load %arg7[%swap3A_711, %swap3A_712] {strides = array<i32>} : memref<64x32xi32, #tpu.memory_space<vmem>>, vector<16xi32>,
        tpu.vector_store %arg7[%swap3A_711, %swap3A_712], %broadcast_in_dim3A_1 {strides = array<i32>} : memref<64x32xi32, #tpu.memory_space<vmem>>, vector<16xi32>,
        %swap3A_714 = arith.constant 42 : i32
        %swap3A_715 = arith.index_cast %swap3A_714 : i32 to index
        %swap3A_716 = arith.constant 16 : index
        %swap3A_717 = tpu.vector_load %arg8[%swap3A_715, %swap3A_716] {strides = array<i32>} : memref<64x32xi32, #tpu.memory_space<vmem>>, vector<16xi32>,
        tpu.vector_store %arg8[%swap3A_715, %swap3A_716], %broadcast_in_dim3A_3 {strides = array<i32>} : memref<64x32xi32, #tpu.memory_space<vmem>>, vector<16xi32>,
        %swap3A_718 = arith.constant 43 : i32
        %swap3A_719 = arith.index_cast %swap3A_718 : i32 to index
        %swap3A_720 = arith.constant 0 : index
        %swap3A_721 = tpu.vector_load %arg7[%swap3A_719, %swap3A_720] {strides = array<i32>} : memref<64x32xi32, #tpu.memory_space<vmem>>, vector<16xi32>,
        tpu.vector_store %arg7[%swap3A_719, %swap3A_720], %broadcast_in_dim3A_1 {strides = array<i32>} : memref<64x32xi32, #tpu.memory_space<vmem>>, vector<16xi32>,
        %swap3A_722 = arith.constant 43 : i32
        %swap3A_723 = arith.index_cast %swap3A_722 : i32 to index
        %swap3A_724 = arith.constant 0 : index
        %swap3A_725 = tpu.vector_load %arg8[%swap3A_723, %swap3A_724] {strides = array<i32>} : memref<64x32xi32, #tpu.memory_space<vmem>>, vector<16xi32>,
        tpu.vector_store %arg8[%swap3A_723, %swap3A_724], %broadcast_in_dim3A_3 {strides = array<i32>} : memref<64x32xi32, #tpu.memory_space<vmem>>, vector<16xi32>,
        %swap3A_726 = arith.constant 43 : i32
        %swap3A_727 = arith.index_cast %swap3A_726 : i32 to index
        %swap3A_728 = arith.constant 16 : index
        %swap3A_729 = tpu.vector_load %arg7[%swap3A_727, %swap3A_728] {strides = array<i32>} : memref<64x32xi32, #tpu.memory_space<vmem>>, vector<16xi32>,
        tpu.vector_store %arg7[%swap3A_727, %swap3A_728], %broadcast_in_dim3A_1 {strides = array<i32>} : memref<64x32xi32, #tpu.memory_space<vmem>>, vector<16xi32>,
        %swap3A_730 = arith.constant 43 : i32
        %swap3A_731 = arith.index_cast %swap3A_730 : i32 to index
        %swap3A_732 = arith.constant 16 : index
        %swap3A_733 = tpu.vector_load %arg8[%swap3A_731, %swap3A_732] {strides = array<i32>} : memref<64x32xi32, #tpu.memory_space<vmem>>, vector<16xi32>,
        tpu.vector_store %arg8[%swap3A_731, %swap3A_732], %broadcast_in_dim3A_3 {strides = array<i32>} : memref<64x32xi32, #tpu.memory_space<vmem>>, vector<16xi32>,
        %swap3A_734 = arith.constant 44 : i32
        %swap3A_735 = arith.index_cast %swap3A_734 : i32 to index
        %swap3A_736 = arith.constant 0 : index
        %swap3A_737 = tpu.vector_load %arg7[%swap3A_735, %swap3A_736] {strides = array<i32>} : memref<64x32xi32, #tpu.memory_space<vmem>>, vector<16xi32>,
        tpu.vector_store %arg7[%swap3A_735, %swap3A_736], %broadcast_in_dim3A_1 {strides = array<i32>} : memref<64x32xi32, #tpu.memory_space<vmem>>, vector<16xi32>,
        %swap3A_738 = arith.constant 44 : i32
        %swap3A_739 = arith.index_cast %swap3A_738 : i32 to index
        %swap3A_740 = arith.constant 0 : index
        %swap3A_741 = tpu.vector_load %arg8[%swap3A_739, %swap3A_740] {strides = array<i32>} : memref<64x32xi32, #tpu.memory_space<vmem>>, vector<16xi32>,
        tpu.vector_store %arg8[%swap3A_739, %swap3A_740], %broadcast_in_dim3A_3 {strides = array<i32>} : memref<64x32xi32, #tpu.memory_space<vmem>>, vector<16xi32>,
        %swap3A_742 = arith.constant 44 : i32
        %swap3A_743 = arith.index_cast %swap3A_742 : i32 to index
        %swap3A_744 = arith.constant 16 : index
        %swap3A_745 = tpu.vector_load %arg7[%swap3A_743, %swap3A_744] {strides = array<i32>} : memref<64x32xi32, #tpu.memory_space<vmem>>, vector<16xi32>,
        tpu.vector_store %arg7[%swap3A_743, %swap3A_744], %broadcast_in_dim3A_1 {strides = array<i32>} : memref<64x32xi32, #tpu.memory_space<vmem>>, vector<16xi32>,
        %swap3A_746 = arith.constant 44 : i32
        %swap3A_747 = arith.index_cast %swap3A_746 : i32 to index
        %swap3A_748 = arith.constant 16 : index
        %swap3A_749 = tpu.vector_load %arg8[%swap3A_747, %swap3A_748] {strides = array<i32>} : memref<64x32xi32, #tpu.memory_space<vmem>>, vector<16xi32>,
        tpu.vector_store %arg8[%swap3A_747, %swap3A_748], %broadcast_in_dim3A_3 {strides = array<i32>} : memref<64x32xi32, #tpu.memory_space<vmem>>, vector<16xi32>,
        %swap3A_750 = arith.constant 45 : i32
        %swap3A_751 = arith.index_cast %swap3A_750 : i32 to index
        %swap3A_752 = arith.constant 0 : index
        %swap3A_753 = tpu.vector_load %arg7[%swap3A_751, %swap3A_752] {strides = array<i32>} : memref<64x32xi32, #tpu.memory_space<vmem>>, vector<16xi32>,
        tpu.vector_store %arg7[%swap3A_751, %swap3A_752], %broadcast_in_dim3A_1 {strides = array<i32>} : memref<64x32xi32, #tpu.memory_space<vmem>>, vector<16xi32>,
        %swap3A_754 = arith.constant 45 : i32
        %swap3A_755 = arith.index_cast %swap3A_754 : i32 to index
        %swap3A_756 = arith.constant 0 : index
        %swap3A_757 = tpu.vector_load %arg8[%swap3A_755, %swap3A_756] {strides = array<i32>} : memref<64x32xi32, #tpu.memory_space<vmem>>, vector<16xi32>,
        tpu.vector_store %arg8[%swap3A_755, %swap3A_756], %broadcast_in_dim3A_3 {strides = array<i32>} : memref<64x32xi32, #tpu.memory_space<vmem>>, vector<16xi32>,
        %swap3A_758 = arith.constant 45 : i32
        %swap3A_759 = arith.index_cast %swap3A_758 : i32 to index
        %swap3A_760 = arith.constant 16 : index
        %swap3A_761 = tpu.vector_load %arg7[%swap3A_759, %swap3A_760] {strides = array<i32>} : memref<64x32xi32, #tpu.memory_space<vmem>>, vector<16xi32>,
        tpu.vector_store %arg7[%swap3A_759, %swap3A_760], %broadcast_in_dim3A_1 {strides = array<i32>} : memref<64x32xi32, #tpu.memory_space<vmem>>, vector<16xi32>,
        %swap3A_762 = arith.constant 45 : i32
        %swap3A_763 = arith.index_cast %swap3A_762 : i32 to index
        %swap3A_764 = arith.constant 16 : index
        %swap3A_765 = tpu.vector_load %arg8[%swap3A_763, %swap3A_764] {strides = array<i32>} : memref<64x32xi32, #tpu.memory_space<vmem>>, vector<16xi32>,
        tpu.vector_store %arg8[%swap3A_763, %swap3A_764], %broadcast_in_dim3A_3 {strides = array<i32>} : memref<64x32xi32, #tpu.memory_space<vmem>>, vector<16xi32>,
        %swap3A_766 = arith.constant 46 : i32
        %swap3A_767 = arith.index_cast %swap3A_766 : i32 to index
        %swap3A_768 = arith.constant 0 : index
        %swap3A_769 = tpu.vector_load %arg7[%swap3A_767, %swap3A_768] {strides = array<i32>} : memref<64x32xi32, #tpu.memory_space<vmem>>, vector<16xi32>,
        tpu.vector_store %arg7[%swap3A_767, %swap3A_768], %broadcast_in_dim3A_1 {strides = array<i32>} : memref<64x32xi32, #tpu.memory_space<vmem>>, vector<16xi32>,
        %swap3A_770 = arith.constant 46 : i32
        %swap3A_771 = arith.index_cast %swap3A_770 : i32 to index
        %swap3A_772 = arith.constant 0 : index
        %swap3A_773 = tpu.vector_load %arg8[%swap3A_771, %swap3A_772] {strides = array<i32>} : memref<64x32xi32, #tpu.memory_space<vmem>>, vector<16xi32>,
        tpu.vector_store %arg8[%swap3A_771, %swap3A_772], %broadcast_in_dim3A_3 {strides = array<i32>} : memref<64x32xi32, #tpu.memory_space<vmem>>, vector<16xi32>,
        %swap3A_774 = arith.constant 46 : i32
        %swap3A_775 = arith.index_cast %swap3A_774 : i32 to index
        %swap3A_776 = arith.constant 16 : index
        %swap3A_777 = tpu.vector_load %arg7[%swap3A_775, %swap3A_776] {strides = array<i32>} : memref<64x32xi32, #tpu.memory_space<vmem>>, vector<16xi32>,
        tpu.vector_store %arg7[%swap3A_775, %swap3A_776], %broadcast_in_dim3A_1 {strides = array<i32>} : memref<64x32xi32, #tpu.memory_space<vmem>>, vector<16xi32>,
        %swap3A_778 = arith.constant 46 : i32
        %swap3A_779 = arith.index_cast %swap3A_778 : i32 to index
        %swap3A_780 = arith.constant 16 : index
        %swap3A_781 = tpu.vector_load %arg8[%swap3A_779, %swap3A_780] {strides = array<i32>} : memref<64x32xi32, #tpu.memory_space<vmem>>, vector<16xi32>,
        tpu.vector_store %arg8[%swap3A_779, %swap3A_780], %broadcast_in_dim3A_3 {strides = array<i32>} : memref<64x32xi32, #tpu.memory_space<vmem>>, vector<16xi32>,
        %swap3A_782 = arith.constant 47 : i32
        %swap3A_783 = arith.index_cast %swap3A_782 : i32 to index
        %swap3A_784 = arith.constant 0 : index
        %swap3A_785 = tpu.vector_load %arg7[%swap3A_783, %swap3A_784] {strides = array<i32>} : memref<64x32xi32, #tpu.memory_space<vmem>>, vector<16xi32>,
        tpu.vector_store %arg7[%swap3A_783, %swap3A_784], %broadcast_in_dim3A_1 {strides = array<i32>} : memref<64x32xi32, #tpu.memory_space<vmem>>, vector<16xi32>,
        %swap3A_786 = arith.constant 47 : i32
        %swap3A_787 = arith.index_cast %swap3A_786 : i32 to index
        %swap3A_788 = arith.constant 0 : index
        %swap3A_789 = tpu.vector_load %arg8[%swap3A_787, %swap3A_788] {strides = array<i32>} : memref<64x32xi32, #tpu.memory_space<vmem>>, vector<16xi32>,
        tpu.vector_store %arg8[%swap3A_787, %swap3A_788], %broadcast_in_dim3A_3 {strides = array<i32>} : memref<64x32xi32, #tpu.memory_space<vmem>>, vector<16xi32>,
        %swap3A_790 = arith.constant 47 : i32
        %swap3A_791 = arith.index_cast %swap3A_790 : i32 to index
        %swap3A_792 = arith.constant 16 : index
        %swap3A_793 = tpu.vector_load %arg7[%swap3A_791, %swap3A_792] {strides = array<i32>} : memref<64x32xi32, #tpu.memory_space<vmem>>, vector<16xi32>,
        tpu.vector_store %arg7[%swap3A_791, %swap3A_792], %broadcast_in_dim3A_1 {strides = array<i32>} : memref<64x32xi32, #tpu.memory_space<vmem>>, vector<16xi32>,
        %swap3A_794 = arith.constant 47 : i32
        %swap3A_795 = arith.index_cast %swap3A_794 : i32 to index
        %swap3A_796 = arith.constant 16 : index
        %swap3A_797 = tpu.vector_load %arg8[%swap3A_795, %swap3A_796] {strides = array<i32>} : memref<64x32xi32, #tpu.memory_space<vmem>>, vector<16xi32>,
        tpu.vector_store %arg8[%swap3A_795, %swap3A_796], %broadcast_in_dim3A_3 {strides = array<i32>} : memref<64x32xi32, #tpu.memory_space<vmem>>, vector<16xi32>,
        %swap3A_798 = arith.constant 48 : i32
        %swap3A_799 = arith.index_cast %swap3A_798 : i32 to index
        %swap3A_800 = arith.constant 0 : index
        %swap3A_801 = tpu.vector_load %arg7[%swap3A_799, %swap3A_800] {strides = array<i32>} : memref<64x32xi32, #tpu.memory_space<vmem>>, vector<16xi32>,
        tpu.vector_store %arg7[%swap3A_799, %swap3A_800], %broadcast_in_dim3A_1 {strides = array<i32>} : memref<64x32xi32, #tpu.memory_space<vmem>>, vector<16xi32>,
        %swap3A_802 = arith.constant 48 : i32
        %swap3A_803 = arith.index_cast %swap3A_802 : i32 to index
        %swap3A_804 = arith.constant 0 : index
        %swap3A_805 = tpu.vector_load %arg8[%swap3A_803, %swap3A_804] {strides = array<i32>} : memref<64x32xi32, #tpu.memory_space<vmem>>, vector<16xi32>,
        tpu.vector_store %arg8[%swap3A_803, %swap3A_804], %broadcast_in_dim3A_3 {strides = array<i32>} : memref<64x32xi32, #tpu.memory_space<vmem>>, vector<16xi32>,
        %swap3A_806 = arith.constant 48 : i32
        %swap3A_807 = arith.index_cast %swap3A_806 : i32 to index
        %swap3A_808 = arith.constant 16 : index
        %swap3A_809 = tpu.vector_load %arg7[%swap3A_807, %swap3A_808] {strides = array<i32>} : memref<64x32xi32, #tpu.memory_space<vmem>>, vector<16xi32>,
        tpu.vector_store %arg7[%swap3A_807, %swap3A_808], %broadcast_in_dim3A_1 {strides = array<i32>} : memref<64x32xi32, #tpu.memory_space<vmem>>, vector<16xi32>,
        %swap3A_810 = arith.constant 48 : i32
        %swap3A_811 = arith.index_cast %swap3A_810 : i32 to index
        %swap3A_812 = arith.constant 16 : index
        %swap3A_813 = tpu.vector_load %arg8[%swap3A_811, %swap3A_812] {strides = array<i32>} : memref<64x32xi32, #tpu.memory_space<vmem>>, vector<16xi32>,
        tpu.vector_store %arg8[%swap3A_811, %swap3A_812], %broadcast_in_dim3A_3 {strides = array<i32>} : memref<64x32xi32, #tpu.memory_space<vmem>>, vector<16xi32>,
        %swap3A_814 = arith.constant 49 : i32
        %swap3A_815 = arith.index_cast %swap3A_814 : i32 to index
        %swap3A_816 = arith.constant 0 : index
        %swap3A_817 = tpu.vector_load %arg7[%swap3A_815, %swap3A_816] {strides = array<i32>} : memref<64x32xi32, #tpu.memory_space<vmem>>, vector<16xi32>,
        tpu.vector_store %arg7[%swap3A_815, %swap3A_816], %broadcast_in_dim3A_1 {strides = array<i32>} : memref<64x32xi32, #tpu.memory_space<vmem>>, vector<16xi32>,
        %swap3A_818 = arith.constant 49 : i32
        %swap3A_819 = arith.index_cast %swap3A_818 : i32 to index
        %swap3A_820 = arith.constant 0 : index
        %swap3A_821 = tpu.vector_load %arg8[%swap3A_819, %swap3A_820] {strides = array<i32>} : memref<64x32xi32, #tpu.memory_space<vmem>>, vector<16xi32>,
        tpu.vector_store %arg8[%swap3A_819, %swap3A_820], %broadcast_in_dim3A_3 {strides = array<i32>} : memref<64x32xi32, #tpu.memory_space<vmem>>, vector<16xi32>,
        %swap3A_822 = arith.constant 49 : i32
        %swap3A_823 = arith.index_cast %swap3A_822 : i32 to index
        %swap3A_824 = arith.constant 16 : index
        %swap3A_825 = tpu.vector_load %arg7[%swap3A_823, %swap3A_824] {strides = array<i32>} : memref<64x32xi32, #tpu.memory_space<vmem>>, vector<16xi32>,
        tpu.vector_store %arg7[%swap3A_823, %swap3A_824], %broadcast_in_dim3A_1 {strides = array<i32>} : memref<64x32xi32, #tpu.memory_space<vmem>>, vector<16xi32>,
        %swap3A_826 = arith.constant 49 : i32
        %swap3A_827 = arith.index_cast %swap3A_826 : i32 to index
        %swap3A_828 = arith.constant 16 : index
        %swap3A_829 = tpu.vector_load %arg8[%swap3A_827, %swap3A_828] {strides = array<i32>} : memref<64x32xi32, #tpu.memory_space<vmem>>, vector<16xi32>,
        tpu.vector_store %arg8[%swap3A_827, %swap3A_828], %broadcast_in_dim3A_3 {strides = array<i32>} : memref<64x32xi32, #tpu.memory_space<vmem>>, vector<16xi32>,
        %swap3A_830 = arith.constant 50 : i32
        %swap3A_831 = arith.index_cast %swap3A_830 : i32 to index
        %swap3A_832 = arith.constant 0 : index
        %swap3A_833 = tpu.vector_load %arg7[%swap3A_831, %swap3A_832] {strides = array<i32>} : memref<64x32xi32, #tpu.memory_space<vmem>>, vector<16xi32>,
        tpu.vector_store %arg7[%swap3A_831, %swap3A_832], %broadcast_in_dim3A_1 {strides = array<i32>} : memref<64x32xi32, #tpu.memory_space<vmem>>, vector<16xi32>,
        %swap3A_834 = arith.constant 50 : i32
        %swap3A_835 = arith.index_cast %swap3A_834 : i32 to index
        %swap3A_836 = arith.constant 0 : index
        %swap3A_837 = tpu.vector_load %arg8[%swap3A_835, %swap3A_836] {strides = array<i32>} : memref<64x32xi32, #tpu.memory_space<vmem>>, vector<16xi32>,
        tpu.vector_store %arg8[%swap3A_835, %swap3A_836], %broadcast_in_dim3A_3 {strides = array<i32>} : memref<64x32xi32, #tpu.memory_space<vmem>>, vector<16xi32>,
        %swap3A_838 = arith.constant 50 : i32
        %swap3A_839 = arith.index_cast %swap3A_838 : i32 to index
        %swap3A_840 = arith.constant 16 : index
        %swap3A_841 = tpu.vector_load %arg7[%swap3A_839, %swap3A_840] {strides = array<i32>} : memref<64x32xi32, #tpu.memory_space<vmem>>, vector<16xi32>,
        tpu.vector_store %arg7[%swap3A_839, %swap3A_840], %broadcast_in_dim3A_1 {strides = array<i32>} : memref<64x32xi32, #tpu.memory_space<vmem>>, vector<16xi32>,
        %swap3A_842 = arith.constant 50 : i32
        %swap3A_843 = arith.index_cast %swap3A_842 : i32 to index
        %swap3A_844 = arith.constant 16 : index
        %swap3A_845 = tpu.vector_load %arg8[%swap3A_843, %swap3A_844] {strides = array<i32>} : memref<64x32xi32, #tpu.memory_space<vmem>>, vector<16xi32>,
        tpu.vector_store %arg8[%swap3A_843, %swap3A_844], %broadcast_in_dim3A_3 {strides = array<i32>} : memref<64x32xi32, #tpu.memory_space<vmem>>, vector<16xi32>,
        %swap3A_846 = arith.constant 51 : i32
        %swap3A_847 = arith.index_cast %swap3A_846 : i32 to index
        %swap3A_848 = arith.constant 0 : index
        %swap3A_849 = tpu.vector_load %arg7[%swap3A_847, %swap3A_848] {strides = array<i32>} : memref<64x32xi32, #tpu.memory_space<vmem>>, vector<16xi32>,
        tpu.vector_store %arg7[%swap3A_847, %swap3A_848], %broadcast_in_dim3A_1 {strides = array<i32>} : memref<64x32xi32, #tpu.memory_space<vmem>>, vector<16xi32>,
        %swap3A_850 = arith.constant 51 : i32
        %swap3A_851 = arith.index_cast %swap3A_850 : i32 to index
        %swap3A_852 = arith.constant 0 : index
        %swap3A_853 = tpu.vector_load %arg8[%swap3A_851, %swap3A_852] {strides = array<i32>} : memref<64x32xi32, #tpu.memory_space<vmem>>, vector<16xi32>,
        tpu.vector_store %arg8[%swap3A_851, %swap3A_852], %broadcast_in_dim3A_3 {strides = array<i32>} : memref<64x32xi32, #tpu.memory_space<vmem>>, vector<16xi32>,
        %swap3A_854 = arith.constant 51 : i32
        %swap3A_855 = arith.index_cast %swap3A_854 : i32 to index
        %swap3A_856 = arith.constant 16 : index
        %swap3A_857 = tpu.vector_load %arg7[%swap3A_855, %swap3A_856] {strides = array<i32>} : memref<64x32xi32, #tpu.memory_space<vmem>>, vector<16xi32>,
        tpu.vector_store %arg7[%swap3A_855, %swap3A_856], %broadcast_in_dim3A_1 {strides = array<i32>} : memref<64x32xi32, #tpu.memory_space<vmem>>, vector<16xi32>,
        %swap3A_858 = arith.constant 51 : i32
        %swap3A_859 = arith.index_cast %swap3A_858 : i32 to index
        %swap3A_860 = arith.constant 16 : index
        %swap3A_861 = tpu.vector_load %arg8[%swap3A_859, %swap3A_860] {strides = array<i32>} : memref<64x32xi32, #tpu.memory_space<vmem>>, vector<16xi32>,
        tpu.vector_store %arg8[%swap3A_859, %swap3A_860], %broadcast_in_dim3A_3 {strides = array<i32>} : memref<64x32xi32, #tpu.memory_space<vmem>>, vector<16xi32>,
        %swap3A_862 = arith.constant 52 : i32
        %swap3A_863 = arith.index_cast %swap3A_862 : i32 to index
        %swap3A_864 = arith.constant 0 : index
        %swap3A_865 = tpu.vector_load %arg7[%swap3A_863, %swap3A_864] {strides = array<i32>} : memref<64x32xi32, #tpu.memory_space<vmem>>, vector<16xi32>,
        tpu.vector_store %arg7[%swap3A_863, %swap3A_864], %broadcast_in_dim3A_1 {strides = array<i32>} : memref<64x32xi32, #tpu.memory_space<vmem>>, vector<16xi32>,
        %swap3A_866 = arith.constant 52 : i32
        %swap3A_867 = arith.index_cast %swap3A_866 : i32 to index
        %swap3A_868 = arith.constant 0 : index
        %swap3A_869 = tpu.vector_load %arg8[%swap3A_867, %swap3A_868] {strides = array<i32>} : memref<64x32xi32, #tpu.memory_space<vmem>>, vector<16xi32>,
        tpu.vector_store %arg8[%swap3A_867, %swap3A_868], %broadcast_in_dim3A_3 {strides = array<i32>} : memref<64x32xi32, #tpu.memory_space<vmem>>, vector<16xi32>,
        %swap3A_870 = arith.constant 52 : i32
        %swap3A_871 = arith.index_cast %swap3A_870 : i32 to index
        %swap3A_872 = arith.constant 16 : index
        %swap3A_873 = tpu.vector_load %arg7[%swap3A_871, %swap3A_872] {strides = array<i32>} : memref<64x32xi32, #tpu.memory_space<vmem>>, vector<16xi32>,
        tpu.vector_store %arg7[%swap3A_871, %swap3A_872], %broadcast_in_dim3A_1 {strides = array<i32>} : memref<64x32xi32, #tpu.memory_space<vmem>>, vector<16xi32>,
        %swap3A_874 = arith.constant 52 : i32
        %swap3A_875 = arith.index_cast %swap3A_874 : i32 to index
        %swap3A_876 = arith.constant 16 : index
        %swap3A_877 = tpu.vector_load %arg8[%swap3A_875, %swap3A_876] {strides = array<i32>} : memref<64x32xi32, #tpu.memory_space<vmem>>, vector<16xi32>,
        tpu.vector_store %arg8[%swap3A_875, %swap3A_876], %broadcast_in_dim3A_3 {strides = array<i32>} : memref<64x32xi32, #tpu.memory_space<vmem>>, vector<16xi32>,
        %swap3A_878 = arith.constant 53 : i32
        %swap3A_879 = arith.index_cast %swap3A_878 : i32 to index
        %swap3A_880 = arith.constant 0 : index
        %swap3A_881 = tpu.vector_load %arg7[%swap3A_879, %swap3A_880] {strides = array<i32>} : memref<64x32xi32, #tpu.memory_space<vmem>>, vector<16xi32>,
        tpu.vector_store %arg7[%swap3A_879, %swap3A_880], %broadcast_in_dim3A_1 {strides = array<i32>} : memref<64x32xi32, #tpu.memory_space<vmem>>, vector<16xi32>,
        %swap3A_882 = arith.constant 53 : i32
        %swap3A_883 = arith.index_cast %swap3A_882 : i32 to index
        %swap3A_884 = arith.constant 0 : index
        %swap3A_885 = tpu.vector_load %arg8[%swap3A_883, %swap3A_884] {strides = array<i32>} : memref<64x32xi32, #tpu.memory_space<vmem>>, vector<16xi32>,
        tpu.vector_store %arg8[%swap3A_883, %swap3A_884], %broadcast_in_dim3A_3 {strides = array<i32>} : memref<64x32xi32, #tpu.memory_space<vmem>>, vector<16xi32>,
        %swap3A_886 = arith.constant 53 : i32
        %swap3A_887 = arith.index_cast %swap3A_886 : i32 to index
        %swap3A_888 = arith.constant 16 : index
        %swap3A_889 = tpu.vector_load %arg7[%swap3A_887, %swap3A_888] {strides = array<i32>} : memref<64x32xi32, #tpu.memory_space<vmem>>, vector<16xi32>,
        tpu.vector_store %arg7[%swap3A_887, %swap3A_888], %broadcast_in_dim3A_1 {strides = array<i32>} : memref<64x32xi32, #tpu.memory_space<vmem>>, vector<16xi32>,
        %swap3A_890 = arith.constant 53 : i32
        %swap3A_891 = arith.index_cast %swap3A_890 : i32 to index
        %swap3A_892 = arith.constant 16 : index
        %swap3A_893 = tpu.vector_load %arg8[%swap3A_891, %swap3A_892] {strides = array<i32>} : memref<64x32xi32, #tpu.memory_space<vmem>>, vector<16xi32>,
        tpu.vector_store %arg8[%swap3A_891, %swap3A_892], %broadcast_in_dim3A_3 {strides = array<i32>} : memref<64x32xi32, #tpu.memory_space<vmem>>, vector<16xi32>,
        %swap3A_894 = arith.constant 54 : i32
        %swap3A_895 = arith.index_cast %swap3A_894 : i32 to index
        %swap3A_896 = arith.constant 0 : index
        %swap3A_897 = tpu.vector_load %arg7[%swap3A_895, %swap3A_896] {strides = array<i32>} : memref<64x32xi32, #tpu.memory_space<vmem>>, vector<16xi32>,
        tpu.vector_store %arg7[%swap3A_895, %swap3A_896], %broadcast_in_dim3A_1 {strides = array<i32>} : memref<64x32xi32, #tpu.memory_space<vmem>>, vector<16xi32>,
        %swap3A_898 = arith.constant 54 : i32
        %swap3A_899 = arith.index_cast %swap3A_898 : i32 to index
        %swap3A_900 = arith.constant 0 : index
        %swap3A_901 = tpu.vector_load %arg8[%swap3A_899, %swap3A_900] {strides = array<i32>} : memref<64x32xi32, #tpu.memory_space<vmem>>, vector<16xi32>,
        tpu.vector_store %arg8[%swap3A_899, %swap3A_900], %broadcast_in_dim3A_3 {strides = array<i32>} : memref<64x32xi32, #tpu.memory_space<vmem>>, vector<16xi32>,
        %swap3A_902 = arith.constant 54 : i32
        %swap3A_903 = arith.index_cast %swap3A_902 : i32 to index
        %swap3A_904 = arith.constant 16 : index
        %swap3A_905 = tpu.vector_load %arg7[%swap3A_903, %swap3A_904] {strides = array<i32>} : memref<64x32xi32, #tpu.memory_space<vmem>>, vector<16xi32>,
        tpu.vector_store %arg7[%swap3A_903, %swap3A_904], %broadcast_in_dim3A_1 {strides = array<i32>} : memref<64x32xi32, #tpu.memory_space<vmem>>, vector<16xi32>,
        %swap3A_906 = arith.constant 54 : i32
        %swap3A_907 = arith.index_cast %swap3A_906 : i32 to index
        %swap3A_908 = arith.constant 16 : index
        %swap3A_909 = tpu.vector_load %arg8[%swap3A_907, %swap3A_908] {strides = array<i32>} : memref<64x32xi32, #tpu.memory_space<vmem>>, vector<16xi32>,
        tpu.vector_store %arg8[%swap3A_907, %swap3A_908], %broadcast_in_dim3A_3 {strides = array<i32>} : memref<64x32xi32, #tpu.memory_space<vmem>>, vector<16xi32>,
        %swap3A_910 = arith.constant 55 : i32
        %swap3A_911 = arith.index_cast %swap3A_910 : i32 to index
        %swap3A_912 = arith.constant 0 : index
        %swap3A_913 = tpu.vector_load %arg7[%swap3A_911, %swap3A_912] {strides = array<i32>} : memref<64x32xi32, #tpu.memory_space<vmem>>, vector<16xi32>,
        tpu.vector_store %arg7[%swap3A_911, %swap3A_912], %broadcast_in_dim3A_1 {strides = array<i32>} : memref<64x32xi32, #tpu.memory_space<vmem>>, vector<16xi32>,
        %swap3A_914 = arith.constant 55 : i32
        %swap3A_915 = arith.index_cast %swap3A_914 : i32 to index
        %swap3A_916 = arith.constant 0 : index
        %swap3A_917 = tpu.vector_load %arg8[%swap3A_915, %swap3A_916] {strides = array<i32>} : memref<64x32xi32, #tpu.memory_space<vmem>>, vector<16xi32>,
        tpu.vector_store %arg8[%swap3A_915, %swap3A_916], %broadcast_in_dim3A_3 {strides = array<i32>} : memref<64x32xi32, #tpu.memory_space<vmem>>, vector<16xi32>,
        %swap3A_918 = arith.constant 55 : i32
        %swap3A_919 = arith.index_cast %swap3A_918 : i32 to index
        %swap3A_920 = arith.constant 16 : index
        %swap3A_921 = tpu.vector_load %arg7[%swap3A_919, %swap3A_920] {strides = array<i32>} : memref<64x32xi32, #tpu.memory_space<vmem>>, vector<16xi32>,
        tpu.vector_store %arg7[%swap3A_919, %swap3A_920], %broadcast_in_dim3A_1 {strides = array<i32>} : memref<64x32xi32, #tpu.memory_space<vmem>>, vector<16xi32>,
        %swap3A_922 = arith.constant 55 : i32
        %swap3A_923 = arith.index_cast %swap3A_922 : i32 to index
        %swap3A_924 = arith.constant 16 : index
        %swap3A_925 = tpu.vector_load %arg8[%swap3A_923, %swap3A_924] {strides = array<i32>} : memref<64x32xi32, #tpu.memory_space<vmem>>, vector<16xi32>,
        tpu.vector_store %arg8[%swap3A_923, %swap3A_924], %broadcast_in_dim3A_3 {strides = array<i32>} : memref<64x32xi32, #tpu.memory_space<vmem>>, vector<16xi32>,
        %swap3A_926 = arith.constant 56 : i32
        %swap3A_927 = arith.index_cast %swap3A_926 : i32 to index
        %swap3A_928 = arith.constant 0 : index
        %swap3A_929 = tpu.vector_load %arg7[%swap3A_927, %swap3A_928] {strides = array<i32>} : memref<64x32xi32, #tpu.memory_space<vmem>>, vector<16xi32>,
        tpu.vector_store %arg7[%swap3A_927, %swap3A_928], %broadcast_in_dim3A_1 {strides = array<i32>} : memref<64x32xi32, #tpu.memory_space<vmem>>, vector<16xi32>,
        %swap3A_930 = arith.constant 56 : i32
        %swap3A_931 = arith.index_cast %swap3A_930 : i32 to index
        %swap3A_932 = arith.constant 0 : index
        %swap3A_933 = tpu.vector_load %arg8[%swap3A_931, %swap3A_932] {strides = array<i32>} : memref<64x32xi32, #tpu.memory_space<vmem>>, vector<16xi32>,
        tpu.vector_store %arg8[%swap3A_931, %swap3A_932], %broadcast_in_dim3A_3 {strides = array<i32>} : memref<64x32xi32, #tpu.memory_space<vmem>>, vector<16xi32>,
        %swap3A_934 = arith.constant 56 : i32
        %swap3A_935 = arith.index_cast %swap3A_934 : i32 to index
        %swap3A_936 = arith.constant 16 : index
        %swap3A_937 = tpu.vector_load %arg7[%swap3A_935, %swap3A_936] {strides = array<i32>} : memref<64x32xi32, #tpu.memory_space<vmem>>, vector<16xi32>,
        tpu.vector_store %arg7[%swap3A_935, %swap3A_936], %broadcast_in_dim3A_1 {strides = array<i32>} : memref<64x32xi32, #tpu.memory_space<vmem>>, vector<16xi32>,
        %swap3A_938 = arith.constant 56 : i32
        %swap3A_939 = arith.index_cast %swap3A_938 : i32 to index
        %swap3A_940 = arith.constant 16 : index
        %swap3A_941 = tpu.vector_load %arg8[%swap3A_939, %swap3A_940] {strides = array<i32>} : memref<64x32xi32, #tpu.memory_space<vmem>>, vector<16xi32>,
        tpu.vector_store %arg8[%swap3A_939, %swap3A_940], %broadcast_in_dim3A_3 {strides = array<i32>} : memref<64x32xi32, #tpu.memory_space<vmem>>, vector<16xi32>,
        %swap3A_942 = arith.constant 57 : i32
        %swap3A_943 = arith.index_cast %swap3A_942 : i32 to index
        %swap3A_944 = arith.constant 0 : index
        %swap3A_945 = tpu.vector_load %arg7[%swap3A_943, %swap3A_944] {strides = array<i32>} : memref<64x32xi32, #tpu.memory_space<vmem>>, vector<16xi32>,
        tpu.vector_store %arg7[%swap3A_943, %swap3A_944], %broadcast_in_dim3A_1 {strides = array<i32>} : memref<64x32xi32, #tpu.memory_space<vmem>>, vector<16xi32>,
        %swap3A_946 = arith.constant 57 : i32
        %swap3A_947 = arith.index_cast %swap3A_946 : i32 to index
        %swap3A_948 = arith.constant 0 : index
        %swap3A_949 = tpu.vector_load %arg8[%swap3A_947, %swap3A_948] {strides = array<i32>} : memref<64x32xi32, #tpu.memory_space<vmem>>, vector<16xi32>,
        tpu.vector_store %arg8[%swap3A_947, %swap3A_948], %broadcast_in_dim3A_3 {strides = array<i32>} : memref<64x32xi32, #tpu.memory_space<vmem>>, vector<16xi32>,
        %swap3A_950 = arith.constant 57 : i32
        %swap3A_951 = arith.index_cast %swap3A_950 : i32 to index
        %swap3A_952 = arith.constant 16 : index
        %swap3A_953 = tpu.vector_load %arg7[%swap3A_951, %swap3A_952] {strides = array<i32>} : memref<64x32xi32, #tpu.memory_space<vmem>>, vector<16xi32>,
        tpu.vector_store %arg7[%swap3A_951, %swap3A_952], %broadcast_in_dim3A_1 {strides = array<i32>} : memref<64x32xi32, #tpu.memory_space<vmem>>, vector<16xi32>,
        %swap3A_954 = arith.constant 57 : i32
        %swap3A_955 = arith.index_cast %swap3A_954 : i32 to index
        %swap3A_956 = arith.constant 16 : index
        %swap3A_957 = tpu.vector_load %arg8[%swap3A_955, %swap3A_956] {strides = array<i32>} : memref<64x32xi32, #tpu.memory_space<vmem>>, vector<16xi32>,
        tpu.vector_store %arg8[%swap3A_955, %swap3A_956], %broadcast_in_dim3A_3 {strides = array<i32>} : memref<64x32xi32, #tpu.memory_space<vmem>>, vector<16xi32>,
        %swap3A_958 = arith.constant 58 : i32
        %swap3A_959 = arith.index_cast %swap3A_958 : i32 to index
        %swap3A_960 = arith.constant 0 : index
        %swap3A_961 = tpu.vector_load %arg7[%swap3A_959, %swap3A_960] {strides = array<i32>} : memref<64x32xi32, #tpu.memory_space<vmem>>, vector<16xi32>,
        tpu.vector_store %arg7[%swap3A_959, %swap3A_960], %broadcast_in_dim3A_1 {strides = array<i32>} : memref<64x32xi32, #tpu.memory_space<vmem>>, vector<16xi32>,
        %swap3A_962 = arith.constant 58 : i32
        %swap3A_963 = arith.index_cast %swap3A_962 : i32 to index
        %swap3A_964 = arith.constant 0 : index
        %swap3A_965 = tpu.vector_load %arg8[%swap3A_963, %swap3A_964] {strides = array<i32>} : memref<64x32xi32, #tpu.memory_space<vmem>>, vector<16xi32>,
        tpu.vector_store %arg8[%swap3A_963, %swap3A_964], %broadcast_in_dim3A_3 {strides = array<i32>} : memref<64x32xi32, #tpu.memory_space<vmem>>, vector<16xi32>,
        %swap3A_966 = arith.constant 58 : i32
        %swap3A_967 = arith.index_cast %swap3A_966 : i32 to index
        %swap3A_968 = arith.constant 16 : index
        %swap3A_969 = tpu.vector_load %arg7[%swap3A_967, %swap3A_968] {strides = array<i32>} : memref<64x32xi32, #tpu.memory_space<vmem>>, vector<16xi32>,
        tpu.vector_store %arg7[%swap3A_967, %swap3A_968], %broadcast_in_dim3A_1 {strides = array<i32>} : memref<64x32xi32, #tpu.memory_space<vmem>>, vector<16xi32>,
        %swap3A_970 = arith.constant 58 : i32
        %swap3A_971 = arith.index_cast %swap3A_970 : i32 to index
        %swap3A_972 = arith.constant 16 : index
        %swap3A_973 = tpu.vector_load %arg8[%swap3A_971, %swap3A_972] {strides = array<i32>} : memref<64x32xi32, #tpu.memory_space<vmem>>, vector<16xi32>,
        tpu.vector_store %arg8[%swap3A_971, %swap3A_972], %broadcast_in_dim3A_3 {strides = array<i32>} : memref<64x32xi32, #tpu.memory_space<vmem>>, vector<16xi32>,
        %swap3A_974 = arith.constant 59 : i32
        %swap3A_975 = arith.index_cast %swap3A_974 : i32 to index
        %swap3A_976 = arith.constant 0 : index
        %swap3A_977 = tpu.vector_load %arg7[%swap3A_975, %swap3A_976] {strides = array<i32>} : memref<64x32xi32, #tpu.memory_space<vmem>>, vector<16xi32>,
        tpu.vector_store %arg7[%swap3A_975, %swap3A_976], %broadcast_in_dim3A_1 {strides = array<i32>} : memref<64x32xi32, #tpu.memory_space<vmem>>, vector<16xi32>,
        %swap3A_978 = arith.constant 59 : i32
        %swap3A_979 = arith.index_cast %swap3A_978 : i32 to index
        %swap3A_980 = arith.constant 0 : index
        %swap3A_981 = tpu.vector_load %arg8[%swap3A_979, %swap3A_980] {strides = array<i32>} : memref<64x32xi32, #tpu.memory_space<vmem>>, vector<16xi32>,
        tpu.vector_store %arg8[%swap3A_979, %swap3A_980], %broadcast_in_dim3A_3 {strides = array<i32>} : memref<64x32xi32, #tpu.memory_space<vmem>>, vector<16xi32>,
        %swap3A_982 = arith.constant 59 : i32
        %swap3A_983 = arith.index_cast %swap3A_982 : i32 to index
        %swap3A_984 = arith.constant 16 : index
        %swap3A_985 = tpu.vector_load %arg7[%swap3A_983, %swap3A_984] {strides = array<i32>} : memref<64x32xi32, #tpu.memory_space<vmem>>, vector<16xi32>,
        tpu.vector_store %arg7[%swap3A_983, %swap3A_984], %broadcast_in_dim3A_1 {strides = array<i32>} : memref<64x32xi32, #tpu.memory_space<vmem>>, vector<16xi32>,
        %swap3A_986 = arith.constant 59 : i32
        %swap3A_987 = arith.index_cast %swap3A_986 : i32 to index
        %swap3A_988 = arith.constant 16 : index
        %swap3A_989 = tpu.vector_load %arg8[%swap3A_987, %swap3A_988] {strides = array<i32>} : memref<64x32xi32, #tpu.memory_space<vmem>>, vector<16xi32>,
        tpu.vector_store %arg8[%swap3A_987, %swap3A_988], %broadcast_in_dim3A_3 {strides = array<i32>} : memref<64x32xi32, #tpu.memory_space<vmem>>, vector<16xi32>,
        %swap3A_990 = arith.constant 60 : i32
        %swap3A_991 = arith.index_cast %swap3A_990 : i32 to index
        %swap3A_992 = arith.constant 0 : index
        %swap3A_993 = tpu.vector_load %arg7[%swap3A_991, %swap3A_992] {strides = array<i32>} : memref<64x32xi32, #tpu.memory_space<vmem>>, vector<16xi32>,
        tpu.vector_store %arg7[%swap3A_991, %swap3A_992], %broadcast_in_dim3A_1 {strides = array<i32>} : memref<64x32xi32, #tpu.memory_space<vmem>>, vector<16xi32>,
        %swap3A_994 = arith.constant 60 : i32
        %swap3A_995 = arith.index_cast %swap3A_994 : i32 to index
        %swap3A_996 = arith.constant 0 : index
        %swap3A_997 = tpu.vector_load %arg8[%swap3A_995, %swap3A_996] {strides = array<i32>} : memref<64x32xi32, #tpu.memory_space<vmem>>, vector<16xi32>,
        tpu.vector_store %arg8[%swap3A_995, %swap3A_996], %broadcast_in_dim3A_3 {strides = array<i32>} : memref<64x32xi32, #tpu.memory_space<vmem>>, vector<16xi32>,
        %swap3A_998 = arith.constant 60 : i32
        %swap3A_999 = arith.index_cast %swap3A_998 : i32 to index
        %swap3A_1000 = arith.constant 16 : index
        %swap3A_1001 = tpu.vector_load %arg7[%swap3A_999, %swap3A_1000] {strides = array<i32>} : memref<64x32xi32, #tpu.memory_space<vmem>>, vector<16xi32>,
        tpu.vector_store %arg7[%swap3A_999, %swap3A_1000], %broadcast_in_dim3A_1 {strides = array<i32>} : memref<64x32xi32, #tpu.memory_space<vmem>>, vector<16xi32>,
        %swap3A_1002 = arith.constant 60 : i32
        %swap3A_1003 = arith.index_cast %swap3A_1002 : i32 to index
        %swap3A_1004 = arith.constant 16 : index
        %swap3A_1005 = tpu.vector_load %arg8[%swap3A_1003, %swap3A_1004] {strides = array<i32>} : memref<64x32xi32, #tpu.memory_space<vmem>>, vector<16xi32>,
        tpu.vector_store %arg8[%swap3A_1003, %swap3A_1004], %broadcast_in_dim3A_3 {strides = array<i32>} : memref<64x32xi32, #tpu.memory_space<vmem>>, vector<16xi32>,
        %swap3A_1006 = arith.constant 61 : i32
        %swap3A_1007 = arith.index_cast %swap3A_1006 : i32 to index
        %swap3A_1008 = arith.constant 0 : index
        %swap3A_1009 = tpu.vector_load %arg7[%swap3A_1007, %swap3A_1008] {strides = array<i32>} : memref<64x32xi32, #tpu.memory_space<vmem>>, vector<16xi32>,
        tpu.vector_store %arg7[%swap3A_1007, %swap3A_1008], %broadcast_in_dim3A_1 {strides = array<i32>} : memref<64x32xi32, #tpu.memory_space<vmem>>, vector<16xi32>,
        %swap3A_1010 = arith.constant 61 : i32
        %swap3A_1011 = arith.index_cast %swap3A_1010 : i32 to index
        %swap3A_1012 = arith.constant 0 : index
        %swap3A_1013 = tpu.vector_load %arg8[%swap3A_1011, %swap3A_1012] {strides = array<i32>} : memref<64x32xi32, #tpu.memory_space<vmem>>, vector<16xi32>,
        tpu.vector_store %arg8[%swap3A_1011, %swap3A_1012], %broadcast_in_dim3A_3 {strides = array<i32>} : memref<64x32xi32, #tpu.memory_space<vmem>>, vector<16xi32>,
        %swap3A_1014 = arith.constant 61 : i32
        %swap3A_1015 = arith.index_cast %swap3A_1014 : i32 to index
        %swap3A_1016 = arith.constant 16 : index
        %swap3A_1017 = tpu.vector_load %arg7[%swap3A_1015, %swap3A_1016] {strides = array<i32>} : memref<64x32xi32, #tpu.memory_space<vmem>>, vector<16xi32>,
        tpu.vector_store %arg7[%swap3A_1015, %swap3A_1016], %broadcast_in_dim3A_1 {strides = array<i32>} : memref<64x32xi32, #tpu.memory_space<vmem>>, vector<16xi32>,
        %swap3A_1018 = arith.constant 61 : i32
        %swap3A_1019 = arith.index_cast %swap3A_1018 : i32 to index
        %swap3A_1020 = arith.constant 16 : index
        %swap3A_1021 = tpu.vector_load %arg8[%swap3A_1019, %swap3A_1020] {strides = array<i32>} : memref<64x32xi32, #tpu.memory_space<vmem>>, vector<16xi32>,
        tpu.vector_store %arg8[%swap3A_1019, %swap3A_1020], %broadcast_in_dim3A_3 {strides = array<i32>} : memref<64x32xi32, #tpu.memory_space<vmem>>, vector<16xi32>,
        %swap3A_1022 = arith.constant 62 : i32
        %swap3A_1023 = arith.index_cast %swap3A_1022 : i32 to index
        %swap3A_1024 = arith.constant 0 : index
        %swap3A_1025 = tpu.vector_load %arg7[%swap3A_1023, %swap3A_1024] {strides = array<i32>} : memref<64x32xi32, #tpu.memory_space<vmem>>, vector<16xi32>,
        tpu.vector_store %arg7[%swap3A_1023, %swap3A_1024], %broadcast_in_dim3A_1 {strides = array<i32>} : memref<64x32xi32, #tpu.memory_space<vmem>>, vector<16xi32>,
        %swap3A_1026 = arith.constant 62 : i32
        %swap3A_1027 = arith.index_cast %swap3A_1026 : i32 to index
        %swap3A_1028 = arith.constant 0 : index
        %swap3A_1029 = tpu.vector_load %arg8[%swap3A_1027, %swap3A_1028] {strides = array<i32>} : memref<64x32xi32, #tpu.memory_space<vmem>>, vector<16xi32>,
        tpu.vector_store %arg8[%swap3A_1027, %swap3A_1028], %broadcast_in_dim3A_3 {strides = array<i32>} : memref<64x32xi32, #tpu.memory_space<vmem>>, vector<16xi32>,
        %swap3A_1030 = arith.constant 62 : i32
        %swap3A_1031 = arith.index_cast %swap3A_1030 : i32 to index
        %swap3A_1032 = arith.constant 16 : index
        %swap3A_1033 = tpu.vector_load %arg7[%swap3A_1031, %swap3A_1032] {strides = array<i32>} : memref<64x32xi32, #tpu.memory_space<vmem>>, vector<16xi32>,
        tpu.vector_store %arg7[%swap3A_1031, %swap3A_1032], %broadcast_in_dim3A_1 {strides = array<i32>} : memref<64x32xi32, #tpu.memory_space<vmem>>, vector<16xi32>,
        %swap3A_1034 = arith.constant 62 : i32
        %swap3A_1035 = arith.index_cast %swap3A_1034 : i32 to index
        %swap3A_1036 = arith.constant 16 : index
        %swap3A_1037 = tpu.vector_load %arg8[%swap3A_1035, %swap3A_1036] {strides = array<i32>} : memref<64x32xi32, #tpu.memory_space<vmem>>, vector<16xi32>,
        tpu.vector_store %arg8[%swap3A_1035, %swap3A_1036], %broadcast_in_dim3A_3 {strides = array<i32>} : memref<64x32xi32, #tpu.memory_space<vmem>>, vector<16xi32>,
        %swap3A_1038 = arith.constant 63 : i32
        %swap3A_1039 = arith.index_cast %swap3A_1038 : i32 to index
        %swap3A_1040 = arith.constant 0 : index
        %swap3A_1041 = tpu.vector_load %arg7[%swap3A_1039, %swap3A_1040] {strides = array<i32>} : memref<64x32xi32, #tpu.memory_space<vmem>>, vector<16xi32>,
        tpu.vector_store %arg7[%swap3A_1039, %swap3A_1040], %broadcast_in_dim3A_1 {strides = array<i32>} : memref<64x32xi32, #tpu.memory_space<vmem>>, vector<16xi32>,
        %swap3A_1042 = arith.constant 63 : i32
        %swap3A_1043 = arith.index_cast %swap3A_1042 : i32 to index
        %swap3A_1044 = arith.constant 0 : index
        %swap3A_1045 = tpu.vector_load %arg8[%swap3A_1043, %swap3A_1044] {strides = array<i32>} : memref<64x32xi32, #tpu.memory_space<vmem>>, vector<16xi32>,
        tpu.vector_store %arg8[%swap3A_1043, %swap3A_1044], %broadcast_in_dim3A_3 {strides = array<i32>} : memref<64x32xi32, #tpu.memory_space<vmem>>, vector<16xi32>,
        %swap3A_1046 = arith.constant 63 : i32
        %swap3A_1047 = arith.index_cast %swap3A_1046 : i32 to index
        %swap3A_1048 = arith.constant 16 : index
        %swap3A_1049 = tpu.vector_load %arg7[%swap3A_1047, %swap3A_1048] {strides = array<i32>} : memref<64x32xi32, #tpu.memory_space<vmem>>, vector<16xi32>,
        tpu.vector_store %arg7[%swap3A_1047, %swap3A_1048], %broadcast_in_dim3A_1 {strides = array<i32>} : memref<64x32xi32, #tpu.memory_space<vmem>>, vector<16xi32>,
        %swap3A_1050 = arith.constant 63 : i32
        %swap3A_1051 = arith.index_cast %swap3A_1050 : i32 to index
        %swap3A_1052 = arith.constant 16 : index
        %swap3A_1053 = tpu.vector_load %arg8[%swap3A_1051, %swap3A_1052] {strides = array<i32>} : memref<64x32xi32, #tpu.memory_space<vmem>>, vector<16xi32>,
        tpu.vector_store %arg8[%swap3A_1051, %swap3A_1052], %broadcast_in_dim3A_3 {strides = array<i32>} : memref<64x32xi32, #tpu.memory_space<vmem>>, vector<16xi32>,
        %scan3A_1054 = arith.constant 0 : i32
        %scan3A_1055 = arith.constant 125 : i32
        %scan3A_1056 = arith.addi %scan3A_1054, %scan3A_1055 : i32
        %scan3A_1057 = arith.constant 1 : i32
        %scan3A_1058 = scf.for %scan3A_1092 = %scan3A_1054 to %scan3A_1056 step %scan3A_1057 iter_args(%scan3A_1093 = %broadcast_in_dim3A_3) -> (vector<16xi32>)  : i32 {
          %mul3A_1094 = arith.constant 16 : i32
          %mul3A_1095 = arith.muli %scan3A_1092, %mul3A_1094 : i32
          %get3A = arith.index_cast %mul3A_1095 : i32 to index
          %get3A_1096 = tpu.vector_load %arg6[%get3A] {strides = array<i32>} : memref<2000xi32, #tpu.memory_space<vmem>>, vector<16xi32>,
          %sub3A_1097 = vector.broadcast %add3A : i32 to vector<16xi32>
          %sub3A_1098 = arith.subi %get3A_1096, %sub3A_1097 : vector<16xi32>
          %ge3A_1099 = arith.constant 0 : i32
          %ge3A_1100 = vector.broadcast %ge3A_1099 : i32 to vector<16xi32>
          %ge3A_1101 = arith.cmpi sge, %sub3A_1098, %ge3A_1100 : vector<16xi32>
          %lt3A = arith.constant 12504 : i32
          %lt3A_1102 = vector.broadcast %lt3A : i32 to vector<16xi32>
          %lt3A_1103 = arith.cmpi slt, %sub3A_1098, %lt3A_1102 : vector<16xi32>
          %and3A = arith.andi %ge3A_1101, %lt3A_1103 : vector<16xi1>
          %jit3A = arith.constant 1 : i32
          %jit3A_1104 = arith.constant 0 : i32
          %broadcast_in_dim3A_1105 = vector.broadcast %jit3A : i32 to vector<16xi32>
          %broadcast_in_dim3A_1106 = vector.broadcast %jit3A_1104 : i32 to vector<16xi32>
          %select_n3A = arith.select %and3A, %broadcast_in_dim3A_1105, %broadcast_in_dim3A_1106 : vector<16xi1>, vector<16xi32>
          %sub3A_1107 = arith.constant 1 : i32
          %sub3A_1108 = vector.broadcast %sub3A_1107 : i32 to vector<16xi32>
          %sub3A_1109 = arith.subi %iota3A, %sub3A_1108 : vector<16xi32>
          %max3A = arith.constant 0 : i32
          %max3A_1110 = vector.broadcast %max3A : i32 to vector<16xi32>
          %max3A_1111 = arith.maxsi %sub3A_1109, %max3A_1110 : vector<16xi32>
          %lt3A_1112 = arith.constant 0 : i32
          %lt3A_1113 = vector.broadcast %lt3A_1112 : i32 to vector<16xi32>
          %lt3A_1114 = arith.cmpi slt, %max3A_1111, %lt3A_1113 : vector<16xi32>
          %add3A_1115 = arith.constant 16 : i32
          %add3A_1116 = vector.broadcast %add3A_1115 : i32 to vector<16xi32>
          %add3A_1117 = arith.addi %max3A_1111, %add3A_1116 : vector<16xi32>
          %select_n3A_1118 = arith.select %lt3A_1114, %add3A_1117, %max3A_1111 : vector<16xi1>, vector<16xi32>
          %broadcast_in_dim3A_1119 = vector.shape_cast %select_n3A_1118 : vector<16xi32> to vector<16x1xi32>
          %gather3A = vector.shape_cast %broadcast_in_dim3A_1119 : vector<16x1xi32> to vector<16xi32>
          %gather3A_1120 = tpu.dynamic_gather %select_n3A[%gather3A] in [0] : vector<16xi32>, vector<16xi32> -> vector<16xi32>
          %ge3A_1121 = arith.constant 1 : i32
          %ge3A_1122 = vector.broadcast %ge3A_1121 : i32 to vector<16xi32>
          %ge3A_1123 = arith.cmpi sge, %iota3A, %ge3A_1122 : vector<16xi32>
          %jit3A_1124 = arith.constant 0 : i32
          %broadcast_in_dim3A_1125 = vector.broadcast %jit3A_1124 : i32 to vector<16xi32>
          %select_n3A_1126 = arith.select %ge3A_1123, %gather3A_1120, %broadcast_in_dim3A_1125 : vector<16xi1>, vector<16xi32>
          %add3A_1127 = arith.addi %select_n3A, %select_n3A_1126 : vector<16xi32>
          %sub3A_1128 = arith.constant 2 : i32
          %sub3A_1129 = vector.broadcast %sub3A_1128 : i32 to vector<16xi32>
          %sub3A_1130 = arith.subi %iota3A, %sub3A_1129 : vector<16xi32>
          %max3A_1131 = arith.constant 0 : i32
          %max3A_1132 = vector.broadcast %max3A_1131 : i32 to vector<16xi32>
          %max3A_1133 = arith.maxsi %sub3A_1130, %max3A_1132 : vector<16xi32>
          %lt3A_1134 = arith.constant 0 : i32
          %lt3A_1135 = vector.broadcast %lt3A_1134 : i32 to vector<16xi32>
          %lt3A_1136 = arith.cmpi slt, %max3A_1133, %lt3A_1135 : vector<16xi32>
          %add3A_1137 = arith.constant 16 : i32
          %add3A_1138 = vector.broadcast %add3A_1137 : i32 to vector<16xi32>
          %add3A_1139 = arith.addi %max3A_1133, %add3A_1138 : vector<16xi32>
          %select_n3A_1140 = arith.select %lt3A_1136, %add3A_1139, %max3A_1133 : vector<16xi1>, vector<16xi32>
          %broadcast_in_dim3A_1141 = vector.shape_cast %select_n3A_1140 : vector<16xi32> to vector<16x1xi32>
          %gather3A_1142 = vector.shape_cast %broadcast_in_dim3A_1141 : vector<16x1xi32> to vector<16xi32>
          %gather3A_1143 = tpu.dynamic_gather %add3A_1127[%gather3A_1142] in [0] : vector<16xi32>, vector<16xi32> -> vector<16xi32>
          %ge3A_1144 = arith.constant 2 : i32
          %ge3A_1145 = vector.broadcast %ge3A_1144 : i32 to vector<16xi32>
          %ge3A_1146 = arith.cmpi sge, %iota3A, %ge3A_1145 : vector<16xi32>
          %jit3A_1147 = arith.constant 0 : i32
          %broadcast_in_dim3A_1148 = vector.broadcast %jit3A_1147 : i32 to vector<16xi32>
          %select_n3A_1149 = arith.select %ge3A_1146, %gather3A_1143, %broadcast_in_dim3A_1148 : vector<16xi1>, vector<16xi32>
          %add3A_1150 = arith.addi %add3A_1127, %select_n3A_1149 : vector<16xi32>
          %sub3A_1151 = arith.constant 4 : i32
          %sub3A_1152 = vector.broadcast %sub3A_1151 : i32 to vector<16xi32>
          %sub3A_1153 = arith.subi %iota3A, %sub3A_1152 : vector<16xi32>
          %max3A_1154 = arith.constant 0 : i32
          %max3A_1155 = vector.broadcast %max3A_1154 : i32 to vector<16xi32>
          %max3A_1156 = arith.maxsi %sub3A_1153, %max3A_1155 : vector<16xi32>
          %lt3A_1157 = arith.constant 0 : i32
          %lt3A_1158 = vector.broadcast %lt3A_1157 : i32 to vector<16xi32>
          %lt3A_1159 = arith.cmpi slt, %max3A_1156, %lt3A_1158 : vector<16xi32>
          %add3A_1160 = arith.constant 16 : i32
          %add3A_1161 = vector.broadcast %add3A_1160 : i32 to vector<16xi32>
          %add3A_1162 = arith.addi %max3A_1156, %add3A_1161 : vector<16xi32>
          %select_n3A_1163 = arith.select %lt3A_1159, %add3A_1162, %max3A_1156 : vector<16xi1>, vector<16xi32>
          %broadcast_in_dim3A_1164 = vector.shape_cast %select_n3A_1163 : vector<16xi32> to vector<16x1xi32>
          %gather3A_1165 = vector.shape_cast %broadcast_in_dim3A_1164 : vector<16x1xi32> to vector<16xi32>
          %gather3A_1166 = tpu.dynamic_gather %add3A_1150[%gather3A_1165] in [0] : vector<16xi32>, vector<16xi32> -> vector<16xi32>
          %ge3A_1167 = arith.constant 4 : i32
          %ge3A_1168 = vector.broadcast %ge3A_1167 : i32 to vector<16xi32>
          %ge3A_1169 = arith.cmpi sge, %iota3A, %ge3A_1168 : vector<16xi32>
          %jit3A_1170 = arith.constant 0 : i32
          %broadcast_in_dim3A_1171 = vector.broadcast %jit3A_1170 : i32 to vector<16xi32>
          %select_n3A_1172 = arith.select %ge3A_1169, %gather3A_1166, %broadcast_in_dim3A_1171 : vector<16xi1>, vector<16xi32>
          %add3A_1173 = arith.addi %add3A_1150, %select_n3A_1172 : vector<16xi32>
          %sub3A_1174 = arith.constant 8 : i32
          %sub3A_1175 = vector.broadcast %sub3A_1174 : i32 to vector<16xi32>
          %sub3A_1176 = arith.subi %iota3A, %sub3A_1175 : vector<16xi32>
          %max3A_1177 = arith.constant 0 : i32
          %max3A_1178 = vector.broadcast %max3A_1177 : i32 to vector<16xi32>
          %max3A_1179 = arith.maxsi %sub3A_1176, %max3A_1178 : vector<16xi32>
          %lt3A_1180 = arith.constant 0 : i32
          %lt3A_1181 = vector.broadcast %lt3A_1180 : i32 to vector<16xi32>
          %lt3A_1182 = arith.cmpi slt, %max3A_1179, %lt3A_1181 : vector<16xi32>
          %add3A_1183 = arith.constant 16 : i32
          %add3A_1184 = vector.broadcast %add3A_1183 : i32 to vector<16xi32>
          %add3A_1185 = arith.addi %max3A_1179, %add3A_1184 : vector<16xi32>
          %select_n3A_1186 = arith.select %lt3A_1182, %add3A_1185, %max3A_1179 : vector<16xi1>, vector<16xi32>
          %broadcast_in_dim3A_1187 = vector.shape_cast %select_n3A_1186 : vector<16xi32> to vector<16x1xi32>
          %gather3A_1188 = vector.shape_cast %broadcast_in_dim3A_1187 : vector<16x1xi32> to vector<16xi32>
          %gather3A_1189 = tpu.dynamic_gather %add3A_1173[%gather3A_1188] in [0] : vector<16xi32>, vector<16xi32> -> vector<16xi32>
          %ge3A_1190 = arith.constant 8 : i32
          %ge3A_1191 = vector.broadcast %ge3A_1190 : i32 to vector<16xi32>
          %ge3A_1192 = arith.cmpi sge, %iota3A, %ge3A_1191 : vector<16xi32>
          %jit3A_1193 = arith.constant 0 : i32
          %broadcast_in_dim3A_1194 = vector.broadcast %jit3A_1193 : i32 to vector<16xi32>
          %select_n3A_1195 = arith.select %ge3A_1192, %gather3A_1189, %broadcast_in_dim3A_1194 : vector<16xi1>, vector<16xi32>
          %add3A_1196 = arith.addi %add3A_1173, %select_n3A_1195 : vector<16xi32>
          %add3A_1197 = arith.addi %scan3A_1093, %add3A_1196 : vector<16xi32>
          %sub3A_1198 = arith.constant 1 : i32
          %sub3A_1199 = vector.broadcast %sub3A_1198 : i32 to vector<16xi32>
          %sub3A_1200 = arith.subi %add3A_1197, %sub3A_1199 : vector<16xi32>
          %shift_right_logical3A_1201 = arith.constant 5 : i32
          %shift_right_logical3A_1202 = vector.broadcast %shift_right_logical3A_1201 : i32 to vector<16xi32>
          %shift_right_logical3A_1203 = arith.shrui %sub3A_1200, %shift_right_logical3A_1202 : vector<16xi32>
          %and3A_1204 = arith.constant 31 : i32
          %and3A_1205 = vector.broadcast %and3A_1204 : i32 to vector<16xi32>
          %and3A_1206 = arith.andi %sub3A_1200, %and3A_1205 : vector<16xi32>
          tpu.vector_store_idx %arg7[%shift_right_logical3A_1203, %and3A_1206], %sub3A_1098 masked %and3A : memref<64x32xi32, #tpu.memory_space<vmem>>[vector<16xi32>, vector<16xi32>], vector<16xi32>, vector<16xi1>
          %mul3A_1207 = arith.constant 2000 : i32
          %mul3A_1208 = arith.muli %scan3A_27, %mul3A_1207 : i32
          %add3A_1209 = arith.addi %mul3A_0, %mul3A_1208 : i32
          %mul3A_1210 = arith.constant 16 : i32
          %mul3A_1211 = arith.muli %scan3A_1092, %mul3A_1210 : i32
          %add3A_1212 = arith.addi %add3A_1209, %mul3A_1211 : i32
          %broadcast_in_dim3A_1213 = vector.broadcast %add3A_1212 : i32 to vector<16xi32>
          %add3A_1214 = arith.addi %broadcast_in_dim3A_1213, %iota3A : vector<16xi32>
          tpu.vector_store_idx %arg8[%shift_right_logical3A_1203, %and3A_1206], %add3A_1214 masked %and3A : memref<64x32xi32, #tpu.memory_space<vmem>>[vector<16xi32>, vector<16xi32>], vector<16xi32>, vector<16xi1>
          %slice3A_1215 = vector.extract_strided_slice %add3A_1196 {offsets = [15], sizes = [1], strides = [1]} : vector<16xi32> to vector<1xi32>
          %squeeze3A_1216 = vector.extract %slice3A_1215[0] : i32 from vector<1xi32>
          %add3A_1217 = vector.broadcast %squeeze3A_1216 : i32 to vector<16xi32>
          %add3A_1218 = arith.addi %scan3A_1093, %add3A_1217 : vector<16xi32>
          scf.yield %add3A_1218 : vector<16xi32>
        }
        %scan3A_1059 = arith.constant 125 : i32
        %slice3A = vector.extract_strided_slice %scan3A_1058 {offsets = [0], sizes = [1], strides = [1]} : vector<16xi32> to vector<1xi32>
        %squeeze3A = vector.extract %slice3A[0] : i32 from vector<1xi32>
        %add3A_1060 = arith.constant 32 : i32
        %add3A_1061 = arith.addi %squeeze3A, %add3A_1060 : i32
        %sub3A = arith.constant 1 : i32
        %sub3A_1062 = arith.subi %add3A_1061, %sub3A : i32
        %shift_right_logical3A = arith.constant 5 : i32
        %shift_right_logical3A_1063 = arith.shrui %sub3A_1062, %shift_right_logical3A : i32
        %gt3A = arith.constant 0 : i32
        %gt3A_1064 = arith.cmpi sgt, %shift_right_logical3A_1063, %gt3A : i32
        %convert_element_type3A_1065 = arith.extui %gt3A_1064 : i1 to i32
        %cond3A_1066 = arith.constant 0 : i32
        %cond3A_1067 = arith.cmpi ne, %convert_element_type3A_1065, %cond3A_1066 : i32
        scf.if %cond3A_1067 {
          %dma_start3A = arith.constant 0 : i32
          %dma_start3A_1092 = arith.constant 0 : i32
          %dma_start3A_1093 = tpu.memref_slice %arg8[%dma_start3A, %dma_start3A_1092] : memref<64x32xi32, #tpu.memory_space<vmem>> -> memref<1x32xi32, #tpu.memory_space<vmem>>
          %dma_start3A_1094 = tpu.memref_squeeze %dma_start3A_1093 : memref<1x32xi32, #tpu.memory_space<vmem>> -> memref<32xi32, #tpu.memory_space<vmem>>
          %dma_start3A_1095 = arith.constant 0 : i32
          %dma_start3A_1096 = arith.constant 0 : i32
          %dma_start3A_1097 = tpu.memref_slice %arg3[%dma_start3A_1095, %dma_start3A_1096] : memref<800000x128xf32, #tpu.memory_space<hbm>> -> memref<800000x128xf32, #tpu.memory_space<hbm>>
          tpu.enqueue_indirect_dma source(%dma_start3A_1097 : memref<800000x128xf32, #tpu.memory_space<hbm>>) target(%arg9 : memref<32x128xf32, #tpu.memory_space<vmem>>) offsets(%dma_start3A_1094 : memref<32xi32, #tpu.memory_space<vmem>>) semaphore(%arg14 : memref<!tpu.dma_semaphore, #tpu.memory_space<semaphore_mem>>)
        } else {
        }
        %gt3A_1068 = arith.constant 1 : i32
        %gt3A_1069 = arith.cmpi sgt, %shift_right_logical3A_1063, %gt3A_1068 : i32
        %convert_element_type3A_1070 = arith.extui %gt3A_1069 : i1 to i32
        %cond3A_1071 = arith.constant 0 : i32
        %cond3A_1072 = arith.cmpi ne, %convert_element_type3A_1070, %cond3A_1071 : i32
        scf.if %cond3A_1072 {
          %dma_start3A = arith.constant 1 : i32
          %dma_start3A_1092 = arith.constant 0 : i32
          %dma_start3A_1093 = tpu.memref_slice %arg8[%dma_start3A, %dma_start3A_1092] : memref<64x32xi32, #tpu.memory_space<vmem>> -> memref<1x32xi32, #tpu.memory_space<vmem>>
          %dma_start3A_1094 = tpu.memref_squeeze %dma_start3A_1093 : memref<1x32xi32, #tpu.memory_space<vmem>> -> memref<32xi32, #tpu.memory_space<vmem>>
          %dma_start3A_1095 = arith.constant 0 : i32
          %dma_start3A_1096 = arith.constant 0 : i32
          %dma_start3A_1097 = tpu.memref_slice %arg3[%dma_start3A_1095, %dma_start3A_1096] : memref<800000x128xf32, #tpu.memory_space<hbm>> -> memref<800000x128xf32, #tpu.memory_space<hbm>>
          tpu.enqueue_indirect_dma source(%dma_start3A_1097 : memref<800000x128xf32, #tpu.memory_space<hbm>>) target(%arg10 : memref<32x128xf32, #tpu.memory_space<vmem>>) offsets(%dma_start3A_1094 : memref<32xi32, #tpu.memory_space<vmem>>) semaphore(%arg15 : memref<!tpu.dma_semaphore, #tpu.memory_space<semaphore_mem>>)
        } else {
        }
        %scan3A_1073 = arith.constant 0 : i32
        %scan3A_1074 = arith.constant 22 : i32
        %scan3A_1075 = arith.addi %scan3A_1073, %scan3A_1074 : i32
        %scan3A_1076 = arith.constant 1 : i32
        scf.for %scan3A_1092 = %scan3A_1073 to %scan3A_1075 step %scan3A_1076  : i32 {
          %mul3A_1093 = arith.constant 3 : i32
          %mul3A_1094 = arith.muli %scan3A_1092, %mul3A_1093 : i32
          %add3A_1095 = arith.constant 0 : i32
          %add3A_1096 = arith.addi %mul3A_1094, %add3A_1095 : i32
          %lt3A = arith.cmpi slt, %add3A_1096, %shift_right_logical3A_1063 : i32
          %convert_element_type3A_1097 = arith.extui %lt3A : i1 to i32
          %cond3A_1098 = arith.constant 0 : i32
          %cond3A_1099 = arith.cmpi ne, %convert_element_type3A_1097, %cond3A_1098 : i32
          scf.if %cond3A_1099 {
            %dma_wait3A = arith.constant 0 : i32
            %dma_wait3A_1116 = tpu.memref_slice %arg8[%add3A_1096, %dma_wait3A] : memref<64x32xi32, #tpu.memory_space<vmem>> -> memref<1x32xi32, #tpu.memory_space<vmem>>
            %dma_wait3A_1117 = tpu.memref_squeeze %dma_wait3A_1116 : memref<1x32xi32, #tpu.memory_space<vmem>> -> memref<32xi32, #tpu.memory_space<vmem>>
            %dma_wait3A_1118 = arith.constant 0 : i32
            %dma_wait3A_1119 = arith.constant 0 : i32
            %dma_wait3A_1120 = tpu.memref_slice %arg3[%dma_wait3A_1118, %dma_wait3A_1119] : memref<800000x128xf32, #tpu.memory_space<hbm>> -> memref<800000x128xf32, #tpu.memory_space<hbm>>
            tpu.wait_indirect_dma semaphore(%arg14 : memref<!tpu.dma_semaphore, #tpu.memory_space<semaphore_mem>>) src(%dma_wait3A_1120 : memref<800000x128xf32, #tpu.memory_space<hbm>>) dst(%arg9 : memref<32x128xf32, #tpu.memory_space<vmem>>)
            %add3A_1121 = arith.constant 2 : i32
            %add3A_1122 = arith.addi %add3A_1096, %add3A_1121 : i32
            %lt3A_1123 = arith.cmpi slt, %add3A_1122, %shift_right_logical3A_1063 : i32
            %convert_element_type3A_1124 = arith.extui %lt3A_1123 : i1 to i32
            %cond3A_1125 = arith.constant 0 : i32
            %cond3A_1126 = arith.cmpi ne, %convert_element_type3A_1124, %cond3A_1125 : i32
            scf.if %cond3A_1126 {
              %ge3A_1132 = arith.constant 1 : i32
              %ge3A_1133 = arith.cmpi sge, %add3A_1096, %ge3A_1132 : i32
              %convert_element_type3A_1134 = arith.extui %ge3A_1133 : i1 to i32
              %cond3A_1135 = arith.constant 0 : i32
              %cond3A_1136 = arith.cmpi ne, %convert_element_type3A_1134, %cond3A_1135 : i32
              scf.if %cond3A_1136 {
                %sub3A_1145 = arith.constant 1 : i32
                %sub3A_1146 = arith.subi %add3A_1096, %sub3A_1145 : i32
                %dma_wait3A_1147 = arith.constant 0 : i32
                %dma_wait3A_1148 = tpu.memref_slice %arg7[%sub3A_1146, %dma_wait3A_1147] : memref<64x32xi32, #tpu.memory_space<vmem>> -> memref<1x32xi32, #tpu.memory_space<vmem>>
                %dma_wait3A_1149 = tpu.memref_squeeze %dma_wait3A_1148 : memref<1x32xi32, #tpu.memory_space<vmem>> -> memref<32xi32, #tpu.memory_space<vmem>>
                %dma_wait3A_1150 = arith.constant 0 : i32
                %dma_wait3A_1151 = arith.constant 0 : i32
                %dma_wait3A_1152 = tpu.memref_slice %arg12[%dma_wait3A_1150, %dma_wait3A_1151] : memref<12512x128xf32, #tpu.memory_space<vmem_shared>> -> memref<12512x128xf32, #tpu.memory_space<vmem_shared>>
                tpu.wait_indirect_dma semaphore(%arg19 : memref<!tpu.dma_semaphore, #tpu.memory_space<semaphore_mem>>) src(%arg11 : memref<32x128xf32, #tpu.memory_space<vmem>>) dst(%dma_wait3A_1152 : memref<12512x128xf32, #tpu.memory_space<vmem_shared>>)
              } else {
              }
              %add3A_1137 = arith.constant 2 : i32
              %add3A_1138 = arith.addi %add3A_1096, %add3A_1137 : i32
              %dma_start3A_1139 = arith.constant 0 : i32
              %dma_start3A_1140 = tpu.memref_slice %arg8[%add3A_1138, %dma_start3A_1139] : memref<64x32xi32, #tpu.memory_space<vmem>> -> memref<1x32xi32, #tpu.memory_space<vmem>>
              %dma_start3A_1141 = tpu.memref_squeeze %dma_start3A_1140 : memref<1x32xi32, #tpu.memory_space<vmem>> -> memref<32xi32, #tpu.memory_space<vmem>>
              %dma_start3A_1142 = arith.constant 0 : i32
              %dma_start3A_1143 = arith.constant 0 : i32
              %dma_start3A_1144 = tpu.memref_slice %arg3[%dma_start3A_1142, %dma_start3A_1143] : memref<800000x128xf32, #tpu.memory_space<hbm>> -> memref<800000x128xf32, #tpu.memory_space<hbm>>
              tpu.enqueue_indirect_dma source(%dma_start3A_1144 : memref<800000x128xf32, #tpu.memory_space<hbm>>) target(%arg11 : memref<32x128xf32, #tpu.memory_space<vmem>>) offsets(%dma_start3A_1141 : memref<32xi32, #tpu.memory_space<vmem>>) semaphore(%arg16 : memref<!tpu.dma_semaphore, #tpu.memory_space<semaphore_mem>>)
            } else {
            }
            %dma_start3A = arith.constant 0 : i32
            %dma_start3A_1127 = tpu.memref_slice %arg7[%add3A_1096, %dma_start3A] : memref<64x32xi32, #tpu.memory_space<vmem>> -> memref<1x32xi32, #tpu.memory_space<vmem>>
            %dma_start3A_1128 = tpu.memref_squeeze %dma_start3A_1127 : memref<1x32xi32, #tpu.memory_space<vmem>> -> memref<32xi32, #tpu.memory_space<vmem>>
            %dma_start3A_1129 = arith.constant 0 : i32
            %dma_start3A_1130 = arith.constant 0 : i32
            %dma_start3A_1131 = tpu.memref_slice %arg12[%dma_start3A_1129, %dma_start3A_1130] : memref<12512x128xf32, #tpu.memory_space<vmem_shared>> -> memref<12512x128xf32, #tpu.memory_space<vmem_shared>>
            tpu.enqueue_indirect_dma source(%arg9 : memref<32x128xf32, #tpu.memory_space<vmem>>) target(%dma_start3A_1131 : memref<12512x128xf32, #tpu.memory_space<vmem_shared>>) offsets(%dma_start3A_1128 : memref<32xi32, #tpu.memory_space<vmem>>) semaphore(%arg17 : memref<!tpu.dma_semaphore, #tpu.memory_space<semaphore_mem>>) {add = true}
          } else {
          }
          %mul3A_1100 = arith.constant 3 : i32
          %mul3A_1101 = arith.muli %scan3A_1092, %mul3A_1100 : i32
          %add3A_1102 = arith.constant 1 : i32
          %add3A_1103 = arith.addi %mul3A_1101, %add3A_1102 : i32
          %lt3A_1104 = arith.cmpi slt, %add3A_1103, %shift_right_logical3A_1063 : i32
          %convert_element_type3A_1105 = arith.extui %lt3A_1104 : i1 to i32
          %cond3A_1106 = arith.constant 0 : i32
          %cond3A_1107 = arith.cmpi ne, %convert_element_type3A_1105, %cond3A_1106 : i32
          scf.if %cond3A_1107 {
            %dma_wait3A = arith.constant 0 : i32
            %dma_wait3A_1116 = tpu.memref_slice %arg8[%add3A_1103, %dma_wait3A] : memref<64x32xi32, #tpu.memory_space<vmem>> -> memref<1x32xi32, #tpu.memory_space<vmem>>
            %dma_wait3A_1117 = tpu.memref_squeeze %dma_wait3A_1116 : memref<1x32xi32, #tpu.memory_space<vmem>> -> memref<32xi32, #tpu.memory_space<vmem>>
            %dma_wait3A_1118 = arith.constant 0 : i32
            %dma_wait3A_1119 = arith.constant 0 : i32
            %dma_wait3A_1120 = tpu.memref_slice %arg3[%dma_wait3A_1118, %dma_wait3A_1119] : memref<800000x128xf32, #tpu.memory_space<hbm>> -> memref<800000x128xf32, #tpu.memory_space<hbm>>
            tpu.wait_indirect_dma semaphore(%arg15 : memref<!tpu.dma_semaphore, #tpu.memory_space<semaphore_mem>>) src(%dma_wait3A_1120 : memref<800000x128xf32, #tpu.memory_space<hbm>>) dst(%arg10 : memref<32x128xf32, #tpu.memory_space<vmem>>)
            %add3A_1121 = arith.constant 2 : i32
            %add3A_1122 = arith.addi %add3A_1103, %add3A_1121 : i32
            %lt3A_1123 = arith.cmpi slt, %add3A_1122, %shift_right_logical3A_1063 : i32
            %convert_element_type3A_1124 = arith.extui %lt3A_1123 : i1 to i32
            %cond3A_1125 = arith.constant 0 : i32
            %cond3A_1126 = arith.cmpi ne, %convert_element_type3A_1124, %cond3A_1125 : i32
            scf.if %cond3A_1126 {
              %ge3A_1132 = arith.constant 1 : i32
              %ge3A_1133 = arith.cmpi sge, %add3A_1103, %ge3A_1132 : i32
              %convert_element_type3A_1134 = arith.extui %ge3A_1133 : i1 to i32
              %cond3A_1135 = arith.constant 0 : i32
              %cond3A_1136 = arith.cmpi ne, %convert_element_type3A_1134, %cond3A_1135 : i32
              scf.if %cond3A_1136 {
                %sub3A_1145 = arith.constant 1 : i32
                %sub3A_1146 = arith.subi %add3A_1103, %sub3A_1145 : i32
                %dma_wait3A_1147 = arith.constant 0 : i32
                %dma_wait3A_1148 = tpu.memref_slice %arg7[%sub3A_1146, %dma_wait3A_1147] : memref<64x32xi32, #tpu.memory_space<vmem>> -> memref<1x32xi32, #tpu.memory_space<vmem>>
                %dma_wait3A_1149 = tpu.memref_squeeze %dma_wait3A_1148 : memref<1x32xi32, #tpu.memory_space<vmem>> -> memref<32xi32, #tpu.memory_space<vmem>>
                %dma_wait3A_1150 = arith.constant 0 : i32
                %dma_wait3A_1151 = arith.constant 0 : i32
                %dma_wait3A_1152 = tpu.memref_slice %arg12[%dma_wait3A_1150, %dma_wait3A_1151] : memref<12512x128xf32, #tpu.memory_space<vmem_shared>> -> memref<12512x128xf32, #tpu.memory_space<vmem_shared>>
                tpu.wait_indirect_dma semaphore(%arg17 : memref<!tpu.dma_semaphore, #tpu.memory_space<semaphore_mem>>) src(%arg9 : memref<32x128xf32, #tpu.memory_space<vmem>>) dst(%dma_wait3A_1152 : memref<12512x128xf32, #tpu.memory_space<vmem_shared>>)
              } else {
              }
              %add3A_1137 = arith.constant 2 : i32
              %add3A_1138 = arith.addi %add3A_1103, %add3A_1137 : i32
              %dma_start3A_1139 = arith.constant 0 : i32
              %dma_start3A_1140 = tpu.memref_slice %arg8[%add3A_1138, %dma_start3A_1139] : memref<64x32xi32, #tpu.memory_space<vmem>> -> memref<1x32xi32, #tpu.memory_space<vmem>>
              %dma_start3A_1141 = tpu.memref_squeeze %dma_start3A_1140 : memref<1x32xi32, #tpu.memory_space<vmem>> -> memref<32xi32, #tpu.memory_space<vmem>>
              %dma_start3A_1142 = arith.constant 0 : i32
              %dma_start3A_1143 = arith.constant 0 : i32
              %dma_start3A_1144 = tpu.memref_slice %arg3[%dma_start3A_1142, %dma_start3A_1143] : memref<800000x128xf32, #tpu.memory_space<hbm>> -> memref<800000x128xf32, #tpu.memory_space<hbm>>
              tpu.enqueue_indirect_dma source(%dma_start3A_1144 : memref<800000x128xf32, #tpu.memory_space<hbm>>) target(%arg9 : memref<32x128xf32, #tpu.memory_space<vmem>>) offsets(%dma_start3A_1141 : memref<32xi32, #tpu.memory_space<vmem>>) semaphore(%arg14 : memref<!tpu.dma_semaphore, #tpu.memory_space<semaphore_mem>>)
            } else {
            }
            %dma_start3A = arith.constant 0 : i32
            %dma_start3A_1127 = tpu.memref_slice %arg7[%add3A_1103, %dma_start3A] : memref<64x32xi32, #tpu.memory_space<vmem>> -> memref<1x32xi32, #tpu.memory_space<vmem>>
            %dma_start3A_1128 = tpu.memref_squeeze %dma_start3A_1127 : memref<1x32xi32, #tpu.memory_space<vmem>> -> memref<32xi32, #tpu.memory_space<vmem>>
            %dma_start3A_1129 = arith.constant 0 : i32
            %dma_start3A_1130 = arith.constant 0 : i32
            %dma_start3A_1131 = tpu.memref_slice %arg12[%dma_start3A_1129, %dma_start3A_1130] : memref<12512x128xf32, #tpu.memory_space<vmem_shared>> -> memref<12512x128xf32, #tpu.memory_space<vmem_shared>>
            tpu.enqueue_indirect_dma source(%arg10 : memref<32x128xf32, #tpu.memory_space<vmem>>) target(%dma_start3A_1131 : memref<12512x128xf32, #tpu.memory_space<vmem_shared>>) offsets(%dma_start3A_1128 : memref<32xi32, #tpu.memory_space<vmem>>) semaphore(%arg18 : memref<!tpu.dma_semaphore, #tpu.memory_space<semaphore_mem>>) {add = true}
          } else {
          }
          %mul3A_1108 = arith.constant 3 : i32
          %mul3A_1109 = arith.muli %scan3A_1092, %mul3A_1108 : i32
          %add3A_1110 = arith.constant 2 : i32
          %add3A_1111 = arith.addi %mul3A_1109, %add3A_1110 : i32
          %lt3A_1112 = arith.cmpi slt, %add3A_1111, %shift_right_logical3A_1063 : i32
          %convert_element_type3A_1113 = arith.extui %lt3A_1112 : i1 to i32
          %cond3A_1114 = arith.constant 0 : i32
          %cond3A_1115 = arith.cmpi ne, %convert_element_type3A_1113, %cond3A_1114 : i32
          scf.if %cond3A_1115 {
            %dma_wait3A = arith.constant 0 : i32
            %dma_wait3A_1116 = tpu.memref_slice %arg8[%add3A_1111, %dma_wait3A] : memref<64x32xi32, #tpu.memory_space<vmem>> -> memref<1x32xi32, #tpu.memory_space<vmem>>
            %dma_wait3A_1117 = tpu.memref_squeeze %dma_wait3A_1116 : memref<1x32xi32, #tpu.memory_space<vmem>> -> memref<32xi32, #tpu.memory_space<vmem>>
            %dma_wait3A_1118 = arith.constant 0 : i32
            %dma_wait3A_1119 = arith.constant 0 : i32
            %dma_wait3A_1120 = tpu.memref_slice %arg3[%dma_wait3A_1118, %dma_wait3A_1119] : memref<800000x128xf32, #tpu.memory_space<hbm>> -> memref<800000x128xf32, #tpu.memory_space<hbm>>
            tpu.wait_indirect_dma semaphore(%arg16 : memref<!tpu.dma_semaphore, #tpu.memory_space<semaphore_mem>>) src(%dma_wait3A_1120 : memref<800000x128xf32, #tpu.memory_space<hbm>>) dst(%arg11 : memref<32x128xf32, #tpu.memory_space<vmem>>)
            %add3A_1121 = arith.constant 2 : i32
            %add3A_1122 = arith.addi %add3A_1111, %add3A_1121 : i32
            %lt3A_1123 = arith.cmpi slt, %add3A_1122, %shift_right_logical3A_1063 : i32
            %convert_element_type3A_1124 = arith.extui %lt3A_1123 : i1 to i32
            %cond3A_1125 = arith.constant 0 : i32
            %cond3A_1126 = arith.cmpi ne, %convert_element_type3A_1124, %cond3A_1125 : i32
            scf.if %cond3A_1126 {
              %ge3A_1132 = arith.constant 1 : i32
              %ge3A_1133 = arith.cmpi sge, %add3A_1111, %ge3A_1132 : i32
              %convert_element_type3A_1134 = arith.extui %ge3A_1133 : i1 to i32
              %cond3A_1135 = arith.constant 0 : i32
              %cond3A_1136 = arith.cmpi ne, %convert_element_type3A_1134, %cond3A_1135 : i32
              scf.if %cond3A_1136 {
                %sub3A_1145 = arith.constant 1 : i32
                %sub3A_1146 = arith.subi %add3A_1111, %sub3A_1145 : i32
                %dma_wait3A_1147 = arith.constant 0 : i32
                %dma_wait3A_1148 = tpu.memref_slice %arg7[%sub3A_1146, %dma_wait3A_1147] : memref<64x32xi32, #tpu.memory_space<vmem>> -> memref<1x32xi32, #tpu.memory_space<vmem>>
                %dma_wait3A_1149 = tpu.memref_squeeze %dma_wait3A_1148 : memref<1x32xi32, #tpu.memory_space<vmem>> -> memref<32xi32, #tpu.memory_space<vmem>>
                %dma_wait3A_1150 = arith.constant 0 : i32
                %dma_wait3A_1151 = arith.constant 0 : i32
                %dma_wait3A_1152 = tpu.memref_slice %arg12[%dma_wait3A_1150, %dma_wait3A_1151] : memref<12512x128xf32, #tpu.memory_space<vmem_shared>> -> memref<12512x128xf32, #tpu.memory_space<vmem_shared>>
                tpu.wait_indirect_dma semaphore(%arg18 : memref<!tpu.dma_semaphore, #tpu.memory_space<semaphore_mem>>) src(%arg10 : memref<32x128xf32, #tpu.memory_space<vmem>>) dst(%dma_wait3A_1152 : memref<12512x128xf32, #tpu.memory_space<vmem_shared>>)
              } else {
              }
              %add3A_1137 = arith.constant 2 : i32
              %add3A_1138 = arith.addi %add3A_1111, %add3A_1137 : i32
              %dma_start3A_1139 = arith.constant 0 : i32
              %dma_start3A_1140 = tpu.memref_slice %arg8[%add3A_1138, %dma_start3A_1139] : memref<64x32xi32, #tpu.memory_space<vmem>> -> memref<1x32xi32, #tpu.memory_space<vmem>>
              %dma_start3A_1141 = tpu.memref_squeeze %dma_start3A_1140 : memref<1x32xi32, #tpu.memory_space<vmem>> -> memref<32xi32, #tpu.memory_space<vmem>>
              %dma_start3A_1142 = arith.constant 0 : i32
              %dma_start3A_1143 = arith.constant 0 : i32
              %dma_start3A_1144 = tpu.memref_slice %arg3[%dma_start3A_1142, %dma_start3A_1143] : memref<800000x128xf32, #tpu.memory_space<hbm>> -> memref<800000x128xf32, #tpu.memory_space<hbm>>
              tpu.enqueue_indirect_dma source(%dma_start3A_1144 : memref<800000x128xf32, #tpu.memory_space<hbm>>) target(%arg10 : memref<32x128xf32, #tpu.memory_space<vmem>>) offsets(%dma_start3A_1141 : memref<32xi32, #tpu.memory_space<vmem>>) semaphore(%arg15 : memref<!tpu.dma_semaphore, #tpu.memory_space<semaphore_mem>>)
            } else {
            }
            %dma_start3A = arith.constant 0 : i32
            %dma_start3A_1127 = tpu.memref_slice %arg7[%add3A_1111, %dma_start3A] : memref<64x32xi32, #tpu.memory_space<vmem>> -> memref<1x32xi32, #tpu.memory_space<vmem>>
            %dma_start3A_1128 = tpu.memref_squeeze %dma_start3A_1127 : memref<1x32xi32, #tpu.memory_space<vmem>> -> memref<32xi32, #tpu.memory_space<vmem>>
            %dma_start3A_1129 = arith.constant 0 : i32
            %dma_start3A_1130 = arith.constant 0 : i32
            %dma_start3A_1131 = tpu.memref_slice %arg12[%dma_start3A_1129, %dma_start3A_1130] : memref<12512x128xf32, #tpu.memory_space<vmem_shared>> -> memref<12512x128xf32, #tpu.memory_space<vmem_shared>>
            tpu.enqueue_indirect_dma source(%arg11 : memref<32x128xf32, #tpu.memory_space<vmem>>) target(%dma_start3A_1131 : memref<12512x128xf32, #tpu.memory_space<vmem_shared>>) offsets(%dma_start3A_1128 : memref<32xi32, #tpu.memory_space<vmem>>) semaphore(%arg19 : memref<!tpu.dma_semaphore, #tpu.memory_space<semaphore_mem>>) {add = true}
          } else {
          }
        }
        %scan3A_1077 = arith.constant 22 : i32
        %ge3A = arith.constant 1 : i32
        %ge3A_1078 = arith.cmpi sge, %shift_right_logical3A_1063, %ge3A : i32
        %convert_element_type3A_1079 = arith.extui %ge3A_1078 : i1 to i32
        %cond3A_1080 = arith.constant 0 : i32
        %cond3A_1081 = arith.cmpi ne, %convert_element_type3A_1079, %cond3A_1080 : i32
        scf.if %cond3A_1081 {
          %dma_wait3A = arith.constant 0 : i32
          %dma_wait3A_1092 = arith.constant 0 : i32
          %dma_wait3A_1093 = tpu.memref_slice %arg7[%dma_wait3A, %dma_wait3A_1092] : memref<64x32xi32, #tpu.memory_space<vmem>> -> memref<1x32xi32, #tpu.memory_space<vmem>>
          %dma_wait3A_1094 = tpu.memref_squeeze %dma_wait3A_1093 : memref<1x32xi32, #tpu.memory_space<vmem>> -> memref<32xi32, #tpu.memory_space<vmem>>
          %dma_wait3A_1095 = arith.constant 0 : i32
          %dma_wait3A_1096 = arith.constant 0 : i32
          %dma_wait3A_1097 = tpu.memref_slice %arg12[%dma_wait3A_1095, %dma_wait3A_1096] : memref<12512x128xf32, #tpu.memory_space<vmem_shared>> -> memref<12512x128xf32, #tpu.memory_space<vmem_shared>>
          tpu.wait_indirect_dma semaphore(%arg17 : memref<!tpu.dma_semaphore, #tpu.memory_space<semaphore_mem>>) src(%arg9 : memref<32x128xf32, #tpu.memory_space<vmem>>) dst(%dma_wait3A_1097 : memref<12512x128xf32, #tpu.memory_space<vmem_shared>>)
        } else {
        }
        %ge3A_1082 = arith.constant 2 : i32
        %ge3A_1083 = arith.cmpi sge, %shift_right_logical3A_1063, %ge3A_1082 : i32
        %convert_element_type3A_1084 = arith.extui %ge3A_1083 : i1 to i32
        %cond3A_1085 = arith.constant 0 : i32
        %cond3A_1086 = arith.cmpi ne, %convert_element_type3A_1084, %cond3A_1085 : i32
        scf.if %cond3A_1086 {
          %dma_wait3A = arith.constant 0 : i32
          %dma_wait3A_1092 = arith.constant 0 : i32
          %dma_wait3A_1093 = tpu.memref_slice %arg7[%dma_wait3A, %dma_wait3A_1092] : memref<64x32xi32, #tpu.memory_space<vmem>> -> memref<1x32xi32, #tpu.memory_space<vmem>>
          %dma_wait3A_1094 = tpu.memref_squeeze %dma_wait3A_1093 : memref<1x32xi32, #tpu.memory_space<vmem>> -> memref<32xi32, #tpu.memory_space<vmem>>
          %dma_wait3A_1095 = arith.constant 0 : i32
          %dma_wait3A_1096 = arith.constant 0 : i32
          %dma_wait3A_1097 = tpu.memref_slice %arg12[%dma_wait3A_1095, %dma_wait3A_1096] : memref<12512x128xf32, #tpu.memory_space<vmem_shared>> -> memref<12512x128xf32, #tpu.memory_space<vmem_shared>>
          tpu.wait_indirect_dma semaphore(%arg18 : memref<!tpu.dma_semaphore, #tpu.memory_space<semaphore_mem>>) src(%arg10 : memref<32x128xf32, #tpu.memory_space<vmem>>) dst(%dma_wait3A_1097 : memref<12512x128xf32, #tpu.memory_space<vmem_shared>>)
        } else {
        }
        %ge3A_1087 = arith.constant 3 : i32
        %ge3A_1088 = arith.cmpi sge, %shift_right_logical3A_1063, %ge3A_1087 : i32
        %convert_element_type3A_1089 = arith.extui %ge3A_1088 : i1 to i32
        %cond3A_1090 = arith.constant 0 : i32
        %cond3A_1091 = arith.cmpi ne, %convert_element_type3A_1089, %cond3A_1090 : i32
        scf.if %cond3A_1091 {
          %dma_wait3A = arith.constant 0 : i32
          %dma_wait3A_1092 = arith.constant 0 : i32
          %dma_wait3A_1093 = tpu.memref_slice %arg7[%dma_wait3A, %dma_wait3A_1092] : memref<64x32xi32, #tpu.memory_space<vmem>> -> memref<1x32xi32, #tpu.memory_space<vmem>>
          %dma_wait3A_1094 = tpu.memref_squeeze %dma_wait3A_1093 : memref<1x32xi32, #tpu.memory_space<vmem>> -> memref<32xi32, #tpu.memory_space<vmem>>
          %dma_wait3A_1095 = arith.constant 0 : i32
          %dma_wait3A_1096 = arith.constant 0 : i32
          %dma_wait3A_1097 = tpu.memref_slice %arg12[%dma_wait3A_1095, %dma_wait3A_1096] : memref<12512x128xf32, #tpu.memory_space<vmem_shared>> -> memref<12512x128xf32, #tpu.memory_space<vmem_shared>>
          tpu.wait_indirect_dma semaphore(%arg19 : memref<!tpu.dma_semaphore, #tpu.memory_space<semaphore_mem>>) src(%arg11 : memref<32x128xf32, #tpu.memory_space<vmem>>) dst(%dma_wait3A_1097 : memref<12512x128xf32, #tpu.memory_space<vmem_shared>>)
        } else {
        }
      }
      %scan3A_19 = arith.constant 25 : i32
      %barrier3A_20 = arith.constant 0 : index
      tpu.barrier barrier_id(%barrier3A_20)
      %eq3A_21 = arith.constant 0 : i32
      %eq3A_22 = arith.cmpi eq, %arg1, %eq3A_21 : i32
      %convert_element_type3A_23 = arith.extui %eq3A_22 : i1 to i32
      %cond3A_24 = arith.constant 0 : i32
      %cond3A_25 = arith.cmpi ne, %convert_element_type3A_23, %cond3A_24 : i32
      scf.if %cond3A_25 {
        "tpu.region"() ({
          %run_scoped3A = tpu.sem_alloc : memref<!tpu.dma_semaphore, #tpu.memory_space<semaphore_mem>>
          %dma_start3A = arith.constant 0 : i32
          %dma_start3A_27 = tpu.memref_slice %arg5[%add3A, %dma_start3A] : memref<50016x128xf32, #tpu.memory_space<hbm>> -> memref<12504x128xf32, #tpu.memory_space<hbm>>
          %dma_start3A_28 = arith.constant 0 : i32
          %dma_start3A_29 = arith.constant 0 : i32
          %dma_start3A_30 = tpu.memref_slice %arg12[%dma_start3A_28, %dma_start3A_29] : memref<12512x128xf32, #tpu.memory_space<vmem_shared>> -> memref<12504x128xf32, #tpu.memory_space<vmem_shared>>
          tpu.enqueue_dma source(%dma_start3A_30 : memref<12504x128xf32, #tpu.memory_space<vmem_shared>>) target(%dma_start3A_27 : memref<12504x128xf32, #tpu.memory_space<hbm>>) target_semaphore(%run_scoped3A : memref<!tpu.dma_semaphore, #tpu.memory_space<semaphore_mem>>)
          %dma_wait3A = arith.constant 0 : i32
          %dma_wait3A_31 = tpu.memref_slice %arg5[%add3A, %dma_wait3A] : memref<50016x128xf32, #tpu.memory_space<hbm>> -> memref<12504x128xf32, #tpu.memory_space<hbm>>
          %dma_wait3A_32 = arith.constant 0 : i32
          %dma_wait3A_33 = arith.constant 0 : i32
          %dma_wait3A_34 = tpu.memref_slice %arg12[%dma_wait3A_32, %dma_wait3A_33] : memref<12512x128xf32, #tpu.memory_space<vmem_shared>> -> memref<12504x128xf32, #tpu.memory_space<vmem_shared>>
          tpu.wait_dma2 semaphore(%run_scoped3A : memref<!tpu.dma_semaphore, #tpu.memory_space<semaphore_mem>>) src(%dma_wait3A_34 : memref<12504x128xf32, #tpu.memory_space<vmem_shared>>) dst(%dma_wait3A_31 : memref<12504x128xf32, #tpu.memory_space<hbm>>)
          tpu.yield
        }) : () -> ()
      } else {
      }
      %barrier3A_26 = arith.constant 0 : index
      tpu.barrier barrier_id(%barrier3A_26)
    }
    %scan3A_7 = arith.constant 2 : i32
    return
  }
}

#map = affine_map<(d0, d1) -> (0)>
#map1 = affine_map<(d0, d1) -> (0, 0)>
module attributes {stable_mosaic.version = 14 : i64} {
  func.func @_gather_body(%arg0: i32, %arg1: i32, %arg2: memref<800000xi32, #tpu.memory_space<hbm>>, %arg3: memref<800000xi32, #tpu.memory_space<hbm>>, %arg4: memref<50000x128xf32, #tpu.memory_space<hbm>>, %arg5: memref<50000x128xf32, #tpu.memory_space<hbm>>, %arg6: memref<800000x128xf32, #tpu.memory_space<hbm>>, %arg7: memref<800000x128xf32, #tpu.memory_space<hbm>>, %arg8: memref<3x128xi32, #tpu.memory_space<vmem>>, %arg9: memref<3x128xi32, #tpu.memory_space<vmem>>, %arg10: memref<3x128x128xf32, #tpu.memory_space<vmem>>, %arg11: memref<3x128x128xf32, #tpu.memory_space<vmem>>, %arg12: memref<!tpu.dma_semaphore, #tpu.memory_space<semaphore_mem>>, %arg13: memref<!tpu.dma_semaphore, #tpu.memory_space<semaphore_mem>>, %arg14: memref<!tpu.dma_semaphore, #tpu.memory_space<semaphore_mem>>, %arg15: memref<!tpu.dma_semaphore, #tpu.memory_space<semaphore_mem>>, %arg16: memref<!tpu.dma_semaphore, #tpu.memory_space<semaphore_mem>>, %arg17: memref<!tpu.dma_semaphore, #tpu.memory_space<semaphore_mem>>, %arg18: memref<!tpu.dma_semaphore, #tpu.memory_space<semaphore_mem>>, %arg19: memref<!tpu.dma_semaphore, #tpu.memory_space<semaphore_mem>>, %arg20: memref<!tpu.dma_semaphore, #tpu.memory_space<semaphore_mem>>) attributes {dimension_semantics = [#tpu.dimension_semantics<core_parallel>, #tpu.dimension_semantics<subcore_parallel>], iteration_bounds = array<i64: 2, 16>, scalar_prefetch = 0 : i64, scratch_operands = 13 : i64, tpu.core_type = #tpu.core_type<sc_vector_subcore>, window_params = [{transform_indices = #map}, {transform_indices = #map}, {transform_indices = #map1}, {transform_indices = #map1}, {transform_indices = #map1}, {transform_indices = #map1}]} {
    %mul3A = arith.constant 2 : i32
    %mul3A_0 = arith.muli %arg1, %mul3A : i32
    %add3A = arith.addi %mul3A_0, %arg0 : i32
    %scan3A = arith.constant 0 : i32
    %scan3A_1 = arith.constant 66 : i32
    %scan3A_2 = arith.addi %scan3A, %scan3A_1 : i32
    %scan3A_3 = arith.constant 1 : i32
    scf.for %scan3A_19 = %scan3A to %scan3A_2 step %scan3A_3  : i32 {
      %mul3A_20 = arith.constant 3 : i32
      %mul3A_21 = arith.muli %scan3A_19, %mul3A_20 : i32
      %add3A_22 = arith.constant 0 : i32
      %add3A_23 = arith.addi %mul3A_21, %add3A_22 : i32
      %ge3A = arith.constant 0 : i32
      %ge3A_24 = arith.cmpi sge, %add3A_23, %ge3A : i32
      %lt3A_25 = arith.constant 196 : i32
      %lt3A_26 = arith.cmpi slt, %add3A_23, %lt3A_25 : i32
      %and3A_27 = arith.andi %ge3A_24, %lt3A_26 : i1
      %mul3A_28 = arith.constant 32 : i32
      %mul3A_29 = arith.muli %add3A_23, %mul3A_28 : i32
      %add3A_30 = arith.addi %add3A, %mul3A_29 : i32
      %lt3A_31 = arith.constant 6250 : i32
      %lt3A_32 = arith.cmpi slt, %add3A_30, %lt3A_31 : i32
      %and3A_33 = arith.andi %and3A_27, %lt3A_32 : i1
      %convert_element_type3A_34 = arith.extui %and3A_33 : i1 to i32
      %cond3A_35 = arith.constant 0 : i32
      %cond3A_36 = arith.cmpi ne, %convert_element_type3A_34, %cond3A_35 : i32
      scf.if %cond3A_36 {
        %mul3A_216 = arith.constant 32 : i32
        %mul3A_217 = arith.muli %add3A_23, %mul3A_216 : i32
        %add3A_218 = arith.addi %add3A, %mul3A_217 : i32
        %mul3A_219 = arith.constant 128 : i32
        %mul3A_220 = arith.muli %add3A_218, %mul3A_219 : i32
        %dma_start3A = arith.constant 0 : i32
        %dma_start3A_221 = arith.constant 0 : i32
        %dma_start3A_222 = tpu.memref_slice %arg8[%dma_start3A, %dma_start3A_221] : memref<3x128xi32, #tpu.memory_space<vmem>> -> memref<1x128xi32, #tpu.memory_space<vmem>>
        %dma_start3A_223 = tpu.memref_squeeze %dma_start3A_222 : memref<1x128xi32, #tpu.memory_space<vmem>> -> memref<128xi32, #tpu.memory_space<vmem>>
        %dma_start3A_224 = tpu.memref_slice %arg2[%mul3A_220] : memref<800000xi32, #tpu.memory_space<hbm>> -> memref<128xi32, #tpu.memory_space<hbm>>
        %dma_start3A_225 = arith.constant 0 : i32
        %dma_start3A_226 = tpu.memref_slice %arg8[%dma_start3A, %dma_start3A_225] : memref<3x128xi32, #tpu.memory_space<vmem>> -> memref<1x128xi32, #tpu.memory_space<vmem>>
        %dma_start3A_227 = tpu.memref_squeeze %dma_start3A_226 : memref<1x128xi32, #tpu.memory_space<vmem>> -> memref<128xi32, #tpu.memory_space<vmem>>
        %dma_start3A_228 = tpu.memref_slice %arg2[%mul3A_220] : memref<800000xi32, #tpu.memory_space<hbm>> -> memref<128xi32, #tpu.memory_space<hbm>>
        tpu.enqueue_dma source(%dma_start3A_228 : memref<128xi32, #tpu.memory_space<hbm>>) target(%dma_start3A_227 : memref<128xi32, #tpu.memory_space<vmem>>) target_semaphore(%arg12 : memref<!tpu.dma_semaphore, #tpu.memory_space<semaphore_mem>>)
        %dma_start3A_229 = arith.constant 0 : i32
        %dma_start3A_230 = arith.constant 0 : i32
        %dma_start3A_231 = tpu.memref_slice %arg9[%dma_start3A_229, %dma_start3A_230] : memref<3x128xi32, #tpu.memory_space<vmem>> -> memref<1x128xi32, #tpu.memory_space<vmem>>
        %dma_start3A_232 = tpu.memref_squeeze %dma_start3A_231 : memref<1x128xi32, #tpu.memory_space<vmem>> -> memref<128xi32, #tpu.memory_space<vmem>>
        %dma_start3A_233 = tpu.memref_slice %arg3[%mul3A_220] : memref<800000xi32, #tpu.memory_space<hbm>> -> memref<128xi32, #tpu.memory_space<hbm>>
        %dma_start3A_234 = arith.constant 0 : i32
        %dma_start3A_235 = tpu.memref_slice %arg9[%dma_start3A_229, %dma_start3A_234] : memref<3x128xi32, #tpu.memory_space<vmem>> -> memref<1x128xi32, #tpu.memory_space<vmem>>
        %dma_start3A_236 = tpu.memref_squeeze %dma_start3A_235 : memref<1x128xi32, #tpu.memory_space<vmem>> -> memref<128xi32, #tpu.memory_space<vmem>>
        %dma_start3A_237 = tpu.memref_slice %arg3[%mul3A_220] : memref<800000xi32, #tpu.memory_space<hbm>> -> memref<128xi32, #tpu.memory_space<hbm>>
        tpu.enqueue_dma source(%dma_start3A_237 : memref<128xi32, #tpu.memory_space<hbm>>) target(%dma_start3A_236 : memref<128xi32, #tpu.memory_space<vmem>>) target_semaphore(%arg12 : memref<!tpu.dma_semaphore, #tpu.memory_space<semaphore_mem>>)
      } else {
      }
      %sub3A = arith.constant 4 : i32
      %sub3A_37 = arith.subi %add3A_23, %sub3A : i32
      %ge3A_38 = arith.constant 0 : i32
      %ge3A_39 = arith.cmpi sge, %sub3A_37, %ge3A_38 : i32
      %lt3A_40 = arith.constant 196 : i32
      %lt3A_41 = arith.cmpi slt, %sub3A_37, %lt3A_40 : i32
      %and3A_42 = arith.andi %ge3A_39, %lt3A_41 : i1
      %mul3A_43 = arith.constant 32 : i32
      %mul3A_44 = arith.muli %sub3A_37, %mul3A_43 : i32
      %add3A_45 = arith.addi %add3A, %mul3A_44 : i32
      %lt3A_46 = arith.constant 6250 : i32
      %lt3A_47 = arith.cmpi slt, %add3A_45, %lt3A_46 : i32
      %and3A_48 = arith.andi %and3A_42, %lt3A_47 : i1
      %convert_element_type3A_49 = arith.extui %and3A_48 : i1 to i32
      %cond3A_50 = arith.constant 0 : i32
      %cond3A_51 = arith.cmpi ne, %convert_element_type3A_49, %cond3A_50 : i32
      scf.if %cond3A_51 {
        %dma_wait3A = arith.constant 2 : i32
        %dma_wait3A_216 = arith.constant 0 : i32
        %dma_wait3A_217 = arith.constant 0 : i32
        %dma_wait3A_218 = tpu.memref_slice %arg10[%dma_wait3A, %dma_wait3A_216, %dma_wait3A_217] : memref<3x128x128xf32, #tpu.memory_space<vmem>> -> memref<1x128x128xf32, #tpu.memory_space<vmem>>
        %dma_wait3A_219 = tpu.memref_squeeze %dma_wait3A_218 : memref<1x128x128xf32, #tpu.memory_space<vmem>> -> memref<128x128xf32, #tpu.memory_space<vmem>>
        %dma_wait3A_220 = arith.constant 0 : i32
        %dma_wait3A_221 = arith.constant 0 : i32
        %dma_wait3A_222 = tpu.memref_slice %arg6[%dma_wait3A_220, %dma_wait3A_221] : memref<800000x128xf32, #tpu.memory_space<hbm>> -> memref<128x128xf32, #tpu.memory_space<hbm>>
        %dma_wait3A_223 = arith.constant 0 : i32
        %dma_wait3A_224 = arith.constant 0 : i32
        %dma_wait3A_225 = tpu.memref_slice %arg6[%dma_wait3A_223, %dma_wait3A_224] : memref<800000x128xf32, #tpu.memory_space<hbm>> -> memref<128x128xf32, #tpu.memory_space<hbm>>
        %dma_wait3A_226 = arith.constant 0 : i32
        %dma_wait3A_227 = arith.constant 0 : i32
        %dma_wait3A_228 = tpu.memref_slice %arg10[%dma_wait3A, %dma_wait3A_226, %dma_wait3A_227] : memref<3x128x128xf32, #tpu.memory_space<vmem>> -> memref<1x128x128xf32, #tpu.memory_space<vmem>>
        %dma_wait3A_229 = tpu.memref_squeeze %dma_wait3A_228 : memref<1x128x128xf32, #tpu.memory_space<vmem>> -> memref<128x128xf32, #tpu.memory_space<vmem>>
        tpu.wait_dma2 semaphore(%arg20 : memref<!tpu.dma_semaphore, #tpu.memory_space<semaphore_mem>>) src(%dma_wait3A_229 : memref<128x128xf32, #tpu.memory_space<vmem>>) dst(%dma_wait3A_225 : memref<128x128xf32, #tpu.memory_space<hbm>>)
        %dma_wait3A_230 = arith.constant 2 : i32
        %dma_wait3A_231 = arith.constant 0 : i32
        %dma_wait3A_232 = arith.constant 0 : i32
        %dma_wait3A_233 = tpu.memref_slice %arg11[%dma_wait3A_230, %dma_wait3A_231, %dma_wait3A_232] : memref<3x128x128xf32, #tpu.memory_space<vmem>> -> memref<1x128x128xf32, #tpu.memory_space<vmem>>
        %dma_wait3A_234 = tpu.memref_squeeze %dma_wait3A_233 : memref<1x128x128xf32, #tpu.memory_space<vmem>> -> memref<128x128xf32, #tpu.memory_space<vmem>>
        %dma_wait3A_235 = arith.constant 0 : i32
        %dma_wait3A_236 = arith.constant 0 : i32
        %dma_wait3A_237 = tpu.memref_slice %arg7[%dma_wait3A_235, %dma_wait3A_236] : memref<800000x128xf32, #tpu.memory_space<hbm>> -> memref<128x128xf32, #tpu.memory_space<hbm>>
        %dma_wait3A_238 = arith.constant 0 : i32
        %dma_wait3A_239 = arith.constant 0 : i32
        %dma_wait3A_240 = tpu.memref_slice %arg7[%dma_wait3A_238, %dma_wait3A_239] : memref<800000x128xf32, #tpu.memory_space<hbm>> -> memref<128x128xf32, #tpu.memory_space<hbm>>
        %dma_wait3A_241 = arith.constant 0 : i32
        %dma_wait3A_242 = arith.constant 0 : i32
        %dma_wait3A_243 = tpu.memref_slice %arg11[%dma_wait3A_230, %dma_wait3A_241, %dma_wait3A_242] : memref<3x128x128xf32, #tpu.memory_space<vmem>> -> memref<1x128x128xf32, #tpu.memory_space<vmem>>
        %dma_wait3A_244 = tpu.memref_squeeze %dma_wait3A_243 : memref<1x128x128xf32, #tpu.memory_space<vmem>> -> memref<128x128xf32, #tpu.memory_space<vmem>>
        tpu.wait_dma2 semaphore(%arg20 : memref<!tpu.dma_semaphore, #tpu.memory_space<semaphore_mem>>) src(%dma_wait3A_244 : memref<128x128xf32, #tpu.memory_space<vmem>>) dst(%dma_wait3A_240 : memref<128x128xf32, #tpu.memory_space<hbm>>)
      } else {
      }
      %sub3A_52 = arith.constant 1 : i32
      %sub3A_53 = arith.subi %add3A_23, %sub3A_52 : i32
      %ge3A_54 = arith.constant 0 : i32
      %ge3A_55 = arith.cmpi sge, %sub3A_53, %ge3A_54 : i32
      %lt3A_56 = arith.constant 196 : i32
      %lt3A_57 = arith.cmpi slt, %sub3A_53, %lt3A_56 : i32
      %and3A_58 = arith.andi %ge3A_55, %lt3A_57 : i1
      %mul3A_59 = arith.constant 32 : i32
      %mul3A_60 = arith.muli %sub3A_53, %mul3A_59 : i32
      %add3A_61 = arith.addi %add3A, %mul3A_60 : i32
      %lt3A_62 = arith.constant 6250 : i32
      %lt3A_63 = arith.cmpi slt, %add3A_61, %lt3A_62 : i32
      %and3A_64 = arith.andi %and3A_58, %lt3A_63 : i1
      %convert_element_type3A_65 = arith.extui %and3A_64 : i1 to i32
      %cond3A_66 = arith.constant 0 : i32
      %cond3A_67 = arith.cmpi ne, %convert_element_type3A_65, %cond3A_66 : i32
      scf.if %cond3A_67 {
        %dma_wait3A = arith.constant 2 : i32
        %dma_wait3A_216 = arith.constant 0 : i32
        %dma_wait3A_217 = tpu.memref_slice %arg8[%dma_wait3A, %dma_wait3A_216] : memref<3x128xi32, #tpu.memory_space<vmem>> -> memref<1x128xi32, #tpu.memory_space<vmem>>
        %dma_wait3A_218 = tpu.memref_squeeze %dma_wait3A_217 : memref<1x128xi32, #tpu.memory_space<vmem>> -> memref<128xi32, #tpu.memory_space<vmem>>
        %dma_wait3A_219 = arith.constant 0 : i32
        %dma_wait3A_220 = tpu.memref_slice %arg2[%dma_wait3A_219] : memref<800000xi32, #tpu.memory_space<hbm>> -> memref<128xi32, #tpu.memory_space<hbm>>
        %dma_wait3A_221 = arith.constant 0 : i32
        %dma_wait3A_222 = tpu.memref_slice %arg8[%dma_wait3A, %dma_wait3A_221] : memref<3x128xi32, #tpu.memory_space<vmem>> -> memref<1x128xi32, #tpu.memory_space<vmem>>
        %dma_wait3A_223 = tpu.memref_squeeze %dma_wait3A_222 : memref<1x128xi32, #tpu.memory_space<vmem>> -> memref<128xi32, #tpu.memory_space<vmem>>
        %dma_wait3A_224 = arith.constant 0 : i32
        %dma_wait3A_225 = tpu.memref_slice %arg2[%dma_wait3A_224] : memref<800000xi32, #tpu.memory_space<hbm>> -> memref<128xi32, #tpu.memory_space<hbm>>
        tpu.wait_dma2 semaphore(%arg14 : memref<!tpu.dma_semaphore, #tpu.memory_space<semaphore_mem>>) src(%dma_wait3A_225 : memref<128xi32, #tpu.memory_space<hbm>>) dst(%dma_wait3A_223 : memref<128xi32, #tpu.memory_space<vmem>>)
        %dma_wait3A_226 = arith.constant 2 : i32
        %dma_wait3A_227 = arith.constant 0 : i32
        %dma_wait3A_228 = tpu.memref_slice %arg9[%dma_wait3A_226, %dma_wait3A_227] : memref<3x128xi32, #tpu.memory_space<vmem>> -> memref<1x128xi32, #tpu.memory_space<vmem>>
        %dma_wait3A_229 = tpu.memref_squeeze %dma_wait3A_228 : memref<1x128xi32, #tpu.memory_space<vmem>> -> memref<128xi32, #tpu.memory_space<vmem>>
        %dma_wait3A_230 = arith.constant 0 : i32
        %dma_wait3A_231 = tpu.memref_slice %arg3[%dma_wait3A_230] : memref<800000xi32, #tpu.memory_space<hbm>> -> memref<128xi32, #tpu.memory_space<hbm>>
        %dma_wait3A_232 = arith.constant 0 : i32
        %dma_wait3A_233 = tpu.memref_slice %arg9[%dma_wait3A_226, %dma_wait3A_232] : memref<3x128xi32, #tpu.memory_space<vmem>> -> memref<1x128xi32, #tpu.memory_space<vmem>>
        %dma_wait3A_234 = tpu.memref_squeeze %dma_wait3A_233 : memref<1x128xi32, #tpu.memory_space<vmem>> -> memref<128xi32, #tpu.memory_space<vmem>>
        %dma_wait3A_235 = arith.constant 0 : i32
        %dma_wait3A_236 = tpu.memref_slice %arg3[%dma_wait3A_235] : memref<800000xi32, #tpu.memory_space<hbm>> -> memref<128xi32, #tpu.memory_space<hbm>>
        tpu.wait_dma2 semaphore(%arg14 : memref<!tpu.dma_semaphore, #tpu.memory_space<semaphore_mem>>) src(%dma_wait3A_236 : memref<128xi32, #tpu.memory_space<hbm>>) dst(%dma_wait3A_234 : memref<128xi32, #tpu.memory_space<vmem>>)
        %dma_start3A = arith.constant 2 : i32
        %dma_start3A_237 = arith.constant 2 : i32
        %dma_start3A_238 = arith.constant 0 : i32
        %dma_start3A_239 = arith.constant 0 : i32
        %dma_start3A_240 = tpu.memref_slice %arg10[%dma_start3A_237, %dma_start3A_238, %dma_start3A_239] : memref<3x128x128xf32, #tpu.memory_space<vmem>> -> memref<1x128x128xf32, #tpu.memory_space<vmem>>
        %dma_start3A_241 = tpu.memref_squeeze %dma_start3A_240 : memref<1x128x128xf32, #tpu.memory_space<vmem>> -> memref<128x128xf32, #tpu.memory_space<vmem>>
        %dma_start3A_242 = arith.constant 0 : i32
        %dma_start3A_243 = tpu.memref_slice %arg8[%dma_start3A, %dma_start3A_242] : memref<3x128xi32, #tpu.memory_space<vmem>> -> memref<1x128xi32, #tpu.memory_space<vmem>>
        %dma_start3A_244 = tpu.memref_squeeze %dma_start3A_243 : memref<1x128xi32, #tpu.memory_space<vmem>> -> memref<128xi32, #tpu.memory_space<vmem>>
        %dma_start3A_245 = arith.constant 0 : i32
        %dma_start3A_246 = arith.constant 0 : i32
        %dma_start3A_247 = tpu.memref_slice %arg4[%dma_start3A_245, %dma_start3A_246] : memref<50000x128xf32, #tpu.memory_space<hbm>> -> memref<50000x128xf32, #tpu.memory_space<hbm>>
        tpu.enqueue_indirect_dma source(%dma_start3A_247 : memref<50000x128xf32, #tpu.memory_space<hbm>>) target(%dma_start3A_241 : memref<128x128xf32, #tpu.memory_space<vmem>>) offsets(%dma_start3A_244 : memref<128xi32, #tpu.memory_space<vmem>>) semaphore(%arg17 : memref<!tpu.dma_semaphore, #tpu.memory_space<semaphore_mem>>)
        %dma_start3A_248 = arith.constant 2 : i32
        %dma_start3A_249 = arith.constant 2 : i32
        %dma_start3A_250 = arith.constant 0 : i32
        %dma_start3A_251 = arith.constant 0 : i32
        %dma_start3A_252 = tpu.memref_slice %arg11[%dma_start3A_249, %dma_start3A_250, %dma_start3A_251] : memref<3x128x128xf32, #tpu.memory_space<vmem>> -> memref<1x128x128xf32, #tpu.memory_space<vmem>>
        %dma_start3A_253 = tpu.memref_squeeze %dma_start3A_252 : memref<1x128x128xf32, #tpu.memory_space<vmem>> -> memref<128x128xf32, #tpu.memory_space<vmem>>
        %dma_start3A_254 = arith.constant 0 : i32
        %dma_start3A_255 = tpu.memref_slice %arg9[%dma_start3A_248, %dma_start3A_254] : memref<3x128xi32, #tpu.memory_space<vmem>> -> memref<1x128xi32, #tpu.memory_space<vmem>>
        %dma_start3A_256 = tpu.memref_squeeze %dma_start3A_255 : memref<1x128xi32, #tpu.memory_space<vmem>> -> memref<128xi32, #tpu.memory_space<vmem>>
        %dma_start3A_257 = arith.constant 0 : i32
        %dma_start3A_258 = arith.constant 0 : i32
        %dma_start3A_259 = tpu.memref_slice %arg5[%dma_start3A_257, %dma_start3A_258] : memref<50000x128xf32, #tpu.memory_space<hbm>> -> memref<50000x128xf32, #tpu.memory_space<hbm>>
        tpu.enqueue_indirect_dma source(%dma_start3A_259 : memref<50000x128xf32, #tpu.memory_space<hbm>>) target(%dma_start3A_253 : memref<128x128xf32, #tpu.memory_space<vmem>>) offsets(%dma_start3A_256 : memref<128xi32, #tpu.memory_space<vmem>>) semaphore(%arg17 : memref<!tpu.dma_semaphore, #tpu.memory_space<semaphore_mem>>)
      } else {
      }
      %sub3A_68 = arith.constant 2 : i32
      %sub3A_69 = arith.subi %add3A_23, %sub3A_68 : i32
      %ge3A_70 = arith.constant 0 : i32
      %ge3A_71 = arith.cmpi sge, %sub3A_69, %ge3A_70 : i32
      %lt3A_72 = arith.constant 196 : i32
      %lt3A_73 = arith.cmpi slt, %sub3A_69, %lt3A_72 : i32
      %and3A_74 = arith.andi %ge3A_71, %lt3A_73 : i1
      %mul3A_75 = arith.constant 32 : i32
      %mul3A_76 = arith.muli %sub3A_69, %mul3A_75 : i32
      %add3A_77 = arith.addi %add3A, %mul3A_76 : i32
      %lt3A_78 = arith.constant 6250 : i32
      %lt3A_79 = arith.cmpi slt, %add3A_77, %lt3A_78 : i32
      %and3A_80 = arith.andi %and3A_74, %lt3A_79 : i1
      %convert_element_type3A_81 = arith.extui %and3A_80 : i1 to i32
      %cond3A_82 = arith.constant 0 : i32
      %cond3A_83 = arith.cmpi ne, %convert_element_type3A_81, %cond3A_82 : i32
      scf.if %cond3A_83 {
        %dma_wait3A = arith.constant 1 : i32
        %dma_wait3A_216 = arith.constant 1 : i32
        %dma_wait3A_217 = arith.constant 0 : i32
        %dma_wait3A_218 = arith.constant 0 : i32
        %dma_wait3A_219 = tpu.memref_slice %arg10[%dma_wait3A_216, %dma_wait3A_217, %dma_wait3A_218] : memref<3x128x128xf32, #tpu.memory_space<vmem>> -> memref<1x128x128xf32, #tpu.memory_space<vmem>>
        %dma_wait3A_220 = tpu.memref_squeeze %dma_wait3A_219 : memref<1x128x128xf32, #tpu.memory_space<vmem>> -> memref<128x128xf32, #tpu.memory_space<vmem>>
        %dma_wait3A_221 = arith.constant 0 : i32
        %dma_wait3A_222 = tpu.memref_slice %arg8[%dma_wait3A, %dma_wait3A_221] : memref<3x128xi32, #tpu.memory_space<vmem>> -> memref<1x128xi32, #tpu.memory_space<vmem>>
        %dma_wait3A_223 = tpu.memref_squeeze %dma_wait3A_222 : memref<1x128xi32, #tpu.memory_space<vmem>> -> memref<128xi32, #tpu.memory_space<vmem>>
        %dma_wait3A_224 = arith.constant 0 : i32
        %dma_wait3A_225 = arith.constant 0 : i32
        %dma_wait3A_226 = tpu.memref_slice %arg4[%dma_wait3A_224, %dma_wait3A_225] : memref<50000x128xf32, #tpu.memory_space<hbm>> -> memref<50000x128xf32, #tpu.memory_space<hbm>>
        tpu.wait_indirect_dma semaphore(%arg16 : memref<!tpu.dma_semaphore, #tpu.memory_space<semaphore_mem>>) src(%dma_wait3A_226 : memref<50000x128xf32, #tpu.memory_space<hbm>>) dst(%dma_wait3A_220 : memref<128x128xf32, #tpu.memory_space<vmem>>)
        %dma_wait3A_227 = arith.constant 1 : i32
        %dma_wait3A_228 = arith.constant 1 : i32
        %dma_wait3A_229 = arith.constant 0 : i32
        %dma_wait3A_230 = arith.constant 0 : i32
        %dma_wait3A_231 = tpu.memref_slice %arg11[%dma_wait3A_228, %dma_wait3A_229, %dma_wait3A_230] : memref<3x128x128xf32, #tpu.memory_space<vmem>> -> memref<1x128x128xf32, #tpu.memory_space<vmem>>
        %dma_wait3A_232 = tpu.memref_squeeze %dma_wait3A_231 : memref<1x128x128xf32, #tpu.memory_space<vmem>> -> memref<128x128xf32, #tpu.memory_space<vmem>>
        %dma_wait3A_233 = arith.constant 0 : i32
        %dma_wait3A_234 = tpu.memref_slice %arg9[%dma_wait3A_227, %dma_wait3A_233] : memref<3x128xi32, #tpu.memory_space<vmem>> -> memref<1x128xi32, #tpu.memory_space<vmem>>
        %dma_wait3A_235 = tpu.memref_squeeze %dma_wait3A_234 : memref<1x128xi32, #tpu.memory_space<vmem>> -> memref<128xi32, #tpu.memory_space<vmem>>
        %dma_wait3A_236 = arith.constant 0 : i32
        %dma_wait3A_237 = arith.constant 0 : i32
        %dma_wait3A_238 = tpu.memref_slice %arg5[%dma_wait3A_236, %dma_wait3A_237] : memref<50000x128xf32, #tpu.memory_space<hbm>> -> memref<50000x128xf32, #tpu.memory_space<hbm>>
        tpu.wait_indirect_dma semaphore(%arg16 : memref<!tpu.dma_semaphore, #tpu.memory_space<semaphore_mem>>) src(%dma_wait3A_238 : memref<50000x128xf32, #tpu.memory_space<hbm>>) dst(%dma_wait3A_232 : memref<128x128xf32, #tpu.memory_space<vmem>>)
        %sub3A_239 = arith.constant 2 : i32
        %sub3A_240 = arith.subi %add3A_23, %sub3A_239 : i32
        %mul3A_241 = arith.constant 32 : i32
        %mul3A_242 = arith.muli %sub3A_240, %mul3A_241 : i32
        %add3A_243 = arith.addi %add3A, %mul3A_242 : i32
        %mul3A_244 = arith.constant 128 : i32
        %mul3A_245 = arith.muli %add3A_243, %mul3A_244 : i32
        %dma_start3A = arith.constant 1 : i32
        %dma_start3A_246 = arith.constant 0 : i32
        %dma_start3A_247 = arith.constant 0 : i32
        %dma_start3A_248 = tpu.memref_slice %arg10[%dma_start3A, %dma_start3A_246, %dma_start3A_247] : memref<3x128x128xf32, #tpu.memory_space<vmem>> -> memref<1x128x128xf32, #tpu.memory_space<vmem>>
        %dma_start3A_249 = tpu.memref_squeeze %dma_start3A_248 : memref<1x128x128xf32, #tpu.memory_space<vmem>> -> memref<128x128xf32, #tpu.memory_space<vmem>>
        %dma_start3A_250 = arith.constant 0 : i32
        %dma_start3A_251 = tpu.memref_slice %arg6[%mul3A_245, %dma_start3A_250] : memref<800000x128xf32, #tpu.memory_space<hbm>> -> memref<128x128xf32, #tpu.memory_space<hbm>>
        %dma_start3A_252 = arith.constant 0 : i32
        %dma_start3A_253 = tpu.memref_slice %arg6[%mul3A_245, %dma_start3A_252] : memref<800000x128xf32, #tpu.memory_space<hbm>> -> memref<128x128xf32, #tpu.memory_space<hbm>>
        %dma_start3A_254 = arith.constant 0 : i32
        %dma_start3A_255 = arith.constant 0 : i32
        %dma_start3A_256 = tpu.memref_slice %arg10[%dma_start3A, %dma_start3A_254, %dma_start3A_255] : memref<3x128x128xf32, #tpu.memory_space<vmem>> -> memref<1x128x128xf32, #tpu.memory_space<vmem>>
        %dma_start3A_257 = tpu.memref_squeeze %dma_start3A_256 : memref<1x128x128xf32, #tpu.memory_space<vmem>> -> memref<128x128xf32, #tpu.memory_space<vmem>>
        tpu.enqueue_dma source(%dma_start3A_257 : memref<128x128xf32, #tpu.memory_space<vmem>>) target(%dma_start3A_253 : memref<128x128xf32, #tpu.memory_space<hbm>>) target_semaphore(%arg19 : memref<!tpu.dma_semaphore, #tpu.memory_space<semaphore_mem>>)
        %dma_start3A_258 = arith.constant 1 : i32
        %dma_start3A_259 = arith.constant 0 : i32
        %dma_start3A_260 = arith.constant 0 : i32
        %dma_start3A_261 = tpu.memref_slice %arg11[%dma_start3A_258, %dma_start3A_259, %dma_start3A_260] : memref<3x128x128xf32, #tpu.memory_space<vmem>> -> memref<1x128x128xf32, #tpu.memory_space<vmem>>
        %dma_start3A_262 = tpu.memref_squeeze %dma_start3A_261 : memref<1x128x128xf32, #tpu.memory_space<vmem>> -> memref<128x128xf32, #tpu.memory_space<vmem>>
        %dma_start3A_263 = arith.constant 0 : i32
        %dma_start3A_264 = tpu.memref_slice %arg7[%mul3A_245, %dma_start3A_263] : memref<800000x128xf32, #tpu.memory_space<hbm>> -> memref<128x128xf32, #tpu.memory_space<hbm>>
        %dma_start3A_265 = arith.constant 0 : i32
        %dma_start3A_266 = tpu.memref_slice %arg7[%mul3A_245, %dma_start3A_265] : memref<800000x128xf32, #tpu.memory_space<hbm>> -> memref<128x128xf32, #tpu.memory_space<hbm>>
        %dma_start3A_267 = arith.constant 0 : i32
        %dma_start3A_268 = arith.constant 0 : i32
        %dma_start3A_269 = tpu.memref_slice %arg11[%dma_start3A_258, %dma_start3A_267, %dma_start3A_268] : memref<3x128x128xf32, #tpu.memory_space<vmem>> -> memref<1x128x128xf32, #tpu.memory_space<vmem>>
        %dma_start3A_270 = tpu.memref_squeeze %dma_start3A_269 : memref<1x128x128xf32, #tpu.memory_space<vmem>> -> memref<128x128xf32, #tpu.memory_space<vmem>>
        tpu.enqueue_dma source(%dma_start3A_270 : memref<128x128xf32, #tpu.memory_space<vmem>>) target(%dma_start3A_266 : memref<128x128xf32, #tpu.memory_space<hbm>>) target_semaphore(%arg19 : memref<!tpu.dma_semaphore, #tpu.memory_space<semaphore_mem>>)
      } else {
      }
      %mul3A_84 = arith.constant 3 : i32
      %mul3A_85 = arith.muli %scan3A_19, %mul3A_84 : i32
      %add3A_86 = arith.constant 1 : i32
      %add3A_87 = arith.addi %mul3A_85, %add3A_86 : i32
      %ge3A_88 = arith.constant 0 : i32
      %ge3A_89 = arith.cmpi sge, %add3A_87, %ge3A_88 : i32
      %lt3A_90 = arith.constant 196 : i32
      %lt3A_91 = arith.cmpi slt, %add3A_87, %lt3A_90 : i32
      %and3A_92 = arith.andi %ge3A_89, %lt3A_91 : i1
      %mul3A_93 = arith.constant 32 : i32
      %mul3A_94 = arith.muli %add3A_87, %mul3A_93 : i32
      %add3A_95 = arith.addi %add3A, %mul3A_94 : i32
      %lt3A_96 = arith.constant 6250 : i32
      %lt3A_97 = arith.cmpi slt, %add3A_95, %lt3A_96 : i32
      %and3A_98 = arith.andi %and3A_92, %lt3A_97 : i1
      %convert_element_type3A_99 = arith.extui %and3A_98 : i1 to i32
      %cond3A_100 = arith.constant 0 : i32
      %cond3A_101 = arith.cmpi ne, %convert_element_type3A_99, %cond3A_100 : i32
      scf.if %cond3A_101 {
        %mul3A_216 = arith.constant 32 : i32
        %mul3A_217 = arith.muli %add3A_87, %mul3A_216 : i32
        %add3A_218 = arith.addi %add3A, %mul3A_217 : i32
        %mul3A_219 = arith.constant 128 : i32
        %mul3A_220 = arith.muli %add3A_218, %mul3A_219 : i32
        %dma_start3A = arith.constant 1 : i32
        %dma_start3A_221 = arith.constant 0 : i32
        %dma_start3A_222 = tpu.memref_slice %arg8[%dma_start3A, %dma_start3A_221] : memref<3x128xi32, #tpu.memory_space<vmem>> -> memref<1x128xi32, #tpu.memory_space<vmem>>
        %dma_start3A_223 = tpu.memref_squeeze %dma_start3A_222 : memref<1x128xi32, #tpu.memory_space<vmem>> -> memref<128xi32, #tpu.memory_space<vmem>>
        %dma_start3A_224 = tpu.memref_slice %arg2[%mul3A_220] : memref<800000xi32, #tpu.memory_space<hbm>> -> memref<128xi32, #tpu.memory_space<hbm>>
        %dma_start3A_225 = arith.constant 0 : i32
        %dma_start3A_226 = tpu.memref_slice %arg8[%dma_start3A, %dma_start3A_225] : memref<3x128xi32, #tpu.memory_space<vmem>> -> memref<1x128xi32, #tpu.memory_space<vmem>>
        %dma_start3A_227 = tpu.memref_squeeze %dma_start3A_226 : memref<1x128xi32, #tpu.memory_space<vmem>> -> memref<128xi32, #tpu.memory_space<vmem>>
        %dma_start3A_228 = tpu.memref_slice %arg2[%mul3A_220] : memref<800000xi32, #tpu.memory_space<hbm>> -> memref<128xi32, #tpu.memory_space<hbm>>
        tpu.enqueue_dma source(%dma_start3A_228 : memref<128xi32, #tpu.memory_space<hbm>>) target(%dma_start3A_227 : memref<128xi32, #tpu.memory_space<vmem>>) target_semaphore(%arg13 : memref<!tpu.dma_semaphore, #tpu.memory_space<semaphore_mem>>)
        %dma_start3A_229 = arith.constant 1 : i32
        %dma_start3A_230 = arith.constant 0 : i32
        %dma_start3A_231 = tpu.memref_slice %arg9[%dma_start3A_229, %dma_start3A_230] : memref<3x128xi32, #tpu.memory_space<vmem>> -> memref<1x128xi32, #tpu.memory_space<vmem>>
        %dma_start3A_232 = tpu.memref_squeeze %dma_start3A_231 : memref<1x128xi32, #tpu.memory_space<vmem>> -> memref<128xi32, #tpu.memory_space<vmem>>
        %dma_start3A_233 = tpu.memref_slice %arg3[%mul3A_220] : memref<800000xi32, #tpu.memory_space<hbm>> -> memref<128xi32, #tpu.memory_space<hbm>>
        %dma_start3A_234 = arith.constant 0 : i32
        %dma_start3A_235 = tpu.memref_slice %arg9[%dma_start3A_229, %dma_start3A_234] : memref<3x128xi32, #tpu.memory_space<vmem>> -> memref<1x128xi32, #tpu.memory_space<vmem>>
        %dma_start3A_236 = tpu.memref_squeeze %dma_start3A_235 : memref<1x128xi32, #tpu.memory_space<vmem>> -> memref<128xi32, #tpu.memory_space<vmem>>
        %dma_start3A_237 = tpu.memref_slice %arg3[%mul3A_220] : memref<800000xi32, #tpu.memory_space<hbm>> -> memref<128xi32, #tpu.memory_space<hbm>>
        tpu.enqueue_dma source(%dma_start3A_237 : memref<128xi32, #tpu.memory_space<hbm>>) target(%dma_start3A_236 : memref<128xi32, #tpu.memory_space<vmem>>) target_semaphore(%arg13 : memref<!tpu.dma_semaphore, #tpu.memory_space<semaphore_mem>>)
      } else {
      }
      %sub3A_102 = arith.constant 4 : i32
      %sub3A_103 = arith.subi %add3A_87, %sub3A_102 : i32
      %ge3A_104 = arith.constant 0 : i32
      %ge3A_105 = arith.cmpi sge, %sub3A_103, %ge3A_104 : i32
      %lt3A_106 = arith.constant 196 : i32
      %lt3A_107 = arith.cmpi slt, %sub3A_103, %lt3A_106 : i32
      %and3A_108 = arith.andi %ge3A_105, %lt3A_107 : i1
      %mul3A_109 = arith.constant 32 : i32
      %mul3A_110 = arith.muli %sub3A_103, %mul3A_109 : i32
      %add3A_111 = arith.addi %add3A, %mul3A_110 : i32
      %lt3A_112 = arith.constant 6250 : i32
      %lt3A_113 = arith.cmpi slt, %add3A_111, %lt3A_112 : i32
      %and3A_114 = arith.andi %and3A_108, %lt3A_113 : i1
      %convert_element_type3A_115 = arith.extui %and3A_114 : i1 to i32
      %cond3A_116 = arith.constant 0 : i32
      %cond3A_117 = arith.cmpi ne, %convert_element_type3A_115, %cond3A_116 : i32
      scf.if %cond3A_117 {
        %dma_wait3A = arith.constant 0 : i32
        %dma_wait3A_216 = arith.constant 0 : i32
        %dma_wait3A_217 = arith.constant 0 : i32
        %dma_wait3A_218 = tpu.memref_slice %arg10[%dma_wait3A, %dma_wait3A_216, %dma_wait3A_217] : memref<3x128x128xf32, #tpu.memory_space<vmem>> -> memref<1x128x128xf32, #tpu.memory_space<vmem>>
        %dma_wait3A_219 = tpu.memref_squeeze %dma_wait3A_218 : memref<1x128x128xf32, #tpu.memory_space<vmem>> -> memref<128x128xf32, #tpu.memory_space<vmem>>
        %dma_wait3A_220 = arith.constant 0 : i32
        %dma_wait3A_221 = arith.constant 0 : i32
        %dma_wait3A_222 = tpu.memref_slice %arg6[%dma_wait3A_220, %dma_wait3A_221] : memref<800000x128xf32, #tpu.memory_space<hbm>> -> memref<128x128xf32, #tpu.memory_space<hbm>>
        %dma_wait3A_223 = arith.constant 0 : i32
        %dma_wait3A_224 = arith.constant 0 : i32
        %dma_wait3A_225 = tpu.memref_slice %arg6[%dma_wait3A_223, %dma_wait3A_224] : memref<800000x128xf32, #tpu.memory_space<hbm>> -> memref<128x128xf32, #tpu.memory_space<hbm>>
        %dma_wait3A_226 = arith.constant 0 : i32
        %dma_wait3A_227 = arith.constant 0 : i32
        %dma_wait3A_228 = tpu.memref_slice %arg10[%dma_wait3A, %dma_wait3A_226, %dma_wait3A_227] : memref<3x128x128xf32, #tpu.memory_space<vmem>> -> memref<1x128x128xf32, #tpu.memory_space<vmem>>
        %dma_wait3A_229 = tpu.memref_squeeze %dma_wait3A_228 : memref<1x128x128xf32, #tpu.memory_space<vmem>> -> memref<128x128xf32, #tpu.memory_space<vmem>>
        tpu.wait_dma2 semaphore(%arg18 : memref<!tpu.dma_semaphore, #tpu.memory_space<semaphore_mem>>) src(%dma_wait3A_229 : memref<128x128xf32, #tpu.memory_space<vmem>>) dst(%dma_wait3A_225 : memref<128x128xf32, #tpu.memory_space<hbm>>)
        %dma_wait3A_230 = arith.constant 0 : i32
        %dma_wait3A_231 = arith.constant 0 : i32
        %dma_wait3A_232 = arith.constant 0 : i32
        %dma_wait3A_233 = tpu.memref_slice %arg11[%dma_wait3A_230, %dma_wait3A_231, %dma_wait3A_232] : memref<3x128x128xf32, #tpu.memory_space<vmem>> -> memref<1x128x128xf32, #tpu.memory_space<vmem>>
        %dma_wait3A_234 = tpu.memref_squeeze %dma_wait3A_233 : memref<1x128x128xf32, #tpu.memory_space<vmem>> -> memref<128x128xf32, #tpu.memory_space<vmem>>
        %dma_wait3A_235 = arith.constant 0 : i32
        %dma_wait3A_236 = arith.constant 0 : i32
        %dma_wait3A_237 = tpu.memref_slice %arg7[%dma_wait3A_235, %dma_wait3A_236] : memref<800000x128xf32, #tpu.memory_space<hbm>> -> memref<128x128xf32, #tpu.memory_space<hbm>>
        %dma_wait3A_238 = arith.constant 0 : i32
        %dma_wait3A_239 = arith.constant 0 : i32
        %dma_wait3A_240 = tpu.memref_slice %arg7[%dma_wait3A_238, %dma_wait3A_239] : memref<800000x128xf32, #tpu.memory_space<hbm>> -> memref<128x128xf32, #tpu.memory_space<hbm>>
        %dma_wait3A_241 = arith.constant 0 : i32
        %dma_wait3A_242 = arith.constant 0 : i32
        %dma_wait3A_243 = tpu.memref_slice %arg11[%dma_wait3A_230, %dma_wait3A_241, %dma_wait3A_242] : memref<3x128x128xf32, #tpu.memory_space<vmem>> -> memref<1x128x128xf32, #tpu.memory_space<vmem>>
        %dma_wait3A_244 = tpu.memref_squeeze %dma_wait3A_243 : memref<1x128x128xf32, #tpu.memory_space<vmem>> -> memref<128x128xf32, #tpu.memory_space<vmem>>
        tpu.wait_dma2 semaphore(%arg18 : memref<!tpu.dma_semaphore, #tpu.memory_space<semaphore_mem>>) src(%dma_wait3A_244 : memref<128x128xf32, #tpu.memory_space<vmem>>) dst(%dma_wait3A_240 : memref<128x128xf32, #tpu.memory_space<hbm>>)
      } else {
      }
      %sub3A_118 = arith.constant 1 : i32
      %sub3A_119 = arith.subi %add3A_87, %sub3A_118 : i32
      %ge3A_120 = arith.constant 0 : i32
      %ge3A_121 = arith.cmpi sge, %sub3A_119, %ge3A_120 : i32
      %lt3A_122 = arith.constant 196 : i32
      %lt3A_123 = arith.cmpi slt, %sub3A_119, %lt3A_122 : i32
      %and3A_124 = arith.andi %ge3A_121, %lt3A_123 : i1
      %mul3A_125 = arith.constant 32 : i32
      %mul3A_126 = arith.muli %sub3A_119, %mul3A_125 : i32
      %add3A_127 = arith.addi %add3A, %mul3A_126 : i32
      %lt3A_128 = arith.constant 6250 : i32
      %lt3A_129 = arith.cmpi slt, %add3A_127, %lt3A_128 : i32
      %and3A_130 = arith.andi %and3A_124, %lt3A_129 : i1
      %convert_element_type3A_131 = arith.extui %and3A_130 : i1 to i32
      %cond3A_132 = arith.constant 0 : i32
      %cond3A_133 = arith.cmpi ne, %convert_element_type3A_131, %cond3A_132 : i32
      scf.if %cond3A_133 {
        %dma_wait3A = arith.constant 0 : i32
        %dma_wait3A_216 = arith.constant 0 : i32
        %dma_wait3A_217 = tpu.memref_slice %arg8[%dma_wait3A, %dma_wait3A_216] : memref<3x128xi32, #tpu.memory_space<vmem>> -> memref<1x128xi32, #tpu.memory_space<vmem>>
        %dma_wait3A_218 = tpu.memref_squeeze %dma_wait3A_217 : memref<1x128xi32, #tpu.memory_space<vmem>> -> memref<128xi32, #tpu.memory_space<vmem>>
        %dma_wait3A_219 = arith.constant 0 : i32
        %dma_wait3A_220 = tpu.memref_slice %arg2[%dma_wait3A_219] : memref<800000xi32, #tpu.memory_space<hbm>> -> memref<128xi32, #tpu.memory_space<hbm>>
        %dma_wait3A_221 = arith.constant 0 : i32
        %dma_wait3A_222 = tpu.memref_slice %arg8[%dma_wait3A, %dma_wait3A_221] : memref<3x128xi32, #tpu.memory_space<vmem>> -> memref<1x128xi32, #tpu.memory_space<vmem>>
        %dma_wait3A_223 = tpu.memref_squeeze %dma_wait3A_222 : memref<1x128xi32, #tpu.memory_space<vmem>> -> memref<128xi32, #tpu.memory_space<vmem>>
        %dma_wait3A_224 = arith.constant 0 : i32
        %dma_wait3A_225 = tpu.memref_slice %arg2[%dma_wait3A_224] : memref<800000xi32, #tpu.memory_space<hbm>> -> memref<128xi32, #tpu.memory_space<hbm>>
        tpu.wait_dma2 semaphore(%arg12 : memref<!tpu.dma_semaphore, #tpu.memory_space<semaphore_mem>>) src(%dma_wait3A_225 : memref<128xi32, #tpu.memory_space<hbm>>) dst(%dma_wait3A_223 : memref<128xi32, #tpu.memory_space<vmem>>)
        %dma_wait3A_226 = arith.constant 0 : i32
        %dma_wait3A_227 = arith.constant 0 : i32
        %dma_wait3A_228 = tpu.memref_slice %arg9[%dma_wait3A_226, %dma_wait3A_227] : memref<3x128xi32, #tpu.memory_space<vmem>> -> memref<1x128xi32, #tpu.memory_space<vmem>>
        %dma_wait3A_229 = tpu.memref_squeeze %dma_wait3A_228 : memref<1x128xi32, #tpu.memory_space<vmem>> -> memref<128xi32, #tpu.memory_space<vmem>>
        %dma_wait3A_230 = arith.constant 0 : i32
        %dma_wait3A_231 = tpu.memref_slice %arg3[%dma_wait3A_230] : memref<800000xi32, #tpu.memory_space<hbm>> -> memref<128xi32, #tpu.memory_space<hbm>>
        %dma_wait3A_232 = arith.constant 0 : i32
        %dma_wait3A_233 = tpu.memref_slice %arg9[%dma_wait3A_226, %dma_wait3A_232] : memref<3x128xi32, #tpu.memory_space<vmem>> -> memref<1x128xi32, #tpu.memory_space<vmem>>
        %dma_wait3A_234 = tpu.memref_squeeze %dma_wait3A_233 : memref<1x128xi32, #tpu.memory_space<vmem>> -> memref<128xi32, #tpu.memory_space<vmem>>
        %dma_wait3A_235 = arith.constant 0 : i32
        %dma_wait3A_236 = tpu.memref_slice %arg3[%dma_wait3A_235] : memref<800000xi32, #tpu.memory_space<hbm>> -> memref<128xi32, #tpu.memory_space<hbm>>
        tpu.wait_dma2 semaphore(%arg12 : memref<!tpu.dma_semaphore, #tpu.memory_space<semaphore_mem>>) src(%dma_wait3A_236 : memref<128xi32, #tpu.memory_space<hbm>>) dst(%dma_wait3A_234 : memref<128xi32, #tpu.memory_space<vmem>>)
        %dma_start3A = arith.constant 0 : i32
        %dma_start3A_237 = arith.constant 0 : i32
        %dma_start3A_238 = arith.constant 0 : i32
        %dma_start3A_239 = arith.constant 0 : i32
        %dma_start3A_240 = tpu.memref_slice %arg10[%dma_start3A_237, %dma_start3A_238, %dma_start3A_239] : memref<3x128x128xf32, #tpu.memory_space<vmem>> -> memref<1x128x128xf32, #tpu.memory_space<vmem>>
        %dma_start3A_241 = tpu.memref_squeeze %dma_start3A_240 : memref<1x128x128xf32, #tpu.memory_space<vmem>> -> memref<128x128xf32, #tpu.memory_space<vmem>>
        %dma_start3A_242 = arith.constant 0 : i32
        %dma_start3A_243 = tpu.memref_slice %arg8[%dma_start3A, %dma_start3A_242] : memref<3x128xi32, #tpu.memory_space<vmem>> -> memref<1x128xi32, #tpu.memory_space<vmem>>
        %dma_start3A_244 = tpu.memref_squeeze %dma_start3A_243 : memref<1x128xi32, #tpu.memory_space<vmem>> -> memref<128xi32, #tpu.memory_space<vmem>>
        %dma_start3A_245 = arith.constant 0 : i32
        %dma_start3A_246 = arith.constant 0 : i32
        %dma_start3A_247 = tpu.memref_slice %arg4[%dma_start3A_245, %dma_start3A_246] : memref<50000x128xf32, #tpu.memory_space<hbm>> -> memref<50000x128xf32, #tpu.memory_space<hbm>>
        tpu.enqueue_indirect_dma source(%dma_start3A_247 : memref<50000x128xf32, #tpu.memory_space<hbm>>) target(%dma_start3A_241 : memref<128x128xf32, #tpu.memory_space<vmem>>) offsets(%dma_start3A_244 : memref<128xi32, #tpu.memory_space<vmem>>) semaphore(%arg15 : memref<!tpu.dma_semaphore, #tpu.memory_space<semaphore_mem>>)
        %dma_start3A_248 = arith.constant 0 : i32
        %dma_start3A_249 = arith.constant 0 : i32
        %dma_start3A_250 = arith.constant 0 : i32
        %dma_start3A_251 = arith.constant 0 : i32
        %dma_start3A_252 = tpu.memref_slice %arg11[%dma_start3A_249, %dma_start3A_250, %dma_start3A_251] : memref<3x128x128xf32, #tpu.memory_space<vmem>> -> memref<1x128x128xf32, #tpu.memory_space<vmem>>
        %dma_start3A_253 = tpu.memref_squeeze %dma_start3A_252 : memref<1x128x128xf32, #tpu.memory_space<vmem>> -> memref<128x128xf32, #tpu.memory_space<vmem>>
        %dma_start3A_254 = arith.constant 0 : i32
        %dma_start3A_255 = tpu.memref_slice %arg9[%dma_start3A_248, %dma_start3A_254] : memref<3x128xi32, #tpu.memory_space<vmem>> -> memref<1x128xi32, #tpu.memory_space<vmem>>
        %dma_start3A_256 = tpu.memref_squeeze %dma_start3A_255 : memref<1x128xi32, #tpu.memory_space<vmem>> -> memref<128xi32, #tpu.memory_space<vmem>>
        %dma_start3A_257 = arith.constant 0 : i32
        %dma_start3A_258 = arith.constant 0 : i32
        %dma_start3A_259 = tpu.memref_slice %arg5[%dma_start3A_257, %dma_start3A_258] : memref<50000x128xf32, #tpu.memory_space<hbm>> -> memref<50000x128xf32, #tpu.memory_space<hbm>>
        tpu.enqueue_indirect_dma source(%dma_start3A_259 : memref<50000x128xf32, #tpu.memory_space<hbm>>) target(%dma_start3A_253 : memref<128x128xf32, #tpu.memory_space<vmem>>) offsets(%dma_start3A_256 : memref<128xi32, #tpu.memory_space<vmem>>) semaphore(%arg15 : memref<!tpu.dma_semaphore, #tpu.memory_space<semaphore_mem>>)
      } else {
      }
      %sub3A_134 = arith.constant 2 : i32
      %sub3A_135 = arith.subi %add3A_87, %sub3A_134 : i32
      %ge3A_136 = arith.constant 0 : i32
      %ge3A_137 = arith.cmpi sge, %sub3A_135, %ge3A_136 : i32
      %lt3A_138 = arith.constant 196 : i32
      %lt3A_139 = arith.cmpi slt, %sub3A_135, %lt3A_138 : i32
      %and3A_140 = arith.andi %ge3A_137, %lt3A_139 : i1
      %mul3A_141 = arith.constant 32 : i32
      %mul3A_142 = arith.muli %sub3A_135, %mul3A_141 : i32
      %add3A_143 = arith.addi %add3A, %mul3A_142 : i32
      %lt3A_144 = arith.constant 6250 : i32
      %lt3A_145 = arith.cmpi slt, %add3A_143, %lt3A_144 : i32
      %and3A_146 = arith.andi %and3A_140, %lt3A_145 : i1
      %convert_element_type3A_147 = arith.extui %and3A_146 : i1 to i32
      %cond3A_148 = arith.constant 0 : i32
      %cond3A_149 = arith.cmpi ne, %convert_element_type3A_147, %cond3A_148 : i32
      scf.if %cond3A_149 {
        %dma_wait3A = arith.constant 2 : i32
        %dma_wait3A_216 = arith.constant 2 : i32
        %dma_wait3A_217 = arith.constant 0 : i32
        %dma_wait3A_218 = arith.constant 0 : i32
        %dma_wait3A_219 = tpu.memref_slice %arg10[%dma_wait3A_216, %dma_wait3A_217, %dma_wait3A_218] : memref<3x128x128xf32, #tpu.memory_space<vmem>> -> memref<1x128x128xf32, #tpu.memory_space<vmem>>
        %dma_wait3A_220 = tpu.memref_squeeze %dma_wait3A_219 : memref<1x128x128xf32, #tpu.memory_space<vmem>> -> memref<128x128xf32, #tpu.memory_space<vmem>>
        %dma_wait3A_221 = arith.constant 0 : i32
        %dma_wait3A_222 = tpu.memref_slice %arg8[%dma_wait3A, %dma_wait3A_221] : memref<3x128xi32, #tpu.memory_space<vmem>> -> memref<1x128xi32, #tpu.memory_space<vmem>>
        %dma_wait3A_223 = tpu.memref_squeeze %dma_wait3A_222 : memref<1x128xi32, #tpu.memory_space<vmem>> -> memref<128xi32, #tpu.memory_space<vmem>>
        %dma_wait3A_224 = arith.constant 0 : i32
        %dma_wait3A_225 = arith.constant 0 : i32
        %dma_wait3A_226 = tpu.memref_slice %arg4[%dma_wait3A_224, %dma_wait3A_225] : memref<50000x128xf32, #tpu.memory_space<hbm>> -> memref<50000x128xf32, #tpu.memory_space<hbm>>
        tpu.wait_indirect_dma semaphore(%arg17 : memref<!tpu.dma_semaphore, #tpu.memory_space<semaphore_mem>>) src(%dma_wait3A_226 : memref<50000x128xf32, #tpu.memory_space<hbm>>) dst(%dma_wait3A_220 : memref<128x128xf32, #tpu.memory_space<vmem>>)
        %dma_wait3A_227 = arith.constant 2 : i32
        %dma_wait3A_228 = arith.constant 2 : i32
        %dma_wait3A_229 = arith.constant 0 : i32
        %dma_wait3A_230 = arith.constant 0 : i32
        %dma_wait3A_231 = tpu.memref_slice %arg11[%dma_wait3A_228, %dma_wait3A_229, %dma_wait3A_230] : memref<3x128x128xf32, #tpu.memory_space<vmem>> -> memref<1x128x128xf32, #tpu.memory_space<vmem>>
        %dma_wait3A_232 = tpu.memref_squeeze %dma_wait3A_231 : memref<1x128x128xf32, #tpu.memory_space<vmem>> -> memref<128x128xf32, #tpu.memory_space<vmem>>
        %dma_wait3A_233 = arith.constant 0 : i32
        %dma_wait3A_234 = tpu.memref_slice %arg9[%dma_wait3A_227, %dma_wait3A_233] : memref<3x128xi32, #tpu.memory_space<vmem>> -> memref<1x128xi32, #tpu.memory_space<vmem>>
        %dma_wait3A_235 = tpu.memref_squeeze %dma_wait3A_234 : memref<1x128xi32, #tpu.memory_space<vmem>> -> memref<128xi32, #tpu.memory_space<vmem>>
        %dma_wait3A_236 = arith.constant 0 : i32
        %dma_wait3A_237 = arith.constant 0 : i32
        %dma_wait3A_238 = tpu.memref_slice %arg5[%dma_wait3A_236, %dma_wait3A_237] : memref<50000x128xf32, #tpu.memory_space<hbm>> -> memref<50000x128xf32, #tpu.memory_space<hbm>>
        tpu.wait_indirect_dma semaphore(%arg17 : memref<!tpu.dma_semaphore, #tpu.memory_space<semaphore_mem>>) src(%dma_wait3A_238 : memref<50000x128xf32, #tpu.memory_space<hbm>>) dst(%dma_wait3A_232 : memref<128x128xf32, #tpu.memory_space<vmem>>)
        %sub3A_239 = arith.constant 2 : i32
        %sub3A_240 = arith.subi %add3A_87, %sub3A_239 : i32
        %mul3A_241 = arith.constant 32 : i32
        %mul3A_242 = arith.muli %sub3A_240, %mul3A_241 : i32
        %add3A_243 = arith.addi %add3A, %mul3A_242 : i32
        %mul3A_244 = arith.constant 128 : i32
        %mul3A_245 = arith.muli %add3A_243, %mul3A_244 : i32
        %dma_start3A = arith.constant 2 : i32
        %dma_start3A_246 = arith.constant 0 : i32
        %dma_start3A_247 = arith.constant 0 : i32
        %dma_start3A_248 = tpu.memref_slice %arg10[%dma_start3A, %dma_start3A_246, %dma_start3A_247] : memref<3x128x128xf32, #tpu.memory_space<vmem>> -> memref<1x128x128xf32, #tpu.memory_space<vmem>>
        %dma_start3A_249 = tpu.memref_squeeze %dma_start3A_248 : memref<1x128x128xf32, #tpu.memory_space<vmem>> -> memref<128x128xf32, #tpu.memory_space<vmem>>
        %dma_start3A_250 = arith.constant 0 : i32
        %dma_start3A_251 = tpu.memref_slice %arg6[%mul3A_245, %dma_start3A_250] : memref<800000x128xf32, #tpu.memory_space<hbm>> -> memref<128x128xf32, #tpu.memory_space<hbm>>
        %dma_start3A_252 = arith.constant 0 : i32
        %dma_start3A_253 = tpu.memref_slice %arg6[%mul3A_245, %dma_start3A_252] : memref<800000x128xf32, #tpu.memory_space<hbm>> -> memref<128x128xf32, #tpu.memory_space<hbm>>
        %dma_start3A_254 = arith.constant 0 : i32
        %dma_start3A_255 = arith.constant 0 : i32
        %dma_start3A_256 = tpu.memref_slice %arg10[%dma_start3A, %dma_start3A_254, %dma_start3A_255] : memref<3x128x128xf32, #tpu.memory_space<vmem>> -> memref<1x128x128xf32, #tpu.memory_space<vmem>>
        %dma_start3A_257 = tpu.memref_squeeze %dma_start3A_256 : memref<1x128x128xf32, #tpu.memory_space<vmem>> -> memref<128x128xf32, #tpu.memory_space<vmem>>
        tpu.enqueue_dma source(%dma_start3A_257 : memref<128x128xf32, #tpu.memory_space<vmem>>) target(%dma_start3A_253 : memref<128x128xf32, #tpu.memory_space<hbm>>) target_semaphore(%arg20 : memref<!tpu.dma_semaphore, #tpu.memory_space<semaphore_mem>>)
        %dma_start3A_258 = arith.constant 2 : i32
        %dma_start3A_259 = arith.constant 0 : i32
        %dma_start3A_260 = arith.constant 0 : i32
        %dma_start3A_261 = tpu.memref_slice %arg11[%dma_start3A_258, %dma_start3A_259, %dma_start3A_260] : memref<3x128x128xf32, #tpu.memory_space<vmem>> -> memref<1x128x128xf32, #tpu.memory_space<vmem>>
        %dma_start3A_262 = tpu.memref_squeeze %dma_start3A_261 : memref<1x128x128xf32, #tpu.memory_space<vmem>> -> memref<128x128xf32, #tpu.memory_space<vmem>>
        %dma_start3A_263 = arith.constant 0 : i32
        %dma_start3A_264 = tpu.memref_slice %arg7[%mul3A_245, %dma_start3A_263] : memref<800000x128xf32, #tpu.memory_space<hbm>> -> memref<128x128xf32, #tpu.memory_space<hbm>>
        %dma_start3A_265 = arith.constant 0 : i32
        %dma_start3A_266 = tpu.memref_slice %arg7[%mul3A_245, %dma_start3A_265] : memref<800000x128xf32, #tpu.memory_space<hbm>> -> memref<128x128xf32, #tpu.memory_space<hbm>>
        %dma_start3A_267 = arith.constant 0 : i32
        %dma_start3A_268 = arith.constant 0 : i32
        %dma_start3A_269 = tpu.memref_slice %arg11[%dma_start3A_258, %dma_start3A_267, %dma_start3A_268] : memref<3x128x128xf32, #tpu.memory_space<vmem>> -> memref<1x128x128xf32, #tpu.memory_space<vmem>>
        %dma_start3A_270 = tpu.memref_squeeze %dma_start3A_269 : memref<1x128x128xf32, #tpu.memory_space<vmem>> -> memref<128x128xf32, #tpu.memory_space<vmem>>
        tpu.enqueue_dma source(%dma_start3A_270 : memref<128x128xf32, #tpu.memory_space<vmem>>) target(%dma_start3A_266 : memref<128x128xf32, #tpu.memory_space<hbm>>) target_semaphore(%arg20 : memref<!tpu.dma_semaphore, #tpu.memory_space<semaphore_mem>>)
      } else {
      }
      %mul3A_150 = arith.constant 3 : i32
      %mul3A_151 = arith.muli %scan3A_19, %mul3A_150 : i32
      %add3A_152 = arith.constant 2 : i32
      %add3A_153 = arith.addi %mul3A_151, %add3A_152 : i32
      %ge3A_154 = arith.constant 0 : i32
      %ge3A_155 = arith.cmpi sge, %add3A_153, %ge3A_154 : i32
      %lt3A_156 = arith.constant 196 : i32
      %lt3A_157 = arith.cmpi slt, %add3A_153, %lt3A_156 : i32
      %and3A_158 = arith.andi %ge3A_155, %lt3A_157 : i1
      %mul3A_159 = arith.constant 32 : i32
      %mul3A_160 = arith.muli %add3A_153, %mul3A_159 : i32
      %add3A_161 = arith.addi %add3A, %mul3A_160 : i32
      %lt3A_162 = arith.constant 6250 : i32
      %lt3A_163 = arith.cmpi slt, %add3A_161, %lt3A_162 : i32
      %and3A_164 = arith.andi %and3A_158, %lt3A_163 : i1
      %convert_element_type3A_165 = arith.extui %and3A_164 : i1 to i32
      %cond3A_166 = arith.constant 0 : i32
      %cond3A_167 = arith.cmpi ne, %convert_element_type3A_165, %cond3A_166 : i32
      scf.if %cond3A_167 {
        %mul3A_216 = arith.constant 32 : i32
        %mul3A_217 = arith.muli %add3A_153, %mul3A_216 : i32
        %add3A_218 = arith.addi %add3A, %mul3A_217 : i32
        %mul3A_219 = arith.constant 128 : i32
        %mul3A_220 = arith.muli %add3A_218, %mul3A_219 : i32
        %dma_start3A = arith.constant 2 : i32
        %dma_start3A_221 = arith.constant 0 : i32
        %dma_start3A_222 = tpu.memref_slice %arg8[%dma_start3A, %dma_start3A_221] : memref<3x128xi32, #tpu.memory_space<vmem>> -> memref<1x128xi32, #tpu.memory_space<vmem>>
        %dma_start3A_223 = tpu.memref_squeeze %dma_start3A_222 : memref<1x128xi32, #tpu.memory_space<vmem>> -> memref<128xi32, #tpu.memory_space<vmem>>
        %dma_start3A_224 = tpu.memref_slice %arg2[%mul3A_220] : memref<800000xi32, #tpu.memory_space<hbm>> -> memref<128xi32, #tpu.memory_space<hbm>>
        %dma_start3A_225 = arith.constant 0 : i32
        %dma_start3A_226 = tpu.memref_slice %arg8[%dma_start3A, %dma_start3A_225] : memref<3x128xi32, #tpu.memory_space<vmem>> -> memref<1x128xi32, #tpu.memory_space<vmem>>
        %dma_start3A_227 = tpu.memref_squeeze %dma_start3A_226 : memref<1x128xi32, #tpu.memory_space<vmem>> -> memref<128xi32, #tpu.memory_space<vmem>>
        %dma_start3A_228 = tpu.memref_slice %arg2[%mul3A_220] : memref<800000xi32, #tpu.memory_space<hbm>> -> memref<128xi32, #tpu.memory_space<hbm>>
        tpu.enqueue_dma source(%dma_start3A_228 : memref<128xi32, #tpu.memory_space<hbm>>) target(%dma_start3A_227 : memref<128xi32, #tpu.memory_space<vmem>>) target_semaphore(%arg14 : memref<!tpu.dma_semaphore, #tpu.memory_space<semaphore_mem>>)
        %dma_start3A_229 = arith.constant 2 : i32
        %dma_start3A_230 = arith.constant 0 : i32
        %dma_start3A_231 = tpu.memref_slice %arg9[%dma_start3A_229, %dma_start3A_230] : memref<3x128xi32, #tpu.memory_space<vmem>> -> memref<1x128xi32, #tpu.memory_space<vmem>>
        %dma_start3A_232 = tpu.memref_squeeze %dma_start3A_231 : memref<1x128xi32, #tpu.memory_space<vmem>> -> memref<128xi32, #tpu.memory_space<vmem>>
        %dma_start3A_233 = tpu.memref_slice %arg3[%mul3A_220] : memref<800000xi32, #tpu.memory_space<hbm>> -> memref<128xi32, #tpu.memory_space<hbm>>
        %dma_start3A_234 = arith.constant 0 : i32
        %dma_start3A_235 = tpu.memref_slice %arg9[%dma_start3A_229, %dma_start3A_234] : memref<3x128xi32, #tpu.memory_space<vmem>> -> memref<1x128xi32, #tpu.memory_space<vmem>>
        %dma_start3A_236 = tpu.memref_squeeze %dma_start3A_235 : memref<1x128xi32, #tpu.memory_space<vmem>> -> memref<128xi32, #tpu.memory_space<vmem>>
        %dma_start3A_237 = tpu.memref_slice %arg3[%mul3A_220] : memref<800000xi32, #tpu.memory_space<hbm>> -> memref<128xi32, #tpu.memory_space<hbm>>
        tpu.enqueue_dma source(%dma_start3A_237 : memref<128xi32, #tpu.memory_space<hbm>>) target(%dma_start3A_236 : memref<128xi32, #tpu.memory_space<vmem>>) target_semaphore(%arg14 : memref<!tpu.dma_semaphore, #tpu.memory_space<semaphore_mem>>)
      } else {
      }
      %sub3A_168 = arith.constant 4 : i32
      %sub3A_169 = arith.subi %add3A_153, %sub3A_168 : i32
      %ge3A_170 = arith.constant 0 : i32
      %ge3A_171 = arith.cmpi sge, %sub3A_169, %ge3A_170 : i32
      %lt3A_172 = arith.constant 196 : i32
      %lt3A_173 = arith.cmpi slt, %sub3A_169, %lt3A_172 : i32
      %and3A_174 = arith.andi %ge3A_171, %lt3A_173 : i1
      %mul3A_175 = arith.constant 32 : i32
      %mul3A_176 = arith.muli %sub3A_169, %mul3A_175 : i32
      %add3A_177 = arith.addi %add3A, %mul3A_176 : i32
      %lt3A_178 = arith.constant 6250 : i32
      %lt3A_179 = arith.cmpi slt, %add3A_177, %lt3A_178 : i32
      %and3A_180 = arith.andi %and3A_174, %lt3A_179 : i1
      %convert_element_type3A_181 = arith.extui %and3A_180 : i1 to i32
      %cond3A_182 = arith.constant 0 : i32
      %cond3A_183 = arith.cmpi ne, %convert_element_type3A_181, %cond3A_182 : i32
      scf.if %cond3A_183 {
        %dma_wait3A = arith.constant 1 : i32
        %dma_wait3A_216 = arith.constant 0 : i32
        %dma_wait3A_217 = arith.constant 0 : i32
        %dma_wait3A_218 = tpu.memref_slice %arg10[%dma_wait3A, %dma_wait3A_216, %dma_wait3A_217] : memref<3x128x128xf32, #tpu.memory_space<vmem>> -> memref<1x128x128xf32, #tpu.memory_space<vmem>>
        %dma_wait3A_219 = tpu.memref_squeeze %dma_wait3A_218 : memref<1x128x128xf32, #tpu.memory_space<vmem>> -> memref<128x128xf32, #tpu.memory_space<vmem>>
        %dma_wait3A_220 = arith.constant 0 : i32
        %dma_wait3A_221 = arith.constant 0 : i32
        %dma_wait3A_222 = tpu.memref_slice %arg6[%dma_wait3A_220, %dma_wait3A_221] : memref<800000x128xf32, #tpu.memory_space<hbm>> -> memref<128x128xf32, #tpu.memory_space<hbm>>
        %dma_wait3A_223 = arith.constant 0 : i32
        %dma_wait3A_224 = arith.constant 0 : i32
        %dma_wait3A_225 = tpu.memref_slice %arg6[%dma_wait3A_223, %dma_wait3A_224] : memref<800000x128xf32, #tpu.memory_space<hbm>> -> memref<128x128xf32, #tpu.memory_space<hbm>>
        %dma_wait3A_226 = arith.constant 0 : i32
        %dma_wait3A_227 = arith.constant 0 : i32
        %dma_wait3A_228 = tpu.memref_slice %arg10[%dma_wait3A, %dma_wait3A_226, %dma_wait3A_227] : memref<3x128x128xf32, #tpu.memory_space<vmem>> -> memref<1x128x128xf32, #tpu.memory_space<vmem>>
        %dma_wait3A_229 = tpu.memref_squeeze %dma_wait3A_228 : memref<1x128x128xf32, #tpu.memory_space<vmem>> -> memref<128x128xf32, #tpu.memory_space<vmem>>
        tpu.wait_dma2 semaphore(%arg19 : memref<!tpu.dma_semaphore, #tpu.memory_space<semaphore_mem>>) src(%dma_wait3A_229 : memref<128x128xf32, #tpu.memory_space<vmem>>) dst(%dma_wait3A_225 : memref<128x128xf32, #tpu.memory_space<hbm>>)
        %dma_wait3A_230 = arith.constant 1 : i32
        %dma_wait3A_231 = arith.constant 0 : i32
        %dma_wait3A_232 = arith.constant 0 : i32
        %dma_wait3A_233 = tpu.memref_slice %arg11[%dma_wait3A_230, %dma_wait3A_231, %dma_wait3A_232] : memref<3x128x128xf32, #tpu.memory_space<vmem>> -> memref<1x128x128xf32, #tpu.memory_space<vmem>>
        %dma_wait3A_234 = tpu.memref_squeeze %dma_wait3A_233 : memref<1x128x128xf32, #tpu.memory_space<vmem>> -> memref<128x128xf32, #tpu.memory_space<vmem>>
        %dma_wait3A_235 = arith.constant 0 : i32
        %dma_wait3A_236 = arith.constant 0 : i32
        %dma_wait3A_237 = tpu.memref_slice %arg7[%dma_wait3A_235, %dma_wait3A_236] : memref<800000x128xf32, #tpu.memory_space<hbm>> -> memref<128x128xf32, #tpu.memory_space<hbm>>
        %dma_wait3A_238 = arith.constant 0 : i32
        %dma_wait3A_239 = arith.constant 0 : i32
        %dma_wait3A_240 = tpu.memref_slice %arg7[%dma_wait3A_238, %dma_wait3A_239] : memref<800000x128xf32, #tpu.memory_space<hbm>> -> memref<128x128xf32, #tpu.memory_space<hbm>>
        %dma_wait3A_241 = arith.constant 0 : i32
        %dma_wait3A_242 = arith.constant 0 : i32
        %dma_wait3A_243 = tpu.memref_slice %arg11[%dma_wait3A_230, %dma_wait3A_241, %dma_wait3A_242] : memref<3x128x128xf32, #tpu.memory_space<vmem>> -> memref<1x128x128xf32, #tpu.memory_space<vmem>>
        %dma_wait3A_244 = tpu.memref_squeeze %dma_wait3A_243 : memref<1x128x128xf32, #tpu.memory_space<vmem>> -> memref<128x128xf32, #tpu.memory_space<vmem>>
        tpu.wait_dma2 semaphore(%arg19 : memref<!tpu.dma_semaphore, #tpu.memory_space<semaphore_mem>>) src(%dma_wait3A_244 : memref<128x128xf32, #tpu.memory_space<vmem>>) dst(%dma_wait3A_240 : memref<128x128xf32, #tpu.memory_space<hbm>>)
      } else {
      }
      %sub3A_184 = arith.constant 1 : i32
      %sub3A_185 = arith.subi %add3A_153, %sub3A_184 : i32
      %ge3A_186 = arith.constant 0 : i32
      %ge3A_187 = arith.cmpi sge, %sub3A_185, %ge3A_186 : i32
      %lt3A_188 = arith.constant 196 : i32
      %lt3A_189 = arith.cmpi slt, %sub3A_185, %lt3A_188 : i32
      %and3A_190 = arith.andi %ge3A_187, %lt3A_189 : i1
      %mul3A_191 = arith.constant 32 : i32
      %mul3A_192 = arith.muli %sub3A_185, %mul3A_191 : i32
      %add3A_193 = arith.addi %add3A, %mul3A_192 : i32
      %lt3A_194 = arith.constant 6250 : i32
      %lt3A_195 = arith.cmpi slt, %add3A_193, %lt3A_194 : i32
      %and3A_196 = arith.andi %and3A_190, %lt3A_195 : i1
      %convert_element_type3A_197 = arith.extui %and3A_196 : i1 to i32
      %cond3A_198 = arith.constant 0 : i32
      %cond3A_199 = arith.cmpi ne, %convert_element_type3A_197, %cond3A_198 : i32
      scf.if %cond3A_199 {
        %dma_wait3A = arith.constant 1 : i32
        %dma_wait3A_216 = arith.constant 0 : i32
        %dma_wait3A_217 = tpu.memref_slice %arg8[%dma_wait3A, %dma_wait3A_216] : memref<3x128xi32, #tpu.memory_space<vmem>> -> memref<1x128xi32, #tpu.memory_space<vmem>>
        %dma_wait3A_218 = tpu.memref_squeeze %dma_wait3A_217 : memref<1x128xi32, #tpu.memory_space<vmem>> -> memref<128xi32, #tpu.memory_space<vmem>>
        %dma_wait3A_219 = arith.constant 0 : i32
        %dma_wait3A_220 = tpu.memref_slice %arg2[%dma_wait3A_219] : memref<800000xi32, #tpu.memory_space<hbm>> -> memref<128xi32, #tpu.memory_space<hbm>>
        %dma_wait3A_221 = arith.constant 0 : i32
        %dma_wait3A_222 = tpu.memref_slice %arg8[%dma_wait3A, %dma_wait3A_221] : memref<3x128xi32, #tpu.memory_space<vmem>> -> memref<1x128xi32, #tpu.memory_space<vmem>>
        %dma_wait3A_223 = tpu.memref_squeeze %dma_wait3A_222 : memref<1x128xi32, #tpu.memory_space<vmem>> -> memref<128xi32, #tpu.memory_space<vmem>>
        %dma_wait3A_224 = arith.constant 0 : i32
        %dma_wait3A_225 = tpu.memref_slice %arg2[%dma_wait3A_224] : memref<800000xi32, #tpu.memory_space<hbm>> -> memref<128xi32, #tpu.memory_space<hbm>>
        tpu.wait_dma2 semaphore(%arg13 : memref<!tpu.dma_semaphore, #tpu.memory_space<semaphore_mem>>) src(%dma_wait3A_225 : memref<128xi32, #tpu.memory_space<hbm>>) dst(%dma_wait3A_223 : memref<128xi32, #tpu.memory_space<vmem>>)
        %dma_wait3A_226 = arith.constant 1 : i32
        %dma_wait3A_227 = arith.constant 0 : i32
        %dma_wait3A_228 = tpu.memref_slice %arg9[%dma_wait3A_226, %dma_wait3A_227] : memref<3x128xi32, #tpu.memory_space<vmem>> -> memref<1x128xi32, #tpu.memory_space<vmem>>
        %dma_wait3A_229 = tpu.memref_squeeze %dma_wait3A_228 : memref<1x128xi32, #tpu.memory_space<vmem>> -> memref<128xi32, #tpu.memory_space<vmem>>
        %dma_wait3A_230 = arith.constant 0 : i32
        %dma_wait3A_231 = tpu.memref_slice %arg3[%dma_wait3A_230] : memref<800000xi32, #tpu.memory_space<hbm>> -> memref<128xi32, #tpu.memory_space<hbm>>
        %dma_wait3A_232 = arith.constant 0 : i32
        %dma_wait3A_233 = tpu.memref_slice %arg9[%dma_wait3A_226, %dma_wait3A_232] : memref<3x128xi32, #tpu.memory_space<vmem>> -> memref<1x128xi32, #tpu.memory_space<vmem>>
        %dma_wait3A_234 = tpu.memref_squeeze %dma_wait3A_233 : memref<1x128xi32, #tpu.memory_space<vmem>> -> memref<128xi32, #tpu.memory_space<vmem>>
        %dma_wait3A_235 = arith.constant 0 : i32
        %dma_wait3A_236 = tpu.memref_slice %arg3[%dma_wait3A_235] : memref<800000xi32, #tpu.memory_space<hbm>> -> memref<128xi32, #tpu.memory_space<hbm>>
        tpu.wait_dma2 semaphore(%arg13 : memref<!tpu.dma_semaphore, #tpu.memory_space<semaphore_mem>>) src(%dma_wait3A_236 : memref<128xi32, #tpu.memory_space<hbm>>) dst(%dma_wait3A_234 : memref<128xi32, #tpu.memory_space<vmem>>)
        %dma_start3A = arith.constant 1 : i32
        %dma_start3A_237 = arith.constant 1 : i32
        %dma_start3A_238 = arith.constant 0 : i32
        %dma_start3A_239 = arith.constant 0 : i32
        %dma_start3A_240 = tpu.memref_slice %arg10[%dma_start3A_237, %dma_start3A_238, %dma_start3A_239] : memref<3x128x128xf32, #tpu.memory_space<vmem>> -> memref<1x128x128xf32, #tpu.memory_space<vmem>>
        %dma_start3A_241 = tpu.memref_squeeze %dma_start3A_240 : memref<1x128x128xf32, #tpu.memory_space<vmem>> -> memref<128x128xf32, #tpu.memory_space<vmem>>
        %dma_start3A_242 = arith.constant 0 : i32
        %dma_start3A_243 = tpu.memref_slice %arg8[%dma_start3A, %dma_start3A_242] : memref<3x128xi32, #tpu.memory_space<vmem>> -> memref<1x128xi32, #tpu.memory_space<vmem>>
        %dma_start3A_244 = tpu.memref_squeeze %dma_start3A_243 : memref<1x128xi32, #tpu.memory_space<vmem>> -> memref<128xi32, #tpu.memory_space<vmem>>
        %dma_start3A_245 = arith.constant 0 : i32
        %dma_start3A_246 = arith.constant 0 : i32
        %dma_start3A_247 = tpu.memref_slice %arg4[%dma_start3A_245, %dma_start3A_246] : memref<50000x128xf32, #tpu.memory_space<hbm>> -> memref<50000x128xf32, #tpu.memory_space<hbm>>
        tpu.enqueue_indirect_dma source(%dma_start3A_247 : memref<50000x128xf32, #tpu.memory_space<hbm>>) target(%dma_start3A_241 : memref<128x128xf32, #tpu.memory_space<vmem>>) offsets(%dma_start3A_244 : memref<128xi32, #tpu.memory_space<vmem>>) semaphore(%arg16 : memref<!tpu.dma_semaphore, #tpu.memory_space<semaphore_mem>>)
        %dma_start3A_248 = arith.constant 1 : i32
        %dma_start3A_249 = arith.constant 1 : i32
        %dma_start3A_250 = arith.constant 0 : i32
        %dma_start3A_251 = arith.constant 0 : i32
        %dma_start3A_252 = tpu.memref_slice %arg11[%dma_start3A_249, %dma_start3A_250, %dma_start3A_251] : memref<3x128x128xf32, #tpu.memory_space<vmem>> -> memref<1x128x128xf32, #tpu.memory_space<vmem>>
        %dma_start3A_253 = tpu.memref_squeeze %dma_start3A_252 : memref<1x128x128xf32, #tpu.memory_space<vmem>> -> memref<128x128xf32, #tpu.memory_space<vmem>>
        %dma_start3A_254 = arith.constant 0 : i32
        %dma_start3A_255 = tpu.memref_slice %arg9[%dma_start3A_248, %dma_start3A_254] : memref<3x128xi32, #tpu.memory_space<vmem>> -> memref<1x128xi32, #tpu.memory_space<vmem>>
        %dma_start3A_256 = tpu.memref_squeeze %dma_start3A_255 : memref<1x128xi32, #tpu.memory_space<vmem>> -> memref<128xi32, #tpu.memory_space<vmem>>
        %dma_start3A_257 = arith.constant 0 : i32
        %dma_start3A_258 = arith.constant 0 : i32
        %dma_start3A_259 = tpu.memref_slice %arg5[%dma_start3A_257, %dma_start3A_258] : memref<50000x128xf32, #tpu.memory_space<hbm>> -> memref<50000x128xf32, #tpu.memory_space<hbm>>
        tpu.enqueue_indirect_dma source(%dma_start3A_259 : memref<50000x128xf32, #tpu.memory_space<hbm>>) target(%dma_start3A_253 : memref<128x128xf32, #tpu.memory_space<vmem>>) offsets(%dma_start3A_256 : memref<128xi32, #tpu.memory_space<vmem>>) semaphore(%arg16 : memref<!tpu.dma_semaphore, #tpu.memory_space<semaphore_mem>>)
      } else {
      }
      %sub3A_200 = arith.constant 2 : i32
      %sub3A_201 = arith.subi %add3A_153, %sub3A_200 : i32
      %ge3A_202 = arith.constant 0 : i32
      %ge3A_203 = arith.cmpi sge, %sub3A_201, %ge3A_202 : i32
      %lt3A_204 = arith.constant 196 : i32
      %lt3A_205 = arith.cmpi slt, %sub3A_201, %lt3A_204 : i32
      %and3A_206 = arith.andi %ge3A_203, %lt3A_205 : i1
      %mul3A_207 = arith.constant 32 : i32
      %mul3A_208 = arith.muli %sub3A_201, %mul3A_207 : i32
      %add3A_209 = arith.addi %add3A, %mul3A_208 : i32
      %lt3A_210 = arith.constant 6250 : i32
      %lt3A_211 = arith.cmpi slt, %add3A_209, %lt3A_210 : i32
      %and3A_212 = arith.andi %and3A_206, %lt3A_211 : i1
      %convert_element_type3A_213 = arith.extui %and3A_212 : i1 to i32
      %cond3A_214 = arith.constant 0 : i32
      %cond3A_215 = arith.cmpi ne, %convert_element_type3A_213, %cond3A_214 : i32
      scf.if %cond3A_215 {
        %dma_wait3A = arith.constant 0 : i32
        %dma_wait3A_216 = arith.constant 0 : i32
        %dma_wait3A_217 = arith.constant 0 : i32
        %dma_wait3A_218 = arith.constant 0 : i32
        %dma_wait3A_219 = tpu.memref_slice %arg10[%dma_wait3A_216, %dma_wait3A_217, %dma_wait3A_218] : memref<3x128x128xf32, #tpu.memory_space<vmem>> -> memref<1x128x128xf32, #tpu.memory_space<vmem>>
        %dma_wait3A_220 = tpu.memref_squeeze %dma_wait3A_219 : memref<1x128x128xf32, #tpu.memory_space<vmem>> -> memref<128x128xf32, #tpu.memory_space<vmem>>
        %dma_wait3A_221 = arith.constant 0 : i32
        %dma_wait3A_222 = tpu.memref_slice %arg8[%dma_wait3A, %dma_wait3A_221] : memref<3x128xi32, #tpu.memory_space<vmem>> -> memref<1x128xi32, #tpu.memory_space<vmem>>
        %dma_wait3A_223 = tpu.memref_squeeze %dma_wait3A_222 : memref<1x128xi32, #tpu.memory_space<vmem>> -> memref<128xi32, #tpu.memory_space<vmem>>
        %dma_wait3A_224 = arith.constant 0 : i32
        %dma_wait3A_225 = arith.constant 0 : i32
        %dma_wait3A_226 = tpu.memref_slice %arg4[%dma_wait3A_224, %dma_wait3A_225] : memref<50000x128xf32, #tpu.memory_space<hbm>> -> memref<50000x128xf32, #tpu.memory_space<hbm>>
        tpu.wait_indirect_dma semaphore(%arg15 : memref<!tpu.dma_semaphore, #tpu.memory_space<semaphore_mem>>) src(%dma_wait3A_226 : memref<50000x128xf32, #tpu.memory_space<hbm>>) dst(%dma_wait3A_220 : memref<128x128xf32, #tpu.memory_space<vmem>>)
        %dma_wait3A_227 = arith.constant 0 : i32
        %dma_wait3A_228 = arith.constant 0 : i32
        %dma_wait3A_229 = arith.constant 0 : i32
        %dma_wait3A_230 = arith.constant 0 : i32
        %dma_wait3A_231 = tpu.memref_slice %arg11[%dma_wait3A_228, %dma_wait3A_229, %dma_wait3A_230] : memref<3x128x128xf32, #tpu.memory_space<vmem>> -> memref<1x128x128xf32, #tpu.memory_space<vmem>>
        %dma_wait3A_232 = tpu.memref_squeeze %dma_wait3A_231 : memref<1x128x128xf32, #tpu.memory_space<vmem>> -> memref<128x128xf32, #tpu.memory_space<vmem>>
        %dma_wait3A_233 = arith.constant 0 : i32
        %dma_wait3A_234 = tpu.memref_slice %arg9[%dma_wait3A_227, %dma_wait3A_233] : memref<3x128xi32, #tpu.memory_space<vmem>> -> memref<1x128xi32, #tpu.memory_space<vmem>>
        %dma_wait3A_235 = tpu.memref_squeeze %dma_wait3A_234 : memref<1x128xi32, #tpu.memory_space<vmem>> -> memref<128xi32, #tpu.memory_space<vmem>>
        %dma_wait3A_236 = arith.constant 0 : i32
        %dma_wait3A_237 = arith.constant 0 : i32
        %dma_wait3A_238 = tpu.memref_slice %arg5[%dma_wait3A_236, %dma_wait3A_237] : memref<50000x128xf32, #tpu.memory_space<hbm>> -> memref<50000x128xf32, #tpu.memory_space<hbm>>
        tpu.wait_indirect_dma semaphore(%arg15 : memref<!tpu.dma_semaphore, #tpu.memory_space<semaphore_mem>>) src(%dma_wait3A_238 : memref<50000x128xf32, #tpu.memory_space<hbm>>) dst(%dma_wait3A_232 : memref<128x128xf32, #tpu.memory_space<vmem>>)
        %sub3A_239 = arith.constant 2 : i32
        %sub3A_240 = arith.subi %add3A_153, %sub3A_239 : i32
        %mul3A_241 = arith.constant 32 : i32
        %mul3A_242 = arith.muli %sub3A_240, %mul3A_241 : i32
        %add3A_243 = arith.addi %add3A, %mul3A_242 : i32
        %mul3A_244 = arith.constant 128 : i32
        %mul3A_245 = arith.muli %add3A_243, %mul3A_244 : i32
        %dma_start3A = arith.constant 0 : i32
        %dma_start3A_246 = arith.constant 0 : i32
        %dma_start3A_247 = arith.constant 0 : i32
        %dma_start3A_248 = tpu.memref_slice %arg10[%dma_start3A, %dma_start3A_246, %dma_start3A_247] : memref<3x128x128xf32, #tpu.memory_space<vmem>> -> memref<1x128x128xf32, #tpu.memory_space<vmem>>
        %dma_start3A_249 = tpu.memref_squeeze %dma_start3A_248 : memref<1x128x128xf32, #tpu.memory_space<vmem>> -> memref<128x128xf32, #tpu.memory_space<vmem>>
        %dma_start3A_250 = arith.constant 0 : i32
        %dma_start3A_251 = tpu.memref_slice %arg6[%mul3A_245, %dma_start3A_250] : memref<800000x128xf32, #tpu.memory_space<hbm>> -> memref<128x128xf32, #tpu.memory_space<hbm>>
        %dma_start3A_252 = arith.constant 0 : i32
        %dma_start3A_253 = tpu.memref_slice %arg6[%mul3A_245, %dma_start3A_252] : memref<800000x128xf32, #tpu.memory_space<hbm>> -> memref<128x128xf32, #tpu.memory_space<hbm>>
        %dma_start3A_254 = arith.constant 0 : i32
        %dma_start3A_255 = arith.constant 0 : i32
        %dma_start3A_256 = tpu.memref_slice %arg10[%dma_start3A, %dma_start3A_254, %dma_start3A_255] : memref<3x128x128xf32, #tpu.memory_space<vmem>> -> memref<1x128x128xf32, #tpu.memory_space<vmem>>
        %dma_start3A_257 = tpu.memref_squeeze %dma_start3A_256 : memref<1x128x128xf32, #tpu.memory_space<vmem>> -> memref<128x128xf32, #tpu.memory_space<vmem>>
        tpu.enqueue_dma source(%dma_start3A_257 : memref<128x128xf32, #tpu.memory_space<vmem>>) target(%dma_start3A_253 : memref<128x128xf32, #tpu.memory_space<hbm>>) target_semaphore(%arg18 : memref<!tpu.dma_semaphore, #tpu.memory_space<semaphore_mem>>)
        %dma_start3A_258 = arith.constant 0 : i32
        %dma_start3A_259 = arith.constant 0 : i32
        %dma_start3A_260 = arith.constant 0 : i32
        %dma_start3A_261 = tpu.memref_slice %arg11[%dma_start3A_258, %dma_start3A_259, %dma_start3A_260] : memref<3x128x128xf32, #tpu.memory_space<vmem>> -> memref<1x128x128xf32, #tpu.memory_space<vmem>>
        %dma_start3A_262 = tpu.memref_squeeze %dma_start3A_261 : memref<1x128x128xf32, #tpu.memory_space<vmem>> -> memref<128x128xf32, #tpu.memory_space<vmem>>
        %dma_start3A_263 = arith.constant 0 : i32
        %dma_start3A_264 = tpu.memref_slice %arg7[%mul3A_245, %dma_start3A_263] : memref<800000x128xf32, #tpu.memory_space<hbm>> -> memref<128x128xf32, #tpu.memory_space<hbm>>
        %dma_start3A_265 = arith.constant 0 : i32
        %dma_start3A_266 = tpu.memref_slice %arg7[%mul3A_245, %dma_start3A_265] : memref<800000x128xf32, #tpu.memory_space<hbm>> -> memref<128x128xf32, #tpu.memory_space<hbm>>
        %dma_start3A_267 = arith.constant 0 : i32
        %dma_start3A_268 = arith.constant 0 : i32
        %dma_start3A_269 = tpu.memref_slice %arg11[%dma_start3A_258, %dma_start3A_267, %dma_start3A_268] : memref<3x128x128xf32, #tpu.memory_space<vmem>> -> memref<1x128x128xf32, #tpu.memory_space<vmem>>
        %dma_start3A_270 = tpu.memref_squeeze %dma_start3A_269 : memref<1x128x128xf32, #tpu.memory_space<vmem>> -> memref<128x128xf32, #tpu.memory_space<vmem>>
        tpu.enqueue_dma source(%dma_start3A_270 : memref<128x128xf32, #tpu.memory_space<vmem>>) target(%dma_start3A_266 : memref<128x128xf32, #tpu.memory_space<hbm>>) target_semaphore(%arg18 : memref<!tpu.dma_semaphore, #tpu.memory_space<semaphore_mem>>)
      } else {
      }
    }
    %scan3A_4 = arith.constant 66 : i32
    %add3A_5 = arith.constant 6208 : i32
    %add3A_6 = arith.addi %add3A, %add3A_5 : i32
    %lt3A = arith.constant 6250 : i32
    %lt3A_7 = arith.cmpi slt, %add3A_6, %lt3A : i32
    %and3A = arith.constant true
    %and3A_8 = arith.andi %and3A, %lt3A_7 : i1
    %convert_element_type3A = arith.extui %and3A_8 : i1 to i32
    %cond3A = arith.constant 0 : i32
    %cond3A_9 = arith.cmpi ne, %convert_element_type3A, %cond3A : i32
    scf.if %cond3A_9 {
      %dma_wait3A = arith.constant 2 : i32
      %dma_wait3A_19 = arith.constant 0 : i32
      %dma_wait3A_20 = arith.constant 0 : i32
      %dma_wait3A_21 = tpu.memref_slice %arg10[%dma_wait3A, %dma_wait3A_19, %dma_wait3A_20] : memref<3x128x128xf32, #tpu.memory_space<vmem>> -> memref<1x128x128xf32, #tpu.memory_space<vmem>>
      %dma_wait3A_22 = tpu.memref_squeeze %dma_wait3A_21 : memref<1x128x128xf32, #tpu.memory_space<vmem>> -> memref<128x128xf32, #tpu.memory_space<vmem>>
      %dma_wait3A_23 = arith.constant 0 : i32
      %dma_wait3A_24 = arith.constant 0 : i32
      %dma_wait3A_25 = tpu.memref_slice %arg6[%dma_wait3A_23, %dma_wait3A_24] : memref<800000x128xf32, #tpu.memory_space<hbm>> -> memref<128x128xf32, #tpu.memory_space<hbm>>
      %dma_wait3A_26 = arith.constant 0 : i32
      %dma_wait3A_27 = arith.constant 0 : i32
      %dma_wait3A_28 = tpu.memref_slice %arg6[%dma_wait3A_26, %dma_wait3A_27] : memref<800000x128xf32, #tpu.memory_space<hbm>> -> memref<128x128xf32, #tpu.memory_space<hbm>>
      %dma_wait3A_29 = arith.constant 0 : i32
      %dma_wait3A_30 = arith.constant 0 : i32
      %dma_wait3A_31 = tpu.memref_slice %arg10[%dma_wait3A, %dma_wait3A_29, %dma_wait3A_30] : memref<3x128x128xf32, #tpu.memory_space<vmem>> -> memref<1x128x128xf32, #tpu.memory_space<vmem>>
      %dma_wait3A_32 = tpu.memref_squeeze %dma_wait3A_31 : memref<1x128x128xf32, #tpu.memory_space<vmem>> -> memref<128x128xf32, #tpu.memory_space<vmem>>
      tpu.wait_dma2 semaphore(%arg20 : memref<!tpu.dma_semaphore, #tpu.memory_space<semaphore_mem>>) src(%dma_wait3A_32 : memref<128x128xf32, #tpu.memory_space<vmem>>) dst(%dma_wait3A_28 : memref<128x128xf32, #tpu.memory_space<hbm>>)
      %dma_wait3A_33 = arith.constant 2 : i32
      %dma_wait3A_34 = arith.constant 0 : i32
      %dma_wait3A_35 = arith.constant 0 : i32
      %dma_wait3A_36 = tpu.memref_slice %arg11[%dma_wait3A_33, %dma_wait3A_34, %dma_wait3A_35] : memref<3x128x128xf32, #tpu.memory_space<vmem>> -> memref<1x128x128xf32, #tpu.memory_space<vmem>>
      %dma_wait3A_37 = tpu.memref_squeeze %dma_wait3A_36 : memref<1x128x128xf32, #tpu.memory_space<vmem>> -> memref<128x128xf32, #tpu.memory_space<vmem>>
      %dma_wait3A_38 = arith.constant 0 : i32
      %dma_wait3A_39 = arith.constant 0 : i32
      %dma_wait3A_40 = tpu.memref_slice %arg7[%dma_wait3A_38, %dma_wait3A_39] : memref<800000x128xf32, #tpu.memory_space<hbm>> -> memref<128x128xf32, #tpu.memory_space<hbm>>
      %dma_wait3A_41 = arith.constant 0 : i32
      %dma_wait3A_42 = arith.constant 0 : i32
      %dma_wait3A_43 = tpu.memref_slice %arg7[%dma_wait3A_41, %dma_wait3A_42] : memref<800000x128xf32, #tpu.memory_space<hbm>> -> memref<128x128xf32, #tpu.memory_space<hbm>>
      %dma_wait3A_44 = arith.constant 0 : i32
      %dma_wait3A_45 = arith.constant 0 : i32
      %dma_wait3A_46 = tpu.memref_slice %arg11[%dma_wait3A_33, %dma_wait3A_44, %dma_wait3A_45] : memref<3x128x128xf32, #tpu.memory_space<vmem>> -> memref<1x128x128xf32, #tpu.memory_space<vmem>>
      %dma_wait3A_47 = tpu.memref_squeeze %dma_wait3A_46 : memref<1x128x128xf32, #tpu.memory_space<vmem>> -> memref<128x128xf32, #tpu.memory_space<vmem>>
      tpu.wait_dma2 semaphore(%arg20 : memref<!tpu.dma_semaphore, #tpu.memory_space<semaphore_mem>>) src(%dma_wait3A_47 : memref<128x128xf32, #tpu.memory_space<vmem>>) dst(%dma_wait3A_43 : memref<128x128xf32, #tpu.memory_space<hbm>>)
    } else {
    }
    %add3A_10 = arith.constant 6240 : i32
    %add3A_11 = arith.addi %add3A, %add3A_10 : i32
    %lt3A_12 = arith.constant 6250 : i32
    %lt3A_13 = arith.cmpi slt, %add3A_11, %lt3A_12 : i32
    %and3A_14 = arith.constant true
    %and3A_15 = arith.andi %and3A_14, %lt3A_13 : i1
    %convert_element_type3A_16 = arith.extui %and3A_15 : i1 to i32
    %cond3A_17 = arith.constant 0 : i32
    %cond3A_18 = arith.cmpi ne, %convert_element_type3A_16, %cond3A_17 : i32
    scf.if %cond3A_18 {
      %dma_wait3A = arith.constant 0 : i32
      %dma_wait3A_19 = arith.constant 0 : i32
      %dma_wait3A_20 = arith.constant 0 : i32
      %dma_wait3A_21 = tpu.memref_slice %arg10[%dma_wait3A, %dma_wait3A_19, %dma_wait3A_20] : memref<3x128x128xf32, #tpu.memory_space<vmem>> -> memref<1x128x128xf32, #tpu.memory_space<vmem>>
      %dma_wait3A_22 = tpu.memref_squeeze %dma_wait3A_21 : memref<1x128x128xf32, #tpu.memory_space<vmem>> -> memref<128x128xf32, #tpu.memory_space<vmem>>
      %dma_wait3A_23 = arith.constant 0 : i32
      %dma_wait3A_24 = arith.constant 0 : i32
      %dma_wait3A_25 = tpu.memref_slice %arg6[%dma_wait3A_23, %dma_wait3A_24] : memref<800000x128xf32, #tpu.memory_space<hbm>> -> memref<128x128xf32, #tpu.memory_space<hbm>>
      %dma_wait3A_26 = arith.constant 0 : i32
      %dma_wait3A_27 = arith.constant 0 : i32
      %dma_wait3A_28 = tpu.memref_slice %arg6[%dma_wait3A_26, %dma_wait3A_27] : memref<800000x128xf32, #tpu.memory_space<hbm>> -> memref<128x128xf32, #tpu.memory_space<hbm>>
      %dma_wait3A_29 = arith.constant 0 : i32
      %dma_wait3A_30 = arith.constant 0 : i32
      %dma_wait3A_31 = tpu.memref_slice %arg10[%dma_wait3A, %dma_wait3A_29, %dma_wait3A_30] : memref<3x128x128xf32, #tpu.memory_space<vmem>> -> memref<1x128x128xf32, #tpu.memory_space<vmem>>
      %dma_wait3A_32 = tpu.memref_squeeze %dma_wait3A_31 : memref<1x128x128xf32, #tpu.memory_space<vmem>> -> memref<128x128xf32, #tpu.memory_space<vmem>>
      tpu.wait_dma2 semaphore(%arg18 : memref<!tpu.dma_semaphore, #tpu.memory_space<semaphore_mem>>) src(%dma_wait3A_32 : memref<128x128xf32, #tpu.memory_space<vmem>>) dst(%dma_wait3A_28 : memref<128x128xf32, #tpu.memory_space<hbm>>)
      %dma_wait3A_33 = arith.constant 0 : i32
      %dma_wait3A_34 = arith.constant 0 : i32
      %dma_wait3A_35 = arith.constant 0 : i32
      %dma_wait3A_36 = tpu.memref_slice %arg11[%dma_wait3A_33, %dma_wait3A_34, %dma_wait3A_35] : memref<3x128x128xf32, #tpu.memory_space<vmem>> -> memref<1x128x128xf32, #tpu.memory_space<vmem>>
      %dma_wait3A_37 = tpu.memref_squeeze %dma_wait3A_36 : memref<1x128x128xf32, #tpu.memory_space<vmem>> -> memref<128x128xf32, #tpu.memory_space<vmem>>
      %dma_wait3A_38 = arith.constant 0 : i32
      %dma_wait3A_39 = arith.constant 0 : i32
      %dma_wait3A_40 = tpu.memref_slice %arg7[%dma_wait3A_38, %dma_wait3A_39] : memref<800000x128xf32, #tpu.memory_space<hbm>> -> memref<128x128xf32, #tpu.memory_space<hbm>>
      %dma_wait3A_41 = arith.constant 0 : i32
      %dma_wait3A_42 = arith.constant 0 : i32
      %dma_wait3A_43 = tpu.memref_slice %arg7[%dma_wait3A_41, %dma_wait3A_42] : memref<800000x128xf32, #tpu.memory_space<hbm>> -> memref<128x128xf32, #tpu.memory_space<hbm>>
      %dma_wait3A_44 = arith.constant 0 : i32
      %dma_wait3A_45 = arith.constant 0 : i32
      %dma_wait3A_46 = tpu.memref_slice %arg11[%dma_wait3A_33, %dma_wait3A_44, %dma_wait3A_45] : memref<3x128x128xf32, #tpu.memory_space<vmem>> -> memref<1x128x128xf32, #tpu.memory_space<vmem>>
      %dma_wait3A_47 = tpu.memref_squeeze %dma_wait3A_46 : memref<1x128x128xf32, #tpu.memory_space<vmem>> -> memref<128x128xf32, #tpu.memory_space<vmem>>
      tpu.wait_dma2 semaphore(%arg18 : memref<!tpu.dma_semaphore, #tpu.memory_space<semaphore_mem>>) src(%dma_wait3A_47 : memref<128x128xf32, #tpu.memory_space<vmem>>) dst(%dma_wait3A_43 : memref<128x128xf32, #tpu.memory_space<hbm>>)
    } else {
    }
    return
  }
}

module attributes {stable_mosaic.version = 14 : i64} {
  func.func @_prep_body(%arg0: memref<400x125xf32, #tpu.memory_space<vmem>>, %arg1: memref<400x125xf32, #tpu.memory_space<vmem>>, %arg2: memref<400x125xf32, #tpu.memory_space<vmem>>) attributes {dimension_semantics = [], scalar_prefetch = 0 : i64, scratch_operands = 0 : i64, tpu.core_type = #tpu.core_type<tc>} {
    %get3A = arith.constant 0 : index
    %get3A_0 = arith.constant 0 : index
    %get3A_1 = vector.load %arg0[%get3A, %get3A_0] : memref<400x125xf32, #tpu.memory_space<vmem>>, vector<400x125xf32>
    %mul3A = arith.constant 2.000000e+00 : f32
    %mul3A_2 = vector.broadcast %mul3A : f32 to vector<400x125xf32>
    %mul3A_3 = arith.mulf %mul3A_2, %get3A_1 : vector<400x125xf32>
    %cos3A = math.cos %mul3A_3 : vector<400x125xf32>
    %swap3A = arith.constant 0 : index
    %swap3A_4 = arith.constant 0 : index
    %swap3A_5 = vector.load %arg1[%swap3A, %swap3A_4] : memref<400x125xf32, #tpu.memory_space<vmem>>, vector<400x125xf32>
    tpu.vector_store %arg1[%swap3A, %swap3A_4], %cos3A {strides = array<i32>} : memref<400x125xf32, #tpu.memory_space<vmem>>, vector<400x125xf32>,
    %sin3A = math.sin %mul3A_3 : vector<400x125xf32>
    %swap3A_6 = arith.constant 0 : index
    %swap3A_7 = arith.constant 0 : index
    %swap3A_8 = vector.load %arg2[%swap3A_6, %swap3A_7] : memref<400x125xf32, #tpu.memory_space<vmem>>, vector<400x125xf32>
    tpu.vector_store %arg2[%swap3A_6, %swap3A_7], %sin3A {strides = array<i32>} : memref<400x125xf32, #tpu.memory_space<vmem>>, vector<400x125xf32>,
    return
  }
}

module attributes {stable_mosaic.version = 14 : i64} {
  func.func @_mlp_body(%arg0: i32, %arg1: memref<2000x128xf32, #tpu.memory_space<vmem>>, %arg2: memref<2000x128xf32, #tpu.memory_space<vmem>>, %arg3: memref<64x128xf32, #tpu.memory_space<vmem>>, %arg4: memref<64x128xf32, #tpu.memory_space<vmem>>, %arg5: memref<32x128xf32, #tpu.memory_space<vmem>>, %arg6: memref<32x128xf32, #tpu.memory_space<vmem>>, %arg7: memref<8x128xf32, #tpu.memory_space<vmem>>, %arg8: memref<1x128xf32, #tpu.memory_space<vmem>>, %arg9: memref<128x128xf32, #tpu.memory_space<vmem>>, %arg10: memref<1x128xf32, #tpu.memory_space<vmem>>, %arg11: memref<2000x128xf32, #tpu.memory_space<vmem>>) attributes {dimension_semantics = [#tpu.dimension_semantics<arbitrary>], iteration_bounds = array<i64: 400>, scalar_prefetch = 0 : i64, scratch_operands = 0 : i64, tpu.core_type = #tpu.core_type<tc>, window_params = [{transform_indices = @transform_0, window_bounds = array<i64: 2000, 128>}, {transform_indices = @transform_1, window_bounds = array<i64: 2000, 128>}, {pipeline_mode = #tpu.pipeline_mode<synchronous>, transform_indices = @transform_2, window_bounds = array<i64: 64, 128>}, {pipeline_mode = #tpu.pipeline_mode<synchronous>, transform_indices = @transform_3, window_bounds = array<i64: 64, 128>}, {pipeline_mode = #tpu.pipeline_mode<synchronous>, transform_indices = @transform_4, window_bounds = array<i64: 32, 128>}, {pipeline_mode = #tpu.pipeline_mode<synchronous>, transform_indices = @transform_5, window_bounds = array<i64: 32, 128>}, {pipeline_mode = #tpu.pipeline_mode<synchronous>, transform_indices = @transform_6, window_bounds = array<i64: 8, 128>}, {pipeline_mode = #tpu.pipeline_mode<synchronous>, transform_indices = @transform_7, window_bounds = array<i64: 1, 128>}, {pipeline_mode = #tpu.pipeline_mode<synchronous>, transform_indices = @transform_8, window_bounds = array<i64: 128, 128>}, {pipeline_mode = #tpu.pipeline_mode<synchronous>, transform_indices = @transform_9, window_bounds = array<i64: 1, 128>}, {transform_indices = @transform_10, window_bounds = array<i64: 2000, 128>}]} {
    %get3A = arith.constant 0 : index
    %get3A_0 = arith.constant 0 : index
    %get3A_1 = vector.load %arg1[%get3A, %get3A_0] : memref<2000x128xf32, #tpu.memory_space<vmem>>, vector<2000x128xf32>
    %get3A_2 = arith.constant 0 : index
    %get3A_3 = arith.constant 0 : index
    %get3A_4 = vector.load %arg2[%get3A_2, %get3A_3] : memref<2000x128xf32, #tpu.memory_space<vmem>>, vector<2000x128xf32>
    %slice3A = vector.extract_strided_slice %get3A_1 {offsets = [0, 96], sizes = [2000, 8], strides = [1, 1]} : vector<2000x128xf32> to vector<2000x8xf32>
    %slice3A_5 = vector.extract_strided_slice %get3A_4 {offsets = [0, 64], sizes = [2000, 8], strides = [1, 1]} : vector<2000x128xf32> to vector<2000x8xf32>
    %concatenate3A = tpu.concatenate %slice3A, %slice3A_5 in 1 : vector<2000x8xf32>, vector<2000x8xf32> -> vector<2000x16xf32>
    %transpose3A = tpu.transpose %concatenate3A, [1, 0] : vector<2000x16xf32> -> vector<16x2000xf32>
    %slice3A_6 = vector.extract_strided_slice %transpose3A {offsets = [0, 0], sizes = [1, 2000], strides = [1, 1]} : vector<16x2000xf32> to vector<1x2000xf32>
    %slice3A_7 = vector.extract_strided_slice %transpose3A {offsets = [1, 0], sizes = [1, 2000], strides = [1, 1]} : vector<16x2000xf32> to vector<1x2000xf32>
    %slice3A_8 = vector.extract_strided_slice %transpose3A {offsets = [2, 0], sizes = [1, 2000], strides = [1, 1]} : vector<16x2000xf32> to vector<1x2000xf32>
    %slice3A_9 = vector.extract_strided_slice %transpose3A {offsets = [3, 0], sizes = [1, 2000], strides = [1, 1]} : vector<16x2000xf32> to vector<1x2000xf32>
    %slice3A_10 = vector.extract_strided_slice %transpose3A {offsets = [8, 0], sizes = [1, 2000], strides = [1, 1]} : vector<16x2000xf32> to vector<1x2000xf32>
    %slice3A_11 = vector.extract_strided_slice %transpose3A {offsets = [9, 0], sizes = [1, 2000], strides = [1, 1]} : vector<16x2000xf32> to vector<1x2000xf32>
    %slice3A_12 = vector.extract_strided_slice %transpose3A {offsets = [10, 0], sizes = [1, 2000], strides = [1, 1]} : vector<16x2000xf32> to vector<1x2000xf32>
    %slice3A_13 = vector.extract_strided_slice %transpose3A {offsets = [11, 0], sizes = [1, 2000], strides = [1, 1]} : vector<16x2000xf32> to vector<1x2000xf32>
    %sub3A = arith.subf %slice3A_6, %slice3A_10 : vector<1x2000xf32>
    %sub3A_14 = arith.subf %slice3A_7, %slice3A_11 : vector<1x2000xf32>
    %mul3A = arith.mulf %sub3A, %sub3A : vector<1x2000xf32>
    %mul3A_15 = arith.mulf %sub3A_14, %sub3A_14 : vector<1x2000xf32>
    %add3A = arith.addf %mul3A, %mul3A_15 : vector<1x2000xf32>
    %gt3A = arith.constant 0.000000e+00 : f32
    %gt3A_16 = vector.broadcast %gt3A : f32 to vector<1x2000xf32>
    %gt3A_17 = arith.cmpf ogt, %add3A, %gt3A_16 : vector<1x2000xf32>
    %jit3A = arith.constant 1.000000e+00 : f32
    %broadcast_in_dim3A = vector.broadcast %jit3A : f32 to vector<1x2000xf32>
    %select_n3A = arith.select %gt3A_17, %add3A, %broadcast_in_dim3A : vector<1x2000xi1>, vector<1x2000xf32>
    %div3A = arith.constant 1.000000e+00 : f32
    %div3A_18 = vector.broadcast %div3A : f32 to vector<1x2000xf32>
    %div3A_19 = arith.divf %div3A_18, %select_n3A : vector<1x2000xf32>
    %jit3A_20 = arith.constant 0.000000e+00 : f32
    %broadcast_in_dim3A_21 = vector.broadcast %jit3A_20 : f32 to vector<1x2000xf32>
    %select_n3A_22 = arith.select %gt3A_17, %div3A_19, %broadcast_in_dim3A_21 : vector<1x2000xi1>, vector<1x2000xf32>
    %sqrt3A = math.sqrt %add3A : vector<1x2000xf32>
    %add3A_23 = arith.constant 9.99999997E-7 : f32
    %add3A_24 = vector.broadcast %add3A_23 : f32 to vector<1x2000xf32>
    %add3A_25 = arith.addf %sqrt3A, %add3A_24 : vector<1x2000xf32>
    %mul3A_26 = arith.mulf %sub3A, %sub3A : vector<1x2000xf32>
    %mul3A_27 = arith.mulf %sub3A_14, %sub3A_14 : vector<1x2000xf32>
    %sub3A_28 = arith.subf %mul3A_26, %mul3A_27 : vector<1x2000xf32>
    %mul3A_29 = arith.mulf %sub3A_28, %select_n3A_22 : vector<1x2000xf32>
    %jit3A_30 = arith.constant 1.000000e+00 : f32
    %broadcast_in_dim3A_31 = vector.broadcast %jit3A_30 : f32 to vector<1x2000xf32>
    %select_n3A_32 = arith.select %gt3A_17, %mul3A_29, %broadcast_in_dim3A_31 : vector<1x2000xi1>, vector<1x2000xf32>
    %mul3A_33 = arith.constant 2.000000e+00 : f32
    %mul3A_34 = vector.broadcast %mul3A_33 : f32 to vector<1x2000xf32>
    %mul3A_35 = arith.mulf %mul3A_34, %sub3A : vector<1x2000xf32>
    %mul3A_36 = arith.mulf %mul3A_35, %sub3A_14 : vector<1x2000xf32>
    %mul3A_37 = arith.mulf %mul3A_36, %select_n3A_22 : vector<1x2000xf32>
    %mul3A_38 = arith.mulf %select_n3A_32, %slice3A_12 : vector<1x2000xf32>
    %mul3A_39 = arith.mulf %mul3A_37, %slice3A_13 : vector<1x2000xf32>
    %add3A_40 = arith.addf %mul3A_38, %mul3A_39 : vector<1x2000xf32>
    %mul3A_41 = arith.mulf %mul3A_37, %slice3A_12 : vector<1x2000xf32>
    %mul3A_42 = arith.mulf %select_n3A_32, %slice3A_13 : vector<1x2000xf32>
    %sub3A_43 = arith.subf %mul3A_41, %mul3A_42 : vector<1x2000xf32>
    %mul3A_44 = arith.mulf %slice3A_8, %slice3A_12 : vector<1x2000xf32>
    %mul3A_45 = arith.mulf %slice3A_9, %slice3A_13 : vector<1x2000xf32>
    %add3A_46 = arith.addf %mul3A_44, %mul3A_45 : vector<1x2000xf32>
    %mul3A_47 = arith.mulf %slice3A_9, %slice3A_12 : vector<1x2000xf32>
    %mul3A_48 = arith.mulf %slice3A_8, %slice3A_13 : vector<1x2000xf32>
    %sub3A_49 = arith.subf %mul3A_47, %mul3A_48 : vector<1x2000xf32>
    %broadcast_in_dim3A_50 = arith.constant 0.000000e+00 : f32
    %broadcast_in_dim3A_51 = vector.broadcast %broadcast_in_dim3A_50 : f32 to vector<3x2000xf32>
    %concatenate3A_52 = tpu.concatenate %add3A_25, %add3A_40, %sub3A_43, %add3A_46, %sub3A_49, %broadcast_in_dim3A_51 in 0 : vector<1x2000xf32>, vector<1x2000xf32>, vector<1x2000xf32>, vector<1x2000xf32>, vector<1x2000xf32>, vector<3x2000xf32> -> vector<8x2000xf32>
    %transpose3A_53 = tpu.transpose %concatenate3A_52, [1, 0] : vector<8x2000xf32> -> vector<2000x8xf32>
    %slice3A_54 = vector.extract_strided_slice %transpose3A_53 {offsets = [0, 0], sizes = [2000, 1], strides = [1, 1]} : vector<2000x8xf32> to vector<2000x1xf32>
    %slice3A_55 = vector.extract_strided_slice %transpose3A_53 {offsets = [0, 1], sizes = [2000, 1], strides = [1, 1]} : vector<2000x8xf32> to vector<2000x1xf32>
    %slice3A_56 = vector.extract_strided_slice %transpose3A_53 {offsets = [0, 2], sizes = [2000, 1], strides = [1, 1]} : vector<2000x8xf32> to vector<2000x1xf32>
    %slice3A_57 = vector.extract_strided_slice %transpose3A_53 {offsets = [0, 3], sizes = [2000, 1], strides = [1, 1]} : vector<2000x8xf32> to vector<2000x1xf32>
    %slice3A_58 = vector.extract_strided_slice %transpose3A_53 {offsets = [0, 4], sizes = [2000, 1], strides = [1, 1]} : vector<2000x8xf32> to vector<2000x1xf32>
    %slice3A_59 = vector.extract_strided_slice %get3A_1 {offsets = [0, 64], sizes = [2000, 32], strides = [1, 1]} : vector<2000x128xf32> to vector<2000x32xf32>
    %bitcast_convert_type3A = tpu.bitcast %slice3A_59 : vector<2000x32xf32> -> vector<2000x32xi32>
    %shift_left3A = arith.constant 16 : i32
    %shift_left3A_60 = vector.broadcast %shift_left3A : i32 to vector<2000x32xi32>
    %shift_left3A_61 = arith.shli %bitcast_convert_type3A, %shift_left3A_60 : vector<2000x32xi32>
    %bitcast_convert_type3A_62 = tpu.bitcast %shift_left3A_61 : vector<2000x32xi32> -> vector<2000x32xf32>
    %and3A = arith.constant -65536 : i32
    %and3A_63 = vector.broadcast %and3A : i32 to vector<2000x32xi32>
    %and3A_64 = arith.andi %bitcast_convert_type3A, %and3A_63 : vector<2000x32xi32>
    %bitcast_convert_type3A_65 = tpu.bitcast %and3A_64 : vector<2000x32xi32> -> vector<2000x32xf32>
    %mul3A_66 = vector.broadcast %slice3A_57 : vector<2000x1xf32> to vector<2000x32xf32>
    %mul3A_67 = arith.mulf %mul3A_66, %bitcast_convert_type3A_62 : vector<2000x32xf32>
    %mul3A_68 = vector.broadcast %slice3A_58 : vector<2000x1xf32> to vector<2000x32xf32>
    %mul3A_69 = arith.mulf %mul3A_68, %bitcast_convert_type3A_65 : vector<2000x32xf32>
    %sub3A_70 = arith.subf %mul3A_67, %mul3A_69 : vector<2000x32xf32>
    %mul3A_71 = vector.broadcast %slice3A_58 : vector<2000x1xf32> to vector<2000x32xf32>
    %mul3A_72 = arith.mulf %mul3A_71, %bitcast_convert_type3A_62 : vector<2000x32xf32>
    %mul3A_73 = vector.broadcast %slice3A_57 : vector<2000x1xf32> to vector<2000x32xf32>
    %mul3A_74 = arith.mulf %mul3A_73, %bitcast_convert_type3A_65 : vector<2000x32xf32>
    %add3A_75 = arith.addf %mul3A_72, %mul3A_74 : vector<2000x32xf32>
    %slice3A_76 = vector.extract_strided_slice %get3A_1 {offsets = [0, 0], sizes = [2000, 64], strides = [1, 1]} : vector<2000x128xf32> to vector<2000x64xf32>
    %get3A_77 = arith.constant 0 : index
    %get3A_78 = arith.constant 0 : index
    %get3A_79 = vector.load %arg3[%get3A_77, %get3A_78] : memref<64x128xf32, #tpu.memory_space<vmem>>, vector<64x128xf32>
    %dot_general3A = arith.constant dense<0.000000e+00> : vector<2000x128xf32>
    %dot_general3A_80 = tpu.matmul %slice3A_76, %get3A_79, %dot_general3A {dimension_numbers = #tpu.dot_dimension_numbers<[1], [0], [0], [1], [0, 0, 1, 1], [], []>, transpose_lhs_hint = false} : vector<2000x64xf32>, vector<64x128xf32>, vector<2000x128xf32> -> vector<2000x128xf32>
    %slice3A_81 = vector.extract_strided_slice %get3A_4 {offsets = [0, 0], sizes = [2000, 64], strides = [1, 1]} : vector<2000x128xf32> to vector<2000x64xf32>
    %get3A_82 = arith.constant 0 : index
    %get3A_83 = arith.constant 0 : index
    %get3A_84 = vector.load %arg4[%get3A_82, %get3A_83] : memref<64x128xf32, #tpu.memory_space<vmem>>, vector<64x128xf32>
    %dot_general3A_85 = arith.constant dense<0.000000e+00> : vector<2000x128xf32>
    %dot_general3A_86 = tpu.matmul %slice3A_81, %get3A_84, %dot_general3A_85 {dimension_numbers = #tpu.dot_dimension_numbers<[1], [0], [0], [1], [0, 0, 1, 1], [], []>, transpose_lhs_hint = false} : vector<2000x64xf32>, vector<64x128xf32>, vector<2000x128xf32> -> vector<2000x128xf32>
    %add3A_87 = arith.addf %dot_general3A_80, %dot_general3A_86 : vector<2000x128xf32>
    %get3A_88 = arith.constant 0 : index
    %get3A_89 = arith.constant 0 : index
    %get3A_90 = vector.load %arg5[%get3A_88, %get3A_89] : memref<32x128xf32, #tpu.memory_space<vmem>>, vector<32x128xf32>
    %dot_general3A_91 = arith.constant dense<0.000000e+00> : vector<2000x128xf32>
    %dot_general3A_92 = tpu.matmul %sub3A_70, %get3A_90, %dot_general3A_91 {dimension_numbers = #tpu.dot_dimension_numbers<[1], [0], [0], [1], [0, 0, 1, 1], [], []>, transpose_lhs_hint = false} : vector<2000x32xf32>, vector<32x128xf32>, vector<2000x128xf32> -> vector<2000x128xf32>
    %add3A_93 = arith.addf %add3A_87, %dot_general3A_92 : vector<2000x128xf32>
    %get3A_94 = arith.constant 0 : index
    %get3A_95 = arith.constant 0 : index
    %get3A_96 = vector.load %arg6[%get3A_94, %get3A_95] : memref<32x128xf32, #tpu.memory_space<vmem>>, vector<32x128xf32>
    %dot_general3A_97 = arith.constant dense<0.000000e+00> : vector<2000x128xf32>
    %dot_general3A_98 = tpu.matmul %add3A_75, %get3A_96, %dot_general3A_97 {dimension_numbers = #tpu.dot_dimension_numbers<[1], [0], [0], [1], [0, 0, 1, 1], [], []>, transpose_lhs_hint = false} : vector<2000x32xf32>, vector<32x128xf32>, vector<2000x128xf32> -> vector<2000x128xf32>
    %add3A_99 = arith.addf %add3A_93, %dot_general3A_98 : vector<2000x128xf32>
    %get3A_100 = arith.constant 0 : index
    %get3A_101 = arith.constant 0 : index
    %get3A_102 = vector.load %arg7[%get3A_100, %get3A_101] : memref<8x128xf32, #tpu.memory_space<vmem>>, vector<1x128xf32>
    %mul3A_103 = vector.broadcast %slice3A_54 : vector<2000x1xf32> to vector<2000x128xf32>
    %mul3A_104 = vector.broadcast %get3A_102 : vector<1x128xf32> to vector<2000x128xf32>
    %mul3A_105 = arith.mulf %mul3A_103, %mul3A_104 : vector<2000x128xf32>
    %get3A_106 = arith.constant 1 : index
    %get3A_107 = arith.constant 0 : index
    %get3A_108 = vector.load %arg7[%get3A_106, %get3A_107] : memref<8x128xf32, #tpu.memory_space<vmem>>, vector<1x128xf32>
    %mul3A_109 = vector.broadcast %slice3A_55 : vector<2000x1xf32> to vector<2000x128xf32>
    %mul3A_110 = vector.broadcast %get3A_108 : vector<1x128xf32> to vector<2000x128xf32>
    %mul3A_111 = arith.mulf %mul3A_109, %mul3A_110 : vector<2000x128xf32>
    %add3A_112 = arith.addf %mul3A_105, %mul3A_111 : vector<2000x128xf32>
    %get3A_113 = arith.constant 2 : index
    %get3A_114 = arith.constant 0 : index
    %get3A_115 = vector.load %arg7[%get3A_113, %get3A_114] : memref<8x128xf32, #tpu.memory_space<vmem>>, vector<1x128xf32>
    %mul3A_116 = vector.broadcast %slice3A_56 : vector<2000x1xf32> to vector<2000x128xf32>
    %mul3A_117 = vector.broadcast %get3A_115 : vector<1x128xf32> to vector<2000x128xf32>
    %mul3A_118 = arith.mulf %mul3A_116, %mul3A_117 : vector<2000x128xf32>
    %add3A_119 = arith.addf %add3A_112, %mul3A_118 : vector<2000x128xf32>
    %add3A_120 = arith.addf %add3A_99, %add3A_119 : vector<2000x128xf32>
    %get3A_121 = arith.constant 0 : index
    %get3A_122 = arith.constant 0 : index
    %get3A_123 = vector.load %arg8[%get3A_121, %get3A_122] : memref<1x128xf32, #tpu.memory_space<vmem>>, vector<1x128xf32>
    %add3A_124 = vector.broadcast %get3A_123 : vector<1x128xf32> to vector<2000x128xf32>
    %add3A_125 = arith.addf %add3A_120, %add3A_124 : vector<2000x128xf32>
    %neg3A = arith.constant 0.000000e+00 : f32
    %neg3A_126 = vector.broadcast %neg3A : f32 to vector<2000x128xf32>
    %neg3A_127 = arith.subf %neg3A_126, %add3A_125 : vector<2000x128xf32>
    %exp3A = math.exp %neg3A_127 : vector<2000x128xf32>
    %add3A_128 = arith.constant 1.000000e+00 : f32
    %add3A_129 = vector.broadcast %add3A_128 : f32 to vector<2000x128xf32>
    %add3A_130 = arith.addf %add3A_129, %exp3A : vector<2000x128xf32>
    %div3A_131 = arith.constant 1.000000e+00 : f32
    %div3A_132 = vector.broadcast %div3A_131 : f32 to vector<2000x128xf32>
    %div3A_133 = arith.divf %div3A_132, %add3A_130 : vector<2000x128xf32>
    %mul3A_134 = arith.mulf %add3A_125, %div3A_133 : vector<2000x128xf32>
    %get3A_135 = arith.constant 0 : index
    %get3A_136 = arith.constant 0 : index
    %get3A_137 = vector.load %arg9[%get3A_135, %get3A_136] : memref<128x128xf32, #tpu.memory_space<vmem>>, vector<128x128xf32>
    %dot_general3A_138 = arith.constant dense<0.000000e+00> : vector<2000x128xf32>
    %dot_general3A_139 = tpu.matmul %mul3A_134, %get3A_137, %dot_general3A_138 {dimension_numbers = #tpu.dot_dimension_numbers<[1], [0], [0], [1], [0, 0, 1, 1], [], []>, transpose_lhs_hint = false} : vector<2000x128xf32>, vector<128x128xf32>, vector<2000x128xf32> -> vector<2000x128xf32>
    %get3A_140 = arith.constant 0 : index
    %get3A_141 = arith.constant 0 : index
    %get3A_142 = vector.load %arg10[%get3A_140, %get3A_141] : memref<1x128xf32, #tpu.memory_space<vmem>>, vector<1x128xf32>
    %add3A_143 = vector.broadcast %get3A_142 : vector<1x128xf32> to vector<2000x128xf32>
    %add3A_144 = arith.addf %dot_general3A_139, %add3A_143 : vector<2000x128xf32>
    %swap3A = arith.constant 0 : index
    %swap3A_145 = arith.constant 0 : index
    %swap3A_146 = vector.load %arg11[%swap3A, %swap3A_145] : memref<2000x128xf32, #tpu.memory_space<vmem>>, vector<2000x128xf32>
    tpu.vector_store %arg11[%swap3A, %swap3A_145], %add3A_144 {strides = array<i32>} : memref<2000x128xf32, #tpu.memory_space<vmem>>, vector<2000x128xf32>,
    return
  }
  func.func @transform_0(%arg0: i32) -> (i32, i32) {
    %c0_i32 = arith.constant 0 : i32
    %c0_i32_0 = arith.constant 0 : i32
    return %arg0, %c0_i32 : i32, i32
  }
  func.func @transform_1(%arg0: i32) -> (i32, i32) {
    %c0_i32 = arith.constant 0 : i32
    %c0_i32_0 = arith.constant 0 : i32
    return %arg0, %c0_i32 : i32, i32
  }
  func.func @transform_2(%arg0: i32) -> (i32, i32) {
    %c0_i32 = arith.constant 0 : i32
    %c0_i32_0 = arith.constant 0 : i32
    %c0_i32_1 = arith.constant 0 : i32
    return %c0_i32, %c0_i32_0 : i32, i32
  }
  func.func @transform_3(%arg0: i32) -> (i32, i32) {
    %c0_i32 = arith.constant 0 : i32
    %c0_i32_0 = arith.constant 0 : i32
    %c0_i32_1 = arith.constant 0 : i32
    return %c0_i32, %c0_i32_0 : i32, i32
  }
  func.func @transform_4(%arg0: i32) -> (i32, i32) {
    %c0_i32 = arith.constant 0 : i32
    %c0_i32_0 = arith.constant 0 : i32
    %c0_i32_1 = arith.constant 0 : i32
    return %c0_i32, %c0_i32_0 : i32, i32
  }
  func.func @transform_5(%arg0: i32) -> (i32, i32) {
    %c0_i32 = arith.constant 0 : i32
    %c0_i32_0 = arith.constant 0 : i32
    %c0_i32_1 = arith.constant 0 : i32
    return %c0_i32, %c0_i32_0 : i32, i32
  }
  func.func @transform_6(%arg0: i32) -> (i32, i32) {
    %c0_i32 = arith.constant 0 : i32
    %c0_i32_0 = arith.constant 0 : i32
    %c0_i32_1 = arith.constant 0 : i32
    return %c0_i32, %c0_i32_0 : i32, i32
  }
  func.func @transform_7(%arg0: i32) -> (i32, i32) {
    %c0_i32 = arith.constant 0 : i32
    %c0_i32_0 = arith.constant 0 : i32
    %c0_i32_1 = arith.constant 0 : i32
    return %c0_i32, %c0_i32_0 : i32, i32
  }
  func.func @transform_8(%arg0: i32) -> (i32, i32) {
    %c0_i32 = arith.constant 0 : i32
    %c0_i32_0 = arith.constant 0 : i32
    %c0_i32_1 = arith.constant 0 : i32
    return %c0_i32, %c0_i32_0 : i32, i32
  }
  func.func @transform_9(%arg0: i32) -> (i32, i32) {
    %c0_i32 = arith.constant 0 : i32
    %c0_i32_0 = arith.constant 0 : i32
    %c0_i32_1 = arith.constant 0 : i32
    return %c0_i32, %c0_i32_0 : i32, i32
  }
  func.func @transform_10(%arg0: i32) -> (i32, i32) {
    %c0_i32 = arith.constant 0 : i32
    %c0_i32_0 = arith.constant 0 : i32
    return %arg0, %c0_i32 : i32, i32
  }
}

</mosaic_0001>

<sc_bundles>
// kernel: kernel.6.cloned.1.call-start
scs
__scs_entry_jumppad:
0x0: {  	(pc) =	sbr.rel $0x88, $3  }
0x1: {  	(tag) =	ssettag $0x0;
	lr =	simm.s32 $0x1  }
0x2: {  	[smem:$0x3F98] =	sst lr;
	_ =	strace $0xD0000000  }
0x3: {  	_ = 	snop  }
0x4: {  	_ = 	snop  }
0x5: {  	_ = 	snop  }
0x6: {  	_ = 	snop  }
0x7: {  	_ = 	snop  }
__scs_overlays_trampoline_lowered:
0x8: {  	[smem:$0x3FA7] =	sst s0  }
0x9: {  	[smem:$0x3FA8] =	sst s1  }
0xa: {  	[smem:$0x3FA9] =	sst s2  }
0xb: {  	[smem:$0x3FAA] =	sst s3  }
0xc: {  	[smem:$0x3FAB] =	sst s4  }
0xd: {  	[smem:$0x3FAC] =	sst s5  }
0xe: {  	[smem:$0x3FAD] =	sst s6  }
0xf: {  	[smem:$0x3FAE] =	sst s7  }
0x10: {  	[smem:$0x3FAF] =	sst s8  }
0x11: {  	[smem:$0x3FB0] =	sst s9;
	s0 =	simm.s32 @!p0 $0x0  }
0x12: {  	s1 =	sld [smem:$0x3F96];
	s0 =	simm.s32 @p0 $0x1  }
0x13: {  	[smem:$0x3FB1] =	sst s0;
	s0 =	simm.s32 @!p1 $0x0  }
0x14: {  	s2 =	sld [smem:$0x3F95];
	s0 =	simm.s32 @p1 $0x1  }
0x15: {  	[smem:$0x3FB2] =	sst s0;
	s0 =	simm.s32 @!p2 $0x0  }
0x16: {  	s3 =	sld [smem:$0x3FDB];
	s0 =	simm.s32 @p2 $0x1  }
0x17: {  	s4 =	simm.s32 $0x1BF5;
	[smem:$0x3FB4] =	sst s0  }
0x18: {  	s0 =	sld [smem:$0x3F97];
	_ =	swait.ge [sflag:s4], $0x0  }
0x19: {  	s7 =	sld [smem:$0x3F98]  }
0x1a: {  	s8 =	sadd.s32 $0xFFFFE003, lr  }
0x1b: {  	s9 =	sadd.s32 $0xFFFFFEF7, lr;
	s5 =	simm.s32 $0xFFFFFFFF;
	p2 =	slt.u32 s8, $0xFFFFF086  }
0x1c: {  	p1 =	slt.u32 s9, $0xF7A;
	s5 =	simm.s32 @!p2 $0x0  }
0x1d: {  	s5 =	simm.s32 @p1 $0x1;
	p0 =	seq.s32 s7, s2  }
0x1e: {  	s7 =	smul.u32 @!p0 $0xF7A, s2;
	p2 =	seq.s32 @!p0 s5, $0x0  }
0x1f: {  	s9 =	smul.u32 $0xF7A, s1;
	s8 =	simm.s32 @!p0 $0x1BF5;
	p2 =	por !p2, p0  }
0x20: {  	[sflag:s8] =	ssyncset.s32 @!p0 $0xFFFFF086;
	s6 =	sadd.s32 @!p0 s3, s7;
	s7 =	simm.s32 @!p0 $0x108  }
0x21: {  	s3 =	sadd.s32 s3, s9;
	s6 =	sadd.s32 @!p0 $0x88, s6;
	s7 =	simm.s32 @p2 $0x1082  }
0x22: {  	[simem:s7], [sflag:s8] =	dma.local @!p0 [hbm:s6], $0xF7A  }
0x23: {  	s9 =	sor.u32 $0xD0000000, s2;
	s6 =	simm.s32 $0x108;
	_ =	swait.ge @!p0 [sflag:s8], $0x0  }
0x24: {  	s3 =	sadd.s32 $0x88, s3;
	s6 =	simm.s32 @!p1 $0x1082;
	[sflag:s4] =	ssyncset.s32 $0xFFFFF086  }
0x25: {  	[simem:s6], [sflag:s4] =	dma.local [hbm:s3], $0xF7A  }
0x26: {  	[smem:$0x3F98] =	sst s1;
	(tag) =	ssettag s2;
	_ =	strace s9  }
0x27: {  	s1 =	sld [smem:$0x3FA8]  }
0x28: {  	s2 =	sld [smem:$0x3FA9]  }
0x29: {  	s4 =	sld [smem:$0x3FAB]  }
0x2a: {  	p0 =	seq.s32 s5, $0x0;
	s5 =	sld [smem:$0x3FAC]  }
0x2b: {  	s6 =	sld [smem:$0x3FAD]  }
0x2c: {  	s7 =	sld [smem:$0x3FAE]  }
0x2d: {  	s3 =	simm.s32 $0x108;
	s8 =	sld [smem:$0x3FAF]  }
0x2e: {  	s3 =	simm.s32 @!p0 $0x1082;
	s9 =	sld [smem:$0x3FB0]  }
0x2f: {  	lr =	sadd.s32 s0, s3;
	s0 =	sld [smem:$0x3FA7]  }
0x30: {  	s3 =	sld [smem:$0x3FAA]  }
0x31: {  	[smem:$0x3FB3] =	sst s10  }
0x32: {  	s10 =	sld [smem:$0x3FB1];
	_ =	sdelay $0x3  }
0x33: {  	p0 =	seq.s32 s10, $0x1;
	s10 =	sld [smem:$0x3FB3];
	_ =	sdelay $0x3  }
0x34: {  	[smem:$0x3FB3] =	sst s10  }
0x35: {  	s10 =	sld [smem:$0x3FB2];
	_ =	sdelay $0x3  }
0x36: {  	p1 =	seq.s32 s10, $0x1;
	s10 =	sld [smem:$0x3FB3];
	_ =	sdelay $0x3  }
0x37: {  	[smem:$0x3FB3] =	sst s10  }
0x38: {  	s10 =	sld [smem:$0x3FB4]  }
0x39: {  	_ = 	snop;
	(pc) =	sbr.ind lr, $3  }
0x3a: {  	_ = 	snop  }
0x3b: {  	_ = 	snop  }
0x3c: {  	p2 =	seq.s32 s10, $0x1;
	s10 =	sld [smem:$0x3FB3]  }
0x3d: {  	_ =	shalt  }
0x3e: {  	_ =	shalt  }
0x3f: {  	_ =	shalt  }
0x40: {  	_ =	shalt  }
0x41: {  	_ =	shalt  }
0x42: {  	_ =	shalt  }
0x43: {  	_ =	shalt  }
0x44: {  	_ =	shalt  }
0x45: {  	_ =	shalt  }
0x46: {  	_ =	shalt  }
0x47: {  	_ =	shalt  }
0x48: {  	_ =	shalt  }
0x49: {  	_ =	shalt  }
0x4a: {  	_ =	shalt  }
0x4b: {  	_ =	shalt  }
0x4c: {  	_ =	shalt  }
0x4d: {  	_ =	shalt  }
0x4e: {  	_ =	shalt  }
0x4f: {  	_ =	shalt  }
0x50: {  	_ =	shalt  }
0x51: {  	_ =	shalt  }
0x52: {  	_ =	shalt  }
0x53: {  	_ =	shalt  }
0x54: {  	_ =	shalt  }
0x55: {  	_ =	shalt  }
0x56: {  	_ =	shalt  }
0x57: {  	_ =	shalt  }
0x58: {  	_ =	shalt  }
0x59: {  	_ =	shalt  }
0x5a: {  	_ =	shalt  }
0x5b: {  	_ =	shalt  }
0x5c: {  	_ =	shalt  }
0x5d: {  	_ =	shalt  }
0x5e: {  	_ =	shalt  }
0x5f: {  	_ =	shalt  }
0x60: {  	_ =	shalt  }
0x61: {  	_ =	shalt  }
0x62: {  	_ =	shalt  }
0x63: {  	_ =	shalt  }
0x64: {  	_ =	shalt  }
0x65: {  	_ =	shalt  }
0x66: {  	_ =	shalt  }
0x67: {  	_ =	shalt  }
0x68: {  	_ =	shalt  }
0x69: {  	_ =	shalt  }
0x6a: {  	_ =	shalt  }
0x6b: {  	_ =	shalt  }
0x6c: {  	_ =	shalt  }
0x6d: {  	_ =	shalt  }
0x6e: {  	_ =	shalt  }
0x6f: {  	_ =	shalt  }
0x70: {  	_ =	shalt  }
0x71: {  	_ =	shalt  }
0x72: {  	_ =	shalt  }
0x73: {  	_ =	shalt  }
0x74: {  	_ =	shalt  }
0x75: {  	_ =	shalt  }
0x76: {  	_ =	shalt  }
0x77: {  	_ =	shalt  }
0x78: {  	_ =	shalt  }
0x79: {  	_ =	shalt  }
0x7a: {  	_ =	shalt  }
0x7b: {  	_ =	shalt  }
0x7c: {  	_ =	shalt  }
0x7d: {  	_ =	shalt  }
0x7e: {  	_ =	shalt  }
0x7f: {  	_ =	shalt  }
0x80: {  	_ =	shalt  }
0x81: {  	_ =	shalt  }
0x82: {  	_ =	shalt  }
0x83: {  	_ =	shalt  }
0x84: {  	_ =	shalt  }
0x85: {  	_ =	shalt  }
0x86: {  	_ =	shalt  }
0x87: {  	_ =	shalt  }
.Lfunc_end0:
.L_simem_size_0:
called_computation_lowered:
.L_overlay_start_0:
0x88: {  	s2 =	sld [smem:$0x3FD9]  }
0x89: {  	s3 =	sld [smem:$0x3FFE];
	_ =	sdelay $0x1  }
0x8a: {  	s1 =	srdreg.scid  }
0x8b: {  	s0 =	sand.u32 $0x1, s1  }
0x8c: {  	s14 =	sshll.u32 s0, $0xA;
	s2 =	sadd.s32 s3, s2  }
0x8d: {  	s2 =	sadd.s32 s2, s14  }
0x8e: {  	[smem:$0x3FBF] =	sst s2  }
0x8f: {  	_ = 	snop  }
0x90: {  	s2 =	sld [smem:$0x3FD0];
	_ =	sdelay $0x2  }
0x91: {  	s15 =	simm.s32 $0xA;
	s4 =	simm.s32 $0x10  }
0x92: {  	[smem:s4], [sflag:s15] =	dma.local [hbm:s2], $0x1  }
0x93: {  	_ =	swait.eq [sflag:s15], $0x1  }
0x94: {  	[sflag:s15] =	ssyncset.done $0x0  }
0x95: {  	[sflag:s15] =	ssyncadd.s32 $0xFFFFFFFF  }
0x96: {  	s16 =	sld [smem:$0x11];
	(tm) =	ssettm $0x1  }
0x97: {  	s17 =	sld [smem:$0x3FFB];
	_ =	sdelay $0x3  }
0x98: {  	_ =	strace s17  }
0x99: {  	s3 =	sld [smem:$0x3FFC];
	_ =	sdelay $0x3  }
0x9a: {  	_ =	strace s3  }
0x9b: {  	s3 =	sld [smem:$0x3FFD];
	_ =	sdelay $0x3  }
0x9c: {  	_ =	strace s3  }
0x9d: {  	_ =	strace $0x8FFFFFFF  }
0x9e: {  	s18 =	sld [smem:$0x3FDB];
	_ =	sdelay $0x1  }
0x9f: {  	s19 =	simm.s32 $_scs_section_size  }
0xa0: {  	s5 =	simm.s32 $_size__tile_overlayer_lowered;
	s6 =	simm.s32 $_tile_overlayer_lowered  }
0xa1: {  	s22 =	simm.s32 $0x1BFF;
	s21 =	sshll.u32 s6, $0x1;
	s3 =	sadd.s32 s19, s18  }
0xa2: {  	s7 =	simm.s32 $0x0;
	s20 =	sshll.u32 s5, $0x1;
	s5 =	sadd.s32 s21, s3  }
0xa3: {  	[timem:s7], [sflag:s22] =	dma.local [hbm:s5], s20  }
0xa4: {  	_ =	swait.ge [sflag:s22], s20  }
0xa5: {  	s4 =	ssub.s32 $0x0, s20;
	[sflag:s22] =	ssyncset.done $0x0  }
0xa6: {  	[sflag:s22] =	ssyncadd.s32 s4;
	_ =	sdelay $0x1  }
0xa7: {  	s23 =	simm.s32 $0x1B8B  }
0xa8: {  	_ =	swait.ge [sflag:s23], $0x1  }
0xa9: {  	[sflag:s23] =	ssyncset.done $0x0  }
0xaa: {  	s25 =	simm.s32 $0x1B8E;
	s24 =	sld [smem:$0x3FFE];
	[sflag:s23] =	ssyncadd.s32 $0xFFFFFFFF  }
0xab: {  	s26 =	simm.s32 $execute0_lowered;
	[smem:$0x3FD2] =	sst s25  }
0xac: {  	s5 =	sshll.u32 s26, $0x1;
	_ =	strace $0x80000046;
	[dreg:$0x1] =	wrdreg $0xFFFFFFFF  }
0xad: {  	s28 =	simm.s32 $_size_execute0_lowered;
	s3 =	sadd.s32 s3, s5;
	[dreg:$0x0] =	wrdreg $0x0  }
0xae: {  	s5 =	sshll.u32 s28, $0x1;
	[dreg:$0x2] =	wrdreg s3  }
0xaf: {  	[dreg:$0x3] =	wrdreg s5  }
0xb0: {  	[dreg:$0x4] =	wrdreg $0xC0  }
0xb1: {  	_ =	task [dreg:s7], $0x5FFFF  }
0xb2: {  	[dreg:$0x1] =	wrdreg $0xFFFFFFFF  }
0xb3: {  	[dreg:$0x0] =	wrdreg $0x60  }
0xb4: {  	[dreg:$0x2] =	wrdreg s16  }
0xb5: {  	[dreg:$0x3] =	wrdreg s24  }
0xb6: {  	[dreg:$0x4] =	wrdreg $0x9  }
0xb7: {  	_ =	task.clear_ibuf [dreg:s7], $0x5FFFF;
	_ =	strace $0x90000046  }
0xb8: {  	s29 =	simm.s32 $0x9;
	_ =	strace $0x80000048  }
0xb9: {  	_ =	swait.ge [sflag:s29], $0x1  }
0xba: {  	[sflag:s29] =	ssyncadd.s32 $0xFFFFFFFF  }
0xbb: {  	_ =	strace $0x90000048  }
0xbc: {  	_ =	sfence  }
0xbd: {  	s30 =	sld [smem:$0x0];
	_ =	sdelay $0x2  }
0xbe: {  	s31 =	sshll.u32 s1, $0xD;
	s1 =	sshrl.u32 s1, $0x2  }
0xbf: {  	s3 =	sand.u32 $0x4000, s31;
	s1 =	sadd.s32 s1, s30  }
0xc0: {  	s0 =	sor.u32 s3, s0;
	s1 =	sshll.u32 s1, $0x11  }
0xc1: {  	s0 =	sor.u32 s1, s0  }
0xc2: {  	s0 =	sadd.s32 $0x8F2B, s0  }
0xc3: {  	[sflag:s0] =	ssyncadd.remote.s32 $0x1  }
0xc4: {  	_ =	sfence.sel $0xFFFF  }
0xc5: {  	[dreg:$0x0] =	wrdreg $0xFFFFFFFF;
	(pc) =	sbr.abs _section_cstart, $3  }
0xc6: {  	[dreg:$0x1] =	wrdreg $0xFFFFFFFF  }
0xc7: {  	_ =	task.clear_ibuf [dreg:s7], $0x2FFFF;
	_ =	strace $0x9FFFFFFF  }
0xc8: {  	(tm) =	ssettm $0x7FFFFFFF  }
0xc9: {  	_ =	shalt  }
tec
execute0_lowered:
.L_overlay_start_1:
0x0: {  	(tag) =	ssettag $0x1  }
0x1: {  	s0 =	rddreg [dreg:$0x0]  }
0x2: {  	s1 =	rddreg [dreg:$0x1];
	s11 =	simm.s32 $0x0;
	s2 =	stileid.u32  }
0x3: {  	s3 =	srdreg.scid;
	[smem:$0x7FF] =	sst s11;
	s5 =	sshll.u32 s2, $0x5  }
0x4: {  	s8 =	sand.u32 $0x1, s3;
	s3 =	sadd.s32 $0x5D3800, s1;
	s7 =	sshll.u32 s2, $0xC  }
0x5: {  	s4 =	sadd.s32 $0x510200, s1;
	s28 =	sshll.u32 s2, $0x1;
	p0 =	sgt.u32 s2, $0x4  }
0x6: {  	_ =	strace $0x80000047;
	s6 =	sadd.s32 s5, s1;
	s9 =	ssub.s32 $0x2, s8  }
0x7: {  	s1 =	sadd.s32 s7, s1;
	s10 =	sshll.u32 s8, $0x4;
	s0 =	sadd.s32 s5, s0  }
0x8: {  	s29 =	sor.u32 s8, s28;
	s26 =	sshrl.u32 s9, $0x1;
	s30 =	sadd.s32 $0x12CBE00, s1  }
0x9: {  	s31 =	sadd.s32 $0x696E00, s1;
	s7 =	ssub.s32 s9, s26;
	[dreg:$0x6] =	wrdreg s30  }
0xa: {  	s6 =	sadd.s32 s10, s6;
	[dreg:$0x7] =	wrdreg s31;
	s7 =	smax.u32 s7, $0x1  }
0xb: {  	[dreg:$0x4] =	wrdreg s7;
	s7 =	sadd.s32 s10, s0;
	s0 =	sor.u32 $0x40, s29  }
0xc: {  	s6 =	sadd.s32 $0x126C00, s6;
	s9 =	sshll.u32 s8, $0xB;
	[dreg:$0x5] =	wrdreg s0  }
.LBB2_1:
0xd: {  	s2 =	rddreg [dreg:$0x5]  }
0xe: {  	s0 =	sadd.s32 $0xFFFFFFC0, s2  }
0xf: {  	p2 =	sgt.u32 s0, $0x1869  }
0x10: {  	s0 =	sadd.s32 @!p2 $0x0, s7;
	s13 =	simm.s32 @!p2 $0x0  }
0x11: {  	[tilespmem:s13], [sflag:$0x1] =	stream.linear.gather @!p2 [hbm4b:s0+s13], $0x80, $0x38;
	[tilespmem:$0x18400] =	vst v63  }
0x12: {  	p1 =	por $0x1, $0x1;
	s1 =	sadd.s32 @!p2 $0x0, s6;
	s0 =	simm.s32 @!p2 $0x200  }
0x13: {  	[tilespmem:s0], [sflag:$0x1] =	stream.linear.gather @!p2 [hbm4b:s1+s13], $0x80, $0x38;
	[tilespmem:$0x18400] =	vst v63  }
0x14: {  	[dreg:$0x3] =	wrdreg s11;
	s1 =	simm.s32 @!p1 $0x9  }
0x15: {  	_ =	swait.ge @!p1 [sflag:s1], $0x4000  }
0x16: {  	[sflag:s1] =	ssyncset.done @!p1 $0x0  }
0x17: {  	[sflag:s1] =	ssyncadd.s32 @!p1 $0xFFFFC000  }
0x18: {  	_ =	swait.ge @!p1 [sflag:s1], $0x4000  }
0x19: {  	p4 =	por $0x1, $0x1;
	[sflag:s1] =	ssyncset.done @!p1 $0x0  }
0x1a: {  	s8 =	simm.s32 @!p4 $0x3;
	[sflag:s1] =	ssyncadd.s32 @!p1 $0xFFFFC000  }
0x1b: {  	_ =	swait.ge @!p4 [sflag:s8], $0x80  }
0x1c: {  	[sflag:s8] =	ssyncset.done @!p4 $0x0  }
0x1d: {  	[sflag:s8] =	ssyncadd.s32 @!p4 $0xFFFFFF80  }
0x1e: {  	_ =	swait.ge @!p4 [sflag:s8], $0x80  }
0x1f: {  	p3 =	por $0x1, $0x1;
	s5 =	simm.s32 @!p4 $0x8400;
	[sflag:s8] =	ssyncset.done @!p4 $0x0  }
0x20: {  	s12 =	simm.s32 @!p4 $0x100;
	s1 =	simm.s32 @!p4 $0x80;
	[sflag:s8] =	ssyncadd.s32 @!p4 $0xFFFFFF80  }
0x21: {  	[tilespmem:s5], [sflag:$0x6] =	stream.indirect.gather @!p4 [hbm4b:s3+s1], $0x80, s12, s1, $0xb8;
	[tilespmem:$0x18400] =	vst v63  }
0x22: {  	s14 =	simm.s32 @!p3 $0x5;
	s8 =	simm.s32 @!p4 $0x300;
	s12 =	simm.s32 @!p4 $0x14400  }
0x23: {  	[tilespmem:s12], [sflag:$0x6] =	stream.indirect.gather @!p4 [hbm4b:s4+s1], $0x80, s8, s1, $0xb8;
	[tilespmem:$0x18400] =	vst v63  }
0x24: {  	p6 =	por $0x1, $0x1;
	_ =	swait.ge @!p3 [sflag:s14], $0x4000  }
0x25: {  	s31 =	sadd.s32 $0xFFFFFFE0, s2;
	s16 =	simm.s32 @!p3 $0x0;
	[sflag:s14] =	ssyncset.done @!p3 $0x0  }
0x26: {  	s17 =	simm.s32 @!p3 $0x4400;
	s11 =	rddreg [dreg:$0x7];
	[sflag:s14] =	ssyncadd.s32 @!p3 $0xFFFFC000  }
0x27: {  	p5 =	sgt.u32 s31, $0x1869;
	s10 =	rddreg [dreg:$0x6];
	_ =	swait.ge @!p3 [sflag:s14], $0x4000  }
0x28: {  	s1 =	simm.s32 @!p5 $0x80;
	s8 =	sadd.s32 @!p3 s11, s9;
	[sflag:s14] =	ssyncset.done @!p3 $0x0  }
0x29: {  	s15 =	sadd.s32 @!p3 s10, s9;
	s8 =	sadd.s32 @!p3 $0xFFFE0000, s8;
	[sflag:s14] =	ssyncadd.s32 @!p3 $0xFFFFC000  }
0x2a: {  	[hbm4b:s8+s16] =	stream.linear.scatter @!p3 [tilespmem:s17], [sflag:$0x8], $0x4000, $0x38;
	[tilespmem:$0x18400] =	vst v63  }
0x2b: {  	s15 =	sadd.s32 @!p3 $0xFFFE0000, s15;
	s14 =	simm.s32 @!p3 $0x10400;
	s8 =	sadd.s32 @!p5 $0x0, s7  }
0x2c: {  	[hbm4b:s15+s16] =	stream.linear.scatter @!p3 [tilespmem:s14], [sflag:$0x8], $0x4000, $0x38;
	[tilespmem:$0x18400] =	vst v63  }
0x2d: {  	s17 =	simm.s32 @!p5 $0x0;
	s8 =	sadd.s32 @!p5 $0x200, s8;
	s14 =	sadd.s32 @!p5 $0x0, s6  }
0x2e: {  	[tilespmem:s1], [sflag:$0x2] =	stream.linear.gather @!p5 [hbm4b:s8+s17], $0x80, $0x38;
	[tilespmem:$0x18400] =	vst v63  }
0x2f: {  	s15 =	simm.s32 @!p6 $0x7;
	s14 =	sadd.s32 @!p5 $0x200, s14;
	s8 =	simm.s32 @!p5 $0x280  }
0x30: {  	[tilespmem:s8], [sflag:$0x2] =	stream.linear.gather @!p5 [hbm4b:s14+s17], $0x80, $0x38;
	[tilespmem:$0x18400] =	vst v63  }
0x31: {  	_ =	swait.ge @!p6 [sflag:s15], $0x4000  }
0x32: {  	[sflag:s15] =	ssyncset.done @!p6 $0x0  }
0x33: {  	[sflag:s15] =	ssyncadd.s32 @!p6 $0xFFFFC000  }
0x34: {  	_ =	swait.ge @!p6 [sflag:s15], $0x4000  }
0x35: {  	p1 =	por p2, p2;
	[sflag:s15] =	ssyncset.done @!p6 $0x0  }
0x36: {  	s14 =	simm.s32 @!p1 $0x1;
	[sflag:s15] =	ssyncadd.s32 @!p6 $0xFFFFC000  }
0x37: {  	_ =	swait.ge @!p1 [sflag:s14], $0x80  }
0x38: {  	[sflag:s14] =	ssyncset.done @!p1 $0x0  }
0x39: {  	[sflag:s14] =	ssyncadd.s32 @!p1 $0xFFFFFF80  }
0x3a: {  	_ =	swait.ge @!p1 [sflag:s14], $0x80  }
0x3b: {  	[sflag:s14] =	ssyncset.done @!p1 $0x0  }
0x3c: {  	s17 =	simm.s32 @!p1 $0x400;
	s15 =	simm.s32 @!p1 $0x80;
	[sflag:s14] =	ssyncadd.s32 @!p1 $0xFFFFFF80  }
0x3d: {  	[tilespmem:s17], [sflag:$0x4] =	stream.indirect.gather @!p1 [hbm4b:s3+s15], $0x80, s13, s15, $0xb8;
	[tilespmem:$0x18400] =	vst v63  }
0x3e: {  	s28 =	simm.s32 @!p1 $0xC400;
	s14 =	simm.s32 @!p4 $0x6  }
0x3f: {  	[tilespmem:s28], [sflag:$0x4] =	stream.indirect.gather @!p1 [hbm4b:s4+s15], $0x80, s0, s15, $0xb8;
	[tilespmem:$0x18400] =	vst v63  }
0x40: {  	_ =	swait.ge @!p4 [sflag:s14], $0x4000  }
0x41: {  	[sflag:s14] =	ssyncset.done @!p4 $0x0  }
0x42: {  	[sflag:s14] =	ssyncadd.s32 @!p4 $0xFFFFC000  }
0x43: {  	_ =	swait.ge @!p4 [sflag:s14], $0x4000  }
0x44: {  	s16 =	simm.s32 @!p4 $0x0;
	s0 =	sadd.s32 @!p4 s11, s9;
	[sflag:s14] =	ssyncset.done @!p4 $0x0  }
0x45: {  	s15 =	sadd.s32 @!p4 s10, s9;
	s0 =	sadd.s32 @!p4 $0xFFFF0000, s0;
	[sflag:s14] =	ssyncadd.s32 @!p4 $0xFFFFC000  }
0x46: {  	[hbm4b:s0+s16] =	stream.linear.scatter @!p4 [tilespmem:s5], [sflag:$0x9], $0x4000, $0x38;
	[tilespmem:$0x18400] =	vst v63  }
0x47: {  	s0 =	sadd.s32 @!p4 $0xFFFF0000, s15  }
0x48: {  	[hbm4b:s0+s16] =	stream.linear.scatter @!p4 [tilespmem:s12], [sflag:$0x9], $0x4000, $0x38;
	[tilespmem:$0x18400] =	vst v63  }
0x49: {  	p4 =	sgt.u32 s2, $0x1869  }
0x4a: {  	s0 =	sadd.s32 @!p4 $0x0, s7;
	s5 =	simm.s32 @!p4 $0x0  }
0x4b: {  	s12 =	simm.s32 @!p4 $0x100;
	s14 =	sadd.s32 @!p4 $0x0, s6;
	s0 =	sadd.s32 @!p4 $0x400, s0  }
0x4c: {  	[tilespmem:s12], [sflag:$0x3] =	stream.linear.gather @!p4 [hbm4b:s0+s5], $0x80, $0x38;
	[tilespmem:$0x18400] =	vst v63  }
0x4d: {  	s0 =	simm.s32 @!p4 $0x300;
	s12 =	sadd.s32 @!p4 $0x400, s14;
	s14 =	simm.s32 @!p3 $0x8  }
0x4e: {  	[tilespmem:s0], [sflag:$0x3] =	stream.linear.gather @!p4 [hbm4b:s12+s5], $0x80, $0x38;
	[tilespmem:$0x18400] =	vst v63  }
0x4f: {  	_ =	swait.ge @!p3 [sflag:s14], $0x4000  }
0x50: {  	[sflag:s14] =	ssyncset.done @!p3 $0x0  }
0x51: {  	[sflag:s14] =	ssyncadd.s32 @!p3 $0xFFFFC000  }
0x52: {  	_ =	swait.ge @!p3 [sflag:s14], $0x4000  }
0x53: {  	[sflag:s14] =	ssyncset.done @!p3 $0x0  }
0x54: {  	s0 =	simm.s32 @!p5 $0x2;
	[sflag:s14] =	ssyncadd.s32 @!p3 $0xFFFFC000  }
0x55: {  	_ =	swait.ge @!p5 [sflag:s0], $0x80  }
0x56: {  	[sflag:s0] =	ssyncset.done @!p5 $0x0  }
0x57: {  	[sflag:s0] =	ssyncadd.s32 @!p5 $0xFFFFFF80  }
0x58: {  	_ =	swait.ge @!p5 [sflag:s0], $0x80  }
0x59: {  	[sflag:s0] =	ssyncset.done @!p5 $0x0  }
0x5a: {  	s5 =	simm.s32 @!p5 $0x4400;
	[sflag:s0] =	ssyncadd.s32 @!p5 $0xFFFFFF80  }
0x5b: {  	[tilespmem:s5], [sflag:$0x5] =	stream.indirect.gather @!p5 [hbm4b:s3+s1], $0x80, s1, s1, $0xb8;
	[tilespmem:$0x18400] =	vst v63  }
0x5c: {  	s0 =	simm.s32 @!p5 $0x10400;
	s5 =	simm.s32 @!p1 $0x4  }
0x5d: {  	[tilespmem:s0], [sflag:$0x5] =	stream.indirect.gather @!p5 [hbm4b:s4+s1], $0x80, s8, s1, $0xb8;
	[tilespmem:$0x18400] =	vst v63  }
0x5e: {  	_ =	swait.ge @!p1 [sflag:s5], $0x4000  }
0x5f: {  	s22 =	simm.s32 $0xC00;
	s20 =	simm.s32 $0xFFFFFFFF;
	[sflag:s5] =	ssyncset.done @!p1 $0x0  }
0x60: {  	s24 =	simm.s32 $0x1;
	s21 =	sadd.s32 $0x60, s2;
	[sflag:s5] =	ssyncadd.s32 @!p1 $0xFFFFC000  }
0x61: {  	s18 =	simm.s32 $0x0;
	s23 =	sadd.s32 $0xFFFFFFC0, s21;
	_ =	swait.ge @!p1 [sflag:s5], $0x4000  }
0x62: {  	s19 =	sadd.s32 $0xFFFFFFE0, s21;
	s25 =	sadd.s32 @!p2 s10, s9;
	[sflag:s5] =	ssyncset.done @!p1 $0x0  }
0x63: {  	s15 =	sadd.s32 $0x30000, s11;
	s0 =	sadd.s32 @!p1 s11, s9;
	[sflag:s5] =	ssyncadd.s32 @!p1 $0xFFFFC000  }
0x64: {  	[hbm4b:s0+s13] =	stream.linear.scatter @!p1 [tilespmem:s17], [sflag:$0x7], $0x4000, $0x38;
	[tilespmem:$0x18400] =	vst v63  }
0x65: {  	s16 =	simm.s32 $0x600;
	s14 =	sadd.s32 $0x30000, s10;
	s17 =	smov.u32 s21  }
.LBB2_2:
0x66: {  	p2 =	sgt.u32 s23, $0x1869  }
0x67: {  	s21 =	sadd.s32 $0x60, s21;
	s26 =	smov.u32 s22;
	s22 =	sadd.s32 $0x600, s22  }
0x68: {  	[hbm4b:s25+s13] =	stream.linear.scatter @!p1 [tilespmem:s28], [sflag:$0x7], $0x4000, $0x38;
	[tilespmem:$0x18400] =	vst v63  }
0x69: {  	s23 =	sadd.s32 $0xFFFFFFC0, s21;
	s0 =	sadd.s32 @!p2 s16, s7;
	s13 =	simm.s32 @!p2 $0x0  }
0x6a: {  	[tilespmem:s13], [sflag:$0x1] =	stream.linear.gather @!p2 [hbm4b:s0+s13], $0x80, $0x38;
	[tilespmem:$0x18400] =	vst v63  }
0x6b: {  	p4 =	sgt.u32 s20, $0xC3;
	s29 =	simm.s32 @!p2 $0x200;
	s0 =	sadd.s32 @!p2 s16, s6  }
0x6c: {  	[tilespmem:s29], [sflag:$0x1] =	stream.linear.gather @!p2 [hbm4b:s0+s13], $0x80, $0x38;
	[tilespmem:$0x18400] =	vst v63  }
0x6d: {  	s8 =	sadd.s32 $0xFFFFFFE0, s21;
	s25 =	sadd.s32 @!p2 s14, s9;
	s0 =	simm.s32 @!p4 $0x9  }
0x6e: {  	p3 =	sne.s32 s22, $0x18C00;
	p1 =	por p2, p2;
	_ =	swait.ge @!p4 [sflag:s0], $0x4000  }
0x6f: {  	[sflag:s0] =	ssyncset.done @!p4 $0x0  }
0x70: {  	s20 =	sadd.s32 $0x3, s20;
	[sflag:s0] =	ssyncadd.s32 @!p4 $0xFFFFC000  }
0x71: {  	s5 =	sadd.s32 $0x2, s20;
	p2 =	sgt.u32 s20, $0xC3;
	_ =	swait.ge @!p4 [sflag:s0], $0x4000  }
0x72: {  	s12 =	simm.s32 @!p2 $0x3;
	s1 =	sadd.s32 @!p2 s15, s9;
	[sflag:s0] =	ssyncset.done @!p4 $0x0  }
0x73: {  	s31 =	sadd.s32 @!p2 $0xFFFF0000, s1;
	[sflag:s0] =	ssyncadd.s32 @!p4 $0xFFFFC000;
	s0 =	sadd.s32 @!p2 s14, s9  }
0x74: {  	s28 =	sadd.s32 $0x1, s20;
	_ =	swait.ge @!p2 [sflag:s12], $0x80;
	s30 =	sadd.s32 @!p2 $0xFFFF0000, s0  }
0x75: {  	[sflag:s12] =	ssyncset.done @!p2 $0x0  }
0x76: {  	[sflag:s12] =	ssyncadd.s32 @!p2 $0xFFFFFF80  }
0x77: {  	s1 =	simm.s32 @!p2 $0x8400;
	p4 =	sgt.u32 s24, $0xC3;
	_ =	swait.ge @!p2 [sflag:s12], $0x80  }
0x78: {  	s24 =	simm.s32 @!p2 $0x100;
	s0 =	simm.s32 @!p2 $0x80;
	[sflag:s12] =	ssyncset.done @!p2 $0x0  }
0x79: {  	s10 =	simm.s32 @!p2 $0x300;
	[sflag:s12] =	ssyncadd.s32 @!p2 $0xFFFFFF80;
	s12 =	simm.s32 @!p2 $0x14400  }
0x7a: {  	[tilespmem:s1], [sflag:$0x6] =	stream.indirect.gather @!p2 [hbm4b:s3+s0], $0x80, s24, s0, $0xb8;
	[tilespmem:$0x18400] =	vst v63  }
0x7b: {  	s11 =	simm.s32 @!p4 $0x5;
	s2 =	sadd.s32 @!p4 s14, s9;
	s24 =	sadd.s32 @!p4 s15, s9  }
0x7c: {  	[tilespmem:s12], [sflag:$0x6] =	stream.indirect.gather @!p2 [hbm4b:s4+s0], $0x80, s10, s0, $0xb8;
	[tilespmem:$0x18400] =	vst v63  }
0x7d: {  	s2 =	sadd.s32 @!p4 $0xFFFE0000, s2;
	s0 =	sadd.s32 @!p4 $0xFFFE0000, s24;
	_ =	swait.ge @!p4 [sflag:s11], $0x4000  }
0x7e: {  	s24 =	smov.u32 s5;
	[sflag:s11] =	ssyncset.done @!p4 $0x0  }
0x7f: {  	[sflag:s11] =	ssyncadd.s32 @!p4 $0xFFFFC000  }
0x80: {  	_ =	swait.ge @!p4 [sflag:s11], $0x4000  }
0x81: {  	s5 =	simm.s32 @!p4 $0x0;
	s10 =	simm.s32 @!p4 $0x4400;
	[sflag:s11] =	ssyncset.done @!p4 $0x0  }
0x82: {  	p5 =	sgt.u32 s19, $0x1869;
	[sflag:s11] =	ssyncadd.s32 @!p4 $0xFFFFC000;
	s11 =	simm.s32 @!p4 $0x10400  }
0x83: {  	[hbm4b:s0+s5] =	stream.linear.scatter @!p4 [tilespmem:s10], [sflag:$0x8], $0x4000, $0x38;
	[tilespmem:$0x18400] =	vst v63  }
0x84: {  	s19 =	simm.s32 @!p5 $0x0;
	s10 =	sadd.s32 @!p5 s16, s7;
	s0 =	simm.s32 @!p5 $0x80  }
0x85: {  	[hbm4b:s2+s5] =	stream.linear.scatter @!p4 [tilespmem:s11], [sflag:$0x8], $0x4000, $0x38;
	[tilespmem:$0x18400] =	vst v63  }
0x86: {  	p6 =	sgt.u32 s18, $0xC3;
	s2 =	sadd.s32 @!p5 $0x200, s10;
	s5 =	sadd.s32 @!p5 s16, s6  }
0x87: {  	[tilespmem:s0], [sflag:$0x2] =	stream.linear.gather @!p5 [hbm4b:s2+s19], $0x80, $0x38;
	[tilespmem:$0x18400] =	vst v63  }
0x88: {  	s10 =	simm.s32 @!p6 $0x7;
	s2 =	sadd.s32 @!p5 $0x200, s5;
	s5 =	simm.s32 @!p5 $0x280  }
0x89: {  	[tilespmem:s5], [sflag:$0x2] =	stream.linear.gather @!p5 [hbm4b:s2+s19], $0x80, $0x38;
	[tilespmem:$0x18400] =	vst v63  }
0x8a: {  	s18 =	smov.u32 s28;
	s19 =	smov.u32 s8;
	_ =	swait.ge @!p6 [sflag:s10], $0x4000  }
0x8b: {  	[sflag:s10] =	ssyncset.done @!p6 $0x0  }
0x8c: {  	[sflag:s10] =	ssyncadd.s32 @!p6 $0xFFFFC000  }
0x8d: {  	_ =	swait.ge @!p6 [sflag:s10], $0x4000  }
0x8e: {  	s2 =	simm.s32 @!p1 $0x1;
	[sflag:s10] =	ssyncset.done @!p6 $0x0  }
0x8f: {  	[sflag:s10] =	ssyncadd.s32 @!p6 $0xFFFFC000  }
0x90: {  	_ =	swait.ge @!p1 [sflag:s2], $0x80  }
0x91: {  	[sflag:s2] =	ssyncset.done @!p1 $0x0  }
0x92: {  	[sflag:s2] =	ssyncadd.s32 @!p1 $0xFFFFFF80  }
0x93: {  	_ =	swait.ge @!p1 [sflag:s2], $0x80  }
0x94: {  	s8 =	simm.s32 @!p1 $0x400;
	s10 =	simm.s32 @!p1 $0x80;
	[sflag:s2] =	ssyncset.done @!p1 $0x0  }
0x95: {  	[sflag:s2] =	ssyncadd.s32 @!p1 $0xFFFFFF80  }
0x96: {  	[tilespmem:s8], [sflag:$0x4] =	stream.indirect.gather @!p1 [hbm4b:s3+s10], $0x80, s13, s10, $0xb8;
	[tilespmem:$0x18400] =	vst v63  }
0x97: {  	s28 =	simm.s32 @!p1 $0xC400;
	s2 =	simm.s32 @!p2 $0x6  }
0x98: {  	[tilespmem:s28], [sflag:$0x4] =	stream.indirect.gather @!p1 [hbm4b:s4+s10], $0x80, s29, s10, $0xb8;
	[tilespmem:$0x18400] =	vst v63  }
0x99: {  	_ =	swait.ge @!p2 [sflag:s2], $0x4000  }
0x9a: {  	[sflag:s2] =	ssyncset.done @!p2 $0x0  }
0x9b: {  	[sflag:s2] =	ssyncadd.s32 @!p2 $0xFFFFC000  }
0x9c: {  	_ =	swait.ge @!p2 [sflag:s2], $0x4000  }
0x9d: {  	s10 =	simm.s32 @!p2 $0x0;
	[sflag:s2] =	ssyncset.done @!p2 $0x0  }
0x9e: {  	p6 =	sgt.u32 s17, $0x1869;
	s17 =	smov.u32 s21;
	[sflag:s2] =	ssyncadd.s32 @!p2 $0xFFFFC000  }
0x9f: {  	[hbm4b:s31+s10] =	stream.linear.scatter @!p2 [tilespmem:s1], [sflag:$0x9], $0x4000, $0x38;
	[tilespmem:$0x18400] =	vst v63  }
0xa0: {  	s11 =	simm.s32 @!p6 $0x100;
	s2 =	simm.s32 @!p6 $0x0;
	s1 =	sadd.s32 @!p6 s16, s7  }
0xa1: {  	[hbm4b:s30+s10] =	stream.linear.scatter @!p2 [tilespmem:s12], [sflag:$0x9], $0x4000, $0x38;
	[tilespmem:$0x18400] =	vst v63  }
0xa2: {  	s1 =	sadd.s32 @!p6 $0x400, s1;
	s10 =	sadd.s32 @!p6 s16, s6;
	s12 =	simm.s32 @!p6 $0x300  }
0xa3: {  	[tilespmem:s11], [sflag:$0x3] =	stream.linear.gather @!p6 [hbm4b:s1+s2], $0x80, $0x38;
	[tilespmem:$0x18400] =	vst v63  }
0xa4: {  	s16 =	smov.u32 s26;
	s1 =	sadd.s32 @!p6 $0x400, s10;
	s10 =	simm.s32 @!p4 $0x8  }
0xa5: {  	[tilespmem:s12], [sflag:$0x3] =	stream.linear.gather @!p6 [hbm4b:s1+s2], $0x80, $0x38;
	[tilespmem:$0x18400] =	vst v63  }
0xa6: {  	_ =	swait.ge @!p4 [sflag:s10], $0x4000  }
0xa7: {  	[sflag:s10] =	ssyncset.done @!p4 $0x0  }
0xa8: {  	[sflag:s10] =	ssyncadd.s32 @!p4 $0xFFFFC000  }
0xa9: {  	_ =	swait.ge @!p4 [sflag:s10], $0x4000  }
0xaa: {  	s1 =	simm.s32 @!p5 $0x2;
	[sflag:s10] =	ssyncset.done @!p4 $0x0  }
0xab: {  	[sflag:s10] =	ssyncadd.s32 @!p4 $0xFFFFC000  }
0xac: {  	_ =	swait.ge @!p5 [sflag:s1], $0x80  }
0xad: {  	[sflag:s1] =	ssyncset.done @!p5 $0x0  }
0xae: {  	[sflag:s1] =	ssyncadd.s32 @!p5 $0xFFFFFF80  }
0xaf: {  	_ =	swait.ge @!p5 [sflag:s1], $0x80  }
0xb0: {  	s2 =	simm.s32 @!p5 $0x4400;
	[sflag:s1] =	ssyncset.done @!p5 $0x0  }
0xb1: {  	[sflag:s1] =	ssyncadd.s32 @!p5 $0xFFFFFF80;
	s1 =	simm.s32 @!p5 $0x10400  }
0xb2: {  	[tilespmem:s2], [sflag:$0x5] =	stream.indirect.gather @!p5 [hbm4b:s3+s0], $0x80, s0, s0, $0xb8;
	[tilespmem:$0x18400] =	vst v63  }
0xb3: {  	s2 =	simm.s32 @!p1 $0x4  }
0xb4: {  	[tilespmem:s1], [sflag:$0x5] =	stream.indirect.gather @!p5 [hbm4b:s4+s0], $0x80, s5, s0, $0xb8;
	[tilespmem:$0x18400] =	vst v63  }
0xb5: {  	_ =	swait.ge @!p1 [sflag:s2], $0x4000  }
0xb6: {  	[sflag:s2] =	ssyncset.done @!p1 $0x0  }
.Ltmp0:
0xb7: {  	[sflag:s2] =	ssyncadd.s32 @!p1 $0xFFFFC000;
	(pc) =	sbr.rel @p3 .LBB2_2-.Ltmp0, $4  }
0xb8: {  	_ =	swait.ge @!p1 [sflag:s2], $0x4000  }
0xb9: {  	s0 =	sadd.s32 @!p1 s15, s9;
	[sflag:s2] =	ssyncset.done @!p1 $0x0  }
0xba: {  	s14 =	sadd.s32 $0x30000, s14;
	s15 =	sadd.s32 $0x30000, s15;
	[sflag:s2] =	ssyncadd.s32 @!p1 $0xFFFFC000  }
0xbb: {  	[hbm4b:s0+s13] =	stream.linear.scatter @!p1 [tilespmem:s8], [sflag:$0x7], $0x4000, $0x38;
	[tilespmem:$0x18400] =	vst v63  }
0xbc: {  	p3 =	sgt.u32 s23, $0x1869  }
0xbd: {  	[hbm4b:s25+s13] =	stream.linear.scatter @!p1 [tilespmem:s28], [sflag:$0x7], $0x4000, $0x38;
	[tilespmem:$0x18400] =	vst v63  }
0xbe: {  	s0 =	sadd.s32 @!p3 s16, s7;
	s13 =	simm.s32 @!p3 $0x0  }
0xbf: {  	[tilespmem:s13], [sflag:$0x1] =	stream.linear.gather @!p3 [hbm4b:s0+s13], $0x80, $0x38;
	[tilespmem:$0x18400] =	vst v63  }
0xc0: {  	s1 =	sadd.s32 @!p3 s16, s6;
	s0 =	simm.s32 @!p3 $0x200  }
0xc1: {  	[tilespmem:s0], [sflag:$0x1] =	stream.linear.gather @!p3 [hbm4b:s1+s13], $0x80, $0x38;
	[tilespmem:$0x18400] =	vst v63  }
0xc2: {  	s1 =	simm.s32 @!p2 $0x9  }
0xc3: {  	_ =	swait.ge @!p2 [sflag:s1], $0x4000  }
0xc4: {  	[sflag:s1] =	ssyncset.done @!p2 $0x0  }
0xc5: {  	[sflag:s1] =	ssyncadd.s32 @!p2 $0xFFFFC000  }
0xc6: {  	s2 =	sadd.s32 $0x3, s20;
	_ =	swait.ge @!p2 [sflag:s1], $0x4000  }
0xc7: {  	p4 =	sgt.u32 s2, $0xC3;
	[sflag:s1] =	ssyncset.done @!p2 $0x0  }
0xc8: {  	s2 =	simm.s32 @!p4 $0x3;
	[sflag:s1] =	ssyncadd.s32 @!p2 $0xFFFFC000  }
0xc9: {  	_ =	swait.ge @!p4 [sflag:s2], $0x80  }
0xca: {  	[sflag:s2] =	ssyncset.done @!p4 $0x0  }
0xcb: {  	[sflag:s2] =	ssyncadd.s32 @!p4 $0xFFFFFF80  }
0xcc: {  	_ =	swait.ge @!p4 [sflag:s2], $0x80  }
0xcd: {  	p1 =	sgt.u32 s24, $0xC3;
	s5 =	simm.s32 @!p4 $0x8400;
	[sflag:s2] =	ssyncset.done @!p4 $0x0  }
0xce: {  	s8 =	simm.s32 @!p4 $0x100;
	s1 =	simm.s32 @!p4 $0x80;
	[sflag:s2] =	ssyncadd.s32 @!p4 $0xFFFFFF80  }
0xcf: {  	[tilespmem:s5], [sflag:$0x6] =	stream.indirect.gather @!p4 [hbm4b:s3+s1], $0x80, s8, s1, $0xb8;
	[tilespmem:$0x18400] =	vst v63  }
0xd0: {  	s10 =	simm.s32 @!p4 $0x14400;
	s2 =	simm.s32 @!p4 $0x300;
	s8 =	simm.s32 @!p1 $0x5  }
0xd1: {  	[tilespmem:s10], [sflag:$0x6] =	stream.indirect.gather @!p4 [hbm4b:s4+s1], $0x80, s2, s1, $0xb8;
	[tilespmem:$0x18400] =	vst v63  }
0xd2: {  	_ =	swait.ge @!p1 [sflag:s8], $0x4000  }
0xd3: {  	[sflag:s8] =	ssyncset.done @!p1 $0x0  }
0xd4: {  	p6 =	sgt.u32 s18, $0xC3;
	s11 =	simm.s32 @!p1 $0x0;
	[sflag:s8] =	ssyncadd.s32 @!p1 $0xFFFFC000  }
0xd5: {  	s12 =	simm.s32 @!p1 $0x4400;
	p2 =	sgt.u32 s19, $0x1869;
	_ =	swait.ge @!p1 [sflag:s8], $0x4000  }
0xd6: {  	s19 =	simm.s32 @!p2 $0x0;
	s1 =	sadd.s32 @!p1 s15, s9;
	[sflag:s8] =	ssyncset.done @!p1 $0x0  }
0xd7: {  	s2 =	sadd.s32 @!p1 s14, s9;
	s1 =	sadd.s32 @!p1 $0xFFFE0000, s1;
	[sflag:s8] =	ssyncadd.s32 @!p1 $0xFFFFC000  }
0xd8: {  	[hbm4b:s1+s11] =	stream.linear.scatter @!p1 [tilespmem:s12], [sflag:$0x8], $0x4000, $0x38;
	[tilespmem:$0x18400] =	vst v63  }
0xd9: {  	s2 =	sadd.s32 @!p1 $0xFFFE0000, s2;
	s8 =	simm.s32 @!p1 $0x10400;
	s12 =	sadd.s32 @!p2 s16, s7  }
0xda: {  	[hbm4b:s2+s11] =	stream.linear.scatter @!p1 [tilespmem:s8], [sflag:$0x8], $0x4000, $0x38;
	[tilespmem:$0x18400] =	vst v63  }
0xdb: {  	s1 =	simm.s32 @!p2 $0x80;
	s2 =	sadd.s32 @!p2 $0x200, s12;
	s8 =	sadd.s32 @!p2 s16, s6  }
0xdc: {  	[tilespmem:s1], [sflag:$0x2] =	stream.linear.gather @!p2 [hbm4b:s2+s19], $0x80, $0x38;
	[tilespmem:$0x18400] =	vst v63  }
0xdd: {  	s11 =	simm.s32 @!p6 $0x7;
	s2 =	sadd.s32 @!p2 $0x200, s8;
	s8 =	simm.s32 @!p2 $0x280  }
0xde: {  	[tilespmem:s8], [sflag:$0x2] =	stream.linear.gather @!p2 [hbm4b:s2+s19], $0x80, $0x38;
	[tilespmem:$0x18400] =	vst v63  }
0xdf: {  	_ =	swait.ge @!p6 [sflag:s11], $0x4000  }
0xe0: {  	[sflag:s11] =	ssyncset.done @!p6 $0x0  }
0xe1: {  	[sflag:s11] =	ssyncadd.s32 @!p6 $0xFFFFC000  }
0xe2: {  	_ =	swait.ge @!p6 [sflag:s11], $0x4000  }
0xe3: {  	p5 =	por p3, p3;
	[sflag:s11] =	ssyncset.done @!p6 $0x0  }
0xe4: {  	s2 =	simm.s32 @!p5 $0x1;
	[sflag:s11] =	ssyncadd.s32 @!p6 $0xFFFFC000  }
0xe5: {  	_ =	swait.ge @!p5 [sflag:s2], $0x80  }
0xe6: {  	[sflag:s2] =	ssyncset.done @!p5 $0x0  }
0xe7: {  	[sflag:s2] =	ssyncadd.s32 @!p5 $0xFFFFFF80  }
0xe8: {  	_ =	swait.ge @!p5 [sflag:s2], $0x80  }
0xe9: {  	[sflag:s2] =	ssyncset.done @!p5 $0x0  }
0xea: {  	s12 =	simm.s32 @!p5 $0x400;
	s11 =	simm.s32 @!p5 $0x80;
	[sflag:s2] =	ssyncadd.s32 @!p5 $0xFFFFFF80  }
0xeb: {  	[tilespmem:s12], [sflag:$0x4] =	stream.indirect.gather @!p5 [hbm4b:s3+s11], $0x80, s13, s11, $0xb8;
	[tilespmem:$0x18400] =	vst v63  }
0xec: {  	s18 =	simm.s32 @!p4 $0x6;
	s2 =	simm.s32 @!p5 $0xC400  }
0xed: {  	[tilespmem:s2], [sflag:$0x4] =	stream.indirect.gather @!p5 [hbm4b:s4+s11], $0x80, s0, s11, $0xb8;
	[tilespmem:$0x18400] =	vst v63  }
0xee: {  	_ =	swait.ge @!p4 [sflag:s18], $0x4000  }
0xef: {  	[sflag:s18] =	ssyncset.done @!p4 $0x0  }
0xf0: {  	[sflag:s18] =	ssyncadd.s32 @!p4 $0xFFFFC000  }
0xf1: {  	_ =	swait.ge @!p4 [sflag:s18], $0x4000  }
0xf2: {  	s19 =	simm.s32 @!p4 $0x0;
	s0 =	sadd.s32 @!p4 s15, s9;
	[sflag:s18] =	ssyncset.done @!p4 $0x0  }
0xf3: {  	s11 =	sadd.s32 @!p4 s14, s9;
	s0 =	sadd.s32 @!p4 $0xFFFF0000, s0;
	[sflag:s18] =	ssyncadd.s32 @!p4 $0xFFFFC000  }
0xf4: {  	[hbm4b:s0+s19] =	stream.linear.scatter @!p4 [tilespmem:s5], [sflag:$0x9], $0x4000, $0x38;
	[tilespmem:$0x18400] =	vst v63  }
0xf5: {  	s0 =	sadd.s32 @!p4 $0xFFFF0000, s11  }
0xf6: {  	[hbm4b:s0+s19] =	stream.linear.scatter @!p4 [tilespmem:s10], [sflag:$0x9], $0x4000, $0x38;
	[tilespmem:$0x18400] =	vst v63  }
0xf7: {  	p4 =	sgt.u32 s17, $0x1869  }
0xf8: {  	s0 =	sadd.s32 @!p4 s16, s7;
	s5 =	simm.s32 @!p4 $0x0  }
0xf9: {  	s10 =	simm.s32 @!p4 $0x100;
	s11 =	sadd.s32 @!p4 s16, s6;
	s0 =	sadd.s32 @!p4 $0x400, s0  }
0xfa: {  	[tilespmem:s10], [sflag:$0x3] =	stream.linear.gather @!p4 [hbm4b:s0+s5], $0x80, $0x38;
	[tilespmem:$0x18400] =	vst v63  }
0xfb: {  	s0 =	simm.s32 @!p4 $0x300;
	s10 =	sadd.s32 @!p4 $0x400, s11;
	s11 =	simm.s32 @!p1 $0x8  }
0xfc: {  	[tilespmem:s0], [sflag:$0x3] =	stream.linear.gather @!p4 [hbm4b:s10+s5], $0x80, $0x38;
	[tilespmem:$0x18400] =	vst v63  }
0xfd: {  	_ =	swait.ge @!p1 [sflag:s11], $0x4000  }
0xfe: {  	[sflag:s11] =	ssyncset.done @!p1 $0x0  }
0xff: {  	[sflag:s11] =	ssyncadd.s32 @!p1 $0xFFFFC000  }
0x100: {  	_ =	swait.ge @!p1 [sflag:s11], $0x4000  }
0x101: {  	[sflag:s11] =	ssyncset.done @!p1 $0x0  }
0x102: {  	s0 =	simm.s32 @!p2 $0x2;
	[sflag:s11] =	ssyncadd.s32 @!p1 $0xFFFFC000  }
0x103: {  	_ =	swait.ge @!p2 [sflag:s0], $0x80  }
0x104: {  	[sflag:s0] =	ssyncset.done @!p2 $0x0  }
0x105: {  	[sflag:s0] =	ssyncadd.s32 @!p2 $0xFFFFFF80  }
0x106: {  	_ =	swait.ge @!p2 [sflag:s0], $0x80  }
0x107: {  	[sflag:s0] =	ssyncset.done @!p2 $0x0  }
0x108: {  	s5 =	simm.s32 @!p2 $0x4400;
	[sflag:s0] =	ssyncadd.s32 @!p2 $0xFFFFFF80  }
0x109: {  	[tilespmem:s5], [sflag:$0x5] =	stream.indirect.gather @!p2 [hbm4b:s3+s1], $0x80, s1, s1, $0xb8;
	[tilespmem:$0x18400] =	vst v63  }
0x10a: {  	s0 =	simm.s32 @!p2 $0x10400;
	s5 =	simm.s32 @!p5 $0x4  }
0x10b: {  	[tilespmem:s0], [sflag:$0x5] =	stream.indirect.gather @!p2 [hbm4b:s4+s1], $0x80, s8, s1, $0xb8;
	[tilespmem:$0x18400] =	vst v63  }
0x10c: {  	_ =	swait.ge @!p5 [sflag:s5], $0x4000  }
0x10d: {  	[sflag:s5] =	ssyncset.done @!p5 $0x0  }
0x10e: {  	[sflag:s5] =	ssyncadd.s32 @!p5 $0xFFFFC000  }
0x10f: {  	_ =	swait.ge @!p5 [sflag:s5], $0x4000  }
0x110: {  	[sflag:s5] =	ssyncset.done @!p5 $0x0  }
0x111: {  	s0 =	sadd.s32 @!p5 s15, s9;
	[sflag:s5] =	ssyncadd.s32 @!p5 $0xFFFFC000  }
0x112: {  	[hbm4b:s0+s13] =	stream.linear.scatter @!p5 [tilespmem:s12], [sflag:$0x7], $0x4000, $0x38;
	[tilespmem:$0x18400] =	vst v63  }
0x113: {  	s29 =	simm.s32 $0x9;
	s0 =	sadd.s32 @!p3 s14, s9  }
0x114: {  	[hbm4b:s0+s13] =	stream.linear.scatter @!p5 [tilespmem:s2], [sflag:$0x7], $0x4000, $0x38;
	[tilespmem:$0x18400] =	vst v63  }
0x115: {  	_ =	swait.ge [sflag:s29], $0x4000  }
0x116: {  	[sflag:s29] =	ssyncset.done $0x0  }
0x117: {  	[sflag:s29] =	ssyncadd.s32 $0xFFFFC000  }
0x118: {  	_ =	swait.ge [sflag:s29], $0x4000  }
0x119: {  	[sflag:s29] =	ssyncset.done $0x0  }
0x11a: {  	s0 =	simm.s32 @!p0 $0x7;
	[sflag:s29] =	ssyncadd.s32 $0xFFFFC000  }
0x11b: {  	_ =	swait.ge @!p0 [sflag:s0], $0x4000  }
0x11c: {  	[sflag:s0] =	ssyncset.done @!p0 $0x0  }
0x11d: {  	[sflag:s0] =	ssyncadd.s32 @!p0 $0xFFFFC000  }
0x11e: {  	_ =	swait.ge @!p0 [sflag:s0], $0x4000  }
0x11f: {  	s30 =	rddreg [dreg:$0x3]  }
0x120: {  	s31 =	rddreg [dreg:$0x4];
	s11 =	sadd.s32 $0x1, s30  }
0x121: {  	p1 =	sne.s32 s11, s31  }
.Ltmp1:
0x122: {  	_ = 	snop;
	(pc) =	sbr.rel @p1 .LBB2_1-.Ltmp1, $3  }
0x123: {  	_ =	sdelay $0x1  }
0x124: {  	[sflag:s0] =	ssyncset.done @!p0 $0x0  }
0x125: {  	[sflag:s0] =	ssyncadd.s32 @!p0 $0xFFFFC000  }
0x126: {  	_ =	sfence.sel $0x180000  }
0x127: {  	[bflag:$0x0] =	sbarrier.arrive $0xFFFF  }
0x128: {  	_ =	strace $0x90000047  }
0x129: {  	s0 =	stileid.u32;
	[bflag:$0x2] =	sbarrier.arrive $0xFFFF  }
0x12a: {  	p0 =	sne.s32 s0, $0x0;
	s0 =	rddreg [dreg:$0x2]  }
0x12b: {  	s0 =	sadd.s32 @!p0 $0x100000, s0  }
0x12c: {  	[sflag:s0] =	ssyncadd.tile.s32 @!p0 $0x1;
	_ =	shalt  }
.Lfunc_end2:
_tile_overlayer_lowered:
.L_overlay_start_2:
0x12d: {  	(tag) =	ssettag $0x2  }
0x12e: {  	s0 =	rddreg [dreg:$0x0];
	s2 =	stileid.u32  }
0x12f: {  	s1 =	rddreg [dreg:$0x1];
	p0 =	sne.s32 s2, $0x0  }
0x130: {  	s3 =	rddreg [dreg:$0x2];
	[bflag:$0x3] =	sbarrier.arrive $0xFFFF;
	s2 =	simm.s32 @!p0 $0x1C0A  }
0x131: {  	[timem:s3], [sflag:s2] =	dma.local @!p0 [hbm:s0], s1  }
0x132: {  	s0 =	simm.s32 @!p0 $0xA  }
0x133: {  	_ =	swait.ge @!p0 [sflag:s0], s1  }
0x134: {  	s1 =	ssub.s32 @!p0 $0x0, s1;
	[sflag:s0] =	ssyncset.done @!p0 $0x0  }
0x135: {  	[sflag:s0] =	ssyncadd.s32 @!p0 s1  }
0x136: {  	[bflag:$0x3] =	sbarrier.arrive $0xFFFF  }
0x137: {  	_ =	shalt  }

// kernel: kernel.9.cloned.1.call-start
scs
__scs_entry_jumppad:
0x0: {  	(pc) =	sbr.rel $0x88, $3  }
0x1: {  	(tag) =	ssettag $0x0;
	lr =	simm.s32 $0x1  }
0x2: {  	[smem:$0x3F98] =	sst lr;
	_ =	strace $0xD0000000  }
0x3: {  	_ = 	snop  }
0x4: {  	_ = 	snop  }
0x5: {  	_ = 	snop  }
0x6: {  	_ = 	snop  }
0x7: {  	_ = 	snop  }
__scs_overlays_trampoline_lowered:
0x8: {  	[smem:$0x3FA7] =	sst s0  }
0x9: {  	[smem:$0x3FA8] =	sst s1  }
0xa: {  	[smem:$0x3FA9] =	sst s2  }
0xb: {  	[smem:$0x3FAA] =	sst s3  }
0xc: {  	[smem:$0x3FAB] =	sst s4  }
0xd: {  	[smem:$0x3FAC] =	sst s5  }
0xe: {  	[smem:$0x3FAD] =	sst s6  }
0xf: {  	[smem:$0x3FAE] =	sst s7  }
0x10: {  	[smem:$0x3FAF] =	sst s8  }
0x11: {  	[smem:$0x3FB0] =	sst s9;
	s0 =	simm.s32 @!p0 $0x0  }
0x12: {  	s1 =	sld [smem:$0x3F96];
	s0 =	simm.s32 @p0 $0x1  }
0x13: {  	[smem:$0x3FB1] =	sst s0;
	s0 =	simm.s32 @!p1 $0x0  }
0x14: {  	s2 =	sld [smem:$0x3F95];
	s0 =	simm.s32 @p1 $0x1  }
0x15: {  	[smem:$0x3FB2] =	sst s0;
	s0 =	simm.s32 @!p2 $0x0  }
0x16: {  	s3 =	sld [smem:$0x3FDB];
	s0 =	simm.s32 @p2 $0x1  }
0x17: {  	s4 =	simm.s32 $0x1BF5;
	[smem:$0x3FB4] =	sst s0  }
0x18: {  	s0 =	sld [smem:$0x3F97];
	_ =	swait.ge [sflag:s4], $0x0  }
0x19: {  	s7 =	sld [smem:$0x3F98]  }
0x1a: {  	s8 =	sadd.s32 $0xFFFFE003, lr  }
0x1b: {  	s9 =	sadd.s32 $0xFFFFFEF7, lr;
	s5 =	simm.s32 $0xFFFFFFFF;
	p2 =	slt.u32 s8, $0xFFFFF086  }
0x1c: {  	p1 =	slt.u32 s9, $0xF7A;
	s5 =	simm.s32 @!p2 $0x0  }
0x1d: {  	s5 =	simm.s32 @p1 $0x1;
	p0 =	seq.s32 s7, s2  }
0x1e: {  	s7 =	smul.u32 @!p0 $0xF7A, s2;
	p2 =	seq.s32 @!p0 s5, $0x0  }
0x1f: {  	s9 =	smul.u32 $0xF7A, s1;
	s8 =	simm.s32 @!p0 $0x1BF5;
	p2 =	por !p2, p0  }
0x20: {  	[sflag:s8] =	ssyncset.s32 @!p0 $0xFFFFF086;
	s6 =	sadd.s32 @!p0 s3, s7;
	s7 =	simm.s32 @!p0 $0x108  }
0x21: {  	s3 =	sadd.s32 s3, s9;
	s6 =	sadd.s32 @!p0 $0x88, s6;
	s7 =	simm.s32 @p2 $0x1082  }
0x22: {  	[simem:s7], [sflag:s8] =	dma.local @!p0 [hbm:s6], $0xF7A  }
0x23: {  	s9 =	sor.u32 $0xD0000000, s2;
	s6 =	simm.s32 $0x108;
	_ =	swait.ge @!p0 [sflag:s8], $0x0  }
0x24: {  	s3 =	sadd.s32 $0x88, s3;
	s6 =	simm.s32 @!p1 $0x1082;
	[sflag:s4] =	ssyncset.s32 $0xFFFFF086  }
0x25: {  	[simem:s6], [sflag:s4] =	dma.local [hbm:s3], $0xF7A  }
0x26: {  	[smem:$0x3F98] =	sst s1;
	(tag) =	ssettag s2;
	_ =	strace s9  }
0x27: {  	s1 =	sld [smem:$0x3FA8]  }
0x28: {  	s2 =	sld [smem:$0x3FA9]  }
0x29: {  	s4 =	sld [smem:$0x3FAB]  }
0x2a: {  	p0 =	seq.s32 s5, $0x0;
	s5 =	sld [smem:$0x3FAC]  }
0x2b: {  	s6 =	sld [smem:$0x3FAD]  }
0x2c: {  	s7 =	sld [smem:$0x3FAE]  }
0x2d: {  	s3 =	simm.s32 $0x108;
	s8 =	sld [smem:$0x3FAF]  }
0x2e: {  	s3 =	simm.s32 @!p0 $0x1082;
	s9 =	sld [smem:$0x3FB0]  }
0x2f: {  	lr =	sadd.s32 s0, s3;
	s0 =	sld [smem:$0x3FA7]  }
0x30: {  	s3 =	sld [smem:$0x3FAA]  }
0x31: {  	[smem:$0x3FB3] =	sst s10  }
0x32: {  	s10 =	sld [smem:$0x3FB1];
	_ =	sdelay $0x3  }
0x33: {  	p0 =	seq.s32 s10, $0x1;
	s10 =	sld [smem:$0x3FB3];
	_ =	sdelay $0x3  }
0x34: {  	[smem:$0x3FB3] =	sst s10  }
0x35: {  	s10 =	sld [smem:$0x3FB2];
	_ =	sdelay $0x3  }
0x36: {  	p1 =	seq.s32 s10, $0x1;
	s10 =	sld [smem:$0x3FB3];
	_ =	sdelay $0x3  }
0x37: {  	[smem:$0x3FB3] =	sst s10  }
0x38: {  	s10 =	sld [smem:$0x3FB4]  }
0x39: {  	_ = 	snop;
	(pc) =	sbr.ind lr, $3  }
0x3a: {  	_ = 	snop  }
0x3b: {  	_ = 	snop  }
0x3c: {  	p2 =	seq.s32 s10, $0x1;
	s10 =	sld [smem:$0x3FB3]  }
0x3d: {  	_ =	shalt  }
0x3e: {  	_ =	shalt  }
0x3f: {  	_ =	shalt  }
0x40: {  	_ =	shalt  }
0x41: {  	_ =	shalt  }
0x42: {  	_ =	shalt  }
0x43: {  	_ =	shalt  }
0x44: {  	_ =	shalt  }
0x45: {  	_ =	shalt  }
0x46: {  	_ =	shalt  }
0x47: {  	_ =	shalt  }
0x48: {  	_ =	shalt  }
0x49: {  	_ =	shalt  }
0x4a: {  	_ =	shalt  }
0x4b: {  	_ =	shalt  }
0x4c: {  	_ =	shalt  }
0x4d: {  	_ =	shalt  }
0x4e: {  	_ =	shalt  }
0x4f: {  	_ =	shalt  }
0x50: {  	_ =	shalt  }
0x51: {  	_ =	shalt  }
0x52: {  	_ =	shalt  }
0x53: {  	_ =	shalt  }
0x54: {  	_ =	shalt  }
0x55: {  	_ =	shalt  }
0x56: {  	_ =	shalt  }
0x57: {  	_ =	shalt  }
0x58: {  	_ =	shalt  }
0x59: {  	_ =	shalt  }
0x5a: {  	_ =	shalt  }
0x5b: {  	_ =	shalt  }
0x5c: {  	_ =	shalt  }
0x5d: {  	_ =	shalt  }
0x5e: {  	_ =	shalt  }
0x5f: {  	_ =	shalt  }
0x60: {  	_ =	shalt  }
0x61: {  	_ =	shalt  }
0x62: {  	_ =	shalt  }
0x63: {  	_ =	shalt  }
0x64: {  	_ =	shalt  }
0x65: {  	_ =	shalt  }
0x66: {  	_ =	shalt  }
0x67: {  	_ =	shalt  }
0x68: {  	_ =	shalt  }
0x69: {  	_ =	shalt  }
0x6a: {  	_ =	shalt  }
0x6b: {  	_ =	shalt  }
0x6c: {  	_ =	shalt  }
0x6d: {  	_ =	shalt  }
0x6e: {  	_ =	shalt  }
0x6f: {  	_ =	shalt  }
0x70: {  	_ =	shalt  }
0x71: {  	_ =	shalt  }
0x72: {  	_ =	shalt  }
0x73: {  	_ =	shalt  }
0x74: {  	_ =	shalt  }
0x75: {  	_ =	shalt  }
0x76: {  	_ =	shalt  }
0x77: {  	_ =	shalt  }
0x78: {  	_ =	shalt  }
0x79: {  	_ =	shalt  }
0x7a: {  	_ =	shalt  }
0x7b: {  	_ =	shalt  }
0x7c: {  	_ =	shalt  }
0x7d: {  	_ =	shalt  }
0x7e: {  	_ =	shalt  }
0x7f: {  	_ =	shalt  }
0x80: {  	_ =	shalt  }
0x81: {  	_ =	shalt  }
0x82: {  	_ =	shalt  }
0x83: {  	_ =	shalt  }
0x84: {  	_ =	shalt  }
0x85: {  	_ =	shalt  }
0x86: {  	_ =	shalt  }
0x87: {  	_ =	shalt  }
.Lfunc_end0:
.L_simem_size_0:
called_computation.1_lowered:
.L_overlay_start_0:
0x88: {  	s2 =	sld [smem:$0x3FD9]  }
0x89: {  	s3 =	sld [smem:$0x3FFE];
	_ =	sdelay $0x1  }
0x8a: {  	s1 =	srdreg.scid  }
0x8b: {  	s0 =	sand.u32 $0x1, s1  }
0x8c: {  	s16 =	sshll.u32 s0, $0xA;
	s2 =	sadd.s32 s3, s2  }
0x8d: {  	s2 =	sadd.s32 s2, s16  }
0x8e: {  	[smem:$0x3FBF] =	sst s2  }
0x8f: {  	_ = 	snop  }
0x90: {  	(tm) =	ssettm $0x1  }
0x91: {  	s17 =	sld [smem:$0x3FFB];
	_ =	sdelay $0x3  }
0x92: {  	_ =	strace s17  }
0x93: {  	s2 =	sld [smem:$0x3FFC];
	_ =	sdelay $0x3  }
0x94: {  	_ =	strace s2  }
0x95: {  	s2 =	sld [smem:$0x3FFD];
	_ =	sdelay $0x3  }
0x96: {  	_ =	strace s2  }
0x97: {  	_ =	strace $0x8FFFFFFF  }
0x98: {  	s18 =	sld [smem:$0x3FDB];
	_ =	sdelay $0x1  }
0x99: {  	s19 =	simm.s32 $_scs_section_size  }
0x9a: {  	s4 =	simm.s32 $_size__tile_overlayer_lowered;
	s5 =	simm.s32 $_tile_overlayer_lowered  }
0x9b: {  	s22 =	simm.s32 $0x1BFF;
	s21 =	sshll.u32 s5, $0x1;
	s2 =	sadd.s32 s19, s18  }
0x9c: {  	s6 =	simm.s32 $0x0;
	s20 =	sshll.u32 s4, $0x1;
	s4 =	sadd.s32 s21, s2  }
0x9d: {  	[timem:s6], [sflag:s22] =	dma.local [hbm:s4], s20  }
0x9e: {  	_ =	swait.ge [sflag:s22], s20  }
0x9f: {  	s3 =	ssub.s32 $0x0, s20;
	[sflag:s22] =	ssyncset.done $0x0  }
0xa0: {  	[sflag:s22] =	ssyncadd.s32 s3;
	_ =	sdelay $0x1  }
0xa1: {  	s23 =	simm.s32 $0x1B8B  }
0xa2: {  	_ =	swait.ge [sflag:s23], $0x1  }
0xa3: {  	[sflag:s23] =	ssyncset.done $0x0  }
0xa4: {  	s25 =	simm.s32 $0x1B8E;
	s24 =	sld [smem:$0x3FFE];
	[sflag:s23] =	ssyncadd.s32 $0xFFFFFFFF  }
0xa5: {  	s26 =	simm.s32 $execute0_lowered;
	[smem:$0x3FD2] =	sst s25  }
0xa6: {  	s4 =	sshll.u32 s26, $0x1;
	_ =	strace $0x80000049;
	[dreg:$0x1] =	wrdreg $0xFFFFFFFF  }
0xa7: {  	s28 =	simm.s32 $_size_execute0_lowered;
	s2 =	sadd.s32 s2, s4;
	[dreg:$0x0] =	wrdreg $0x0  }
0xa8: {  	s4 =	sshll.u32 s28, $0x1;
	[dreg:$0x2] =	wrdreg s2  }
0xa9: {  	[dreg:$0x3] =	wrdreg s4  }
0xaa: {  	[dreg:$0x4] =	wrdreg $0xC0  }
0xab: {  	_ =	task [dreg:s6], $0x5FFFF  }
0xac: {  	[dreg:$0x1] =	wrdreg $0xFFFFFFFF  }
0xad: {  	[dreg:$0x0] =	wrdreg $0x60  }
0xae: {  	[dreg:$0x2] =	wrdreg s24  }
0xaf: {  	[dreg:$0x3] =	wrdreg $0x78000  }
0xb0: {  	[dreg:$0x4] =	wrdreg $0x9  }
0xb1: {  	_ =	task.clear_ibuf [dreg:s6], $0x5FFFF;
	_ =	strace $0x90000049  }
0xb2: {  	s29 =	simm.s32 $0x9;
	_ =	strace $0x8000004B  }
0xb3: {  	_ =	swait.ge [sflag:s29], $0x1  }
0xb4: {  	[sflag:s29] =	ssyncadd.s32 $0xFFFFFFFF  }
0xb5: {  	_ =	strace $0x9000004B  }
0xb6: {  	_ =	sfence  }
0xb7: {  	s30 =	sld [smem:$0x0];
	_ =	sdelay $0x2  }
0xb8: {  	s31 =	sshll.u32 s1, $0xD;
	s1 =	sshrl.u32 s1, $0x2  }
0xb9: {  	s3 =	sand.u32 $0x4000, s31;
	s1 =	sadd.s32 s1, s30  }
0xba: {  	s0 =	sor.u32 s3, s0;
	s1 =	sshll.u32 s1, $0x11  }
0xbb: {  	s0 =	sor.u32 s1, s0  }
0xbc: {  	s0 =	sadd.s32 $0x8F2B, s0  }
0xbd: {  	[sflag:s0] =	ssyncadd.remote.s32 $0x1  }
0xbe: {  	_ =	sfence.sel $0xFFFF  }
0xbf: {  	[dreg:$0x0] =	wrdreg $0xFFFFFFFF;
	(pc) =	sbr.abs _section_cstart, $3  }
0xc0: {  	[dreg:$0x1] =	wrdreg $0xFFFFFFFF  }
0xc1: {  	_ =	task.clear_ibuf [dreg:s6], $0x2FFFF;
	_ =	strace $0x9FFFFFFF  }
0xc2: {  	(tm) =	ssettm $0x7FFFFFFF  }
0xc3: {  	_ =	shalt  }
tec
execute0_lowered:
.L_overlay_start_1:
0x0: {  	(tag) =	ssettag $0x1  }
0x1: {  	v0 =	vimm.s32 $0xEDCBA987;
	v1 =	vimm.s32 $0x65432100;
	v3 =	vimm.s32 $0xDCBA9876  }
0x2: {  	s0 =	rddreg [dreg:$0x0];
	v4 =	vimm.s32 $0x54321000;
	v5 =	vimm.s32 $0xBA987654;
	v6 =	vimm.s32 $0xE40000  }
0x3: {  	s1 =	rddreg [dreg:$0x1];
	s8 =	simm.s32 $0x0;
	s2 =	srdreg.scid;
	v7 =	vimm.s32 $0x32100000;
	vm0 =	vmmov $0x3;
	vm2 =	vcmask $0x3F30  }
0x4: {  	s30 =	stileid.u32;
	s11 =	simm.s32 $0x7;
	s12 =	simm.s32 $0x800;
	vm1 =	vmmov $0xf;
	v0 =	vunpack.c.l.s4.s8 v0;
	v1 =	vunpack.c.l.s4.s8 v1  }
0x5: {  	s13 =	simm.s32 $0x2800;
	[smem:$0x7FF] =	sst s8;
	v3 =	vunpack.c.l.s4.s8 v3;
	s3 =	sadd.s32 $0x126C00, s0;
	v4 =	vunpack.c.l.s4.s8 v4;
	v6 =	vunpack.c.l.s2.s4 v6  }
0x6: {  	s4 =	sadd.s32 $0x1F00E00, s0;
	s2 =	sand.u32 $0x1, s2;
	s5 =	sadd.s32 $0x13F400, s0;
	v5 =	vunpack.c.l.s4.s8 v5;
	v7 =	vunpack.c.l.s4.s8 v7;
	v2 =	vunpack.c.0.s8.s32 v0  }
0x7: {  	s0 =	sadd.s32 $0x1A00, s0;
	_ =	strace $0x8000004A;
	s6 =	ssub.s32 $0x2, s2;
	v0 =	vimm.s32 $0x30D8;
	v3 =	vunpack.c.0.s8.s32 v3;
	v6 =	vunpack.c.l.s4.s8 v6  }
0x8: {  	[dreg:$0x4] =	wrdreg s5;
	s2 =	smul.u32 $0x61B0, s2;
	v1 =	vunpack.c.0.s8.s32 v1;
	s31 =	sshrl.u32 s6, $0x1;
	v4 =	vunpack.c.0.s8.s32 v4;
	v5 =	vunpack.c.0.s8.s32 v5  }
0x9: {  	s14 =	simm.s32 $0x2;
	[dreg:$0x5] =	wrdreg s0;
	s0 =	ssub.s32 s6, s31;
	v2 =	vand.u32 $0xF, v2;
	v3 =	vand.u32 $0xF, v3;
	v6 =	vunpack.c.0.s8.s32 v6  }
0xa: {  	p1 =	sne.s32 s30, $0x0;
	[dreg:$0x6] =	wrdreg s2;
	s0 =	smax.u32 s0, $0x1;
	v3 =	vcombine.low v4, v3;
	v4 =	vunpack.c.0.s8.s32 v7;
	v7 =	vimm.s32 $0x7060504  }
0xb: {  	s6 =	sshrl.u32 @!p1 s1, $0x3;
	v5 =	vand.u32 $0xF, v5;
	v1 =	vcombine.low v1, v2;
	[dreg:$0x7] =	wrdreg s0;
	s0 =	simm.s32 @!p1 $0x0;
	v7 =	vunpack.c.0.s8.s32 v7  }
0xc: {  	s16 =	simm.s32 $0x20;
	[dreg:$0x8] =	wrdreg s6;
	v2 =	vimm.s32 $0x0;
	v6 =	vand.u32 $0x3, v6;
	s0 =	simm.s32 @p1 $0x1;
	v4 =	vcombine.low v4, v5  }
0xd: {  	s21 =	simm.s32 $0x3;
	s7 =	smul.u32 $0xC350, s30;
	v5 =	vlaneseq.u32;
	[smem:$0x7FD] =	sst s0;
	v6 =	vsel vm2, v7, v6;
	vm2 =	vmmov $0xff  }
.LBB2_1:
0xe: {  	[dreg:$0x3] =	wrdreg s8;
	p0 =	por $0x1, $0x1;
	s0 =	simm.s32 $0x0  }
.LBB2_2:
0xf: {  	s2 =	rddreg [dreg:$0x6]  }
0x10: {  	s0 =	sadd.s32 s2, s0  }
0x11: {  	s2 =	rddreg [dreg:$0x4];
	s5 =	sshll.u32 @!p1 s0, $0x4  }
0x12: {  	[dreg:$0x9] =	wrdreg s5;
	s2 =	sadd.s32 @!p1 s2, s5;
	s5 =	simm.s32 @!p1 $0x1C07  }
0x13: {  	[spmem:s6], [sflag:s5] =	dma.local @!p1 [hbm:s2], $0x30D80  }
0x14: {  	s2 =	simm.s32 @!p1 $0x7  }
0x15: {  	_ =	swait.ge @!p1 [sflag:s2], $0x30D80  }
0x16: {  	[sflag:s2] =	ssyncset.done @!p1 $0x0  }
0x17: {  	[sflag:s2] =	ssyncadd.s32 @!p1 $0xFFFCF280;
	s2 =	simm.s32 @!p0 $0x0  }
0x18: {  	s2 =	simm.s32 @p0 $0x1  }
0x19: {  	[smem:$0x7FC] =	sst s2  }
0x1a: {  	s26 =	smov.u32 s7;
	s28 =	simm.s32 $0x0;
	v7 =	vmov s0;
	[bflag:$0x0] =	sbarrier.arrive $0xFFFF  }
.LBB2_3:
0x1b: {  	s0 =	smul.u32 $0x7D0, s28;
	_ =	sdelay $0x1  }
0x1c: {  	s0 =	sadd.s32 s7, s0  }
0x1d: {  	s0 =	sshrl.u32 s0, $0x3  }
0x1e: {  	s2 =	simm.s32 $0x0;
	s0 =	sadd.s32 s3, s0  }
0x1f: {  	[tilespmem:s2], [sflag:$0x7] =	stream.linear.gather [hbm4b:s0+s2], $0x7D0, $0x38;
	[tilespmem:$0x1FF00] =	vst v63  }
0x20: {  	_ =	swait.ge [sflag:s11], $0x7D0  }
0x21: {  	[sflag:s11] =	ssyncset.done $0x0  }
0x22: {  	[sflag:s11] =	ssyncadd.s32 $0xFFFFF830  }
0x23: {  	v8 =	vimm.s32 $0x0;
	[tilespmem:$0x800] =	vst v0  }
0x24: {  	[tilespmem:$0x2800] =	vst v8  }
0x25: {  	[tilespmem:$0x810] =	vst v0  }
0x26: {  	[tilespmem:$0x2810] =	vst v8  }
0x27: {  	[tilespmem:$0x880] =	vst v0  }
0x28: {  	[tilespmem:$0x2880] =	vst v8  }
0x29: {  	[tilespmem:$0x890] =	vst v0  }
0x2a: {  	[tilespmem:$0x2890] =	vst v8  }
0x2b: {  	[tilespmem:$0x900] =	vst v0  }
0x2c: {  	[tilespmem:$0x2900] =	vst v8  }
0x2d: {  	[tilespmem:$0x910] =	vst v0  }
0x2e: {  	[tilespmem:$0x2910] =	vst v8  }
0x2f: {  	[tilespmem:$0x980] =	vst v0  }
0x30: {  	[tilespmem:$0x2980] =	vst v8  }
0x31: {  	[tilespmem:$0x990] =	vst v0  }
0x32: {  	[tilespmem:$0x2990] =	vst v8  }
0x33: {  	[tilespmem:$0xA00] =	vst v0  }
0x34: {  	[tilespmem:$0x2A00] =	vst v8  }
0x35: {  	[tilespmem:$0xA10] =	vst v0  }
0x36: {  	[tilespmem:$0x2A10] =	vst v8  }
0x37: {  	[tilespmem:$0xA80] =	vst v0  }
0x38: {  	[tilespmem:$0x2A80] =	vst v8  }
0x39: {  	[tilespmem:$0xA90] =	vst v0  }
0x3a: {  	[tilespmem:$0x2A90] =	vst v8  }
0x3b: {  	[tilespmem:$0xB00] =	vst v0  }
0x3c: {  	[tilespmem:$0x2B00] =	vst v8  }
0x3d: {  	[tilespmem:$0xB10] =	vst v0  }
0x3e: {  	[tilespmem:$0x2B10] =	vst v8  }
0x3f: {  	[tilespmem:$0xB80] =	vst v0  }
0x40: {  	[tilespmem:$0x2B80] =	vst v8  }
0x41: {  	[tilespmem:$0xB90] =	vst v0  }
0x42: {  	[tilespmem:$0x2B90] =	vst v8  }
0x43: {  	[tilespmem:$0xC00] =	vst v0  }
0x44: {  	[tilespmem:$0x2C00] =	vst v8  }
0x45: {  	[tilespmem:$0xC10] =	vst v0  }
0x46: {  	[tilespmem:$0x2C10] =	vst v8  }
0x47: {  	[tilespmem:$0xC80] =	vst v0  }
0x48: {  	[tilespmem:$0x2C80] =	vst v8  }
0x49: {  	[tilespmem:$0xC90] =	vst v0  }
0x4a: {  	[tilespmem:$0x2C90] =	vst v8  }
0x4b: {  	[tilespmem:$0xD00] =	vst v0  }
0x4c: {  	[tilespmem:$0x2D00] =	vst v8  }
0x4d: {  	[tilespmem:$0xD10] =	vst v0  }
0x4e: {  	[tilespmem:$0x2D10] =	vst v8  }
0x4f: {  	[tilespmem:$0xD80] =	vst v0  }
0x50: {  	[tilespmem:$0x2D80] =	vst v8  }
0x51: {  	[tilespmem:$0xD90] =	vst v0  }
0x52: {  	[tilespmem:$0x2D90] =	vst v8  }
0x53: {  	[tilespmem:$0xE00] =	vst v0  }
0x54: {  	[tilespmem:$0x2E00] =	vst v8  }
0x55: {  	[tilespmem:$0xE10] =	vst v0  }
0x56: {  	[tilespmem:$0x2E10] =	vst v8  }
0x57: {  	[tilespmem:$0xE80] =	vst v0  }
0x58: {  	[tilespmem:$0x2E80] =	vst v8  }
0x59: {  	[tilespmem:$0xE90] =	vst v0  }
0x5a: {  	[tilespmem:$0x2E90] =	vst v8  }
0x5b: {  	[tilespmem:$0xF00] =	vst v0  }
0x5c: {  	[tilespmem:$0x2F00] =	vst v8  }
0x5d: {  	[tilespmem:$0xF10] =	vst v0  }
0x5e: {  	[tilespmem:$0x2F10] =	vst v8  }
0x5f: {  	[tilespmem:$0xF80] =	vst v0  }
0x60: {  	[tilespmem:$0x2F80] =	vst v8  }
0x61: {  	[tilespmem:$0xF90] =	vst v0  }
0x62: {  	[tilespmem:$0x2F90] =	vst v8  }
0x63: {  	[tilespmem:$0x1000] =	vst v0  }
0x64: {  	[tilespmem:$0x3000] =	vst v8  }
0x65: {  	[tilespmem:$0x1010] =	vst v0  }
0x66: {  	[tilespmem:$0x3010] =	vst v8  }
0x67: {  	[tilespmem:$0x1080] =	vst v0  }
0x68: {  	[tilespmem:$0x3080] =	vst v8  }
0x69: {  	[tilespmem:$0x1090] =	vst v0  }
0x6a: {  	[tilespmem:$0x3090] =	vst v8  }
0x6b: {  	[tilespmem:$0x1100] =	vst v0  }
0x6c: {  	[tilespmem:$0x3100] =	vst v8  }
0x6d: {  	[tilespmem:$0x1110] =	vst v0  }
0x6e: {  	[tilespmem:$0x3110] =	vst v8  }
0x6f: {  	[tilespmem:$0x1180] =	vst v0  }
0x70: {  	[tilespmem:$0x3180] =	vst v8  }
0x71: {  	[tilespmem:$0x1190] =	vst v0  }
0x72: {  	[tilespmem:$0x3190] =	vst v8  }
0x73: {  	[tilespmem:$0x1200] =	vst v0  }
0x74: {  	[tilespmem:$0x3200] =	vst v8  }
0x75: {  	[tilespmem:$0x1210] =	vst v0  }
0x76: {  	[tilespmem:$0x3210] =	vst v8  }
0x77: {  	[tilespmem:$0x1280] =	vst v0  }
0x78: {  	[tilespmem:$0x3280] =	vst v8  }
0x79: {  	[tilespmem:$0x1290] =	vst v0  }
0x7a: {  	[tilespmem:$0x3290] =	vst v8  }
0x7b: {  	[tilespmem:$0x1300] =	vst v0  }
0x7c: {  	[tilespmem:$0x3300] =	vst v8  }
0x7d: {  	[tilespmem:$0x1310] =	vst v0  }
0x7e: {  	[tilespmem:$0x3310] =	vst v8  }
0x7f: {  	[tilespmem:$0x1380] =	vst v0  }
0x80: {  	[tilespmem:$0x3380] =	vst v8  }
0x81: {  	[tilespmem:$0x1390] =	vst v0  }
0x82: {  	[tilespmem:$0x3390] =	vst v8  }
0x83: {  	[tilespmem:$0x1400] =	vst v0  }
0x84: {  	[tilespmem:$0x3400] =	vst v8  }
0x85: {  	[tilespmem:$0x1410] =	vst v0  }
0x86: {  	[tilespmem:$0x3410] =	vst v8  }
0x87: {  	[tilespmem:$0x1480] =	vst v0  }
0x88: {  	[tilespmem:$0x3480] =	vst v8  }
0x89: {  	[tilespmem:$0x1490] =	vst v0  }
0x8a: {  	[tilespmem:$0x3490] =	vst v8  }
0x8b: {  	[tilespmem:$0x1500] =	vst v0  }
0x8c: {  	[tilespmem:$0x3500] =	vst v8  }
0x8d: {  	[tilespmem:$0x1510] =	vst v0  }
0x8e: {  	[tilespmem:$0x3510] =	vst v8  }
0x8f: {  	[tilespmem:$0x1580] =	vst v0  }
0x90: {  	[tilespmem:$0x3580] =	vst v8  }
0x91: {  	[tilespmem:$0x1590] =	vst v0  }
0x92: {  	[tilespmem:$0x3590] =	vst v8  }
0x93: {  	[tilespmem:$0x1600] =	vst v0  }
0x94: {  	[tilespmem:$0x3600] =	vst v8  }
0x95: {  	[tilespmem:$0x1610] =	vst v0  }
0x96: {  	[tilespmem:$0x3610] =	vst v8  }
0x97: {  	[tilespmem:$0x1680] =	vst v0  }
0x98: {  	[tilespmem:$0x3680] =	vst v8  }
0x99: {  	[tilespmem:$0x1690] =	vst v0  }
0x9a: {  	[tilespmem:$0x3690] =	vst v8  }
0x9b: {  	[tilespmem:$0x1700] =	vst v0  }
0x9c: {  	[tilespmem:$0x3700] =	vst v8  }
0x9d: {  	[tilespmem:$0x1710] =	vst v0  }
0x9e: {  	[tilespmem:$0x3710] =	vst v8  }
0x9f: {  	[tilespmem:$0x1780] =	vst v0  }
0xa0: {  	[tilespmem:$0x3780] =	vst v8  }
0xa1: {  	[tilespmem:$0x1790] =	vst v0  }
0xa2: {  	[tilespmem:$0x3790] =	vst v8  }
0xa3: {  	[tilespmem:$0x1800] =	vst v0  }
0xa4: {  	[tilespmem:$0x3800] =	vst v8  }
0xa5: {  	[tilespmem:$0x1810] =	vst v0  }
0xa6: {  	[tilespmem:$0x3810] =	vst v8  }
0xa7: {  	[tilespmem:$0x1880] =	vst v0  }
0xa8: {  	[tilespmem:$0x3880] =	vst v8  }
0xa9: {  	[tilespmem:$0x1890] =	vst v0  }
0xaa: {  	[tilespmem:$0x3890] =	vst v8  }
0xab: {  	[tilespmem:$0x1900] =	vst v0  }
0xac: {  	[tilespmem:$0x3900] =	vst v8  }
0xad: {  	[tilespmem:$0x1910] =	vst v0  }
0xae: {  	[tilespmem:$0x3910] =	vst v8  }
0xaf: {  	[tilespmem:$0x1980] =	vst v0  }
0xb0: {  	[tilespmem:$0x3980] =	vst v8  }
0xb1: {  	[tilespmem:$0x1990] =	vst v0  }
0xb2: {  	[tilespmem:$0x3990] =	vst v8  }
0xb3: {  	[tilespmem:$0x1A00] =	vst v0  }
0xb4: {  	[tilespmem:$0x3A00] =	vst v8  }
0xb5: {  	[tilespmem:$0x1A10] =	vst v0  }
0xb6: {  	[tilespmem:$0x3A10] =	vst v8  }
0xb7: {  	[tilespmem:$0x1A80] =	vst v0  }
0xb8: {  	[tilespmem:$0x3A80] =	vst v8  }
0xb9: {  	[tilespmem:$0x1A90] =	vst v0  }
0xba: {  	[tilespmem:$0x3A90] =	vst v8  }
0xbb: {  	[tilespmem:$0x1B00] =	vst v0  }
0xbc: {  	[tilespmem:$0x3B00] =	vst v8  }
0xbd: {  	[tilespmem:$0x1B10] =	vst v0  }
0xbe: {  	[tilespmem:$0x3B10] =	vst v8  }
0xbf: {  	[tilespmem:$0x1B80] =	vst v0  }
0xc0: {  	[tilespmem:$0x3B80] =	vst v8  }
0xc1: {  	[tilespmem:$0x1B90] =	vst v0  }
0xc2: {  	[tilespmem:$0x3B90] =	vst v8  }
0xc3: {  	[tilespmem:$0x1C00] =	vst v0  }
0xc4: {  	[tilespmem:$0x3C00] =	vst v8  }
0xc5: {  	[tilespmem:$0x1C10] =	vst v0  }
0xc6: {  	[tilespmem:$0x3C10] =	vst v8  }
0xc7: {  	[tilespmem:$0x1C80] =	vst v0  }
0xc8: {  	[tilespmem:$0x3C80] =	vst v8  }
0xc9: {  	[tilespmem:$0x1C90] =	vst v0  }
0xca: {  	[tilespmem:$0x3C90] =	vst v8  }
0xcb: {  	[tilespmem:$0x1D00] =	vst v0  }
0xcc: {  	[tilespmem:$0x3D00] =	vst v8  }
0xcd: {  	[tilespmem:$0x1D10] =	vst v0  }
0xce: {  	[tilespmem:$0x3D10] =	vst v8  }
0xcf: {  	[tilespmem:$0x1D80] =	vst v0  }
0xd0: {  	[tilespmem:$0x3D80] =	vst v8  }
0xd1: {  	[tilespmem:$0x1D90] =	vst v0  }
0xd2: {  	[tilespmem:$0x3D90] =	vst v8  }
0xd3: {  	[tilespmem:$0x1E00] =	vst v0  }
0xd4: {  	[tilespmem:$0x3E00] =	vst v8  }
0xd5: {  	[tilespmem:$0x1E10] =	vst v0  }
0xd6: {  	[tilespmem:$0x3E10] =	vst v8  }
0xd7: {  	[tilespmem:$0x1E80] =	vst v0  }
0xd8: {  	[tilespmem:$0x3E80] =	vst v8  }
0xd9: {  	[tilespmem:$0x1E90] =	vst v0  }
0xda: {  	[tilespmem:$0x3E90] =	vst v8  }
0xdb: {  	[tilespmem:$0x1F00] =	vst v0  }
0xdc: {  	[tilespmem:$0x3F00] =	vst v8  }
0xdd: {  	[tilespmem:$0x1F10] =	vst v0  }
0xde: {  	[tilespmem:$0x3F10] =	vst v8  }
0xdf: {  	[tilespmem:$0x1F80] =	vst v0  }
0xe0: {  	[tilespmem:$0x3F80] =	vst v8  }
0xe1: {  	[tilespmem:$0x1F90] =	vst v0  }
0xe2: {  	[tilespmem:$0x3F90] =	vst v8  }
0xe3: {  	[tilespmem:$0x2000] =	vst v0  }
0xe4: {  	[tilespmem:$0x4000] =	vst v8  }
0xe5: {  	[tilespmem:$0x2010] =	vst v0  }
0xe6: {  	[tilespmem:$0x4010] =	vst v8  }
0xe7: {  	[tilespmem:$0x2080] =	vst v0  }
0xe8: {  	[tilespmem:$0x4080] =	vst v8  }
0xe9: {  	[tilespmem:$0x2090] =	vst v0  }
0xea: {  	[tilespmem:$0x4090] =	vst v8  }
0xeb: {  	[tilespmem:$0x2100] =	vst v0  }
0xec: {  	[tilespmem:$0x4100] =	vst v8  }
0xed: {  	[tilespmem:$0x2110] =	vst v0  }
0xee: {  	[tilespmem:$0x4110] =	vst v8  }
0xef: {  	[tilespmem:$0x2180] =	vst v0  }
0xf0: {  	[tilespmem:$0x4180] =	vst v8  }
0xf1: {  	[tilespmem:$0x2190] =	vst v0  }
0xf2: {  	[tilespmem:$0x4190] =	vst v8  }
0xf3: {  	[tilespmem:$0x2200] =	vst v0  }
0xf4: {  	[tilespmem:$0x4200] =	vst v8  }
0xf5: {  	[tilespmem:$0x2210] =	vst v0  }
0xf6: {  	[tilespmem:$0x4210] =	vst v8  }
0xf7: {  	[tilespmem:$0x2280] =	vst v0  }
0xf8: {  	[tilespmem:$0x4280] =	vst v8  }
0xf9: {  	[tilespmem:$0x2290] =	vst v0  }
0xfa: {  	[tilespmem:$0x4290] =	vst v8  }
0xfb: {  	[tilespmem:$0x2300] =	vst v0  }
0xfc: {  	[tilespmem:$0x4300] =	vst v8  }
0xfd: {  	[tilespmem:$0x2310] =	vst v0  }
0xfe: {  	[tilespmem:$0x4310] =	vst v8  }
0xff: {  	[tilespmem:$0x2380] =	vst v0  }
0x100: {  	[tilespmem:$0x4380] =	vst v8  }
0x101: {  	[tilespmem:$0x2390] =	vst v0  }
0x102: {  	[tilespmem:$0x4390] =	vst v8  }
0x103: {  	[tilespmem:$0x2400] =	vst v0  }
0x104: {  	[tilespmem:$0x4400] =	vst v8  }
0x105: {  	[tilespmem:$0x2410] =	vst v0  }
0x106: {  	[tilespmem:$0x4410] =	vst v8  }
0x107: {  	[tilespmem:$0x2480] =	vst v0  }
0x108: {  	[tilespmem:$0x4480] =	vst v8  }
0x109: {  	[tilespmem:$0x2490] =	vst v0  }
0x10a: {  	[tilespmem:$0x4490] =	vst v8  }
0x10b: {  	[tilespmem:$0x2500] =	vst v0  }
0x10c: {  	[tilespmem:$0x4500] =	vst v8  }
0x10d: {  	[tilespmem:$0x2510] =	vst v0  }
0x10e: {  	[tilespmem:$0x4510] =	vst v8  }
0x10f: {  	[tilespmem:$0x2580] =	vst v0  }
0x110: {  	[tilespmem:$0x4580] =	vst v8  }
0x111: {  	[tilespmem:$0x2590] =	vst v0  }
0x112: {  	[tilespmem:$0x4590] =	vst v8  }
0x113: {  	[tilespmem:$0x2600] =	vst v0  }
0x114: {  	[tilespmem:$0x4600] =	vst v8  }
0x115: {  	[tilespmem:$0x2610] =	vst v0  }
0x116: {  	[tilespmem:$0x4610] =	vst v8  }
0x117: {  	[tilespmem:$0x2680] =	vst v0  }
0x118: {  	[tilespmem:$0x4680] =	vst v8  }
0x119: {  	[tilespmem:$0x2690] =	vst v0  }
0x11a: {  	[tilespmem:$0x4690] =	vst v8  }
0x11b: {  	[tilespmem:$0x2700] =	vst v0  }
0x11c: {  	[tilespmem:$0x4700] =	vst v8  }
0x11d: {  	[tilespmem:$0x2710] =	vst v0  }
0x11e: {  	[tilespmem:$0x4710] =	vst v8  }
0x11f: {  	[tilespmem:$0x2780] =	vst v0  }
0x120: {  	[tilespmem:$0x4780] =	vst v8  }
0x121: {  	[tilespmem:$0x4790] =	vst v8  }
0x122: {  	s30 =	simm.s32 $0x0;
	[tilespmem:$0x2790] =	vst v0  }
0x123: {  	v9 =	vld [tilespmem:s30+$0x0];
	_ =	sdelay $0x4  }
0x124: {  	v9 =	vsub.s32 v9, v7  }
0x125: {  	vm4 =	vlt.u32 v9, $0x30D8  }
0x126: {  	v10 =	vsel vm4, $0x1, v2  }
0x127: {  	v11 =	vperm.xlane v10, v1  }
0x128: {  	vm3 =	veq.s32 v5, $0x0  }
0x129: {  	v11 =	vsel vm3, $0x0, v11  }
0x12a: {  	v10 =	vadd.s32 v10, v11  }
0x12b: {  	v11 =	vperm.xlane v10, v3;
	_ =	sdelay $0x1  }
0x12c: {  	v11 =	vsel vm0, $0x0, v11  }
0x12d: {  	v10 =	vadd.s32 v11, v10  }
0x12e: {  	v11 =	vperm.xlane v10, v4;
	_ =	sdelay $0x1  }
0x12f: {  	v11 =	vsel vm1, $0x0, v11  }
0x130: {  	v10 =	vadd.s32 v11, v10  }
0x131: {  	v11 =	vperm.xlane v10, v6;
	_ =	sdelay $0x1  }
0x132: {  	v11 =	vsel vm2, $0x0, v11  }
0x133: {  	v10 =	vadd.s32 v11, v10  }
0x134: {  	v11 =	vadd.s32 v10, v8  }
0x135: {  	v11 =	vadd.s32 $0xFFFFFFFF, v11  }
0x136: {  	v12 =	vshll.u32 v11, $0x2  }
0x137: {  	v11 =	vand.u32 $0x1F, v11;
	v12 =	vand.u32 $0xFFFFFF80, v12  }
0x138: {  	v11 =	vor.u32 v11, v12;
	_ =	sdelay $0x4  }
0x139: {  	v10 =	vbroadcast v10, $0xF;
	[tilespmem:v11+s12+$0x0] =	vst.idx.msk vm4, v9;
	v9 =	vor.u32 s26, v5  }
0x13a: {  	s31 =	simm.s32 $0x10;
	[tilespmem:v11+s13+$0x0] =	vst.idx.msk vm4, v9  }
0x13b: {  	s2 =	simm.s32 $0x80;
	s0 =	smov.u32 s26;
	v8 =	vadd.s32 v8, v10;
	v9 =	vld [tilespmem:s31+$0x0]  }
.LBB2_4:
0x13c: {  	p2 =	sne.s32 s2, $0x1F00;
	_ =	sdelay $0x3  }
0x13d: {  	v9 =	vsub.s32 v9, v7  }
0x13e: {  	vm4 =	vlt.u32 v9, $0x30D8  }
0x13f: {  	v10 =	vsel vm4, $0x1, v2  }
0x140: {  	v11 =	vperm.xlane v10, v1;
	_ =	sdelay $0x1  }
0x141: {  	v11 =	vsel vm3, $0x0, v11  }
0x142: {  	v10 =	vadd.s32 v10, v11  }
0x143: {  	v11 =	vperm.xlane v10, v3;
	_ =	sdelay $0x1  }
0x144: {  	v11 =	vsel vm0, $0x0, v11  }
0x145: {  	v10 =	vadd.s32 v11, v10  }
0x146: {  	v11 =	vperm.xlane v10, v4;
	_ =	sdelay $0x1  }
0x147: {  	v11 =	vsel vm1, $0x0, v11  }
0x148: {  	v10 =	vadd.s32 v11, v10  }
0x149: {  	v11 =	vperm.xlane v10, v6;
	_ =	sdelay $0x1  }
0x14a: {  	v11 =	vsel vm2, $0x0, v11  }
0x14b: {  	v10 =	vadd.s32 v11, v10  }
0x14c: {  	v11 =	vadd.s32 v10, v8;
	v10 =	vbroadcast v10, $0xF  }
0x14d: {  	v11 =	vadd.s32 $0xFFFFFFFF, v11  }
0x14e: {  	v12 =	vshll.u32 v11, $0x2;
	v8 =	vadd.s32 v8, v10  }
0x14f: {  	v10 =	vand.u32 $0x1F, v11;
	v11 =	vand.u32 $0xFFFFFF80, v12  }
0x150: {  	v10 =	vor.u32 v10, v11;
	_ =	sdelay $0x2  }
.Ltmp0:
0x151: {  	(pc) =	sbr.rel @p2 .LBB2_4-.Ltmp0, $4  }
0x152: {  	s0 =	sadd.s32 $0x10, s0  }
0x153: {  	[tilespmem:v10+s12+$0x0] =	vst.idx.msk vm4, v9;
	v9 =	vor.u32 s0, v5  }
0x154: {  	s5 =	sshra.s32 s2, $0x2;
	[tilespmem:v10+s13+$0x0] =	vst.idx.msk vm4, v9  }
0x155: {  	s2 =	sadd.s32 $0x40, s2;
	v9 =	vld [tilespmem:s5+$0x0]  }
0x156: {  	_ =	sdelay $0x3  }
0x157: {  	v9 =	vsub.s32 v9, v7  }
0x158: {  	vm3 =	vlt.u32 v9, $0x30D8  }
0x159: {  	v10 =	vsel vm3, $0x1, v2  }
0x15a: {  	v11 =	vperm.xlane v10, v1  }
0x15b: {  	vm4 =	veq.s32 v5, $0x0  }
0x15c: {  	v11 =	vsel vm4, $0x0, v11  }
0x15d: {  	v10 =	vadd.s32 v10, v11  }
0x15e: {  	v11 =	vperm.xlane v10, v3;
	_ =	sdelay $0x1  }
0x15f: {  	v11 =	vsel vm0, $0x0, v11  }
0x160: {  	v10 =	vadd.s32 v11, v10  }
0x161: {  	v11 =	vperm.xlane v10, v4;
	_ =	sdelay $0x1  }
0x162: {  	v11 =	vsel vm1, $0x0, v11  }
0x163: {  	v10 =	vadd.s32 v11, v10  }
0x164: {  	v11 =	vperm.xlane v10, v6;
	_ =	sdelay $0x1  }
0x165: {  	v11 =	vsel vm2, $0x0, v11  }
0x166: {  	v10 =	vadd.s32 v11, v10  }
0x167: {  	v11 =	vbroadcast v10, $0xF;
	_ =	sdelay $0x1  }
0x168: {  	v11 =	vadd.s32 v8, v11  }
0x169: {  	(v2sf) =	vpush v11, $0x0;
	_ =	sdelay $0x8  }
0x16a: {  	v8 =	vadd.s32 v10, v8  }
0x16b: {  	v8 =	vadd.s32 $0xFFFFFFFF, v8  }
0x16c: {  	v62 =	vshll.u32 v8, $0x2  }
0x16d: {  	v8 =	vand.u32 $0x1F, v8;
	v10 =	vand.u32 $0xFFFFFF80, v62  }
0x16e: {  	v8 =	vor.u32 v8, v10;
	_ =	sdelay $0x1  }
0x16f: {  	s2 =	spop (v2sf)  }
0x170: {  	s29 =	sadd.s32 $0x1F, s2  }
0x171: {  	s0 =	sadd.s32 $0x10, s0;
	s30 =	sshrl.u32 s29, $0x5  }
0x172: {  	v63 =	vor.u32 s0, v5;
	[tilespmem:v8+s12+$0x0] =	vst.idx.msk vm3, v9;
	p1 =	slt.u32 s29, $0x40;
	p2 =	seq.s32 s30, $0x0  }
0x173: {  	[tilespmem:v8+s13+$0x0] =	vst.idx.msk vm3, v63;
	s0 =	simm.s32 @!p2 $0x20;
	s2 =	simm.s32 @!p2 $0x2800;
	s5 =	simm.s32 @!p2 $0x4800  }
0x174: {  	[tilespmem:s5], [sflag:$0x1] =	stream.indirect.gather @!p2 [hbm4b:s4+s0], $0x80, s2, s0, $0xb8;
	[tilespmem:$0x1FF00] =	vst v63  }
0x175: {  	s6 =	simm.s32 @!p1 $0x2880;
	s8 =	simm.s32 @!p1 $0x5800;
	s2 =	simm.s32 @!p1 $0x20  }
0x176: {  	[tilespmem:s8], [sflag:$0x2] =	stream.indirect.gather @!p1 [hbm4b:s4+s2], $0x80, s6, s2, $0xb8;
	[tilespmem:$0x1FF00] =	vst v63  }
0x177: {  	p0 =	slt.u32 @!p2 s29, $0x60;
	s2 =	simm.s32 @!p2 $0x1  }
0x178: {  	p0 =	por p0, p2;
	_ =	swait.ge @!p2 [sflag:s2], $0x1000  }
0x179: {  	s6 =	simm.s32 @!p0 $0x2900;
	[sflag:s2] =	ssyncset.done @!p2 $0x0  }
0x17a: {  	s8 =	simm.s32 @!p0 $0x6800;
	[sflag:s2] =	ssyncadd.s32 @!p2 $0xFFFFF000;
	s2 =	simm.s32 @!p0 $0x20  }
0x17b: {  	[tilespmem:s8], [sflag:$0x3] =	stream.indirect.gather @!p0 [hbm4b:s4+s2], $0x80, s6, s2, $0xb8;
	[tilespmem:$0x1FF00] =	vst v63  }
.Ltmp1:
0x17c: {  	s2 =	simm.s32 @!p2 $0x800;
	(pc) =	sbr.rel @p1 .LBB2_10-.Ltmp1, $4  }
0x17d: {  	[spmem:s1] =	stream.indirect.scatter.add.f32 @!p2 [tilespmem:s5], [sflag:$0x4], $0x80, s2, s0, $0xb8;
	[tilespmem:$0x1FF00] =	vst v63  }
0x17e: {  	s0 =	simm.s32 @!p1 $0x0  }
0x17f: {  	s0 =	simm.s32 @p1 $0x1  }
0x180: {  	[smem:$0x7FB] =	sst s0  }
0x181: {  	p0 =	slt.u32 s29, $0x80  }
.Ltmp2:
0x182: {  	_ = 	snop;
	(pc) =	sbr.rel @p0 .LBB2_8-.Ltmp2, $4  }
0x183: {  	_ = 	snop  }
0x184: {  	_ =	swait.ge [sflag:s14], $0x1000  }
0x185: {  	[sflag:s14] =	ssyncset.done $0x0  }
0x186: {  	[sflag:s14] =	ssyncadd.s32 $0xFFFFF000  }
0x187: {  	s0 =	simm.s32 $0x4  }
0x188: {  	_ =	swait.ge [sflag:s0], $0x1000  }
.Ltmp3:
0x189: {  	[sflag:s0] =	ssyncset.done $0x0;
	(pc) =	sbr.rel .LBB2_9-.Ltmp3, $4  }
0x18a: {  	s24 =	simm.s32 $0x2980;
	s2 =	simm.s32 $0x4800;
	[sflag:s0] =	ssyncadd.s32 $0xFFFFF000  }
0x18b: {  	[tilespmem:s2], [sflag:$0x1] =	stream.indirect.gather [hbm4b:s4+s16], $0x80, s24, s16, $0xb8;
	[tilespmem:$0x1FF00] =	vst v63  }
0x18c: {  	s25 =	simm.s32 $0x880;
	s31 =	simm.s32 $0x5800  }
0x18d: {  	[spmem:s1] =	stream.indirect.scatter.add.f32 [tilespmem:s31], [sflag:$0x5], $0x80, s25, s16, $0xb8;
	[tilespmem:$0x1FF00] =	vst v63  }
.LBB2_8:
0x18e: {  	p0 =	slt.u32 s29, $0x60  }
.Ltmp4:
0x18f: {  	_ = 	snop;
	(pc) =	sbr.rel @p0 .LBB2_10-.Ltmp4, $3  }
0x190: {  	_ =	sdelay $0x1  }
0x191: {  	s0 =	simm.s32 $0x880;
	s2 =	simm.s32 $0x5800  }
0x192: {  	[spmem:s1] =	stream.indirect.scatter.add.f32 [tilespmem:s2], [sflag:$0x5], $0x80, s0, s16, $0xb8;
	[tilespmem:$0x1FF00] =	vst v63  }
.LBB2_9:
0x193: {  	_ =	swait.ge [sflag:s21], $0x1000  }
0x194: {  	p0 =	slt.u32 s29, $0xA0;
	[sflag:s21] =	ssyncset.done $0x0  }
0x195: {  	s0 =	simm.s32 @!p0 $0x5;
	[sflag:s21] =	ssyncadd.s32 $0xFFFFF000  }
0x196: {  	_ =	swait.ge @!p0 [sflag:s0], $0x1000  }
0x197: {  	s2 =	simm.s32 @!p0 $0x2A00;
	[sflag:s0] =	ssyncset.done @!p0 $0x0  }
0x198: {  	s5 =	simm.s32 @!p0 $0x5800;
	[sflag:s0] =	ssyncadd.s32 @!p0 $0xFFFFF000;
	s0 =	simm.s32 @!p0 $0x20  }
0x199: {  	[tilespmem:s5], [sflag:$0x2] =	stream.indirect.gather @!p0 [hbm4b:s4+s0], $0x80, s2, s0, $0xb8;
	[tilespmem:$0x1FF00] =	vst v63  }
0x19a: {  	s25 =	simm.s32 $0x900;
	s31 =	simm.s32 $0x6800  }
0x19b: {  	[spmem:s1] =	stream.indirect.scatter.add.f32 [tilespmem:s31], [sflag:$0x6], $0x80, s25, s16, $0xb8;
	[tilespmem:$0x1FF00] =	vst v63  }
.LBB2_10:
0x19c: {  	p0 =	sle.u32 s30, $0x3;
	s6 =	simm.s32 $0x0  }
0x19d: {  	s31 =	simm.s32 $0x600;
	p4 =	sle.u32 s30, $0x4;
	s0 =	simm.s32 @!p0 $0x1  }
0x19e: {  	p5 =	sle.u32 s30, $0x5;
	p1 =	sle.u32 @!p0 s30, $0x5;
	_ =	swait.ge @!p0 [sflag:s0], $0x1000  }
0x19f: {  	p4 =	por p4, p4;
	p1 =	por p1, p0;
	[sflag:s0] =	ssyncset.done @!p0 $0x0  }
0x1a0: {  	s5 =	simm.s32 @!p0 $0x980;
	s2 =	simm.s32 @!p1 $0x6;
	[sflag:s0] =	ssyncadd.s32 @!p0 $0xFFFFF000  }
0x1a1: {  	s22 =	simm.s32 @!p5 $0x3;
	s24 =	simm.s32 @!p4 $0xA00;
	_ =	swait.ge @!p1 [sflag:s2], $0x1000  }
0x1a2: {  	s23 =	simm.s32 @!p4 $0x20;
	s8 =	simm.s32 @!p1 $0x20;
	[sflag:s2] =	ssyncset.done @!p1 $0x0  }
0x1a3: {  	s9 =	simm.s32 @!p1 $0x2A80;
	s10 =	simm.s32 @!p1 $0x6800;
	[sflag:s2] =	ssyncadd.s32 @!p1 $0xFFFFF000  }
0x1a4: {  	[tilespmem:s10], [sflag:$0x3] =	stream.indirect.gather @!p1 [hbm4b:s4+s8], $0x80, s9, s8, $0xb8;
	[tilespmem:$0x1FF00] =	vst v63  }
0x1a5: {  	s2 =	simm.s32 @!p4 $0x2;
	s8 =	simm.s32 @!p0 $0x20;
	s9 =	simm.s32 @!p0 $0x4800  }
0x1a6: {  	[spmem:s1] =	stream.indirect.scatter.add.f32 @!p0 [tilespmem:s9], [sflag:$0x4], $0x80, s5, s8, $0xb8;
	[tilespmem:$0x1FF00] =	vst v63  }
0x1a7: {  	s19 =	simm.s32 @!p4 $0x5800;
	p0 =	sle.u32 @!p4 s30, $0x6;
	_ =	swait.ge @!p4 [sflag:s2], $0x1000  }
0x1a8: {  	s0 =	simm.s32 $0xA;
	p0 =	por p0, p4;
	[sflag:s2] =	ssyncset.done @!p4 $0x0  }
0x1a9: {  	p1 =	sle.u32 @!p5 s30, $0x7;
	s8 =	simm.s32 @!p0 $0x4;
	[sflag:s2] =	ssyncadd.s32 @!p4 $0xFFFFF000  }
0x1aa: {  	p1 =	por p1, p5;
	s9 =	simm.s32 $0x8;
	_ =	swait.ge @!p0 [sflag:s8], $0x1000  }
0x1ab: {  	s5 =	simm.s32 $0x6;
	s10 =	simm.s32 @!p0 $0x2B00;
	[sflag:s8] =	ssyncset.done @!p0 $0x0  }
0x1ac: {  	s17 =	simm.s32 @!p0 $0x20;
	s18 =	simm.s32 @!p0 $0x4800;
	[sflag:s8] =	ssyncadd.s32 @!p0 $0xFFFFF000  }
0x1ad: {  	[tilespmem:s18], [sflag:$0x1] =	stream.indirect.gather @!p0 [hbm4b:s4+s17], $0x80, s10, s17, $0xb8;
	[tilespmem:$0x1FF00] =	vst v63  }
0x1ae: {  	s2 =	simm.s32 $0xC00;
	p0 =	sle.u32 s30, $0x7;
	s18 =	simm.s32 @!p5 $0xA80  }
.LBB2_11:
0x1af: {  	p6 =	sge.u32 s5, s30  }
0x1b0: {  	s20 =	simm.s32 @!p1 $0x5;
	s8 =	smov.u32 s0;
	s0 =	sadd.s32 $0x3, s0  }
0x1b1: {  	s10 =	smov.u32 s2;
	p3 =	por p4, p4;
	p4 =	por p0, p0  }
0x1b2: {  	[spmem:s1] =	stream.indirect.scatter.add.f32 @!p3 [tilespmem:s19], [sflag:$0x5], $0x80, s24, s23, $0xb8;
	[tilespmem:$0x1FF00] =	vst v63  }
0x1b3: {  	s5 =	sadd.s32 @!p6 $0xFFFFFFFE, s8;
	s17 =	sshra.s32 @!p6 s31, $0x2;
	_ =	swait.ge @!p5 [sflag:s22], $0x1000  }
0x1b4: {  	p0 =	sge.u32 @!p6 s5, s30;
	s19 =	sadd.s32 @!p6 $0x980, s17;
	[sflag:s22] =	ssyncset.done @!p5 $0x0  }
0x1b5: {  	s6 =	sshra.s32 @!p1 s6, $0x2;
	s17 =	sadd.s32 $0xFFFFFFFE, s0;
	[sflag:s22] =	ssyncadd.s32 @!p5 $0xFFFFF000  }
0x1b6: {  	s6 =	sadd.s32 @!p1 $0x2B80, s6;
	s5 =	sadd.s32 $0xFFFFFFFC, s0;
	_ =	swait.ge @!p1 [sflag:s20], $0x1000  }
0x1b7: {  	s23 =	simm.s32 @!p1 $0x5800;
	s22 =	simm.s32 @!p1 $0x20;
	[sflag:s20] =	ssyncset.done @!p1 $0x0  }
0x1b8: {  	s24 =	simm.s32 @!p5 $0x6800;
	[sflag:s20] =	ssyncadd.s32 @!p1 $0xFFFFF000;
	s20 =	simm.s32 @!p5 $0x20  }
0x1b9: {  	[tilespmem:s23], [sflag:$0x2] =	stream.indirect.gather @!p1 [hbm4b:s4+s22], $0x80, s6, s22, $0xb8;
	[tilespmem:$0x1FF00] =	vst v63  }
0x1ba: {  	s22 =	sadd.s32 $0xFFFFFFFD, s0;
	s6 =	simm.s32 @!p6 $0x1;
	p1 =	por p0, p6  }
0x1bb: {  	[spmem:s1] =	stream.indirect.scatter.add.f32 @!p5 [tilespmem:s24], [sflag:$0x6], $0x80, s18, s20, $0xb8;
	[tilespmem:$0x1FF00] =	vst v63  }
0x1bc: {  	s18 =	simm.s32 @!p4 $0x2;
	s20 =	sadd.s32 @!p4 $0xFFFFFFFF, s8;
	_ =	swait.ge @!p6 [sflag:s6], $0x1000  }
0x1bd: {  	p0 =	sge.u32 @!p4 s20, s30;
	s20 =	sshra.s32 @!p4 s31, $0x2;
	[sflag:s6] =	ssyncset.done @!p6 $0x0  }
0x1be: {  	s23 =	sshra.s32 @!p1 s31, $0x2;
	[sflag:s6] =	ssyncadd.s32 @!p6 $0xFFFFF000;
	s6 =	simm.s32 @!p1 $0x6  }
0x1bf: {  	s15 =	simm.s32 @!p1 $0x20;
	s24 =	sadd.s32 @!p4 $0xA00, s20;
	_ =	swait.ge @!p1 [sflag:s6], $0x1000  }
0x1c0: {  	s20 =	sadd.s32 @!p1 $0x2A80, s23;
	s23 =	simm.s32 @!p1 $0x6800;
	[sflag:s6] =	ssyncset.done @!p1 $0x0  }
0x1c1: {  	s2 =	sadd.s32 $0x600, s2;
	p0 =	por p0, p4;
	[sflag:s6] =	ssyncadd.s32 @!p1 $0xFFFFF000  }
0x1c2: {  	[tilespmem:s23], [sflag:$0x3] =	stream.indirect.gather @!p1 [hbm4b:s4+s15], $0x80, s20, s15, $0xb8;
	[tilespmem:$0x1FF00] =	vst v63  }
0x1c3: {  	s6 =	simm.s32 @!p6 $0x20;
	s15 =	simm.s32 @!p6 $0x4800;
	s20 =	sshra.s32 @!p0 s31, $0x2  }
0x1c4: {  	[spmem:s1] =	stream.indirect.scatter.add.f32 @!p6 [tilespmem:s15], [sflag:$0x4], $0x80, s19, s6, $0xb8;
	[tilespmem:$0x1FF00] =	vst v63  }
0x1c5: {  	p6 =	sne.s32 s2, $0x7E00;
	s15 =	sadd.s32 @!p0 $0x2B00, s20;
	_ =	swait.ge @!p4 [sflag:s18], $0x1000  }
0x1c6: {  	s25 =	simm.s32 @!p0 $0x4800;
	s20 =	simm.s32 @!p0 $0x20;
	[sflag:s18] =	ssyncset.done @!p4 $0x0  }
0x1c7: {  	s6 =	smov.u32 s31;
	[sflag:s18] =	ssyncadd.s32 @!p4 $0xFFFFF000;
	s18 =	simm.s32 @!p0 $0x4  }
0x1c8: {  	s23 =	simm.s32 @!p4 $0x20;
	s19 =	simm.s32 @!p4 $0x5800;
	_ =	swait.ge @!p0 [sflag:s18], $0x1000  }
.Ltmp5:
0x1c9: {  	s31 =	smov.u32 s10;
	[sflag:s18] =	ssyncset.done @!p0 $0x0;
	(pc) =	sbr.rel @p6 .LBB2_11-.Ltmp5, $4  }
0x1ca: {  	p5 =	sge.u32 s9, s30;
	s9 =	smov.u32 s17;
	[sflag:s18] =	ssyncadd.s32 @!p0 $0xFFFFF000  }
0x1cb: {  	[tilespmem:s25], [sflag:$0x1] =	stream.indirect.gather @!p0 [hbm4b:s4+s20], $0x80, s15, s20, $0xb8;
	[tilespmem:$0x1FF00] =	vst v63  }
0x1cc: {  	p1 =	sge.u32 @!p5 s8, s30;
	s8 =	sshra.s32 @!p5 s6, $0x2;
	p0 =	sge.u32 s22, s30  }
0x1cd: {  	p1 =	por p1, p5;
	s18 =	sadd.s32 @!p5 $0xA80, s8;
	s22 =	simm.s32 @!p5 $0x3  }
0x1ce: {  	p3 =	por p4, p4  }
0x1cf: {  	[spmem:s1] =	stream.indirect.scatter.add.f32 @!p3 [tilespmem:s19], [sflag:$0x5], $0x80, s24, s23, $0xb8;
	[tilespmem:$0x1FF00] =	vst v63  }
0x1d0: {  	_ =	swait.ge @!p5 [sflag:s22], $0x1000  }
0x1d1: {  	[sflag:s22] =	ssyncset.done @!p5 $0x0  }
0x1d2: {  	s2 =	simm.s32 @!p1 $0x5;
	[sflag:s22] =	ssyncadd.s32 @!p5 $0xFFFFF000  }
0x1d3: {  	p4 =	sge.u32 s5, s30;
	s5 =	sshra.s32 @!p1 s6, $0x2;
	_ =	swait.ge @!p1 [sflag:s2], $0x1000  }
0x1d4: {  	s8 =	simm.s32 @!p1 $0x20;
	s10 =	simm.s32 @!p1 $0x5800;
	[sflag:s2] =	ssyncset.done @!p1 $0x0  }
0x1d5: {  	s6 =	sadd.s32 @!p4 $0xFFFFFFFE, s0;
	s5 =	sadd.s32 @!p1 $0x2B80, s5;
	[sflag:s2] =	ssyncadd.s32 @!p1 $0xFFFFF000  }
0x1d6: {  	[tilespmem:s10], [sflag:$0x2] =	stream.indirect.gather @!p1 [hbm4b:s4+s8], $0x80, s5, s8, $0xb8;
	[tilespmem:$0x1FF00] =	vst v63  }
0x1d7: {  	s2 =	simm.s32 @!p5 $0x20;
	s5 =	simm.s32 @!p5 $0x6800;
	s8 =	simm.s32 @!p4 $0x1  }
0x1d8: {  	[spmem:s1] =	stream.indirect.scatter.add.f32 @!p5 [tilespmem:s5], [sflag:$0x6], $0x80, s18, s2, $0xb8;
	[tilespmem:$0x1FF00] =	vst v63  }
0x1d9: {  	p1 =	sge.u32 @!p4 s6, s30;
	_ =	swait.ge @!p4 [sflag:s8], $0x1000  }
0x1da: {  	p0 =	por p0, p0;
	p1 =	por p1, p4;
	[sflag:s8] =	ssyncset.done @!p4 $0x0  }
0x1db: {  	s6 =	simm.s32 @!p0 $0x2;
	s5 =	simm.s32 @!p1 $0x6;
	[sflag:s8] =	ssyncadd.s32 @!p4 $0xFFFFF000  }
0x1dc: {  	s2 =	sshra.s32 @!p4 s31, $0x2;
	s10 =	simm.s32 @!p1 $0x20;
	_ =	swait.ge @!p1 [sflag:s5], $0x1000  }
0x1dd: {  	s15 =	simm.s32 @!p1 $0x6800;
	s8 =	sshra.s32 @!p1 s31, $0x2;
	[sflag:s5] =	ssyncset.done @!p1 $0x0  }
0x1de: {  	s2 =	sadd.s32 @!p4 $0x980, s2;
	s8 =	sadd.s32 @!p1 $0x2A80, s8;
	[sflag:s5] =	ssyncadd.s32 @!p1 $0xFFFFF000  }
0x1df: {  	[tilespmem:s15], [sflag:$0x3] =	stream.indirect.gather @!p1 [hbm4b:s4+s10], $0x80, s8, s10, $0xb8;
	[tilespmem:$0x1FF00] =	vst v63  }
0x1e0: {  	s5 =	sadd.s32 @!p0 $0xFFFFFFFF, s0;
	s8 =	simm.s32 @!p4 $0x20;
	s10 =	simm.s32 @!p4 $0x4800  }
0x1e1: {  	[spmem:s1] =	stream.indirect.scatter.add.f32 @!p4 [tilespmem:s10], [sflag:$0x4], $0x80, s2, s8, $0xb8;
	[tilespmem:$0x1FF00] =	vst v63  }
0x1e2: {  	p1 =	sge.u32 @!p0 s5, s30;
	_ =	swait.ge @!p0 [sflag:s6], $0x1000  }
0x1e3: {  	s15 =	simm.s32 @!p0 $0x20;
	p3 =	por p1, p0;
	[sflag:s6] =	ssyncset.done @!p0 $0x0  }
0x1e4: {  	p1 =	sge.u32 s9, s30;
	[sflag:s6] =	ssyncadd.s32 @!p0 $0xFFFFF000;
	s6 =	simm.s32 @!p3 $0x4  }
0x1e5: {  	s2 =	sshra.s32 @!p0 s31, $0x2;
	s5 =	sshra.s32 @!p3 s31, $0x2;
	_ =	swait.ge @!p3 [sflag:s6], $0x1000  }
0x1e6: {  	s8 =	simm.s32 @!p3 $0x20;
	s10 =	simm.s32 @!p3 $0x4800;
	[sflag:s6] =	ssyncset.done @!p3 $0x0  }
0x1e7: {  	s2 =	sadd.s32 @!p0 $0xA00, s2;
	s5 =	sadd.s32 @!p3 $0x2B00, s5;
	[sflag:s6] =	ssyncadd.s32 @!p3 $0xFFFFF000  }
0x1e8: {  	[tilespmem:s10], [sflag:$0x1] =	stream.indirect.gather @!p3 [hbm4b:s4+s8], $0x80, s5, s8, $0xb8;
	[tilespmem:$0x1FF00] =	vst v63  }
0x1e9: {  	s6 =	simm.s32 @!p1 $0x3;
	s5 =	simm.s32 @!p0 $0x5800;
	p0 =	por p0, p0  }
0x1ea: {  	[spmem:s1] =	stream.indirect.scatter.add.f32 @!p0 [tilespmem:s5], [sflag:$0x5], $0x80, s2, s15, $0xb8;
	[tilespmem:$0x1FF00] =	vst v63  }
0x1eb: {  	p0 =	sge.u32 @!p1 s0, s30;
	_ =	swait.ge @!p1 [sflag:s6], $0x1000  }
0x1ec: {  	p0 =	por p0, p1;
	[sflag:s6] =	ssyncset.done @!p1 $0x0  }
0x1ed: {  	s0 =	simm.s32 @!p0 $0x5;
	[sflag:s6] =	ssyncadd.s32 @!p1 $0xFFFFF000  }
0x1ee: {  	s5 =	sshra.s32 @!p1 s31, $0x2;
	_ =	swait.ge @!p0 [sflag:s0], $0x1000  }
0x1ef: {  	s2 =	sshra.s32 @!p0 s31, $0x2;
	s8 =	simm.s32 @!p0 $0x5800;
	[sflag:s0] =	ssyncset.done @!p0 $0x0  }
0x1f0: {  	s2 =	sadd.s32 @!p0 $0x2B80, s2;
	s6 =	simm.s32 @!p0 $0x20;
	[sflag:s0] =	ssyncadd.s32 @!p0 $0xFFFFF000  }
0x1f1: {  	[tilespmem:s8], [sflag:$0x2] =	stream.indirect.gather @!p0 [hbm4b:s4+s6], $0x80, s2, s6, $0xb8;
	[tilespmem:$0x1FF00] =	vst v63  }
0x1f2: {  	s0 =	sadd.s32 @!p1 $0xA80, s5;
	s5 =	simm.s32 @!p1 $0x6800;
	s2 =	simm.s32 @!p1 $0x20  }
0x1f3: {  	[spmem:s1] =	stream.indirect.scatter.add.f32 @!p1 [tilespmem:s5], [sflag:$0x6], $0x80, s0, s2, $0xb8;
	[tilespmem:$0x1FF00] =	vst v63  }
0x1f4: {  	s0 =	simm.s32 @!p2 $0x4  }
0x1f5: {  	_ =	swait.ge @!p2 [sflag:s0], $0x1000  }
0x1f6: {  	s31 =	sld [smem:$0x7FB];
	_ =	sdelay $0x2  }
0x1f7: {  	[sflag:s0] =	ssyncset.done @!p2 $0x0;
	p1 =	seq.s32 s31, $0x1  }
0x1f8: {  	[sflag:s0] =	ssyncadd.s32 @!p2 $0xFFFFF000;
	s0 =	simm.s32 @!p1 $0x5  }
0x1f9: {  	_ =	swait.ge @!p1 [sflag:s0], $0x1000  }
0x1fa: {  	s28 =	sadd.s32 $0x1, s28;
	p0 =	slt.u32 @!p1 s29, $0x60;
	[sflag:s0] =	ssyncset.done @!p1 $0x0  }
0x1fb: {  	p0 =	por p0, p1;
	[sflag:s0] =	ssyncadd.s32 @!p1 $0xFFFFF000;
	p1 =	sne.s32 s28, $0x19  }
.Ltmp6:
0x1fc: {  	_ = 	snop;
	(pc) =	sbr.rel @p1 .LBB2_3-.Ltmp6, $4  }
0x1fd: {  	s0 =	simm.s32 @!p0 $0x6  }
0x1fe: {  	_ =	swait.ge @!p0 [sflag:s0], $0x1000  }
0x1ff: {  	[sflag:s0] =	ssyncset.done @!p0 $0x0  }
0x200: {  	s26 =	sadd.s32 $0x7D0, s26;
	[sflag:s0] =	ssyncadd.s32 @!p0 $0xFFFFF000  }
0x201: {  	[bflag:$0x0] =	sbarrier.arrive $0xFFFF  }
0x202: {  	s2 =	sld [smem:$0x7FD];
	_ =	sdelay $0x1  }
0x203: {  	s0 =	rddreg [dreg:$0x5]  }
0x204: {  	p1 =	seq.s32 s2, $0x1;
	s2 =	rddreg [dreg:$0x9]  }
0x205: {  	s6 =	rddreg [dreg:$0x8];
	s0 =	sadd.s32 @!p1 s0, s2;
	s2 =	simm.s32 @!p1 $0x1C07  }
0x206: {  	[hbm:s0], [sflag:s2] =	dma.local @!p1 [spmem:s6], $0x30D80  }
0x207: {  	s0 =	simm.s32 @!p1 $0x7  }
0x208: {  	_ =	swait.ge @!p1 [sflag:s0], $0x30D80  }
0x209: {  	[sflag:s0] =	ssyncset.done @!p1 $0x0  }
0x20a: {  	[sflag:s0] =	ssyncadd.s32 @!p1 $0xFFFCF280  }
0x20b: {  	[bflag:$0x0] =	sbarrier.arrive $0xFFFF  }
0x20c: {  	s31 =	sld [smem:$0x7FC];
	_ =	sdelay $0x2  }
0x20d: {  	p2 =	seq.s32 s31, $0x1  }
.Ltmp7:
0x20e: {  	_ = 	snop;
	(pc) =	sbr.rel @p2 .LBB2_2-.Ltmp7, $2  }
0x20f: {  	_ =	sdelay $0x2  }
0x210: {  	p0 =	por $0x0, $0x0;
	s0 =	simm.s32 $0x30D8  }
0x211: {  	s8 =	rddreg [dreg:$0x3]  }
0x212: {  	s0 =	rddreg [dreg:$0x7];
	s8 =	sadd.s32 $0x1, s8  }
0x213: {  	p0 =	sne.s32 s8, s0  }
.Ltmp8:
0x214: {  	_ = 	snop;
	(pc) =	sbr.rel @p0 .LBB2_1-.Ltmp8, $1  }
0x215: {  	_ =	sdelay $0x3  }
0x216: {  	_ =	sfence.sel $0x180000  }
0x217: {  	[bflag:$0x0] =	sbarrier.arrive $0xFFFF  }
0x218: {  	_ =	strace $0x9000004A  }
0x219: {  	[bflag:$0x2] =	sbarrier.arrive $0xFFFF  }
0x21a: {  	s0 =	rddreg [dreg:$0x2]  }
0x21b: {  	s0 =	sadd.s32 @!p1 $0x100000, s0  }
0x21c: {  	[sflag:s0] =	ssyncadd.tile.s32 @!p1 $0x1;
	_ =	shalt  }
.Lfunc_end2:
_tile_overlayer_lowered:
.L_overlay_start_2:
0x21d: {  	(tag) =	ssettag $0x2  }
0x21e: {  	s0 =	rddreg [dreg:$0x0];
	s2 =	stileid.u32  }
0x21f: {  	s1 =	rddreg [dreg:$0x1];
	p0 =	sne.s32 s2, $0x0  }
0x220: {  	s3 =	rddreg [dreg:$0x2];
	[bflag:$0x3] =	sbarrier.arrive $0xFFFF;
	s2 =	simm.s32 @!p0 $0x1C07  }
0x221: {  	[timem:s3], [sflag:s2] =	dma.local @!p0 [hbm:s0], s1  }
0x222: {  	s0 =	simm.s32 @!p0 $0x7  }
0x223: {  	_ =	swait.ge @!p0 [sflag:s0], s1  }
0x224: {  	s1 =	ssub.s32 @!p0 $0x0, s1;
	[sflag:s0] =	ssyncset.done @!p0 $0x0  }
0x225: {  	[sflag:s0] =	ssyncadd.s32 @!p0 s1  }
0x226: {  	[bflag:$0x3] =	sbarrier.arrive $0xFFFF  }
0x227: {  	_ =	shalt  }

</sc_bundles>
